<compile_context>
chip_gen: v7x
topology: tpu7x:2x2x1
jax: 0.10.2.dev20260603
libtpu: 0.0.44.dev20260713+nightly
codegen_flags: <defaults>
</compile_context>

<pallas_src>
import functools
import math

import jax
import jax.numpy as jnp
from jax import lax
from jax.experimental import pallas as pl
from jax.experimental.pallas import tpu as pltpu
from jax.experimental.pallas import tpu_sc as plsc

_NBUF = 3


def _sc_add_pe(x, pe_table):
    B, S, D = x.shape
    info = plsc.get_sparse_core_info()
    NC, NS, L = info.num_cores, info.num_subcores, info.num_lanes
    NW = NC * NS
    assert S % NW == 0
    rows_per_w = S // NW
    CR = 8
    assert rows_per_w % CR == 0
    n_chunks = rows_per_w // CR
    VPC = CR * (D // L)
    scale = math.sqrt(D)

    @functools.partial(
        pl.kernel,
        mesh=plsc.VectorSubcoreMesh(core_axis_name="c", subcore_axis_name="s"),
        out_type=jax.ShapeDtypeStruct((B, S, D), jnp.float32),
        scratch_types=[
            pltpu.VMEM((_NBUF, B, CR, D), jnp.float32),
            pltpu.VMEM((_NBUF, CR, D), jnp.float32),
            [pltpu.SemaphoreType.DMA] * _NBUF,
            [pltpu.SemaphoreType.DMA] * _NBUF,
        ],
        compiler_params=pltpu.CompilerParams(use_tc_tiling_on_sc=True),
    )
    def k(x_hbm, pe_hbm, out_hbm, xbuf, pebuf, isems, osems):
        wid = lax.axis_index("s") * NC + lax.axis_index("c")
        base_row = wid * rows_per_w

        def issue_in(c):
            slot = c % _NBUF
            r0 = pl.multiple_of(base_row + c * CR, CR)
            return [
                pltpu.async_copy(
                    pe_hbm.at[pl.ds(r0, CR), :], pebuf.at[slot], isems[slot]
                ),
                pltpu.async_copy(
                    x_hbm.at[:, pl.ds(r0, CR), :], xbuf.at[slot], isems[slot]
                ),
            ]

        def issue_out(c):
            slot = c % _NBUF
            r0 = pl.multiple_of(base_row + c * CR, CR)
            return [
                pltpu.async_copy(
                    xbuf.at[slot], out_hbm.at[:, pl.ds(r0, CR), :], osems[slot]
                )
            ]

        pending_out = [None] * _NBUF
        pending_in = [None] * _NBUF
        for c in range(_NBUF - 1):
            pending_in[c] = issue_in(c)
        for c in range(n_chunks):
            slot = c % _NBUF
            nxt = c + _NBUF - 1
            if nxt < n_chunks:
                nslot = nxt % _NBUF
                if pending_out[nslot] is not None:
                    for cp in pending_out[nslot]:
                        cp.wait()
                    pending_out[nslot] = None
                pending_in[nslot] = issue_in(nxt)
            for cp in pending_in[slot]:
                cp.wait()
            pending_in[slot] = None

            @plsc.parallel_loop(0, VPC, unroll=8)
            def body(i):
                r = i // (D // L)
                o = pl.multiple_of((i % (D // L)) * L, L)
                vpe = pebuf[slot, r, pl.ds(o, L)] * scale
                for b in range(B):
                    plsc.addupdate(xbuf.at[slot, b, r, pl.ds(o, L)], vpe)

            pending_out[slot] = issue_out(c)
        for po in pending_out:
            if po is not None:
                for cp in po:
                    cp.wait()

    return k(x, pe_table)


def kernel(x, pe_table):
    return _sc_add_pe(x, pe_table)

# --- scband reference (transcript-rebuilt; emitter-appended) ---
"""Pipeline reference for scband-positional-encoding-67817533603872 (READ-ONLY COPY).

The authoritative reference and input builder live on the scoring server;
editing this copy changes nothing except your own understanding.
"""

import math
import jax, jax.numpy as jnp
import numpy as np


def setup_inputs(seed: int = 0) -> dict:
    key = jax.random.key(seed)
    k1, k2 = jax.random.split(key)
    x = jax.random.normal(k1, (4, 4096, 1024), dtype=jnp.float32)
    # learned positional embedding table: nn.Embedding(max_len=8192, d_model=1024)
    pe_table = jax.random.normal(k2, (8192, 1024), dtype=jnp.float32)
    return {"x": x, "pe_table": pe_table}


def reference(x, pe_table):
    d_model = pe_table.shape[1]
    seq_len = x.shape[1]
    # pe = self.pe(torch.arange(x.size(1))) * math.sqrt(self.d_model)
    pe = jnp.take(pe_table, jnp.arange(seq_len), axis=0) * math.sqrt(d_model)
    # x = torch.add(x, pe); dropout is identity in eval mode
    out = x + pe[None, :, :]
    return out

if __name__ == "__main__":
    import jax
    _d = setup_inputs()
    print(jax.jit(kernel)(*tuple(_d.values())))

</pallas_src>

<mosaic_0001>
#map = affine_map<(d0, d1) -> (0, 0, 0)>
#map1 = affine_map<(d0, d1) -> (0, 0)>
module attributes {stable_mosaic.version = 14 : i64} {
  func.func @k(%arg0: i32, %arg1: i32, %arg2: memref<4x4096x1024xf32, #tpu.memory_space<hbm>>, %arg3: memref<8192x1024xf32, #tpu.memory_space<hbm>>, %arg4: memref<4x4096x1024xf32, #tpu.memory_space<hbm>>, %arg5: memref<3x4x8x1024xf32, #tpu.memory_space<vmem>>, %arg6: memref<3x8x1024xf32, #tpu.memory_space<vmem>>, %arg7: memref<!tpu.dma_semaphore, #tpu.memory_space<semaphore_mem>>, %arg8: memref<!tpu.dma_semaphore, #tpu.memory_space<semaphore_mem>>, %arg9: memref<!tpu.dma_semaphore, #tpu.memory_space<semaphore_mem>>, %arg10: memref<!tpu.dma_semaphore, #tpu.memory_space<semaphore_mem>>, %arg11: memref<!tpu.dma_semaphore, #tpu.memory_space<semaphore_mem>>, %arg12: memref<!tpu.dma_semaphore, #tpu.memory_space<semaphore_mem>>) attributes {dimension_semantics = [#tpu.dimension_semantics<core_parallel>, #tpu.dimension_semantics<subcore_parallel>], iteration_bounds = array<i64: 2, 16>, scalar_prefetch = 0 : i64, scratch_operands = 8 : i64, tpu.core_type = #tpu.core_type<sc_vector_subcore>, window_params = [{transform_indices = #map}, {transform_indices = #map1}, {transform_indices = #map}]} {
    %mul3A = arith.constant 2 : i32
    %mul3A_0 = arith.muli %arg1, %mul3A : i32
    %add3A = arith.addi %mul3A_0, %arg0 : i32
    %mul3A_1 = arith.constant 128 : i32
    %mul3A_2 = arith.muli %add3A, %mul3A_1 : i32
    %add3A_3 = arith.constant 0 : i32
    %add3A_4 = arith.addi %mul3A_2, %add3A_3 : i32
    %multiple_of3A = tpu.assume_multiple %add3A_4, 8 : i32
    %dma_start3A = arith.constant 0 : i32
    %dma_start3A_5 = arith.constant 0 : i32
    %dma_start3A_6 = arith.constant 0 : i32
    %dma_start3A_7 = tpu.memref_slice %arg6[%dma_start3A, %dma_start3A_5, %dma_start3A_6] : memref<3x8x1024xf32, #tpu.memory_space<vmem>> -> memref<1x8x1024xf32, #tpu.memory_space<vmem>>
    %dma_start3A_8 = tpu.memref_squeeze %dma_start3A_7 : memref<1x8x1024xf32, #tpu.memory_space<vmem>> -> memref<8x1024xf32, #tpu.memory_space<vmem>>
    %dma_start3A_9 = arith.constant 0 : i32
    %dma_start3A_10 = tpu.memref_slice %arg3[%multiple_of3A, %dma_start3A_9] : memref<8192x1024xf32, #tpu.memory_space<hbm>> -> memref<8x1024xf32, #tpu.memory_space<hbm>>
    %dma_start3A_11 = arith.constant 0 : i32
    %dma_start3A_12 = arith.constant 0 : i32
    %dma_start3A_13 = tpu.memref_slice %arg6[%dma_start3A, %dma_start3A_11, %dma_start3A_12] : memref<3x8x1024xf32, #tpu.memory_space<vmem>> -> memref<1x8x1024xf32, #tpu.memory_space<vmem>>
    %dma_start3A_14 = tpu.memref_squeeze %dma_start3A_13 : memref<1x8x1024xf32, #tpu.memory_space<vmem>> -> memref<8x1024xf32, #tpu.memory_space<vmem>>
    %dma_start3A_15 = arith.constant 0 : i32
    %dma_start3A_16 = tpu.memref_slice %arg3[%multiple_of3A, %dma_start3A_15] : memref<8192x1024xf32, #tpu.memory_space<hbm>> -> memref<8x1024xf32, #tpu.memory_space<hbm>>
    tpu.enqueue_dma source(%dma_start3A_16 : memref<8x1024xf32, #tpu.memory_space<hbm>>) target(%dma_start3A_14 : memref<8x1024xf32, #tpu.memory_space<vmem>>) target_semaphore(%arg7 : memref<!tpu.dma_semaphore, #tpu.memory_space<semaphore_mem>>)
    %dma_start3A_17 = arith.constant 0 : i32
    %dma_start3A_18 = arith.constant 0 : i32
    %dma_start3A_19 = arith.constant 0 : i32
    %dma_start3A_20 = arith.constant 0 : i32
    %dma_start3A_21 = tpu.memref_slice %arg5[%dma_start3A_17, %dma_start3A_18, %dma_start3A_19, %dma_start3A_20] : memref<3x4x8x1024xf32, #tpu.memory_space<vmem>> -> memref<1x4x8x1024xf32, #tpu.memory_space<vmem>>
    %dma_start3A_22 = tpu.memref_squeeze %dma_start3A_21 : memref<1x4x8x1024xf32, #tpu.memory_space<vmem>> -> memref<4x8x1024xf32, #tpu.memory_space<vmem>>
    %dma_start3A_23 = arith.constant 0 : i32
    %dma_start3A_24 = arith.constant 0 : i32
    %dma_start3A_25 = tpu.memref_slice %arg2[%dma_start3A_23, %multiple_of3A, %dma_start3A_24] : memref<4x4096x1024xf32, #tpu.memory_space<hbm>> -> memref<4x8x1024xf32, #tpu.memory_space<hbm>>
    %dma_start3A_26 = arith.constant 0 : i32
    %dma_start3A_27 = arith.constant 0 : i32
    %dma_start3A_28 = arith.constant 0 : i32
    %dma_start3A_29 = tpu.memref_slice %arg5[%dma_start3A_17, %dma_start3A_26, %dma_start3A_27, %dma_start3A_28] : memref<3x4x8x1024xf32, #tpu.memory_space<vmem>> -> memref<1x4x8x1024xf32, #tpu.memory_space<vmem>>
    %dma_start3A_30 = tpu.memref_squeeze %dma_start3A_29 : memref<1x4x8x1024xf32, #tpu.memory_space<vmem>> -> memref<4x8x1024xf32, #tpu.memory_space<vmem>>
    %dma_start3A_31 = arith.constant 0 : i32
    %dma_start3A_32 = arith.constant 0 : i32
    %dma_start3A_33 = tpu.memref_slice %arg2[%dma_start3A_31, %multiple_of3A, %dma_start3A_32] : memref<4x4096x1024xf32, #tpu.memory_space<hbm>> -> memref<4x8x1024xf32, #tpu.memory_space<hbm>>
    tpu.enqueue_dma source(%dma_start3A_33 : memref<4x8x1024xf32, #tpu.memory_space<hbm>>) target(%dma_start3A_30 : memref<4x8x1024xf32, #tpu.memory_space<vmem>>) target_semaphore(%arg7 : memref<!tpu.dma_semaphore, #tpu.memory_space<semaphore_mem>>)
    %add3A_34 = arith.constant 8 : i32
    %add3A_35 = arith.addi %mul3A_2, %add3A_34 : i32
    %multiple_of3A_36 = tpu.assume_multiple %add3A_35, 8 : i32
    %dma_start3A_37 = arith.constant 1 : i32
    %dma_start3A_38 = arith.constant 0 : i32
    %dma_start3A_39 = arith.constant 0 : i32
    %dma_start3A_40 = tpu.memref_slice %arg6[%dma_start3A_37, %dma_start3A_38, %dma_start3A_39] : memref<3x8x1024xf32, #tpu.memory_space<vmem>> -> memref<1x8x1024xf32, #tpu.memory_space<vmem>>
    %dma_start3A_41 = tpu.memref_squeeze %dma_start3A_40 : memref<1x8x1024xf32, #tpu.memory_space<vmem>> -> memref<8x1024xf32, #tpu.memory_space<vmem>>
    %dma_start3A_42 = arith.constant 0 : i32
    %dma_start3A_43 = tpu.memref_slice %arg3[%multiple_of3A_36, %dma_start3A_42] : memref<8192x1024xf32, #tpu.memory_space<hbm>> -> memref<8x1024xf32, #tpu.memory_space<hbm>>
    %dma_start3A_44 = arith.constant 0 : i32
    %dma_start3A_45 = arith.constant 0 : i32
    %dma_start3A_46 = tpu.memref_slice %arg6[%dma_start3A_37, %dma_start3A_44, %dma_start3A_45] : memref<3x8x1024xf32, #tpu.memory_space<vmem>> -> memref<1x8x1024xf32, #tpu.memory_space<vmem>>
    %dma_start3A_47 = tpu.memref_squeeze %dma_start3A_46 : memref<1x8x1024xf32, #tpu.memory_space<vmem>> -> memref<8x1024xf32, #tpu.memory_space<vmem>>
    %dma_start3A_48 = arith.constant 0 : i32
    %dma_start3A_49 = tpu.memref_slice %arg3[%multiple_of3A_36, %dma_start3A_48] : memref<8192x1024xf32, #tpu.memory_space<hbm>> -> memref<8x1024xf32, #tpu.memory_space<hbm>>
    tpu.enqueue_dma source(%dma_start3A_49 : memref<8x1024xf32, #tpu.memory_space<hbm>>) target(%dma_start3A_47 : memref<8x1024xf32, #tpu.memory_space<vmem>>) target_semaphore(%arg8 : memref<!tpu.dma_semaphore, #tpu.memory_space<semaphore_mem>>)
    %dma_start3A_50 = arith.constant 1 : i32
    %dma_start3A_51 = arith.constant 0 : i32
    %dma_start3A_52 = arith.constant 0 : i32
    %dma_start3A_53 = arith.constant 0 : i32
    %dma_start3A_54 = tpu.memref_slice %arg5[%dma_start3A_50, %dma_start3A_51, %dma_start3A_52, %dma_start3A_53] : memref<3x4x8x1024xf32, #tpu.memory_space<vmem>> -> memref<1x4x8x1024xf32, #tpu.memory_space<vmem>>
    %dma_start3A_55 = tpu.memref_squeeze %dma_start3A_54 : memref<1x4x8x1024xf32, #tpu.memory_space<vmem>> -> memref<4x8x1024xf32, #tpu.memory_space<vmem>>
    %dma_start3A_56 = arith.constant 0 : i32
    %dma_start3A_57 = arith.constant 0 : i32
    %dma_start3A_58 = tpu.memref_slice %arg2[%dma_start3A_56, %multiple_of3A_36, %dma_start3A_57] : memref<4x4096x1024xf32, #tpu.memory_space<hbm>> -> memref<4x8x1024xf32, #tpu.memory_space<hbm>>
    %dma_start3A_59 = arith.constant 0 : i32
    %dma_start3A_60 = arith.constant 0 : i32
    %dma_start3A_61 = arith.constant 0 : i32
    %dma_start3A_62 = tpu.memref_slice %arg5[%dma_start3A_50, %dma_start3A_59, %dma_start3A_60, %dma_start3A_61] : memref<3x4x8x1024xf32, #tpu.memory_space<vmem>> -> memref<1x4x8x1024xf32, #tpu.memory_space<vmem>>
    %dma_start3A_63 = tpu.memref_squeeze %dma_start3A_62 : memref<1x4x8x1024xf32, #tpu.memory_space<vmem>> -> memref<4x8x1024xf32, #tpu.memory_space<vmem>>
    %dma_start3A_64 = arith.constant 0 : i32
    %dma_start3A_65 = arith.constant 0 : i32
    %dma_start3A_66 = tpu.memref_slice %arg2[%dma_start3A_64, %multiple_of3A_36, %dma_start3A_65] : memref<4x4096x1024xf32, #tpu.memory_space<hbm>> -> memref<4x8x1024xf32, #tpu.memory_space<hbm>>
    tpu.enqueue_dma source(%dma_start3A_66 : memref<4x8x1024xf32, #tpu.memory_space<hbm>>) target(%dma_start3A_63 : memref<4x8x1024xf32, #tpu.memory_space<vmem>>) target_semaphore(%arg8 : memref<!tpu.dma_semaphore, #tpu.memory_space<semaphore_mem>>)
    %add3A_67 = arith.constant 16 : i32
    %add3A_68 = arith.addi %mul3A_2, %add3A_67 : i32
    %multiple_of3A_69 = tpu.assume_multiple %add3A_68, 8 : i32
    %dma_start3A_70 = arith.constant 2 : i32
    %dma_start3A_71 = arith.constant 0 : i32
    %dma_start3A_72 = arith.constant 0 : i32
    %dma_start3A_73 = tpu.memref_slice %arg6[%dma_start3A_70, %dma_start3A_71, %dma_start3A_72] : memref<3x8x1024xf32, #tpu.memory_space<vmem>> -> memref<1x8x1024xf32, #tpu.memory_space<vmem>>
    %dma_start3A_74 = tpu.memref_squeeze %dma_start3A_73 : memref<1x8x1024xf32, #tpu.memory_space<vmem>> -> memref<8x1024xf32, #tpu.memory_space<vmem>>
    %dma_start3A_75 = arith.constant 0 : i32
    %dma_start3A_76 = tpu.memref_slice %arg3[%multiple_of3A_69, %dma_start3A_75] : memref<8192x1024xf32, #tpu.memory_space<hbm>> -> memref<8x1024xf32, #tpu.memory_space<hbm>>
    %dma_start3A_77 = arith.constant 0 : i32
    %dma_start3A_78 = arith.constant 0 : i32
    %dma_start3A_79 = tpu.memref_slice %arg6[%dma_start3A_70, %dma_start3A_77, %dma_start3A_78] : memref<3x8x1024xf32, #tpu.memory_space<vmem>> -> memref<1x8x1024xf32, #tpu.memory_space<vmem>>
    %dma_start3A_80 = tpu.memref_squeeze %dma_start3A_79 : memref<1x8x1024xf32, #tpu.memory_space<vmem>> -> memref<8x1024xf32, #tpu.memory_space<vmem>>
    %dma_start3A_81 = arith.constant 0 : i32
    %dma_start3A_82 = tpu.memref_slice %arg3[%multiple_of3A_69, %dma_start3A_81] : memref<8192x1024xf32, #tpu.memory_space<hbm>> -> memref<8x1024xf32, #tpu.memory_space<hbm>>
    tpu.enqueue_dma source(%dma_start3A_82 : memref<8x1024xf32, #tpu.memory_space<hbm>>) target(%dma_start3A_80 : memref<8x1024xf32, #tpu.memory_space<vmem>>) target_semaphore(%arg9 : memref<!tpu.dma_semaphore, #tpu.memory_space<semaphore_mem>>)
    %dma_start3A_83 = arith.constant 2 : i32
    %dma_start3A_84 = arith.constant 0 : i32
    %dma_start3A_85 = arith.constant 0 : i32
    %dma_start3A_86 = arith.constant 0 : i32
    %dma_start3A_87 = tpu.memref_slice %arg5[%dma_start3A_83, %dma_start3A_84, %dma_start3A_85, %dma_start3A_86] : memref<3x4x8x1024xf32, #tpu.memory_space<vmem>> -> memref<1x4x8x1024xf32, #tpu.memory_space<vmem>>
    %dma_start3A_88 = tpu.memref_squeeze %dma_start3A_87 : memref<1x4x8x1024xf32, #tpu.memory_space<vmem>> -> memref<4x8x1024xf32, #tpu.memory_space<vmem>>
    %dma_start3A_89 = arith.constant 0 : i32
    %dma_start3A_90 = arith.constant 0 : i32
    %dma_start3A_91 = tpu.memref_slice %arg2[%dma_start3A_89, %multiple_of3A_69, %dma_start3A_90] : memref<4x4096x1024xf32, #tpu.memory_space<hbm>> -> memref<4x8x1024xf32, #tpu.memory_space<hbm>>
    %dma_start3A_92 = arith.constant 0 : i32
    %dma_start3A_93 = arith.constant 0 : i32
    %dma_start3A_94 = arith.constant 0 : i32
    %dma_start3A_95 = tpu.memref_slice %arg5[%dma_start3A_83, %dma_start3A_92, %dma_start3A_93, %dma_start3A_94] : memref<3x4x8x1024xf32, #tpu.memory_space<vmem>> -> memref<1x4x8x1024xf32, #tpu.memory_space<vmem>>
    %dma_start3A_96 = tpu.memref_squeeze %dma_start3A_95 : memref<1x4x8x1024xf32, #tpu.memory_space<vmem>> -> memref<4x8x1024xf32, #tpu.memory_space<vmem>>
    %dma_start3A_97 = arith.constant 0 : i32
    %dma_start3A_98 = arith.constant 0 : i32
    %dma_start3A_99 = tpu.memref_slice %arg2[%dma_start3A_97, %multiple_of3A_69, %dma_start3A_98] : memref<4x4096x1024xf32, #tpu.memory_space<hbm>> -> memref<4x8x1024xf32, #tpu.memory_space<hbm>>
    tpu.enqueue_dma source(%dma_start3A_99 : memref<4x8x1024xf32, #tpu.memory_space<hbm>>) target(%dma_start3A_96 : memref<4x8x1024xf32, #tpu.memory_space<vmem>>) target_semaphore(%arg9 : memref<!tpu.dma_semaphore, #tpu.memory_space<semaphore_mem>>)
    %dma_wait3A = arith.constant 0 : i32
    %dma_wait3A_100 = arith.constant 0 : i32
    %dma_wait3A_101 = arith.constant 0 : i32
    %dma_wait3A_102 = tpu.memref_slice %arg6[%dma_wait3A, %dma_wait3A_100, %dma_wait3A_101] : memref<3x8x1024xf32, #tpu.memory_space<vmem>> -> memref<1x8x1024xf32, #tpu.memory_space<vmem>>
    %dma_wait3A_103 = tpu.memref_squeeze %dma_wait3A_102 : memref<1x8x1024xf32, #tpu.memory_space<vmem>> -> memref<8x1024xf32, #tpu.memory_space<vmem>>
    %dma_wait3A_104 = arith.constant 0 : i32
    %dma_wait3A_105 = tpu.memref_slice %arg3[%multiple_of3A, %dma_wait3A_104] : memref<8192x1024xf32, #tpu.memory_space<hbm>> -> memref<8x1024xf32, #tpu.memory_space<hbm>>
    %dma_wait3A_106 = arith.constant 0 : i32
    %dma_wait3A_107 = arith.constant 0 : i32
    %dma_wait3A_108 = tpu.memref_slice %arg6[%dma_wait3A, %dma_wait3A_106, %dma_wait3A_107] : memref<3x8x1024xf32, #tpu.memory_space<vmem>> -> memref<1x8x1024xf32, #tpu.memory_space<vmem>>
    %dma_wait3A_109 = tpu.memref_squeeze %dma_wait3A_108 : memref<1x8x1024xf32, #tpu.memory_space<vmem>> -> memref<8x1024xf32, #tpu.memory_space<vmem>>
    %dma_wait3A_110 = arith.constant 0 : i32
    %dma_wait3A_111 = tpu.memref_slice %arg3[%multiple_of3A, %dma_wait3A_110] : memref<8192x1024xf32, #tpu.memory_space<hbm>> -> memref<8x1024xf32, #tpu.memory_space<hbm>>
    tpu.wait_dma2 semaphore(%arg7 : memref<!tpu.dma_semaphore, #tpu.memory_space<semaphore_mem>>) src(%dma_wait3A_111 : memref<8x1024xf32, #tpu.memory_space<hbm>>) dst(%dma_wait3A_109 : memref<8x1024xf32, #tpu.memory_space<vmem>>)
    %dma_wait3A_112 = arith.constant 0 : i32
    %dma_wait3A_113 = arith.constant 0 : i32
    %dma_wait3A_114 = arith.constant 0 : i32
    %dma_wait3A_115 = arith.constant 0 : i32
    %dma_wait3A_116 = tpu.memref_slice %arg5[%dma_wait3A_112, %dma_wait3A_113, %dma_wait3A_114, %dma_wait3A_115] : memref<3x4x8x1024xf32, #tpu.memory_space<vmem>> -> memref<1x4x8x1024xf32, #tpu.memory_space<vmem>>
    %dma_wait3A_117 = tpu.memref_squeeze %dma_wait3A_116 : memref<1x4x8x1024xf32, #tpu.memory_space<vmem>> -> memref<4x8x1024xf32, #tpu.memory_space<vmem>>
    %dma_wait3A_118 = arith.constant 0 : i32
    %dma_wait3A_119 = arith.constant 0 : i32
    %dma_wait3A_120 = tpu.memref_slice %arg2[%dma_wait3A_118, %multiple_of3A, %dma_wait3A_119] : memref<4x4096x1024xf32, #tpu.memory_space<hbm>> -> memref<4x8x1024xf32, #tpu.memory_space<hbm>>
    %dma_wait3A_121 = arith.constant 0 : i32
    %dma_wait3A_122 = arith.constant 0 : i32
    %dma_wait3A_123 = arith.constant 0 : i32
    %dma_wait3A_124 = tpu.memref_slice %arg5[%dma_wait3A_112, %dma_wait3A_121, %dma_wait3A_122, %dma_wait3A_123] : memref<3x4x8x1024xf32, #tpu.memory_space<vmem>> -> memref<1x4x8x1024xf32, #tpu.memory_space<vmem>>
    %dma_wait3A_125 = tpu.memref_squeeze %dma_wait3A_124 : memref<1x4x8x1024xf32, #tpu.memory_space<vmem>> -> memref<4x8x1024xf32, #tpu.memory_space<vmem>>
    %dma_wait3A_126 = arith.constant 0 : i32
    %dma_wait3A_127 = arith.constant 0 : i32
    %dma_wait3A_128 = tpu.memref_slice %arg2[%dma_wait3A_126, %multiple_of3A, %dma_wait3A_127] : memref<4x4096x1024xf32, #tpu.memory_space<hbm>> -> memref<4x8x1024xf32, #tpu.memory_space<hbm>>
    tpu.wait_dma2 semaphore(%arg7 : memref<!tpu.dma_semaphore, #tpu.memory_space<semaphore_mem>>) src(%dma_wait3A_128 : memref<4x8x1024xf32, #tpu.memory_space<hbm>>) dst(%dma_wait3A_125 : memref<4x8x1024xf32, #tpu.memory_space<vmem>>)
    %parallel_loop3A = arith.constant 0 : i32
    %parallel_loop3A_129 = arith.constant 512 : i32
    %parallel_loop3A_130 = arith.constant 1 : i32
    scf.for %parallel_loop3A_1647 = %parallel_loop3A to %parallel_loop3A_129 step %parallel_loop3A_130  : i32 {
      %parallel_loop3A_1648 = arith.constant 64 : i32
      %parallel_loop3A_1649 = arith.divsi %parallel_loop3A_1647, %parallel_loop3A_1648 : i32
      %parallel_loop3A_1650 = arith.constant 0 : i32
      %parallel_loop3A_1651 = arith.cmpi sgt, %parallel_loop3A_1647, %parallel_loop3A_1650 : i32
      %parallel_loop3A_1652 = arith.extui %parallel_loop3A_1651 : i1 to i32
      %parallel_loop3A_1653 = arith.constant 0 : i32
      %parallel_loop3A_1654 = arith.cmpi slt, %parallel_loop3A_1647, %parallel_loop3A_1653 : i32
      %parallel_loop3A_1655 = arith.extui %parallel_loop3A_1654 : i1 to i32
      %parallel_loop3A_1656 = arith.subi %parallel_loop3A_1652, %parallel_loop3A_1655 : i32
      %parallel_loop3A_1657 = arith.constant 0 : i32
      %parallel_loop3A_1658 = arith.cmpi sgt, %parallel_loop3A_1648, %parallel_loop3A_1657 : i32
      %parallel_loop3A_1659 = arith.extui %parallel_loop3A_1658 : i1 to i32
      %parallel_loop3A_1660 = arith.constant 0 : i32
      %parallel_loop3A_1661 = arith.cmpi slt, %parallel_loop3A_1648, %parallel_loop3A_1660 : i32
      %parallel_loop3A_1662 = arith.extui %parallel_loop3A_1661 : i1 to i32
      %parallel_loop3A_1663 = arith.subi %parallel_loop3A_1659, %parallel_loop3A_1662 : i32
      %parallel_loop3A_1664 = arith.cmpi ne, %parallel_loop3A_1656, %parallel_loop3A_1663 : i32
      %parallel_loop3A_1665 = arith.remsi %parallel_loop3A_1647, %parallel_loop3A_1648 : i32
      %parallel_loop3A_1666 = arith.constant 0 : i32
      %parallel_loop3A_1667 = arith.cmpi ne, %parallel_loop3A_1665, %parallel_loop3A_1666 : i32
      %parallel_loop3A_1668 = arith.andi %parallel_loop3A_1664, %parallel_loop3A_1667 : i1
      %parallel_loop3A_1669 = arith.constant 1 : i32
      %parallel_loop3A_1670 = arith.subi %parallel_loop3A_1649, %parallel_loop3A_1669 : i32
      %parallel_loop3A_1671 = arith.select %parallel_loop3A_1668, %parallel_loop3A_1670, %parallel_loop3A_1649 : i32
      %parallel_loop3A_1672 = arith.constant 64 : i32
      %parallel_loop3A_1673 = arith.constant 0 : i32
      %parallel_loop3A_1674 = arith.cmpi eq, %parallel_loop3A_1672, %parallel_loop3A_1673 : i32
      %parallel_loop3A_1675 = arith.constant 1 : i32
      %parallel_loop3A_1676 = arith.select %parallel_loop3A_1674, %parallel_loop3A_1675, %parallel_loop3A_1672 : i32
      %parallel_loop3A_1677 = arith.remsi %parallel_loop3A_1647, %parallel_loop3A_1676 : i32
      %parallel_loop3A_1678 = arith.constant 0 : i32
      %parallel_loop3A_1679 = arith.cmpi ne, %parallel_loop3A_1677, %parallel_loop3A_1678 : i32
      %parallel_loop3A_1680 = arith.constant 0 : i32
      %parallel_loop3A_1681 = arith.cmpi slt, %parallel_loop3A_1677, %parallel_loop3A_1680 : i32
      %parallel_loop3A_1682 = arith.constant 0 : i32
      %parallel_loop3A_1683 = arith.cmpi slt, %parallel_loop3A_1676, %parallel_loop3A_1682 : i32
      %parallel_loop3A_1684 = arith.xori %parallel_loop3A_1681, %parallel_loop3A_1683 : i1
      %parallel_loop3A_1685 = arith.andi %parallel_loop3A_1684, %parallel_loop3A_1679 : i1
      %parallel_loop3A_1686 = arith.addi %parallel_loop3A_1677, %parallel_loop3A_1676 : i32
      %parallel_loop3A_1687 = arith.select %parallel_loop3A_1685, %parallel_loop3A_1686, %parallel_loop3A_1677 : i32
      %parallel_loop3A_1688 = arith.constant 16 : i32
      %parallel_loop3A_1689 = arith.muli %parallel_loop3A_1687, %parallel_loop3A_1688 : i32
      %parallel_loop3A_1690 = tpu.assume_multiple %parallel_loop3A_1689, 16 : i32
      %parallel_loop3A_1691 = arith.constant 0 : i32
      %parallel_loop3A_1692 = arith.index_cast %parallel_loop3A_1691 : i32 to index
      %parallel_loop3A_1693 = arith.index_cast %parallel_loop3A_1671 : i32 to index
      %parallel_loop3A_1694 = arith.index_cast %parallel_loop3A_1690 : i32 to index
      %parallel_loop3A_1695 = tpu.vector_load %arg6[%parallel_loop3A_1692, %parallel_loop3A_1693, %parallel_loop3A_1694] {strides = array<i32>} : memref<3x8x1024xf32, #tpu.memory_space<vmem>>, vector<1x1x16xf32>,
      %parallel_loop3A_1696 = vector.shape_cast %parallel_loop3A_1695 : vector<1x1x16xf32> to vector<16xf32>
      %parallel_loop3A_1697 = arith.constant 3.200000e+01 : f32
      %parallel_loop3A_1698 = vector.broadcast %parallel_loop3A_1697 : f32 to vector<16xf32>
      %parallel_loop3A_1699 = arith.mulf %parallel_loop3A_1696, %parallel_loop3A_1698 : vector<16xf32>
      %parallel_loop3A_1700 = arith.constant 0 : i32
      %parallel_loop3A_1701 = arith.constant 0 : i32
      %parallel_loop3A_1702 = arith.index_cast %parallel_loop3A_1700 : i32 to index
      %parallel_loop3A_1703 = arith.index_cast %parallel_loop3A_1701 : i32 to index
      %parallel_loop3A_1704 = arith.index_cast %parallel_loop3A_1671 : i32 to index
      %parallel_loop3A_1705 = arith.index_cast %parallel_loop3A_1690 : i32 to index
      %parallel_loop3A_1706 = tpu.vector_load %arg5[%parallel_loop3A_1702, %parallel_loop3A_1703, %parallel_loop3A_1704, %parallel_loop3A_1705] {strides = array<i32>} : memref<3x4x8x1024xf32, #tpu.memory_space<vmem>>, vector<1x1x1x16xf32>,
      %parallel_loop3A_1707 = vector.shape_cast %parallel_loop3A_1706 : vector<1x1x1x16xf32> to vector<16xf32>
      %parallel_loop3A_1708 = vector.shape_cast %parallel_loop3A_1699 : vector<16xf32> to vector<1x1x1x16xf32>
      tpu.vector_store %arg5[%parallel_loop3A_1702, %parallel_loop3A_1703, %parallel_loop3A_1704, %parallel_loop3A_1705], %parallel_loop3A_1708 {add = true, strides = array<i32>} : memref<3x4x8x1024xf32, #tpu.memory_space<vmem>>, vector<1x1x1x16xf32>,
      %parallel_loop3A_1709 = arith.constant 0 : i32
      %parallel_loop3A_1710 = arith.constant 1 : i32
      %parallel_loop3A_1711 = arith.index_cast %parallel_loop3A_1709 : i32 to index
      %parallel_loop3A_1712 = arith.index_cast %parallel_loop3A_1710 : i32 to index
      %parallel_loop3A_1713 = arith.index_cast %parallel_loop3A_1671 : i32 to index
      %parallel_loop3A_1714 = arith.index_cast %parallel_loop3A_1690 : i32 to index
      %parallel_loop3A_1715 = tpu.vector_load %arg5[%parallel_loop3A_1711, %parallel_loop3A_1712, %parallel_loop3A_1713, %parallel_loop3A_1714] {strides = array<i32>} : memref<3x4x8x1024xf32, #tpu.memory_space<vmem>>, vector<1x1x1x16xf32>,
      %parallel_loop3A_1716 = vector.shape_cast %parallel_loop3A_1715 : vector<1x1x1x16xf32> to vector<16xf32>
      %parallel_loop3A_1717 = vector.shape_cast %parallel_loop3A_1699 : vector<16xf32> to vector<1x1x1x16xf32>
      tpu.vector_store %arg5[%parallel_loop3A_1711, %parallel_loop3A_1712, %parallel_loop3A_1713, %parallel_loop3A_1714], %parallel_loop3A_1717 {add = true, strides = array<i32>} : memref<3x4x8x1024xf32, #tpu.memory_space<vmem>>, vector<1x1x1x16xf32>,
      %parallel_loop3A_1718 = arith.constant 0 : i32
      %parallel_loop3A_1719 = arith.constant 2 : i32
      %parallel_loop3A_1720 = arith.index_cast %parallel_loop3A_1718 : i32 to index
      %parallel_loop3A_1721 = arith.index_cast %parallel_loop3A_1719 : i32 to index
      %parallel_loop3A_1722 = arith.index_cast %parallel_loop3A_1671 : i32 to index
      %parallel_loop3A_1723 = arith.index_cast %parallel_loop3A_1690 : i32 to index
      %parallel_loop3A_1724 = tpu.vector_load %arg5[%parallel_loop3A_1720, %parallel_loop3A_1721, %parallel_loop3A_1722, %parallel_loop3A_1723] {strides = array<i32>} : memref<3x4x8x1024xf32, #tpu.memory_space<vmem>>, vector<1x1x1x16xf32>,
      %parallel_loop3A_1725 = vector.shape_cast %parallel_loop3A_1724 : vector<1x1x1x16xf32> to vector<16xf32>
      %parallel_loop3A_1726 = vector.shape_cast %parallel_loop3A_1699 : vector<16xf32> to vector<1x1x1x16xf32>
      tpu.vector_store %arg5[%parallel_loop3A_1720, %parallel_loop3A_1721, %parallel_loop3A_1722, %parallel_loop3A_1723], %parallel_loop3A_1726 {add = true, strides = array<i32>} : memref<3x4x8x1024xf32, #tpu.memory_space<vmem>>, vector<1x1x1x16xf32>,
      %parallel_loop3A_1727 = arith.constant 0 : i32
      %parallel_loop3A_1728 = arith.constant 3 : i32
      %parallel_loop3A_1729 = arith.index_cast %parallel_loop3A_1727 : i32 to index
      %parallel_loop3A_1730 = arith.index_cast %parallel_loop3A_1728 : i32 to index
      %parallel_loop3A_1731 = arith.index_cast %parallel_loop3A_1671 : i32 to index
      %parallel_loop3A_1732 = arith.index_cast %parallel_loop3A_1690 : i32 to index
      %parallel_loop3A_1733 = tpu.vector_load %arg5[%parallel_loop3A_1729, %parallel_loop3A_1730, %parallel_loop3A_1731, %parallel_loop3A_1732] {strides = array<i32>} : memref<3x4x8x1024xf32, #tpu.memory_space<vmem>>, vector<1x1x1x16xf32>,
      %parallel_loop3A_1734 = vector.shape_cast %parallel_loop3A_1733 : vector<1x1x1x16xf32> to vector<16xf32>
      %parallel_loop3A_1735 = vector.shape_cast %parallel_loop3A_1699 : vector<16xf32> to vector<1x1x1x16xf32>
      tpu.vector_store %arg5[%parallel_loop3A_1729, %parallel_loop3A_1730, %parallel_loop3A_1731, %parallel_loop3A_1732], %parallel_loop3A_1735 {add = true, strides = array<i32>} : memref<3x4x8x1024xf32, #tpu.memory_space<vmem>>, vector<1x1x1x16xf32>,
    } {sc.loop_unroll_factor = 8 : i64, sc.parallel_access}
    %add3A_131 = arith.constant 0 : i32
    %add3A_132 = arith.addi %mul3A_2, %add3A_131 : i32
    %multiple_of3A_133 = tpu.assume_multiple %add3A_132, 8 : i32
    %dma_start3A_134 = arith.constant 0 : i32
    %dma_start3A_135 = arith.constant 0 : i32
    %dma_start3A_136 = arith.constant 0 : i32
    %dma_start3A_137 = arith.constant 0 : i32
    %dma_start3A_138 = tpu.memref_slice %arg5[%dma_start3A_134, %dma_start3A_135, %dma_start3A_136, %dma_start3A_137] : memref<3x4x8x1024xf32, #tpu.memory_space<vmem>> -> memref<1x4x8x1024xf32, #tpu.memory_space<vmem>>
    %dma_start3A_139 = tpu.memref_squeeze %dma_start3A_138 : memref<1x4x8x1024xf32, #tpu.memory_space<vmem>> -> memref<4x8x1024xf32, #tpu.memory_space<vmem>>
    %dma_start3A_140 = arith.constant 0 : i32
    %dma_start3A_141 = arith.constant 0 : i32
    %dma_start3A_142 = tpu.memref_slice %arg4[%dma_start3A_140, %multiple_of3A_133, %dma_start3A_141] : memref<4x4096x1024xf32, #tpu.memory_space<hbm>> -> memref<4x8x1024xf32, #tpu.memory_space<hbm>>
    %dma_start3A_143 = arith.constant 0 : i32
    %dma_start3A_144 = arith.constant 0 : i32
    %dma_start3A_145 = tpu.memref_slice %arg4[%dma_start3A_143, %multiple_of3A_133, %dma_start3A_144] : memref<4x4096x1024xf32, #tpu.memory_space<hbm>> -> memref<4x8x1024xf32, #tpu.memory_space<hbm>>
    %dma_start3A_146 = arith.constant 0 : i32
    %dma_start3A_147 = arith.constant 0 : i32
    %dma_start3A_148 = arith.constant 0 : i32
    %dma_start3A_149 = tpu.memref_slice %arg5[%dma_start3A_134, %dma_start3A_146, %dma_start3A_147, %dma_start3A_148] : memref<3x4x8x1024xf32, #tpu.memory_space<vmem>> -> memref<1x4x8x1024xf32, #tpu.memory_space<vmem>>
    %dma_start3A_150 = tpu.memref_squeeze %dma_start3A_149 : memref<1x4x8x1024xf32, #tpu.memory_space<vmem>> -> memref<4x8x1024xf32, #tpu.memory_space<vmem>>
    tpu.enqueue_dma source(%dma_start3A_150 : memref<4x8x1024xf32, #tpu.memory_space<vmem>>) target(%dma_start3A_145 : memref<4x8x1024xf32, #tpu.memory_space<hbm>>) target_semaphore(%arg10 : memref<!tpu.dma_semaphore, #tpu.memory_space<semaphore_mem>>)
    %dma_wait3A_151 = arith.constant 0 : i32
    %dma_wait3A_152 = arith.constant 0 : i32
    %dma_wait3A_153 = arith.constant 0 : i32
    %dma_wait3A_154 = arith.constant 0 : i32
    %dma_wait3A_155 = tpu.memref_slice %arg5[%dma_wait3A_151, %dma_wait3A_152, %dma_wait3A_153, %dma_wait3A_154] : memref<3x4x8x1024xf32, #tpu.memory_space<vmem>> -> memref<1x4x8x1024xf32, #tpu.memory_space<vmem>>
    %dma_wait3A_156 = tpu.memref_squeeze %dma_wait3A_155 : memref<1x4x8x1024xf32, #tpu.memory_space<vmem>> -> memref<4x8x1024xf32, #tpu.memory_space<vmem>>
    %dma_wait3A_157 = arith.constant 0 : i32
    %dma_wait3A_158 = arith.constant 0 : i32
    %dma_wait3A_159 = tpu.memref_slice %arg4[%dma_wait3A_157, %multiple_of3A_133, %dma_wait3A_158] : memref<4x4096x1024xf32, #tpu.memory_space<hbm>> -> memref<4x8x1024xf32, #tpu.memory_space<hbm>>
    %dma_wait3A_160 = arith.constant 0 : i32
    %dma_wait3A_161 = arith.constant 0 : i32
    %dma_wait3A_162 = tpu.memref_slice %arg4[%dma_wait3A_160, %multiple_of3A_133, %dma_wait3A_161] : memref<4x4096x1024xf32, #tpu.memory_space<hbm>> -> memref<4x8x1024xf32, #tpu.memory_space<hbm>>
    %dma_wait3A_163 = arith.constant 0 : i32
    %dma_wait3A_164 = arith.constant 0 : i32
    %dma_wait3A_165 = arith.constant 0 : i32
    %dma_wait3A_166 = tpu.memref_slice %arg5[%dma_wait3A_151, %dma_wait3A_163, %dma_wait3A_164, %dma_wait3A_165] : memref<3x4x8x1024xf32, #tpu.memory_space<vmem>> -> memref<1x4x8x1024xf32, #tpu.memory_space<vmem>>
    %dma_wait3A_167 = tpu.memref_squeeze %dma_wait3A_166 : memref<1x4x8x1024xf32, #tpu.memory_space<vmem>> -> memref<4x8x1024xf32, #tpu.memory_space<vmem>>
    tpu.wait_dma2 semaphore(%arg10 : memref<!tpu.dma_semaphore, #tpu.memory_space<semaphore_mem>>) src(%dma_wait3A_167 : memref<4x8x1024xf32, #tpu.memory_space<vmem>>) dst(%dma_wait3A_162 : memref<4x8x1024xf32, #tpu.memory_space<hbm>>)
    %add3A_168 = arith.constant 24 : i32
    %add3A_169 = arith.addi %mul3A_2, %add3A_168 : i32
    %multiple_of3A_170 = tpu.assume_multiple %add3A_169, 8 : i32
    %dma_start3A_171 = arith.constant 0 : i32
    %dma_start3A_172 = arith.constant 0 : i32
    %dma_start3A_173 = arith.constant 0 : i32
    %dma_start3A_174 = tpu.memref_slice %arg6[%dma_start3A_171, %dma_start3A_172, %dma_start3A_173] : memref<3x8x1024xf32, #tpu.memory_space<vmem>> -> memref<1x8x1024xf32, #tpu.memory_space<vmem>>
    %dma_start3A_175 = tpu.memref_squeeze %dma_start3A_174 : memref<1x8x1024xf32, #tpu.memory_space<vmem>> -> memref<8x1024xf32, #tpu.memory_space<vmem>>
    %dma_start3A_176 = arith.constant 0 : i32
    %dma_start3A_177 = tpu.memref_slice %arg3[%multiple_of3A_170, %dma_start3A_176] : memref<8192x1024xf32, #tpu.memory_space<hbm>> -> memref<8x1024xf32, #tpu.memory_space<hbm>>
    %dma_start3A_178 = arith.constant 0 : i32
    %dma_start3A_179 = arith.constant 0 : i32
    %dma_start3A_180 = tpu.memref_slice %arg6[%dma_start3A_171, %dma_start3A_178, %dma_start3A_179] : memref<3x8x1024xf32, #tpu.memory_space<vmem>> -> memref<1x8x1024xf32, #tpu.memory_space<vmem>>
    %dma_start3A_181 = tpu.memref_squeeze %dma_start3A_180 : memref<1x8x1024xf32, #tpu.memory_space<vmem>> -> memref<8x1024xf32, #tpu.memory_space<vmem>>
    %dma_start3A_182 = arith.constant 0 : i32
    %dma_start3A_183 = tpu.memref_slice %arg3[%multiple_of3A_170, %dma_start3A_182] : memref<8192x1024xf32, #tpu.memory_space<hbm>> -> memref<8x1024xf32, #tpu.memory_space<hbm>>
    tpu.enqueue_dma source(%dma_start3A_183 : memref<8x1024xf32, #tpu.memory_space<hbm>>) target(%dma_start3A_181 : memref<8x1024xf32, #tpu.memory_space<vmem>>) target_semaphore(%arg7 : memref<!tpu.dma_semaphore, #tpu.memory_space<semaphore_mem>>)
    %dma_start3A_184 = arith.constant 0 : i32
    %dma_start3A_185 = arith.constant 0 : i32
    %dma_start3A_186 = arith.constant 0 : i32
    %dma_start3A_187 = arith.constant 0 : i32
    %dma_start3A_188 = tpu.memref_slice %arg5[%dma_start3A_184, %dma_start3A_185, %dma_start3A_186, %dma_start3A_187] : memref<3x4x8x1024xf32, #tpu.memory_space<vmem>> -> memref<1x4x8x1024xf32, #tpu.memory_space<vmem>>
    %dma_start3A_189 = tpu.memref_squeeze %dma_start3A_188 : memref<1x4x8x1024xf32, #tpu.memory_space<vmem>> -> memref<4x8x1024xf32, #tpu.memory_space<vmem>>
    %dma_start3A_190 = arith.constant 0 : i32
    %dma_start3A_191 = arith.constant 0 : i32
    %dma_start3A_192 = tpu.memref_slice %arg2[%dma_start3A_190, %multiple_of3A_170, %dma_start3A_191] : memref<4x4096x1024xf32, #tpu.memory_space<hbm>> -> memref<4x8x1024xf32, #tpu.memory_space<hbm>>
    %dma_start3A_193 = arith.constant 0 : i32
    %dma_start3A_194 = arith.constant 0 : i32
    %dma_start3A_195 = arith.constant 0 : i32
    %dma_start3A_196 = tpu.memref_slice %arg5[%dma_start3A_184, %dma_start3A_193, %dma_start3A_194, %dma_start3A_195] : memref<3x4x8x1024xf32, #tpu.memory_space<vmem>> -> memref<1x4x8x1024xf32, #tpu.memory_space<vmem>>
    %dma_start3A_197 = tpu.memref_squeeze %dma_start3A_196 : memref<1x4x8x1024xf32, #tpu.memory_space<vmem>> -> memref<4x8x1024xf32, #tpu.memory_space<vmem>>
    %dma_start3A_198 = arith.constant 0 : i32
    %dma_start3A_199 = arith.constant 0 : i32
    %dma_start3A_200 = tpu.memref_slice %arg2[%dma_start3A_198, %multiple_of3A_170, %dma_start3A_199] : memref<4x4096x1024xf32, #tpu.memory_space<hbm>> -> memref<4x8x1024xf32, #tpu.memory_space<hbm>>
    tpu.enqueue_dma source(%dma_start3A_200 : memref<4x8x1024xf32, #tpu.memory_space<hbm>>) target(%dma_start3A_197 : memref<4x8x1024xf32, #tpu.memory_space<vmem>>) target_semaphore(%arg7 : memref<!tpu.dma_semaphore, #tpu.memory_space<semaphore_mem>>)
    %dma_wait3A_201 = arith.constant 1 : i32
    %dma_wait3A_202 = arith.constant 0 : i32
    %dma_wait3A_203 = arith.constant 0 : i32
    %dma_wait3A_204 = tpu.memref_slice %arg6[%dma_wait3A_201, %dma_wait3A_202, %dma_wait3A_203] : memref<3x8x1024xf32, #tpu.memory_space<vmem>> -> memref<1x8x1024xf32, #tpu.memory_space<vmem>>
    %dma_wait3A_205 = tpu.memref_squeeze %dma_wait3A_204 : memref<1x8x1024xf32, #tpu.memory_space<vmem>> -> memref<8x1024xf32, #tpu.memory_space<vmem>>
    %dma_wait3A_206 = arith.constant 0 : i32
    %dma_wait3A_207 = tpu.memref_slice %arg3[%multiple_of3A_36, %dma_wait3A_206] : memref<8192x1024xf32, #tpu.memory_space<hbm>> -> memref<8x1024xf32, #tpu.memory_space<hbm>>
    %dma_wait3A_208 = arith.constant 0 : i32
    %dma_wait3A_209 = arith.constant 0 : i32
    %dma_wait3A_210 = tpu.memref_slice %arg6[%dma_wait3A_201, %dma_wait3A_208, %dma_wait3A_209] : memref<3x8x1024xf32, #tpu.memory_space<vmem>> -> memref<1x8x1024xf32, #tpu.memory_space<vmem>>
    %dma_wait3A_211 = tpu.memref_squeeze %dma_wait3A_210 : memref<1x8x1024xf32, #tpu.memory_space<vmem>> -> memref<8x1024xf32, #tpu.memory_space<vmem>>
    %dma_wait3A_212 = arith.constant 0 : i32
    %dma_wait3A_213 = tpu.memref_slice %arg3[%multiple_of3A_36, %dma_wait3A_212] : memref<8192x1024xf32, #tpu.memory_space<hbm>> -> memref<8x1024xf32, #tpu.memory_space<hbm>>
    tpu.wait_dma2 semaphore(%arg8 : memref<!tpu.dma_semaphore, #tpu.memory_space<semaphore_mem>>) src(%dma_wait3A_213 : memref<8x1024xf32, #tpu.memory_space<hbm>>) dst(%dma_wait3A_211 : memref<8x1024xf32, #tpu.memory_space<vmem>>)
    %dma_wait3A_214 = arith.constant 1 : i32
    %dma_wait3A_215 = arith.constant 0 : i32
    %dma_wait3A_216 = arith.constant 0 : i32
    %dma_wait3A_217 = arith.constant 0 : i32
    %dma_wait3A_218 = tpu.memref_slice %arg5[%dma_wait3A_214, %dma_wait3A_215, %dma_wait3A_216, %dma_wait3A_217] : memref<3x4x8x1024xf32, #tpu.memory_space<vmem>> -> memref<1x4x8x1024xf32, #tpu.memory_space<vmem>>
    %dma_wait3A_219 = tpu.memref_squeeze %dma_wait3A_218 : memref<1x4x8x1024xf32, #tpu.memory_space<vmem>> -> memref<4x8x1024xf32, #tpu.memory_space<vmem>>
    %dma_wait3A_220 = arith.constant 0 : i32
    %dma_wait3A_221 = arith.constant 0 : i32
    %dma_wait3A_222 = tpu.memref_slice %arg2[%dma_wait3A_220, %multiple_of3A_36, %dma_wait3A_221] : memref<4x4096x1024xf32, #tpu.memory_space<hbm>> -> memref<4x8x1024xf32, #tpu.memory_space<hbm>>
    %dma_wait3A_223 = arith.constant 0 : i32
    %dma_wait3A_224 = arith.constant 0 : i32
    %dma_wait3A_225 = arith.constant 0 : i32
    %dma_wait3A_226 = tpu.memref_slice %arg5[%dma_wait3A_214, %dma_wait3A_223, %dma_wait3A_224, %dma_wait3A_225] : memref<3x4x8x1024xf32, #tpu.memory_space<vmem>> -> memref<1x4x8x1024xf32, #tpu.memory_space<vmem>>
    %dma_wait3A_227 = tpu.memref_squeeze %dma_wait3A_226 : memref<1x4x8x1024xf32, #tpu.memory_space<vmem>> -> memref<4x8x1024xf32, #tpu.memory_space<vmem>>
    %dma_wait3A_228 = arith.constant 0 : i32
    %dma_wait3A_229 = arith.constant 0 : i32
    %dma_wait3A_230 = tpu.memref_slice %arg2[%dma_wait3A_228, %multiple_of3A_36, %dma_wait3A_229] : memref<4x4096x1024xf32, #tpu.memory_space<hbm>> -> memref<4x8x1024xf32, #tpu.memory_space<hbm>>
    tpu.wait_dma2 semaphore(%arg8 : memref<!tpu.dma_semaphore, #tpu.memory_space<semaphore_mem>>) src(%dma_wait3A_230 : memref<4x8x1024xf32, #tpu.memory_space<hbm>>) dst(%dma_wait3A_227 : memref<4x8x1024xf32, #tpu.memory_space<vmem>>)
    %parallel_loop3A_231 = arith.constant 0 : i32
    %parallel_loop3A_232 = arith.constant 512 : i32
    %parallel_loop3A_233 = arith.constant 1 : i32
    scf.for %parallel_loop3A_1647 = %parallel_loop3A_231 to %parallel_loop3A_232 step %parallel_loop3A_233  : i32 {
      %parallel_loop3A_1648 = arith.constant 64 : i32
      %parallel_loop3A_1649 = arith.divsi %parallel_loop3A_1647, %parallel_loop3A_1648 : i32
      %parallel_loop3A_1650 = arith.constant 0 : i32
      %parallel_loop3A_1651 = arith.cmpi sgt, %parallel_loop3A_1647, %parallel_loop3A_1650 : i32
      %parallel_loop3A_1652 = arith.extui %parallel_loop3A_1651 : i1 to i32
      %parallel_loop3A_1653 = arith.constant 0 : i32
      %parallel_loop3A_1654 = arith.cmpi slt, %parallel_loop3A_1647, %parallel_loop3A_1653 : i32
      %parallel_loop3A_1655 = arith.extui %parallel_loop3A_1654 : i1 to i32
      %parallel_loop3A_1656 = arith.subi %parallel_loop3A_1652, %parallel_loop3A_1655 : i32
      %parallel_loop3A_1657 = arith.constant 0 : i32
      %parallel_loop3A_1658 = arith.cmpi sgt, %parallel_loop3A_1648, %parallel_loop3A_1657 : i32
      %parallel_loop3A_1659 = arith.extui %parallel_loop3A_1658 : i1 to i32
      %parallel_loop3A_1660 = arith.constant 0 : i32
      %parallel_loop3A_1661 = arith.cmpi slt, %parallel_loop3A_1648, %parallel_loop3A_1660 : i32
      %parallel_loop3A_1662 = arith.extui %parallel_loop3A_1661 : i1 to i32
      %parallel_loop3A_1663 = arith.subi %parallel_loop3A_1659, %parallel_loop3A_1662 : i32
      %parallel_loop3A_1664 = arith.cmpi ne, %parallel_loop3A_1656, %parallel_loop3A_1663 : i32
      %parallel_loop3A_1665 = arith.remsi %parallel_loop3A_1647, %parallel_loop3A_1648 : i32
      %parallel_loop3A_1666 = arith.constant 0 : i32
      %parallel_loop3A_1667 = arith.cmpi ne, %parallel_loop3A_1665, %parallel_loop3A_1666 : i32
      %parallel_loop3A_1668 = arith.andi %parallel_loop3A_1664, %parallel_loop3A_1667 : i1
      %parallel_loop3A_1669 = arith.constant 1 : i32
      %parallel_loop3A_1670 = arith.subi %parallel_loop3A_1649, %parallel_loop3A_1669 : i32
      %parallel_loop3A_1671 = arith.select %parallel_loop3A_1668, %parallel_loop3A_1670, %parallel_loop3A_1649 : i32
      %parallel_loop3A_1672 = arith.constant 64 : i32
      %parallel_loop3A_1673 = arith.constant 0 : i32
      %parallel_loop3A_1674 = arith.cmpi eq, %parallel_loop3A_1672, %parallel_loop3A_1673 : i32
      %parallel_loop3A_1675 = arith.constant 1 : i32
      %parallel_loop3A_1676 = arith.select %parallel_loop3A_1674, %parallel_loop3A_1675, %parallel_loop3A_1672 : i32
      %parallel_loop3A_1677 = arith.remsi %parallel_loop3A_1647, %parallel_loop3A_1676 : i32
      %parallel_loop3A_1678 = arith.constant 0 : i32
      %parallel_loop3A_1679 = arith.cmpi ne, %parallel_loop3A_1677, %parallel_loop3A_1678 : i32
      %parallel_loop3A_1680 = arith.constant 0 : i32
      %parallel_loop3A_1681 = arith.cmpi slt, %parallel_loop3A_1677, %parallel_loop3A_1680 : i32
      %parallel_loop3A_1682 = arith.constant 0 : i32
      %parallel_loop3A_1683 = arith.cmpi slt, %parallel_loop3A_1676, %parallel_loop3A_1682 : i32
      %parallel_loop3A_1684 = arith.xori %parallel_loop3A_1681, %parallel_loop3A_1683 : i1
      %parallel_loop3A_1685 = arith.andi %parallel_loop3A_1684, %parallel_loop3A_1679 : i1
      %parallel_loop3A_1686 = arith.addi %parallel_loop3A_1677, %parallel_loop3A_1676 : i32
      %parallel_loop3A_1687 = arith.select %parallel_loop3A_1685, %parallel_loop3A_1686, %parallel_loop3A_1677 : i32
      %parallel_loop3A_1688 = arith.constant 16 : i32
      %parallel_loop3A_1689 = arith.muli %parallel_loop3A_1687, %parallel_loop3A_1688 : i32
      %parallel_loop3A_1690 = tpu.assume_multiple %parallel_loop3A_1689, 16 : i32
      %parallel_loop3A_1691 = arith.constant 1 : i32
      %parallel_loop3A_1692 = arith.index_cast %parallel_loop3A_1691 : i32 to index
      %parallel_loop3A_1693 = arith.index_cast %parallel_loop3A_1671 : i32 to index
      %parallel_loop3A_1694 = arith.index_cast %parallel_loop3A_1690 : i32 to index
      %parallel_loop3A_1695 = tpu.vector_load %arg6[%parallel_loop3A_1692, %parallel_loop3A_1693, %parallel_loop3A_1694] {strides = array<i32>} : memref<3x8x1024xf32, #tpu.memory_space<vmem>>, vector<1x1x16xf32>,
      %parallel_loop3A_1696 = vector.shape_cast %parallel_loop3A_1695 : vector<1x1x16xf32> to vector<16xf32>
      %parallel_loop3A_1697 = arith.constant 3.200000e+01 : f32
      %parallel_loop3A_1698 = vector.broadcast %parallel_loop3A_1697 : f32 to vector<16xf32>
      %parallel_loop3A_1699 = arith.mulf %parallel_loop3A_1696, %parallel_loop3A_1698 : vector<16xf32>
      %parallel_loop3A_1700 = arith.constant 1 : i32
      %parallel_loop3A_1701 = arith.constant 0 : i32
      %parallel_loop3A_1702 = arith.index_cast %parallel_loop3A_1700 : i32 to index
      %parallel_loop3A_1703 = arith.index_cast %parallel_loop3A_1701 : i32 to index
      %parallel_loop3A_1704 = arith.index_cast %parallel_loop3A_1671 : i32 to index
      %parallel_loop3A_1705 = arith.index_cast %parallel_loop3A_1690 : i32 to index
      %parallel_loop3A_1706 = tpu.vector_load %arg5[%parallel_loop3A_1702, %parallel_loop3A_1703, %parallel_loop3A_1704, %parallel_loop3A_1705] {strides = array<i32>} : memref<3x4x8x1024xf32, #tpu.memory_space<vmem>>, vector<1x1x1x16xf32>,
      %parallel_loop3A_1707 = vector.shape_cast %parallel_loop3A_1706 : vector<1x1x1x16xf32> to vector<16xf32>
      %parallel_loop3A_1708 = vector.shape_cast %parallel_loop3A_1699 : vector<16xf32> to vector<1x1x1x16xf32>
      tpu.vector_store %arg5[%parallel_loop3A_1702, %parallel_loop3A_1703, %parallel_loop3A_1704, %parallel_loop3A_1705], %parallel_loop3A_1708 {add = true, strides = array<i32>} : memref<3x4x8x1024xf32, #tpu.memory_space<vmem>>, vector<1x1x1x16xf32>,
      %parallel_loop3A_1709 = arith.constant 1 : i32
      %parallel_loop3A_1710 = arith.constant 1 : i32
      %parallel_loop3A_1711 = arith.index_cast %parallel_loop3A_1709 : i32 to index
      %parallel_loop3A_1712 = arith.index_cast %parallel_loop3A_1710 : i32 to index
      %parallel_loop3A_1713 = arith.index_cast %parallel_loop3A_1671 : i32 to index
      %parallel_loop3A_1714 = arith.index_cast %parallel_loop3A_1690 : i32 to index
      %parallel_loop3A_1715 = tpu.vector_load %arg5[%parallel_loop3A_1711, %parallel_loop3A_1712, %parallel_loop3A_1713, %parallel_loop3A_1714] {strides = array<i32>} : memref<3x4x8x1024xf32, #tpu.memory_space<vmem>>, vector<1x1x1x16xf32>,
      %parallel_loop3A_1716 = vector.shape_cast %parallel_loop3A_1715 : vector<1x1x1x16xf32> to vector<16xf32>
      %parallel_loop3A_1717 = vector.shape_cast %parallel_loop3A_1699 : vector<16xf32> to vector<1x1x1x16xf32>
      tpu.vector_store %arg5[%parallel_loop3A_1711, %parallel_loop3A_1712, %parallel_loop3A_1713, %parallel_loop3A_1714], %parallel_loop3A_1717 {add = true, strides = array<i32>} : memref<3x4x8x1024xf32, #tpu.memory_space<vmem>>, vector<1x1x1x16xf32>,
      %parallel_loop3A_1718 = arith.constant 1 : i32
      %parallel_loop3A_1719 = arith.constant 2 : i32
      %parallel_loop3A_1720 = arith.index_cast %parallel_loop3A_1718 : i32 to index
      %parallel_loop3A_1721 = arith.index_cast %parallel_loop3A_1719 : i32 to index
      %parallel_loop3A_1722 = arith.index_cast %parallel_loop3A_1671 : i32 to index
      %parallel_loop3A_1723 = arith.index_cast %parallel_loop3A_1690 : i32 to index
      %parallel_loop3A_1724 = tpu.vector_load %arg5[%parallel_loop3A_1720, %parallel_loop3A_1721, %parallel_loop3A_1722, %parallel_loop3A_1723] {strides = array<i32>} : memref<3x4x8x1024xf32, #tpu.memory_space<vmem>>, vector<1x1x1x16xf32>,
      %parallel_loop3A_1725 = vector.shape_cast %parallel_loop3A_1724 : vector<1x1x1x16xf32> to vector<16xf32>
      %parallel_loop3A_1726 = vector.shape_cast %parallel_loop3A_1699 : vector<16xf32> to vector<1x1x1x16xf32>
      tpu.vector_store %arg5[%parallel_loop3A_1720, %parallel_loop3A_1721, %parallel_loop3A_1722, %parallel_loop3A_1723], %parallel_loop3A_1726 {add = true, strides = array<i32>} : memref<3x4x8x1024xf32, #tpu.memory_space<vmem>>, vector<1x1x1x16xf32>,
      %parallel_loop3A_1727 = arith.constant 1 : i32
      %parallel_loop3A_1728 = arith.constant 3 : i32
      %parallel_loop3A_1729 = arith.index_cast %parallel_loop3A_1727 : i32 to index
      %parallel_loop3A_1730 = arith.index_cast %parallel_loop3A_1728 : i32 to index
      %parallel_loop3A_1731 = arith.index_cast %parallel_loop3A_1671 : i32 to index
      %parallel_loop3A_1732 = arith.index_cast %parallel_loop3A_1690 : i32 to index
      %parallel_loop3A_1733 = tpu.vector_load %arg5[%parallel_loop3A_1729, %parallel_loop3A_1730, %parallel_loop3A_1731, %parallel_loop3A_1732] {strides = array<i32>} : memref<3x4x8x1024xf32, #tpu.memory_space<vmem>>, vector<1x1x1x16xf32>,
      %parallel_loop3A_1734 = vector.shape_cast %parallel_loop3A_1733 : vector<1x1x1x16xf32> to vector<16xf32>
      %parallel_loop3A_1735 = vector.shape_cast %parallel_loop3A_1699 : vector<16xf32> to vector<1x1x1x16xf32>
      tpu.vector_store %arg5[%parallel_loop3A_1729, %parallel_loop3A_1730, %parallel_loop3A_1731, %parallel_loop3A_1732], %parallel_loop3A_1735 {add = true, strides = array<i32>} : memref<3x4x8x1024xf32, #tpu.memory_space<vmem>>, vector<1x1x1x16xf32>,
    } {sc.loop_unroll_factor = 8 : i64, sc.parallel_access}
    %add3A_234 = arith.constant 8 : i32
    %add3A_235 = arith.addi %mul3A_2, %add3A_234 : i32
    %multiple_of3A_236 = tpu.assume_multiple %add3A_235, 8 : i32
    %dma_start3A_237 = arith.constant 1 : i32
    %dma_start3A_238 = arith.constant 0 : i32
    %dma_start3A_239 = arith.constant 0 : i32
    %dma_start3A_240 = arith.constant 0 : i32
    %dma_start3A_241 = tpu.memref_slice %arg5[%dma_start3A_237, %dma_start3A_238, %dma_start3A_239, %dma_start3A_240] : memref<3x4x8x1024xf32, #tpu.memory_space<vmem>> -> memref<1x4x8x1024xf32, #tpu.memory_space<vmem>>
    %dma_start3A_242 = tpu.memref_squeeze %dma_start3A_241 : memref<1x4x8x1024xf32, #tpu.memory_space<vmem>> -> memref<4x8x1024xf32, #tpu.memory_space<vmem>>
    %dma_start3A_243 = arith.constant 0 : i32
    %dma_start3A_244 = arith.constant 0 : i32
    %dma_start3A_245 = tpu.memref_slice %arg4[%dma_start3A_243, %multiple_of3A_236, %dma_start3A_244] : memref<4x4096x1024xf32, #tpu.memory_space<hbm>> -> memref<4x8x1024xf32, #tpu.memory_space<hbm>>
    %dma_start3A_246 = arith.constant 0 : i32
    %dma_start3A_247 = arith.constant 0 : i32
    %dma_start3A_248 = tpu.memref_slice %arg4[%dma_start3A_246, %multiple_of3A_236, %dma_start3A_247] : memref<4x4096x1024xf32, #tpu.memory_space<hbm>> -> memref<4x8x1024xf32, #tpu.memory_space<hbm>>
    %dma_start3A_249 = arith.constant 0 : i32
    %dma_start3A_250 = arith.constant 0 : i32
    %dma_start3A_251 = arith.constant 0 : i32
    %dma_start3A_252 = tpu.memref_slice %arg5[%dma_start3A_237, %dma_start3A_249, %dma_start3A_250, %dma_start3A_251] : memref<3x4x8x1024xf32, #tpu.memory_space<vmem>> -> memref<1x4x8x1024xf32, #tpu.memory_space<vmem>>
    %dma_start3A_253 = tpu.memref_squeeze %dma_start3A_252 : memref<1x4x8x1024xf32, #tpu.memory_space<vmem>> -> memref<4x8x1024xf32, #tpu.memory_space<vmem>>
    tpu.enqueue_dma source(%dma_start3A_253 : memref<4x8x1024xf32, #tpu.memory_space<vmem>>) target(%dma_start3A_248 : memref<4x8x1024xf32, #tpu.memory_space<hbm>>) target_semaphore(%arg11 : memref<!tpu.dma_semaphore, #tpu.memory_space<semaphore_mem>>)
    %dma_wait3A_254 = arith.constant 1 : i32
    %dma_wait3A_255 = arith.constant 0 : i32
    %dma_wait3A_256 = arith.constant 0 : i32
    %dma_wait3A_257 = arith.constant 0 : i32
    %dma_wait3A_258 = tpu.memref_slice %arg5[%dma_wait3A_254, %dma_wait3A_255, %dma_wait3A_256, %dma_wait3A_257] : memref<3x4x8x1024xf32, #tpu.memory_space<vmem>> -> memref<1x4x8x1024xf32, #tpu.memory_space<vmem>>
    %dma_wait3A_259 = tpu.memref_squeeze %dma_wait3A_258 : memref<1x4x8x1024xf32, #tpu.memory_space<vmem>> -> memref<4x8x1024xf32, #tpu.memory_space<vmem>>
    %dma_wait3A_260 = arith.constant 0 : i32
    %dma_wait3A_261 = arith.constant 0 : i32
    %dma_wait3A_262 = tpu.memref_slice %arg4[%dma_wait3A_260, %multiple_of3A_236, %dma_wait3A_261] : memref<4x4096x1024xf32, #tpu.memory_space<hbm>> -> memref<4x8x1024xf32, #tpu.memory_space<hbm>>
    %dma_wait3A_263 = arith.constant 0 : i32
    %dma_wait3A_264 = arith.constant 0 : i32
    %dma_wait3A_265 = tpu.memref_slice %arg4[%dma_wait3A_263, %multiple_of3A_236, %dma_wait3A_264] : memref<4x4096x1024xf32, #tpu.memory_space<hbm>> -> memref<4x8x1024xf32, #tpu.memory_space<hbm>>
    %dma_wait3A_266 = arith.constant 0 : i32
    %dma_wait3A_267 = arith.constant 0 : i32
    %dma_wait3A_268 = arith.constant 0 : i32
    %dma_wait3A_269 = tpu.memref_slice %arg5[%dma_wait3A_254, %dma_wait3A_266, %dma_wait3A_267, %dma_wait3A_268] : memref<3x4x8x1024xf32, #tpu.memory_space<vmem>> -> memref<1x4x8x1024xf32, #tpu.memory_space<vmem>>
    %dma_wait3A_270 = tpu.memref_squeeze %dma_wait3A_269 : memref<1x4x8x1024xf32, #tpu.memory_space<vmem>> -> memref<4x8x1024xf32, #tpu.memory_space<vmem>>
    tpu.wait_dma2 semaphore(%arg11 : memref<!tpu.dma_semaphore, #tpu.memory_space<semaphore_mem>>) src(%dma_wait3A_270 : memref<4x8x1024xf32, #tpu.memory_space<vmem>>) dst(%dma_wait3A_265 : memref<4x8x1024xf32, #tpu.memory_space<hbm>>)
    %add3A_271 = arith.constant 32 : i32
    %add3A_272 = arith.addi %mul3A_2, %add3A_271 : i32
    %multiple_of3A_273 = tpu.assume_multiple %add3A_272, 8 : i32
    %dma_start3A_274 = arith.constant 1 : i32
    %dma_start3A_275 = arith.constant 0 : i32
    %dma_start3A_276 = arith.constant 0 : i32
    %dma_start3A_277 = tpu.memref_slice %arg6[%dma_start3A_274, %dma_start3A_275, %dma_start3A_276] : memref<3x8x1024xf32, #tpu.memory_space<vmem>> -> memref<1x8x1024xf32, #tpu.memory_space<vmem>>
    %dma_start3A_278 = tpu.memref_squeeze %dma_start3A_277 : memref<1x8x1024xf32, #tpu.memory_space<vmem>> -> memref<8x1024xf32, #tpu.memory_space<vmem>>
    %dma_start3A_279 = arith.constant 0 : i32
    %dma_start3A_280 = tpu.memref_slice %arg3[%multiple_of3A_273, %dma_start3A_279] : memref<8192x1024xf32, #tpu.memory_space<hbm>> -> memref<8x1024xf32, #tpu.memory_space<hbm>>
    %dma_start3A_281 = arith.constant 0 : i32
    %dma_start3A_282 = arith.constant 0 : i32
    %dma_start3A_283 = tpu.memref_slice %arg6[%dma_start3A_274, %dma_start3A_281, %dma_start3A_282] : memref<3x8x1024xf32, #tpu.memory_space<vmem>> -> memref<1x8x1024xf32, #tpu.memory_space<vmem>>
    %dma_start3A_284 = tpu.memref_squeeze %dma_start3A_283 : memref<1x8x1024xf32, #tpu.memory_space<vmem>> -> memref<8x1024xf32, #tpu.memory_space<vmem>>
    %dma_start3A_285 = arith.constant 0 : i32
    %dma_start3A_286 = tpu.memref_slice %arg3[%multiple_of3A_273, %dma_start3A_285] : memref<8192x1024xf32, #tpu.memory_space<hbm>> -> memref<8x1024xf32, #tpu.memory_space<hbm>>
    tpu.enqueue_dma source(%dma_start3A_286 : memref<8x1024xf32, #tpu.memory_space<hbm>>) target(%dma_start3A_284 : memref<8x1024xf32, #tpu.memory_space<vmem>>) target_semaphore(%arg8 : memref<!tpu.dma_semaphore, #tpu.memory_space<semaphore_mem>>)
    %dma_start3A_287 = arith.constant 1 : i32
    %dma_start3A_288 = arith.constant 0 : i32
    %dma_start3A_289 = arith.constant 0 : i32
    %dma_start3A_290 = arith.constant 0 : i32
    %dma_start3A_291 = tpu.memref_slice %arg5[%dma_start3A_287, %dma_start3A_288, %dma_start3A_289, %dma_start3A_290] : memref<3x4x8x1024xf32, #tpu.memory_space<vmem>> -> memref<1x4x8x1024xf32, #tpu.memory_space<vmem>>
    %dma_start3A_292 = tpu.memref_squeeze %dma_start3A_291 : memref<1x4x8x1024xf32, #tpu.memory_space<vmem>> -> memref<4x8x1024xf32, #tpu.memory_space<vmem>>
    %dma_start3A_293 = arith.constant 0 : i32
    %dma_start3A_294 = arith.constant 0 : i32
    %dma_start3A_295 = tpu.memref_slice %arg2[%dma_start3A_293, %multiple_of3A_273, %dma_start3A_294] : memref<4x4096x1024xf32, #tpu.memory_space<hbm>> -> memref<4x8x1024xf32, #tpu.memory_space<hbm>>
    %dma_start3A_296 = arith.constant 0 : i32
    %dma_start3A_297 = arith.constant 0 : i32
    %dma_start3A_298 = arith.constant 0 : i32
    %dma_start3A_299 = tpu.memref_slice %arg5[%dma_start3A_287, %dma_start3A_296, %dma_start3A_297, %dma_start3A_298] : memref<3x4x8x1024xf32, #tpu.memory_space<vmem>> -> memref<1x4x8x1024xf32, #tpu.memory_space<vmem>>
    %dma_start3A_300 = tpu.memref_squeeze %dma_start3A_299 : memref<1x4x8x1024xf32, #tpu.memory_space<vmem>> -> memref<4x8x1024xf32, #tpu.memory_space<vmem>>
    %dma_start3A_301 = arith.constant 0 : i32
    %dma_start3A_302 = arith.constant 0 : i32
    %dma_start3A_303 = tpu.memref_slice %arg2[%dma_start3A_301, %multiple_of3A_273, %dma_start3A_302] : memref<4x4096x1024xf32, #tpu.memory_space<hbm>> -> memref<4x8x1024xf32, #tpu.memory_space<hbm>>
    tpu.enqueue_dma source(%dma_start3A_303 : memref<4x8x1024xf32, #tpu.memory_space<hbm>>) target(%dma_start3A_300 : memref<4x8x1024xf32, #tpu.memory_space<vmem>>) target_semaphore(%arg8 : memref<!tpu.dma_semaphore, #tpu.memory_space<semaphore_mem>>)
    %dma_wait3A_304 = arith.constant 2 : i32
    %dma_wait3A_305 = arith.constant 0 : i32
    %dma_wait3A_306 = arith.constant 0 : i32
    %dma_wait3A_307 = tpu.memref_slice %arg6[%dma_wait3A_304, %dma_wait3A_305, %dma_wait3A_306] : memref<3x8x1024xf32, #tpu.memory_space<vmem>> -> memref<1x8x1024xf32, #tpu.memory_space<vmem>>
    %dma_wait3A_308 = tpu.memref_squeeze %dma_wait3A_307 : memref<1x8x1024xf32, #tpu.memory_space<vmem>> -> memref<8x1024xf32, #tpu.memory_space<vmem>>
    %dma_wait3A_309 = arith.constant 0 : i32
    %dma_wait3A_310 = tpu.memref_slice %arg3[%multiple_of3A_69, %dma_wait3A_309] : memref<8192x1024xf32, #tpu.memory_space<hbm>> -> memref<8x1024xf32, #tpu.memory_space<hbm>>
    %dma_wait3A_311 = arith.constant 0 : i32
    %dma_wait3A_312 = arith.constant 0 : i32
    %dma_wait3A_313 = tpu.memref_slice %arg6[%dma_wait3A_304, %dma_wait3A_311, %dma_wait3A_312] : memref<3x8x1024xf32, #tpu.memory_space<vmem>> -> memref<1x8x1024xf32, #tpu.memory_space<vmem>>
    %dma_wait3A_314 = tpu.memref_squeeze %dma_wait3A_313 : memref<1x8x1024xf32, #tpu.memory_space<vmem>> -> memref<8x1024xf32, #tpu.memory_space<vmem>>
    %dma_wait3A_315 = arith.constant 0 : i32
    %dma_wait3A_316 = tpu.memref_slice %arg3[%multiple_of3A_69, %dma_wait3A_315] : memref<8192x1024xf32, #tpu.memory_space<hbm>> -> memref<8x1024xf32, #tpu.memory_space<hbm>>
    tpu.wait_dma2 semaphore(%arg9 : memref<!tpu.dma_semaphore, #tpu.memory_space<semaphore_mem>>) src(%dma_wait3A_316 : memref<8x1024xf32, #tpu.memory_space<hbm>>) dst(%dma_wait3A_314 : memref<8x1024xf32, #tpu.memory_space<vmem>>)
    %dma_wait3A_317 = arith.constant 2 : i32
    %dma_wait3A_318 = arith.constant 0 : i32
    %dma_wait3A_319 = arith.constant 0 : i32
    %dma_wait3A_320 = arith.constant 0 : i32
    %dma_wait3A_321 = tpu.memref_slice %arg5[%dma_wait3A_317, %dma_wait3A_318, %dma_wait3A_319, %dma_wait3A_320] : memref<3x4x8x1024xf32, #tpu.memory_space<vmem>> -> memref<1x4x8x1024xf32, #tpu.memory_space<vmem>>
    %dma_wait3A_322 = tpu.memref_squeeze %dma_wait3A_321 : memref<1x4x8x1024xf32, #tpu.memory_space<vmem>> -> memref<4x8x1024xf32, #tpu.memory_space<vmem>>
    %dma_wait3A_323 = arith.constant 0 : i32
    %dma_wait3A_324 = arith.constant 0 : i32
    %dma_wait3A_325 = tpu.memref_slice %arg2[%dma_wait3A_323, %multiple_of3A_69, %dma_wait3A_324] : memref<4x4096x1024xf32, #tpu.memory_space<hbm>> -> memref<4x8x1024xf32, #tpu.memory_space<hbm>>
    %dma_wait3A_326 = arith.constant 0 : i32
    %dma_wait3A_327 = arith.constant 0 : i32
    %dma_wait3A_328 = arith.constant 0 : i32
    %dma_wait3A_329 = tpu.memref_slice %arg5[%dma_wait3A_317, %dma_wait3A_326, %dma_wait3A_327, %dma_wait3A_328] : memref<3x4x8x1024xf32, #tpu.memory_space<vmem>> -> memref<1x4x8x1024xf32, #tpu.memory_space<vmem>>
    %dma_wait3A_330 = tpu.memref_squeeze %dma_wait3A_329 : memref<1x4x8x1024xf32, #tpu.memory_space<vmem>> -> memref<4x8x1024xf32, #tpu.memory_space<vmem>>
    %dma_wait3A_331 = arith.constant 0 : i32
    %dma_wait3A_332 = arith.constant 0 : i32
    %dma_wait3A_333 = tpu.memref_slice %arg2[%dma_wait3A_331, %multiple_of3A_69, %dma_wait3A_332] : memref<4x4096x1024xf32, #tpu.memory_space<hbm>> -> memref<4x8x1024xf32, #tpu.memory_space<hbm>>
    tpu.wait_dma2 semaphore(%arg9 : memref<!tpu.dma_semaphore, #tpu.memory_space<semaphore_mem>>) src(%dma_wait3A_333 : memref<4x8x1024xf32, #tpu.memory_space<hbm>>) dst(%dma_wait3A_330 : memref<4x8x1024xf32, #tpu.memory_space<vmem>>)
    %parallel_loop3A_334 = arith.constant 0 : i32
    %parallel_loop3A_335 = arith.constant 512 : i32
    %parallel_loop3A_336 = arith.constant 1 : i32
    scf.for %parallel_loop3A_1647 = %parallel_loop3A_334 to %parallel_loop3A_335 step %parallel_loop3A_336  : i32 {
      %parallel_loop3A_1648 = arith.constant 64 : i32
      %parallel_loop3A_1649 = arith.divsi %parallel_loop3A_1647, %parallel_loop3A_1648 : i32
      %parallel_loop3A_1650 = arith.constant 0 : i32
      %parallel_loop3A_1651 = arith.cmpi sgt, %parallel_loop3A_1647, %parallel_loop3A_1650 : i32
      %parallel_loop3A_1652 = arith.extui %parallel_loop3A_1651 : i1 to i32
      %parallel_loop3A_1653 = arith.constant 0 : i32
      %parallel_loop3A_1654 = arith.cmpi slt, %parallel_loop3A_1647, %parallel_loop3A_1653 : i32
      %parallel_loop3A_1655 = arith.extui %parallel_loop3A_1654 : i1 to i32
      %parallel_loop3A_1656 = arith.subi %parallel_loop3A_1652, %parallel_loop3A_1655 : i32
      %parallel_loop3A_1657 = arith.constant 0 : i32
      %parallel_loop3A_1658 = arith.cmpi sgt, %parallel_loop3A_1648, %parallel_loop3A_1657 : i32
      %parallel_loop3A_1659 = arith.extui %parallel_loop3A_1658 : i1 to i32
      %parallel_loop3A_1660 = arith.constant 0 : i32
      %parallel_loop3A_1661 = arith.cmpi slt, %parallel_loop3A_1648, %parallel_loop3A_1660 : i32
      %parallel_loop3A_1662 = arith.extui %parallel_loop3A_1661 : i1 to i32
      %parallel_loop3A_1663 = arith.subi %parallel_loop3A_1659, %parallel_loop3A_1662 : i32
      %parallel_loop3A_1664 = arith.cmpi ne, %parallel_loop3A_1656, %parallel_loop3A_1663 : i32
      %parallel_loop3A_1665 = arith.remsi %parallel_loop3A_1647, %parallel_loop3A_1648 : i32
      %parallel_loop3A_1666 = arith.constant 0 : i32
      %parallel_loop3A_1667 = arith.cmpi ne, %parallel_loop3A_1665, %parallel_loop3A_1666 : i32
      %parallel_loop3A_1668 = arith.andi %parallel_loop3A_1664, %parallel_loop3A_1667 : i1
      %parallel_loop3A_1669 = arith.constant 1 : i32
      %parallel_loop3A_1670 = arith.subi %parallel_loop3A_1649, %parallel_loop3A_1669 : i32
      %parallel_loop3A_1671 = arith.select %parallel_loop3A_1668, %parallel_loop3A_1670, %parallel_loop3A_1649 : i32
      %parallel_loop3A_1672 = arith.constant 64 : i32
      %parallel_loop3A_1673 = arith.constant 0 : i32
      %parallel_loop3A_1674 = arith.cmpi eq, %parallel_loop3A_1672, %parallel_loop3A_1673 : i32
      %parallel_loop3A_1675 = arith.constant 1 : i32
      %parallel_loop3A_1676 = arith.select %parallel_loop3A_1674, %parallel_loop3A_1675, %parallel_loop3A_1672 : i32
      %parallel_loop3A_1677 = arith.remsi %parallel_loop3A_1647, %parallel_loop3A_1676 : i32
      %parallel_loop3A_1678 = arith.constant 0 : i32
      %parallel_loop3A_1679 = arith.cmpi ne, %parallel_loop3A_1677, %parallel_loop3A_1678 : i32
      %parallel_loop3A_1680 = arith.constant 0 : i32
      %parallel_loop3A_1681 = arith.cmpi slt, %parallel_loop3A_1677, %parallel_loop3A_1680 : i32
      %parallel_loop3A_1682 = arith.constant 0 : i32
      %parallel_loop3A_1683 = arith.cmpi slt, %parallel_loop3A_1676, %parallel_loop3A_1682 : i32
      %parallel_loop3A_1684 = arith.xori %parallel_loop3A_1681, %parallel_loop3A_1683 : i1
      %parallel_loop3A_1685 = arith.andi %parallel_loop3A_1684, %parallel_loop3A_1679 : i1
      %parallel_loop3A_1686 = arith.addi %parallel_loop3A_1677, %parallel_loop3A_1676 : i32
      %parallel_loop3A_1687 = arith.select %parallel_loop3A_1685, %parallel_loop3A_1686, %parallel_loop3A_1677 : i32
      %parallel_loop3A_1688 = arith.constant 16 : i32
      %parallel_loop3A_1689 = arith.muli %parallel_loop3A_1687, %parallel_loop3A_1688 : i32
      %parallel_loop3A_1690 = tpu.assume_multiple %parallel_loop3A_1689, 16 : i32
      %parallel_loop3A_1691 = arith.constant 2 : i32
      %parallel_loop3A_1692 = arith.index_cast %parallel_loop3A_1691 : i32 to index
      %parallel_loop3A_1693 = arith.index_cast %parallel_loop3A_1671 : i32 to index
      %parallel_loop3A_1694 = arith.index_cast %parallel_loop3A_1690 : i32 to index
      %parallel_loop3A_1695 = tpu.vector_load %arg6[%parallel_loop3A_1692, %parallel_loop3A_1693, %parallel_loop3A_1694] {strides = array<i32>} : memref<3x8x1024xf32, #tpu.memory_space<vmem>>, vector<1x1x16xf32>,
      %parallel_loop3A_1696 = vector.shape_cast %parallel_loop3A_1695 : vector<1x1x16xf32> to vector<16xf32>
      %parallel_loop3A_1697 = arith.constant 3.200000e+01 : f32
      %parallel_loop3A_1698 = vector.broadcast %parallel_loop3A_1697 : f32 to vector<16xf32>
      %parallel_loop3A_1699 = arith.mulf %parallel_loop3A_1696, %parallel_loop3A_1698 : vector<16xf32>
      %parallel_loop3A_1700 = arith.constant 2 : i32
      %parallel_loop3A_1701 = arith.constant 0 : i32
      %parallel_loop3A_1702 = arith.index_cast %parallel_loop3A_1700 : i32 to index
      %parallel_loop3A_1703 = arith.index_cast %parallel_loop3A_1701 : i32 to index
      %parallel_loop3A_1704 = arith.index_cast %parallel_loop3A_1671 : i32 to index
      %parallel_loop3A_1705 = arith.index_cast %parallel_loop3A_1690 : i32 to index
      %parallel_loop3A_1706 = tpu.vector_load %arg5[%parallel_loop3A_1702, %parallel_loop3A_1703, %parallel_loop3A_1704, %parallel_loop3A_1705] {strides = array<i32>} : memref<3x4x8x1024xf32, #tpu.memory_space<vmem>>, vector<1x1x1x16xf32>,
      %parallel_loop3A_1707 = vector.shape_cast %parallel_loop3A_1706 : vector<1x1x1x16xf32> to vector<16xf32>
      %parallel_loop3A_1708 = vector.shape_cast %parallel_loop3A_1699 : vector<16xf32> to vector<1x1x1x16xf32>
      tpu.vector_store %arg5[%parallel_loop3A_1702, %parallel_loop3A_1703, %parallel_loop3A_1704, %parallel_loop3A_1705], %parallel_loop3A_1708 {add = true, strides = array<i32>} : memref<3x4x8x1024xf32, #tpu.memory_space<vmem>>, vector<1x1x1x16xf32>,
      %parallel_loop3A_1709 = arith.constant 2 : i32
      %parallel_loop3A_1710 = arith.constant 1 : i32
      %parallel_loop3A_1711 = arith.index_cast %parallel_loop3A_1709 : i32 to index
      %parallel_loop3A_1712 = arith.index_cast %parallel_loop3A_1710 : i32 to index
      %parallel_loop3A_1713 = arith.index_cast %parallel_loop3A_1671 : i32 to index
      %parallel_loop3A_1714 = arith.index_cast %parallel_loop3A_1690 : i32 to index
      %parallel_loop3A_1715 = tpu.vector_load %arg5[%parallel_loop3A_1711, %parallel_loop3A_1712, %parallel_loop3A_1713, %parallel_loop3A_1714] {strides = array<i32>} : memref<3x4x8x1024xf32, #tpu.memory_space<vmem>>, vector<1x1x1x16xf32>,
      %parallel_loop3A_1716 = vector.shape_cast %parallel_loop3A_1715 : vector<1x1x1x16xf32> to vector<16xf32>
      %parallel_loop3A_1717 = vector.shape_cast %parallel_loop3A_1699 : vector<16xf32> to vector<1x1x1x16xf32>
      tpu.vector_store %arg5[%parallel_loop3A_1711, %parallel_loop3A_1712, %parallel_loop3A_1713, %parallel_loop3A_1714], %parallel_loop3A_1717 {add = true, strides = array<i32>} : memref<3x4x8x1024xf32, #tpu.memory_space<vmem>>, vector<1x1x1x16xf32>,
      %parallel_loop3A_1718 = arith.constant 2 : i32
      %parallel_loop3A_1719 = arith.constant 2 : i32
      %parallel_loop3A_1720 = arith.index_cast %parallel_loop3A_1718 : i32 to index
      %parallel_loop3A_1721 = arith.index_cast %parallel_loop3A_1719 : i32 to index
      %parallel_loop3A_1722 = arith.index_cast %parallel_loop3A_1671 : i32 to index
      %parallel_loop3A_1723 = arith.index_cast %parallel_loop3A_1690 : i32 to index
      %parallel_loop3A_1724 = tpu.vector_load %arg5[%parallel_loop3A_1720, %parallel_loop3A_1721, %parallel_loop3A_1722, %parallel_loop3A_1723] {strides = array<i32>} : memref<3x4x8x1024xf32, #tpu.memory_space<vmem>>, vector<1x1x1x16xf32>,
      %parallel_loop3A_1725 = vector.shape_cast %parallel_loop3A_1724 : vector<1x1x1x16xf32> to vector<16xf32>
      %parallel_loop3A_1726 = vector.shape_cast %parallel_loop3A_1699 : vector<16xf32> to vector<1x1x1x16xf32>
      tpu.vector_store %arg5[%parallel_loop3A_1720, %parallel_loop3A_1721, %parallel_loop3A_1722, %parallel_loop3A_1723], %parallel_loop3A_1726 {add = true, strides = array<i32>} : memref<3x4x8x1024xf32, #tpu.memory_space<vmem>>, vector<1x1x1x16xf32>,
      %parallel_loop3A_1727 = arith.constant 2 : i32
      %parallel_loop3A_1728 = arith.constant 3 : i32
      %parallel_loop3A_1729 = arith.index_cast %parallel_loop3A_1727 : i32 to index
      %parallel_loop3A_1730 = arith.index_cast %parallel_loop3A_1728 : i32 to index
      %parallel_loop3A_1731 = arith.index_cast %parallel_loop3A_1671 : i32 to index
      %parallel_loop3A_1732 = arith.index_cast %parallel_loop3A_1690 : i32 to index
      %parallel_loop3A_1733 = tpu.vector_load %arg5[%parallel_loop3A_1729, %parallel_loop3A_1730, %parallel_loop3A_1731, %parallel_loop3A_1732] {strides = array<i32>} : memref<3x4x8x1024xf32, #tpu.memory_space<vmem>>, vector<1x1x1x16xf32>,
      %parallel_loop3A_1734 = vector.shape_cast %parallel_loop3A_1733 : vector<1x1x1x16xf32> to vector<16xf32>
      %parallel_loop3A_1735 = vector.shape_cast %parallel_loop3A_1699 : vector<16xf32> to vector<1x1x1x16xf32>
      tpu.vector_store %arg5[%parallel_loop3A_1729, %parallel_loop3A_1730, %parallel_loop3A_1731, %parallel_loop3A_1732], %parallel_loop3A_1735 {add = true, strides = array<i32>} : memref<3x4x8x1024xf32, #tpu.memory_space<vmem>>, vector<1x1x1x16xf32>,
    } {sc.loop_unroll_factor = 8 : i64, sc.parallel_access}
    %add3A_337 = arith.constant 16 : i32
    %add3A_338 = arith.addi %mul3A_2, %add3A_337 : i32
    %multiple_of3A_339 = tpu.assume_multiple %add3A_338, 8 : i32
    %dma_start3A_340 = arith.constant 2 : i32
    %dma_start3A_341 = arith.constant 0 : i32
    %dma_start3A_342 = arith.constant 0 : i32
    %dma_start3A_343 = arith.constant 0 : i32
    %dma_start3A_344 = tpu.memref_slice %arg5[%dma_start3A_340, %dma_start3A_341, %dma_start3A_342, %dma_start3A_343] : memref<3x4x8x1024xf32, #tpu.memory_space<vmem>> -> memref<1x4x8x1024xf32, #tpu.memory_space<vmem>>
    %dma_start3A_345 = tpu.memref_squeeze %dma_start3A_344 : memref<1x4x8x1024xf32, #tpu.memory_space<vmem>> -> memref<4x8x1024xf32, #tpu.memory_space<vmem>>
    %dma_start3A_346 = arith.constant 0 : i32
    %dma_start3A_347 = arith.constant 0 : i32
    %dma_start3A_348 = tpu.memref_slice %arg4[%dma_start3A_346, %multiple_of3A_339, %dma_start3A_347] : memref<4x4096x1024xf32, #tpu.memory_space<hbm>> -> memref<4x8x1024xf32, #tpu.memory_space<hbm>>
    %dma_start3A_349 = arith.constant 0 : i32
    %dma_start3A_350 = arith.constant 0 : i32
    %dma_start3A_351 = tpu.memref_slice %arg4[%dma_start3A_349, %multiple_of3A_339, %dma_start3A_350] : memref<4x4096x1024xf32, #tpu.memory_space<hbm>> -> memref<4x8x1024xf32, #tpu.memory_space<hbm>>
    %dma_start3A_352 = arith.constant 0 : i32
    %dma_start3A_353 = arith.constant 0 : i32
    %dma_start3A_354 = arith.constant 0 : i32
    %dma_start3A_355 = tpu.memref_slice %arg5[%dma_start3A_340, %dma_start3A_352, %dma_start3A_353, %dma_start3A_354] : memref<3x4x8x1024xf32, #tpu.memory_space<vmem>> -> memref<1x4x8x1024xf32, #tpu.memory_space<vmem>>
    %dma_start3A_356 = tpu.memref_squeeze %dma_start3A_355 : memref<1x4x8x1024xf32, #tpu.memory_space<vmem>> -> memref<4x8x1024xf32, #tpu.memory_space<vmem>>
    tpu.enqueue_dma source(%dma_start3A_356 : memref<4x8x1024xf32, #tpu.memory_space<vmem>>) target(%dma_start3A_351 : memref<4x8x1024xf32, #tpu.memory_space<hbm>>) target_semaphore(%arg12 : memref<!tpu.dma_semaphore, #tpu.memory_space<semaphore_mem>>)
    %dma_wait3A_357 = arith.constant 2 : i32
    %dma_wait3A_358 = arith.constant 0 : i32
    %dma_wait3A_359 = arith.constant 0 : i32
    %dma_wait3A_360 = arith.constant 0 : i32
    %dma_wait3A_361 = tpu.memref_slice %arg5[%dma_wait3A_357, %dma_wait3A_358, %dma_wait3A_359, %dma_wait3A_360] : memref<3x4x8x1024xf32, #tpu.memory_space<vmem>> -> memref<1x4x8x1024xf32, #tpu.memory_space<vmem>>
    %dma_wait3A_362 = tpu.memref_squeeze %dma_wait3A_361 : memref<1x4x8x1024xf32, #tpu.memory_space<vmem>> -> memref<4x8x1024xf32, #tpu.memory_space<vmem>>
    %dma_wait3A_363 = arith.constant 0 : i32
    %dma_wait3A_364 = arith.constant 0 : i32
    %dma_wait3A_365 = tpu.memref_slice %arg4[%dma_wait3A_363, %multiple_of3A_339, %dma_wait3A_364] : memref<4x4096x1024xf32, #tpu.memory_space<hbm>> -> memref<4x8x1024xf32, #tpu.memory_space<hbm>>
    %dma_wait3A_366 = arith.constant 0 : i32
    %dma_wait3A_367 = arith.constant 0 : i32
    %dma_wait3A_368 = tpu.memref_slice %arg4[%dma_wait3A_366, %multiple_of3A_339, %dma_wait3A_367] : memref<4x4096x1024xf32, #tpu.memory_space<hbm>> -> memref<4x8x1024xf32, #tpu.memory_space<hbm>>
    %dma_wait3A_369 = arith.constant 0 : i32
    %dma_wait3A_370 = arith.constant 0 : i32
    %dma_wait3A_371 = arith.constant 0 : i32
    %dma_wait3A_372 = tpu.memref_slice %arg5[%dma_wait3A_357, %dma_wait3A_369, %dma_wait3A_370, %dma_wait3A_371] : memref<3x4x8x1024xf32, #tpu.memory_space<vmem>> -> memref<1x4x8x1024xf32, #tpu.memory_space<vmem>>
    %dma_wait3A_373 = tpu.memref_squeeze %dma_wait3A_372 : memref<1x4x8x1024xf32, #tpu.memory_space<vmem>> -> memref<4x8x1024xf32, #tpu.memory_space<vmem>>
    tpu.wait_dma2 semaphore(%arg12 : memref<!tpu.dma_semaphore, #tpu.memory_space<semaphore_mem>>) src(%dma_wait3A_373 : memref<4x8x1024xf32, #tpu.memory_space<vmem>>) dst(%dma_wait3A_368 : memref<4x8x1024xf32, #tpu.memory_space<hbm>>)
    %add3A_374 = arith.constant 40 : i32
    %add3A_375 = arith.addi %mul3A_2, %add3A_374 : i32
    %multiple_of3A_376 = tpu.assume_multiple %add3A_375, 8 : i32
    %dma_start3A_377 = arith.constant 2 : i32
    %dma_start3A_378 = arith.constant 0 : i32
    %dma_start3A_379 = arith.constant 0 : i32
    %dma_start3A_380 = tpu.memref_slice %arg6[%dma_start3A_377, %dma_start3A_378, %dma_start3A_379] : memref<3x8x1024xf32, #tpu.memory_space<vmem>> -> memref<1x8x1024xf32, #tpu.memory_space<vmem>>
    %dma_start3A_381 = tpu.memref_squeeze %dma_start3A_380 : memref<1x8x1024xf32, #tpu.memory_space<vmem>> -> memref<8x1024xf32, #tpu.memory_space<vmem>>
    %dma_start3A_382 = arith.constant 0 : i32
    %dma_start3A_383 = tpu.memref_slice %arg3[%multiple_of3A_376, %dma_start3A_382] : memref<8192x1024xf32, #tpu.memory_space<hbm>> -> memref<8x1024xf32, #tpu.memory_space<hbm>>
    %dma_start3A_384 = arith.constant 0 : i32
    %dma_start3A_385 = arith.constant 0 : i32
    %dma_start3A_386 = tpu.memref_slice %arg6[%dma_start3A_377, %dma_start3A_384, %dma_start3A_385] : memref<3x8x1024xf32, #tpu.memory_space<vmem>> -> memref<1x8x1024xf32, #tpu.memory_space<vmem>>
    %dma_start3A_387 = tpu.memref_squeeze %dma_start3A_386 : memref<1x8x1024xf32, #tpu.memory_space<vmem>> -> memref<8x1024xf32, #tpu.memory_space<vmem>>
    %dma_start3A_388 = arith.constant 0 : i32
    %dma_start3A_389 = tpu.memref_slice %arg3[%multiple_of3A_376, %dma_start3A_388] : memref<8192x1024xf32, #tpu.memory_space<hbm>> -> memref<8x1024xf32, #tpu.memory_space<hbm>>
    tpu.enqueue_dma source(%dma_start3A_389 : memref<8x1024xf32, #tpu.memory_space<hbm>>) target(%dma_start3A_387 : memref<8x1024xf32, #tpu.memory_space<vmem>>) target_semaphore(%arg9 : memref<!tpu.dma_semaphore, #tpu.memory_space<semaphore_mem>>)
    %dma_start3A_390 = arith.constant 2 : i32
    %dma_start3A_391 = arith.constant 0 : i32
    %dma_start3A_392 = arith.constant 0 : i32
    %dma_start3A_393 = arith.constant 0 : i32
    %dma_start3A_394 = tpu.memref_slice %arg5[%dma_start3A_390, %dma_start3A_391, %dma_start3A_392, %dma_start3A_393] : memref<3x4x8x1024xf32, #tpu.memory_space<vmem>> -> memref<1x4x8x1024xf32, #tpu.memory_space<vmem>>
    %dma_start3A_395 = tpu.memref_squeeze %dma_start3A_394 : memref<1x4x8x1024xf32, #tpu.memory_space<vmem>> -> memref<4x8x1024xf32, #tpu.memory_space<vmem>>
    %dma_start3A_396 = arith.constant 0 : i32
    %dma_start3A_397 = arith.constant 0 : i32
    %dma_start3A_398 = tpu.memref_slice %arg2[%dma_start3A_396, %multiple_of3A_376, %dma_start3A_397] : memref<4x4096x1024xf32, #tpu.memory_space<hbm>> -> memref<4x8x1024xf32, #tpu.memory_space<hbm>>
    %dma_start3A_399 = arith.constant 0 : i32
    %dma_start3A_400 = arith.constant 0 : i32
    %dma_start3A_401 = arith.constant 0 : i32
    %dma_start3A_402 = tpu.memref_slice %arg5[%dma_start3A_390, %dma_start3A_399, %dma_start3A_400, %dma_start3A_401] : memref<3x4x8x1024xf32, #tpu.memory_space<vmem>> -> memref<1x4x8x1024xf32, #tpu.memory_space<vmem>>
    %dma_start3A_403 = tpu.memref_squeeze %dma_start3A_402 : memref<1x4x8x1024xf32, #tpu.memory_space<vmem>> -> memref<4x8x1024xf32, #tpu.memory_space<vmem>>
    %dma_start3A_404 = arith.constant 0 : i32
    %dma_start3A_405 = arith.constant 0 : i32
    %dma_start3A_406 = tpu.memref_slice %arg2[%dma_start3A_404, %multiple_of3A_376, %dma_start3A_405] : memref<4x4096x1024xf32, #tpu.memory_space<hbm>> -> memref<4x8x1024xf32, #tpu.memory_space<hbm>>
    tpu.enqueue_dma source(%dma_start3A_406 : memref<4x8x1024xf32, #tpu.memory_space<hbm>>) target(%dma_start3A_403 : memref<4x8x1024xf32, #tpu.memory_space<vmem>>) target_semaphore(%arg9 : memref<!tpu.dma_semaphore, #tpu.memory_space<semaphore_mem>>)
    %dma_wait3A_407 = arith.constant 0 : i32
    %dma_wait3A_408 = arith.constant 0 : i32
    %dma_wait3A_409 = arith.constant 0 : i32
    %dma_wait3A_410 = tpu.memref_slice %arg6[%dma_wait3A_407, %dma_wait3A_408, %dma_wait3A_409] : memref<3x8x1024xf32, #tpu.memory_space<vmem>> -> memref<1x8x1024xf32, #tpu.memory_space<vmem>>
    %dma_wait3A_411 = tpu.memref_squeeze %dma_wait3A_410 : memref<1x8x1024xf32, #tpu.memory_space<vmem>> -> memref<8x1024xf32, #tpu.memory_space<vmem>>
    %dma_wait3A_412 = arith.constant 0 : i32
    %dma_wait3A_413 = tpu.memref_slice %arg3[%multiple_of3A_170, %dma_wait3A_412] : memref<8192x1024xf32, #tpu.memory_space<hbm>> -> memref<8x1024xf32, #tpu.memory_space<hbm>>
    %dma_wait3A_414 = arith.constant 0 : i32
    %dma_wait3A_415 = arith.constant 0 : i32
    %dma_wait3A_416 = tpu.memref_slice %arg6[%dma_wait3A_407, %dma_wait3A_414, %dma_wait3A_415] : memref<3x8x1024xf32, #tpu.memory_space<vmem>> -> memref<1x8x1024xf32, #tpu.memory_space<vmem>>
    %dma_wait3A_417 = tpu.memref_squeeze %dma_wait3A_416 : memref<1x8x1024xf32, #tpu.memory_space<vmem>> -> memref<8x1024xf32, #tpu.memory_space<vmem>>
    %dma_wait3A_418 = arith.constant 0 : i32
    %dma_wait3A_419 = tpu.memref_slice %arg3[%multiple_of3A_170, %dma_wait3A_418] : memref<8192x1024xf32, #tpu.memory_space<hbm>> -> memref<8x1024xf32, #tpu.memory_space<hbm>>
    tpu.wait_dma2 semaphore(%arg7 : memref<!tpu.dma_semaphore, #tpu.memory_space<semaphore_mem>>) src(%dma_wait3A_419 : memref<8x1024xf32, #tpu.memory_space<hbm>>) dst(%dma_wait3A_417 : memref<8x1024xf32, #tpu.memory_space<vmem>>)
    %dma_wait3A_420 = arith.constant 0 : i32
    %dma_wait3A_421 = arith.constant 0 : i32
    %dma_wait3A_422 = arith.constant 0 : i32
    %dma_wait3A_423 = arith.constant 0 : i32
    %dma_wait3A_424 = tpu.memref_slice %arg5[%dma_wait3A_420, %dma_wait3A_421, %dma_wait3A_422, %dma_wait3A_423] : memref<3x4x8x1024xf32, #tpu.memory_space<vmem>> -> memref<1x4x8x1024xf32, #tpu.memory_space<vmem>>
    %dma_wait3A_425 = tpu.memref_squeeze %dma_wait3A_424 : memref<1x4x8x1024xf32, #tpu.memory_space<vmem>> -> memref<4x8x1024xf32, #tpu.memory_space<vmem>>
    %dma_wait3A_426 = arith.constant 0 : i32
    %dma_wait3A_427 = arith.constant 0 : i32
    %dma_wait3A_428 = tpu.memref_slice %arg2[%dma_wait3A_426, %multiple_of3A_170, %dma_wait3A_427] : memref<4x4096x1024xf32, #tpu.memory_space<hbm>> -> memref<4x8x1024xf32, #tpu.memory_space<hbm>>
    %dma_wait3A_429 = arith.constant 0 : i32
    %dma_wait3A_430 = arith.constant 0 : i32
    %dma_wait3A_431 = arith.constant 0 : i32
    %dma_wait3A_432 = tpu.memref_slice %arg5[%dma_wait3A_420, %dma_wait3A_429, %dma_wait3A_430, %dma_wait3A_431] : memref<3x4x8x1024xf32, #tpu.memory_space<vmem>> -> memref<1x4x8x1024xf32, #tpu.memory_space<vmem>>
    %dma_wait3A_433 = tpu.memref_squeeze %dma_wait3A_432 : memref<1x4x8x1024xf32, #tpu.memory_space<vmem>> -> memref<4x8x1024xf32, #tpu.memory_space<vmem>>
    %dma_wait3A_434 = arith.constant 0 : i32
    %dma_wait3A_435 = arith.constant 0 : i32
    %dma_wait3A_436 = tpu.memref_slice %arg2[%dma_wait3A_434, %multiple_of3A_170, %dma_wait3A_435] : memref<4x4096x1024xf32, #tpu.memory_space<hbm>> -> memref<4x8x1024xf32, #tpu.memory_space<hbm>>
    tpu.wait_dma2 semaphore(%arg7 : memref<!tpu.dma_semaphore, #tpu.memory_space<semaphore_mem>>) src(%dma_wait3A_436 : memref<4x8x1024xf32, #tpu.memory_space<hbm>>) dst(%dma_wait3A_433 : memref<4x8x1024xf32, #tpu.memory_space<vmem>>)
    %parallel_loop3A_437 = arith.constant 0 : i32
    %parallel_loop3A_438 = arith.constant 512 : i32
    %parallel_loop3A_439 = arith.constant 1 : i32
    scf.for %parallel_loop3A_1647 = %parallel_loop3A_437 to %parallel_loop3A_438 step %parallel_loop3A_439  : i32 {
      %parallel_loop3A_1648 = arith.constant 64 : i32
      %parallel_loop3A_1649 = arith.divsi %parallel_loop3A_1647, %parallel_loop3A_1648 : i32
      %parallel_loop3A_1650 = arith.constant 0 : i32
      %parallel_loop3A_1651 = arith.cmpi sgt, %parallel_loop3A_1647, %parallel_loop3A_1650 : i32
      %parallel_loop3A_1652 = arith.extui %parallel_loop3A_1651 : i1 to i32
      %parallel_loop3A_1653 = arith.constant 0 : i32
      %parallel_loop3A_1654 = arith.cmpi slt, %parallel_loop3A_1647, %parallel_loop3A_1653 : i32
      %parallel_loop3A_1655 = arith.extui %parallel_loop3A_1654 : i1 to i32
      %parallel_loop3A_1656 = arith.subi %parallel_loop3A_1652, %parallel_loop3A_1655 : i32
      %parallel_loop3A_1657 = arith.constant 0 : i32
      %parallel_loop3A_1658 = arith.cmpi sgt, %parallel_loop3A_1648, %parallel_loop3A_1657 : i32
      %parallel_loop3A_1659 = arith.extui %parallel_loop3A_1658 : i1 to i32
      %parallel_loop3A_1660 = arith.constant 0 : i32
      %parallel_loop3A_1661 = arith.cmpi slt, %parallel_loop3A_1648, %parallel_loop3A_1660 : i32
      %parallel_loop3A_1662 = arith.extui %parallel_loop3A_1661 : i1 to i32
      %parallel_loop3A_1663 = arith.subi %parallel_loop3A_1659, %parallel_loop3A_1662 : i32
      %parallel_loop3A_1664 = arith.cmpi ne, %parallel_loop3A_1656, %parallel_loop3A_1663 : i32
      %parallel_loop3A_1665 = arith.remsi %parallel_loop3A_1647, %parallel_loop3A_1648 : i32
      %parallel_loop3A_1666 = arith.constant 0 : i32
      %parallel_loop3A_1667 = arith.cmpi ne, %parallel_loop3A_1665, %parallel_loop3A_1666 : i32
      %parallel_loop3A_1668 = arith.andi %parallel_loop3A_1664, %parallel_loop3A_1667 : i1
      %parallel_loop3A_1669 = arith.constant 1 : i32
      %parallel_loop3A_1670 = arith.subi %parallel_loop3A_1649, %parallel_loop3A_1669 : i32
      %parallel_loop3A_1671 = arith.select %parallel_loop3A_1668, %parallel_loop3A_1670, %parallel_loop3A_1649 : i32
      %parallel_loop3A_1672 = arith.constant 64 : i32
      %parallel_loop3A_1673 = arith.constant 0 : i32
      %parallel_loop3A_1674 = arith.cmpi eq, %parallel_loop3A_1672, %parallel_loop3A_1673 : i32
      %parallel_loop3A_1675 = arith.constant 1 : i32
      %parallel_loop3A_1676 = arith.select %parallel_loop3A_1674, %parallel_loop3A_1675, %parallel_loop3A_1672 : i32
      %parallel_loop3A_1677 = arith.remsi %parallel_loop3A_1647, %parallel_loop3A_1676 : i32
      %parallel_loop3A_1678 = arith.constant 0 : i32
      %parallel_loop3A_1679 = arith.cmpi ne, %parallel_loop3A_1677, %parallel_loop3A_1678 : i32
      %parallel_loop3A_1680 = arith.constant 0 : i32
      %parallel_loop3A_1681 = arith.cmpi slt, %parallel_loop3A_1677, %parallel_loop3A_1680 : i32
      %parallel_loop3A_1682 = arith.constant 0 : i32
      %parallel_loop3A_1683 = arith.cmpi slt, %parallel_loop3A_1676, %parallel_loop3A_1682 : i32
      %parallel_loop3A_1684 = arith.xori %parallel_loop3A_1681, %parallel_loop3A_1683 : i1
      %parallel_loop3A_1685 = arith.andi %parallel_loop3A_1684, %parallel_loop3A_1679 : i1
      %parallel_loop3A_1686 = arith.addi %parallel_loop3A_1677, %parallel_loop3A_1676 : i32
      %parallel_loop3A_1687 = arith.select %parallel_loop3A_1685, %parallel_loop3A_1686, %parallel_loop3A_1677 : i32
      %parallel_loop3A_1688 = arith.constant 16 : i32
      %parallel_loop3A_1689 = arith.muli %parallel_loop3A_1687, %parallel_loop3A_1688 : i32
      %parallel_loop3A_1690 = tpu.assume_multiple %parallel_loop3A_1689, 16 : i32
      %parallel_loop3A_1691 = arith.constant 0 : i32
      %parallel_loop3A_1692 = arith.index_cast %parallel_loop3A_1691 : i32 to index
      %parallel_loop3A_1693 = arith.index_cast %parallel_loop3A_1671 : i32 to index
      %parallel_loop3A_1694 = arith.index_cast %parallel_loop3A_1690 : i32 to index
      %parallel_loop3A_1695 = tpu.vector_load %arg6[%parallel_loop3A_1692, %parallel_loop3A_1693, %parallel_loop3A_1694] {strides = array<i32>} : memref<3x8x1024xf32, #tpu.memory_space<vmem>>, vector<1x1x16xf32>,
      %parallel_loop3A_1696 = vector.shape_cast %parallel_loop3A_1695 : vector<1x1x16xf32> to vector<16xf32>
      %parallel_loop3A_1697 = arith.constant 3.200000e+01 : f32
      %parallel_loop3A_1698 = vector.broadcast %parallel_loop3A_1697 : f32 to vector<16xf32>
      %parallel_loop3A_1699 = arith.mulf %parallel_loop3A_1696, %parallel_loop3A_1698 : vector<16xf32>
      %parallel_loop3A_1700 = arith.constant 0 : i32
      %parallel_loop3A_1701 = arith.constant 0 : i32
      %parallel_loop3A_1702 = arith.index_cast %parallel_loop3A_1700 : i32 to index
      %parallel_loop3A_1703 = arith.index_cast %parallel_loop3A_1701 : i32 to index
      %parallel_loop3A_1704 = arith.index_cast %parallel_loop3A_1671 : i32 to index
      %parallel_loop3A_1705 = arith.index_cast %parallel_loop3A_1690 : i32 to index
      %parallel_loop3A_1706 = tpu.vector_load %arg5[%parallel_loop3A_1702, %parallel_loop3A_1703, %parallel_loop3A_1704, %parallel_loop3A_1705] {strides = array<i32>} : memref<3x4x8x1024xf32, #tpu.memory_space<vmem>>, vector<1x1x1x16xf32>,
      %parallel_loop3A_1707 = vector.shape_cast %parallel_loop3A_1706 : vector<1x1x1x16xf32> to vector<16xf32>
      %parallel_loop3A_1708 = vector.shape_cast %parallel_loop3A_1699 : vector<16xf32> to vector<1x1x1x16xf32>
      tpu.vector_store %arg5[%parallel_loop3A_1702, %parallel_loop3A_1703, %parallel_loop3A_1704, %parallel_loop3A_1705], %parallel_loop3A_1708 {add = true, strides = array<i32>} : memref<3x4x8x1024xf32, #tpu.memory_space<vmem>>, vector<1x1x1x16xf32>,
      %parallel_loop3A_1709 = arith.constant 0 : i32
      %parallel_loop3A_1710 = arith.constant 1 : i32
      %parallel_loop3A_1711 = arith.index_cast %parallel_loop3A_1709 : i32 to index
      %parallel_loop3A_1712 = arith.index_cast %parallel_loop3A_1710 : i32 to index
      %parallel_loop3A_1713 = arith.index_cast %parallel_loop3A_1671 : i32 to index
      %parallel_loop3A_1714 = arith.index_cast %parallel_loop3A_1690 : i32 to index
      %parallel_loop3A_1715 = tpu.vector_load %arg5[%parallel_loop3A_1711, %parallel_loop3A_1712, %parallel_loop3A_1713, %parallel_loop3A_1714] {strides = array<i32>} : memref<3x4x8x1024xf32, #tpu.memory_space<vmem>>, vector<1x1x1x16xf32>,
      %parallel_loop3A_1716 = vector.shape_cast %parallel_loop3A_1715 : vector<1x1x1x16xf32> to vector<16xf32>
      %parallel_loop3A_1717 = vector.shape_cast %parallel_loop3A_1699 : vector<16xf32> to vector<1x1x1x16xf32>
      tpu.vector_store %arg5[%parallel_loop3A_1711, %parallel_loop3A_1712, %parallel_loop3A_1713, %parallel_loop3A_1714], %parallel_loop3A_1717 {add = true, strides = array<i32>} : memref<3x4x8x1024xf32, #tpu.memory_space<vmem>>, vector<1x1x1x16xf32>,
      %parallel_loop3A_1718 = arith.constant 0 : i32
      %parallel_loop3A_1719 = arith.constant 2 : i32
      %parallel_loop3A_1720 = arith.index_cast %parallel_loop3A_1718 : i32 to index
      %parallel_loop3A_1721 = arith.index_cast %parallel_loop3A_1719 : i32 to index
      %parallel_loop3A_1722 = arith.index_cast %parallel_loop3A_1671 : i32 to index
      %parallel_loop3A_1723 = arith.index_cast %parallel_loop3A_1690 : i32 to index
      %parallel_loop3A_1724 = tpu.vector_load %arg5[%parallel_loop3A_1720, %parallel_loop3A_1721, %parallel_loop3A_1722, %parallel_loop3A_1723] {strides = array<i32>} : memref<3x4x8x1024xf32, #tpu.memory_space<vmem>>, vector<1x1x1x16xf32>,
      %parallel_loop3A_1725 = vector.shape_cast %parallel_loop3A_1724 : vector<1x1x1x16xf32> to vector<16xf32>
      %parallel_loop3A_1726 = vector.shape_cast %parallel_loop3A_1699 : vector<16xf32> to vector<1x1x1x16xf32>
      tpu.vector_store %arg5[%parallel_loop3A_1720, %parallel_loop3A_1721, %parallel_loop3A_1722, %parallel_loop3A_1723], %parallel_loop3A_1726 {add = true, strides = array<i32>} : memref<3x4x8x1024xf32, #tpu.memory_space<vmem>>, vector<1x1x1x16xf32>,
      %parallel_loop3A_1727 = arith.constant 0 : i32
      %parallel_loop3A_1728 = arith.constant 3 : i32
      %parallel_loop3A_1729 = arith.index_cast %parallel_loop3A_1727 : i32 to index
      %parallel_loop3A_1730 = arith.index_cast %parallel_loop3A_1728 : i32 to index
      %parallel_loop3A_1731 = arith.index_cast %parallel_loop3A_1671 : i32 to index
      %parallel_loop3A_1732 = arith.index_cast %parallel_loop3A_1690 : i32 to index
      %parallel_loop3A_1733 = tpu.vector_load %arg5[%parallel_loop3A_1729, %parallel_loop3A_1730, %parallel_loop3A_1731, %parallel_loop3A_1732] {strides = array<i32>} : memref<3x4x8x1024xf32, #tpu.memory_space<vmem>>, vector<1x1x1x16xf32>,
      %parallel_loop3A_1734 = vector.shape_cast %parallel_loop3A_1733 : vector<1x1x1x16xf32> to vector<16xf32>
      %parallel_loop3A_1735 = vector.shape_cast %parallel_loop3A_1699 : vector<16xf32> to vector<1x1x1x16xf32>
      tpu.vector_store %arg5[%parallel_loop3A_1729, %parallel_loop3A_1730, %parallel_loop3A_1731, %parallel_loop3A_1732], %parallel_loop3A_1735 {add = true, strides = array<i32>} : memref<3x4x8x1024xf32, #tpu.memory_space<vmem>>, vector<1x1x1x16xf32>,
    } {sc.loop_unroll_factor = 8 : i64, sc.parallel_access}
    %add3A_440 = arith.constant 24 : i32
    %add3A_441 = arith.addi %mul3A_2, %add3A_440 : i32
    %multiple_of3A_442 = tpu.assume_multiple %add3A_441, 8 : i32
    %dma_start3A_443 = arith.constant 0 : i32
    %dma_start3A_444 = arith.constant 0 : i32
    %dma_start3A_445 = arith.constant 0 : i32
    %dma_start3A_446 = arith.constant 0 : i32
    %dma_start3A_447 = tpu.memref_slice %arg5[%dma_start3A_443, %dma_start3A_444, %dma_start3A_445, %dma_start3A_446] : memref<3x4x8x1024xf32, #tpu.memory_space<vmem>> -> memref<1x4x8x1024xf32, #tpu.memory_space<vmem>>
    %dma_start3A_448 = tpu.memref_squeeze %dma_start3A_447 : memref<1x4x8x1024xf32, #tpu.memory_space<vmem>> -> memref<4x8x1024xf32, #tpu.memory_space<vmem>>
    %dma_start3A_449 = arith.constant 0 : i32
    %dma_start3A_450 = arith.constant 0 : i32
    %dma_start3A_451 = tpu.memref_slice %arg4[%dma_start3A_449, %multiple_of3A_442, %dma_start3A_450] : memref<4x4096x1024xf32, #tpu.memory_space<hbm>> -> memref<4x8x1024xf32, #tpu.memory_space<hbm>>
    %dma_start3A_452 = arith.constant 0 : i32
    %dma_start3A_453 = arith.constant 0 : i32
    %dma_start3A_454 = tpu.memref_slice %arg4[%dma_start3A_452, %multiple_of3A_442, %dma_start3A_453] : memref<4x4096x1024xf32, #tpu.memory_space<hbm>> -> memref<4x8x1024xf32, #tpu.memory_space<hbm>>
    %dma_start3A_455 = arith.constant 0 : i32
    %dma_start3A_456 = arith.constant 0 : i32
    %dma_start3A_457 = arith.constant 0 : i32
    %dma_start3A_458 = tpu.memref_slice %arg5[%dma_start3A_443, %dma_start3A_455, %dma_start3A_456, %dma_start3A_457] : memref<3x4x8x1024xf32, #tpu.memory_space<vmem>> -> memref<1x4x8x1024xf32, #tpu.memory_space<vmem>>
    %dma_start3A_459 = tpu.memref_squeeze %dma_start3A_458 : memref<1x4x8x1024xf32, #tpu.memory_space<vmem>> -> memref<4x8x1024xf32, #tpu.memory_space<vmem>>
    tpu.enqueue_dma source(%dma_start3A_459 : memref<4x8x1024xf32, #tpu.memory_space<vmem>>) target(%dma_start3A_454 : memref<4x8x1024xf32, #tpu.memory_space<hbm>>) target_semaphore(%arg10 : memref<!tpu.dma_semaphore, #tpu.memory_space<semaphore_mem>>)
    %dma_wait3A_460 = arith.constant 0 : i32
    %dma_wait3A_461 = arith.constant 0 : i32
    %dma_wait3A_462 = arith.constant 0 : i32
    %dma_wait3A_463 = arith.constant 0 : i32
    %dma_wait3A_464 = tpu.memref_slice %arg5[%dma_wait3A_460, %dma_wait3A_461, %dma_wait3A_462, %dma_wait3A_463] : memref<3x4x8x1024xf32, #tpu.memory_space<vmem>> -> memref<1x4x8x1024xf32, #tpu.memory_space<vmem>>
    %dma_wait3A_465 = tpu.memref_squeeze %dma_wait3A_464 : memref<1x4x8x1024xf32, #tpu.memory_space<vmem>> -> memref<4x8x1024xf32, #tpu.memory_space<vmem>>
    %dma_wait3A_466 = arith.constant 0 : i32
    %dma_wait3A_467 = arith.constant 0 : i32
    %dma_wait3A_468 = tpu.memref_slice %arg4[%dma_wait3A_466, %multiple_of3A_442, %dma_wait3A_467] : memref<4x4096x1024xf32, #tpu.memory_space<hbm>> -> memref<4x8x1024xf32, #tpu.memory_space<hbm>>
    %dma_wait3A_469 = arith.constant 0 : i32
    %dma_wait3A_470 = arith.constant 0 : i32
    %dma_wait3A_471 = tpu.memref_slice %arg4[%dma_wait3A_469, %multiple_of3A_442, %dma_wait3A_470] : memref<4x4096x1024xf32, #tpu.memory_space<hbm>> -> memref<4x8x1024xf32, #tpu.memory_space<hbm>>
    %dma_wait3A_472 = arith.constant 0 : i32
    %dma_wait3A_473 = arith.constant 0 : i32
    %dma_wait3A_474 = arith.constant 0 : i32
    %dma_wait3A_475 = tpu.memref_slice %arg5[%dma_wait3A_460, %dma_wait3A_472, %dma_wait3A_473, %dma_wait3A_474] : memref<3x4x8x1024xf32, #tpu.memory_space<vmem>> -> memref<1x4x8x1024xf32, #tpu.memory_space<vmem>>
    %dma_wait3A_476 = tpu.memref_squeeze %dma_wait3A_475 : memref<1x4x8x1024xf32, #tpu.memory_space<vmem>> -> memref<4x8x1024xf32, #tpu.memory_space<vmem>>
    tpu.wait_dma2 semaphore(%arg10 : memref<!tpu.dma_semaphore, #tpu.memory_space<semaphore_mem>>) src(%dma_wait3A_476 : memref<4x8x1024xf32, #tpu.memory_space<vmem>>) dst(%dma_wait3A_471 : memref<4x8x1024xf32, #tpu.memory_space<hbm>>)
    %add3A_477 = arith.constant 48 : i32
    %add3A_478 = arith.addi %mul3A_2, %add3A_477 : i32
    %multiple_of3A_479 = tpu.assume_multiple %add3A_478, 8 : i32
    %dma_start3A_480 = arith.constant 0 : i32
    %dma_start3A_481 = arith.constant 0 : i32
    %dma_start3A_482 = arith.constant 0 : i32
    %dma_start3A_483 = tpu.memref_slice %arg6[%dma_start3A_480, %dma_start3A_481, %dma_start3A_482] : memref<3x8x1024xf32, #tpu.memory_space<vmem>> -> memref<1x8x1024xf32, #tpu.memory_space<vmem>>
    %dma_start3A_484 = tpu.memref_squeeze %dma_start3A_483 : memref<1x8x1024xf32, #tpu.memory_space<vmem>> -> memref<8x1024xf32, #tpu.memory_space<vmem>>
    %dma_start3A_485 = arith.constant 0 : i32
    %dma_start3A_486 = tpu.memref_slice %arg3[%multiple_of3A_479, %dma_start3A_485] : memref<8192x1024xf32, #tpu.memory_space<hbm>> -> memref<8x1024xf32, #tpu.memory_space<hbm>>
    %dma_start3A_487 = arith.constant 0 : i32
    %dma_start3A_488 = arith.constant 0 : i32
    %dma_start3A_489 = tpu.memref_slice %arg6[%dma_start3A_480, %dma_start3A_487, %dma_start3A_488] : memref<3x8x1024xf32, #tpu.memory_space<vmem>> -> memref<1x8x1024xf32, #tpu.memory_space<vmem>>
    %dma_start3A_490 = tpu.memref_squeeze %dma_start3A_489 : memref<1x8x1024xf32, #tpu.memory_space<vmem>> -> memref<8x1024xf32, #tpu.memory_space<vmem>>
    %dma_start3A_491 = arith.constant 0 : i32
    %dma_start3A_492 = tpu.memref_slice %arg3[%multiple_of3A_479, %dma_start3A_491] : memref<8192x1024xf32, #tpu.memory_space<hbm>> -> memref<8x1024xf32, #tpu.memory_space<hbm>>
    tpu.enqueue_dma source(%dma_start3A_492 : memref<8x1024xf32, #tpu.memory_space<hbm>>) target(%dma_start3A_490 : memref<8x1024xf32, #tpu.memory_space<vmem>>) target_semaphore(%arg7 : memref<!tpu.dma_semaphore, #tpu.memory_space<semaphore_mem>>)
    %dma_start3A_493 = arith.constant 0 : i32
    %dma_start3A_494 = arith.constant 0 : i32
    %dma_start3A_495 = arith.constant 0 : i32
    %dma_start3A_496 = arith.constant 0 : i32
    %dma_start3A_497 = tpu.memref_slice %arg5[%dma_start3A_493, %dma_start3A_494, %dma_start3A_495, %dma_start3A_496] : memref<3x4x8x1024xf32, #tpu.memory_space<vmem>> -> memref<1x4x8x1024xf32, #tpu.memory_space<vmem>>
    %dma_start3A_498 = tpu.memref_squeeze %dma_start3A_497 : memref<1x4x8x1024xf32, #tpu.memory_space<vmem>> -> memref<4x8x1024xf32, #tpu.memory_space<vmem>>
    %dma_start3A_499 = arith.constant 0 : i32
    %dma_start3A_500 = arith.constant 0 : i32
    %dma_start3A_501 = tpu.memref_slice %arg2[%dma_start3A_499, %multiple_of3A_479, %dma_start3A_500] : memref<4x4096x1024xf32, #tpu.memory_space<hbm>> -> memref<4x8x1024xf32, #tpu.memory_space<hbm>>
    %dma_start3A_502 = arith.constant 0 : i32
    %dma_start3A_503 = arith.constant 0 : i32
    %dma_start3A_504 = arith.constant 0 : i32
    %dma_start3A_505 = tpu.memref_slice %arg5[%dma_start3A_493, %dma_start3A_502, %dma_start3A_503, %dma_start3A_504] : memref<3x4x8x1024xf32, #tpu.memory_space<vmem>> -> memref<1x4x8x1024xf32, #tpu.memory_space<vmem>>
    %dma_start3A_506 = tpu.memref_squeeze %dma_start3A_505 : memref<1x4x8x1024xf32, #tpu.memory_space<vmem>> -> memref<4x8x1024xf32, #tpu.memory_space<vmem>>
    %dma_start3A_507 = arith.constant 0 : i32
    %dma_start3A_508 = arith.constant 0 : i32
    %dma_start3A_509 = tpu.memref_slice %arg2[%dma_start3A_507, %multiple_of3A_479, %dma_start3A_508] : memref<4x4096x1024xf32, #tpu.memory_space<hbm>> -> memref<4x8x1024xf32, #tpu.memory_space<hbm>>
    tpu.enqueue_dma source(%dma_start3A_509 : memref<4x8x1024xf32, #tpu.memory_space<hbm>>) target(%dma_start3A_506 : memref<4x8x1024xf32, #tpu.memory_space<vmem>>) target_semaphore(%arg7 : memref<!tpu.dma_semaphore, #tpu.memory_space<semaphore_mem>>)
    %dma_wait3A_510 = arith.constant 1 : i32
    %dma_wait3A_511 = arith.constant 0 : i32
    %dma_wait3A_512 = arith.constant 0 : i32
    %dma_wait3A_513 = tpu.memref_slice %arg6[%dma_wait3A_510, %dma_wait3A_511, %dma_wait3A_512] : memref<3x8x1024xf32, #tpu.memory_space<vmem>> -> memref<1x8x1024xf32, #tpu.memory_space<vmem>>
    %dma_wait3A_514 = tpu.memref_squeeze %dma_wait3A_513 : memref<1x8x1024xf32, #tpu.memory_space<vmem>> -> memref<8x1024xf32, #tpu.memory_space<vmem>>
    %dma_wait3A_515 = arith.constant 0 : i32
    %dma_wait3A_516 = tpu.memref_slice %arg3[%multiple_of3A_273, %dma_wait3A_515] : memref<8192x1024xf32, #tpu.memory_space<hbm>> -> memref<8x1024xf32, #tpu.memory_space<hbm>>
    %dma_wait3A_517 = arith.constant 0 : i32
    %dma_wait3A_518 = arith.constant 0 : i32
    %dma_wait3A_519 = tpu.memref_slice %arg6[%dma_wait3A_510, %dma_wait3A_517, %dma_wait3A_518] : memref<3x8x1024xf32, #tpu.memory_space<vmem>> -> memref<1x8x1024xf32, #tpu.memory_space<vmem>>
    %dma_wait3A_520 = tpu.memref_squeeze %dma_wait3A_519 : memref<1x8x1024xf32, #tpu.memory_space<vmem>> -> memref<8x1024xf32, #tpu.memory_space<vmem>>
    %dma_wait3A_521 = arith.constant 0 : i32
    %dma_wait3A_522 = tpu.memref_slice %arg3[%multiple_of3A_273, %dma_wait3A_521] : memref<8192x1024xf32, #tpu.memory_space<hbm>> -> memref<8x1024xf32, #tpu.memory_space<hbm>>
    tpu.wait_dma2 semaphore(%arg8 : memref<!tpu.dma_semaphore, #tpu.memory_space<semaphore_mem>>) src(%dma_wait3A_522 : memref<8x1024xf32, #tpu.memory_space<hbm>>) dst(%dma_wait3A_520 : memref<8x1024xf32, #tpu.memory_space<vmem>>)
    %dma_wait3A_523 = arith.constant 1 : i32
    %dma_wait3A_524 = arith.constant 0 : i32
    %dma_wait3A_525 = arith.constant 0 : i32
    %dma_wait3A_526 = arith.constant 0 : i32
    %dma_wait3A_527 = tpu.memref_slice %arg5[%dma_wait3A_523, %dma_wait3A_524, %dma_wait3A_525, %dma_wait3A_526] : memref<3x4x8x1024xf32, #tpu.memory_space<vmem>> -> memref<1x4x8x1024xf32, #tpu.memory_space<vmem>>
    %dma_wait3A_528 = tpu.memref_squeeze %dma_wait3A_527 : memref<1x4x8x1024xf32, #tpu.memory_space<vmem>> -> memref<4x8x1024xf32, #tpu.memory_space<vmem>>
    %dma_wait3A_529 = arith.constant 0 : i32
    %dma_wait3A_530 = arith.constant 0 : i32
    %dma_wait3A_531 = tpu.memref_slice %arg2[%dma_wait3A_529, %multiple_of3A_273, %dma_wait3A_530] : memref<4x4096x1024xf32, #tpu.memory_space<hbm>> -> memref<4x8x1024xf32, #tpu.memory_space<hbm>>
    %dma_wait3A_532 = arith.constant 0 : i32
    %dma_wait3A_533 = arith.constant 0 : i32
    %dma_wait3A_534 = arith.constant 0 : i32
    %dma_wait3A_535 = tpu.memref_slice %arg5[%dma_wait3A_523, %dma_wait3A_532, %dma_wait3A_533, %dma_wait3A_534] : memref<3x4x8x1024xf32, #tpu.memory_space<vmem>> -> memref<1x4x8x1024xf32, #tpu.memory_space<vmem>>
    %dma_wait3A_536 = tpu.memref_squeeze %dma_wait3A_535 : memref<1x4x8x1024xf32, #tpu.memory_space<vmem>> -> memref<4x8x1024xf32, #tpu.memory_space<vmem>>
    %dma_wait3A_537 = arith.constant 0 : i32
    %dma_wait3A_538 = arith.constant 0 : i32
    %dma_wait3A_539 = tpu.memref_slice %arg2[%dma_wait3A_537, %multiple_of3A_273, %dma_wait3A_538] : memref<4x4096x1024xf32, #tpu.memory_space<hbm>> -> memref<4x8x1024xf32, #tpu.memory_space<hbm>>
    tpu.wait_dma2 semaphore(%arg8 : memref<!tpu.dma_semaphore, #tpu.memory_space<semaphore_mem>>) src(%dma_wait3A_539 : memref<4x8x1024xf32, #tpu.memory_space<hbm>>) dst(%dma_wait3A_536 : memref<4x8x1024xf32, #tpu.memory_space<vmem>>)
    %parallel_loop3A_540 = arith.constant 0 : i32
    %parallel_loop3A_541 = arith.constant 512 : i32
    %parallel_loop3A_542 = arith.constant 1 : i32
    scf.for %parallel_loop3A_1647 = %parallel_loop3A_540 to %parallel_loop3A_541 step %parallel_loop3A_542  : i32 {
      %parallel_loop3A_1648 = arith.constant 64 : i32
      %parallel_loop3A_1649 = arith.divsi %parallel_loop3A_1647, %parallel_loop3A_1648 : i32
      %parallel_loop3A_1650 = arith.constant 0 : i32
      %parallel_loop3A_1651 = arith.cmpi sgt, %parallel_loop3A_1647, %parallel_loop3A_1650 : i32
      %parallel_loop3A_1652 = arith.extui %parallel_loop3A_1651 : i1 to i32
      %parallel_loop3A_1653 = arith.constant 0 : i32
      %parallel_loop3A_1654 = arith.cmpi slt, %parallel_loop3A_1647, %parallel_loop3A_1653 : i32
      %parallel_loop3A_1655 = arith.extui %parallel_loop3A_1654 : i1 to i32
      %parallel_loop3A_1656 = arith.subi %parallel_loop3A_1652, %parallel_loop3A_1655 : i32
      %parallel_loop3A_1657 = arith.constant 0 : i32
      %parallel_loop3A_1658 = arith.cmpi sgt, %parallel_loop3A_1648, %parallel_loop3A_1657 : i32
      %parallel_loop3A_1659 = arith.extui %parallel_loop3A_1658 : i1 to i32
      %parallel_loop3A_1660 = arith.constant 0 : i32
      %parallel_loop3A_1661 = arith.cmpi slt, %parallel_loop3A_1648, %parallel_loop3A_1660 : i32
      %parallel_loop3A_1662 = arith.extui %parallel_loop3A_1661 : i1 to i32
      %parallel_loop3A_1663 = arith.subi %parallel_loop3A_1659, %parallel_loop3A_1662 : i32
      %parallel_loop3A_1664 = arith.cmpi ne, %parallel_loop3A_1656, %parallel_loop3A_1663 : i32
      %parallel_loop3A_1665 = arith.remsi %parallel_loop3A_1647, %parallel_loop3A_1648 : i32
      %parallel_loop3A_1666 = arith.constant 0 : i32
      %parallel_loop3A_1667 = arith.cmpi ne, %parallel_loop3A_1665, %parallel_loop3A_1666 : i32
      %parallel_loop3A_1668 = arith.andi %parallel_loop3A_1664, %parallel_loop3A_1667 : i1
      %parallel_loop3A_1669 = arith.constant 1 : i32
      %parallel_loop3A_1670 = arith.subi %parallel_loop3A_1649, %parallel_loop3A_1669 : i32
      %parallel_loop3A_1671 = arith.select %parallel_loop3A_1668, %parallel_loop3A_1670, %parallel_loop3A_1649 : i32
      %parallel_loop3A_1672 = arith.constant 64 : i32
      %parallel_loop3A_1673 = arith.constant 0 : i32
      %parallel_loop3A_1674 = arith.cmpi eq, %parallel_loop3A_1672, %parallel_loop3A_1673 : i32
      %parallel_loop3A_1675 = arith.constant 1 : i32
      %parallel_loop3A_1676 = arith.select %parallel_loop3A_1674, %parallel_loop3A_1675, %parallel_loop3A_1672 : i32
      %parallel_loop3A_1677 = arith.remsi %parallel_loop3A_1647, %parallel_loop3A_1676 : i32
      %parallel_loop3A_1678 = arith.constant 0 : i32
      %parallel_loop3A_1679 = arith.cmpi ne, %parallel_loop3A_1677, %parallel_loop3A_1678 : i32
      %parallel_loop3A_1680 = arith.constant 0 : i32
      %parallel_loop3A_1681 = arith.cmpi slt, %parallel_loop3A_1677, %parallel_loop3A_1680 : i32
      %parallel_loop3A_1682 = arith.constant 0 : i32
      %parallel_loop3A_1683 = arith.cmpi slt, %parallel_loop3A_1676, %parallel_loop3A_1682 : i32
      %parallel_loop3A_1684 = arith.xori %parallel_loop3A_1681, %parallel_loop3A_1683 : i1
      %parallel_loop3A_1685 = arith.andi %parallel_loop3A_1684, %parallel_loop3A_1679 : i1
      %parallel_loop3A_1686 = arith.addi %parallel_loop3A_1677, %parallel_loop3A_1676 : i32
      %parallel_loop3A_1687 = arith.select %parallel_loop3A_1685, %parallel_loop3A_1686, %parallel_loop3A_1677 : i32
      %parallel_loop3A_1688 = arith.constant 16 : i32
      %parallel_loop3A_1689 = arith.muli %parallel_loop3A_1687, %parallel_loop3A_1688 : i32
      %parallel_loop3A_1690 = tpu.assume_multiple %parallel_loop3A_1689, 16 : i32
      %parallel_loop3A_1691 = arith.constant 1 : i32
      %parallel_loop3A_1692 = arith.index_cast %parallel_loop3A_1691 : i32 to index
      %parallel_loop3A_1693 = arith.index_cast %parallel_loop3A_1671 : i32 to index
      %parallel_loop3A_1694 = arith.index_cast %parallel_loop3A_1690 : i32 to index
      %parallel_loop3A_1695 = tpu.vector_load %arg6[%parallel_loop3A_1692, %parallel_loop3A_1693, %parallel_loop3A_1694] {strides = array<i32>} : memref<3x8x1024xf32, #tpu.memory_space<vmem>>, vector<1x1x16xf32>,
      %parallel_loop3A_1696 = vector.shape_cast %parallel_loop3A_1695 : vector<1x1x16xf32> to vector<16xf32>
      %parallel_loop3A_1697 = arith.constant 3.200000e+01 : f32
      %parallel_loop3A_1698 = vector.broadcast %parallel_loop3A_1697 : f32 to vector<16xf32>
      %parallel_loop3A_1699 = arith.mulf %parallel_loop3A_1696, %parallel_loop3A_1698 : vector<16xf32>
      %parallel_loop3A_1700 = arith.constant 1 : i32
      %parallel_loop3A_1701 = arith.constant 0 : i32
      %parallel_loop3A_1702 = arith.index_cast %parallel_loop3A_1700 : i32 to index
      %parallel_loop3A_1703 = arith.index_cast %parallel_loop3A_1701 : i32 to index
      %parallel_loop3A_1704 = arith.index_cast %parallel_loop3A_1671 : i32 to index
      %parallel_loop3A_1705 = arith.index_cast %parallel_loop3A_1690 : i32 to index
      %parallel_loop3A_1706 = tpu.vector_load %arg5[%parallel_loop3A_1702, %parallel_loop3A_1703, %parallel_loop3A_1704, %parallel_loop3A_1705] {strides = array<i32>} : memref<3x4x8x1024xf32, #tpu.memory_space<vmem>>, vector<1x1x1x16xf32>,
      %parallel_loop3A_1707 = vector.shape_cast %parallel_loop3A_1706 : vector<1x1x1x16xf32> to vector<16xf32>
      %parallel_loop3A_1708 = vector.shape_cast %parallel_loop3A_1699 : vector<16xf32> to vector<1x1x1x16xf32>
      tpu.vector_store %arg5[%parallel_loop3A_1702, %parallel_loop3A_1703, %parallel_loop3A_1704, %parallel_loop3A_1705], %parallel_loop3A_1708 {add = true, strides = array<i32>} : memref<3x4x8x1024xf32, #tpu.memory_space<vmem>>, vector<1x1x1x16xf32>,
      %parallel_loop3A_1709 = arith.constant 1 : i32
      %parallel_loop3A_1710 = arith.constant 1 : i32
      %parallel_loop3A_1711 = arith.index_cast %parallel_loop3A_1709 : i32 to index
      %parallel_loop3A_1712 = arith.index_cast %parallel_loop3A_1710 : i32 to index
      %parallel_loop3A_1713 = arith.index_cast %parallel_loop3A_1671 : i32 to index
      %parallel_loop3A_1714 = arith.index_cast %parallel_loop3A_1690 : i32 to index
      %parallel_loop3A_1715 = tpu.vector_load %arg5[%parallel_loop3A_1711, %parallel_loop3A_1712, %parallel_loop3A_1713, %parallel_loop3A_1714] {strides = array<i32>} : memref<3x4x8x1024xf32, #tpu.memory_space<vmem>>, vector<1x1x1x16xf32>,
      %parallel_loop3A_1716 = vector.shape_cast %parallel_loop3A_1715 : vector<1x1x1x16xf32> to vector<16xf32>
      %parallel_loop3A_1717 = vector.shape_cast %parallel_loop3A_1699 : vector<16xf32> to vector<1x1x1x16xf32>
      tpu.vector_store %arg5[%parallel_loop3A_1711, %parallel_loop3A_1712, %parallel_loop3A_1713, %parallel_loop3A_1714], %parallel_loop3A_1717 {add = true, strides = array<i32>} : memref<3x4x8x1024xf32, #tpu.memory_space<vmem>>, vector<1x1x1x16xf32>,
      %parallel_loop3A_1718 = arith.constant 1 : i32
      %parallel_loop3A_1719 = arith.constant 2 : i32
      %parallel_loop3A_1720 = arith.index_cast %parallel_loop3A_1718 : i32 to index
      %parallel_loop3A_1721 = arith.index_cast %parallel_loop3A_1719 : i32 to index
      %parallel_loop3A_1722 = arith.index_cast %parallel_loop3A_1671 : i32 to index
      %parallel_loop3A_1723 = arith.index_cast %parallel_loop3A_1690 : i32 to index
      %parallel_loop3A_1724 = tpu.vector_load %arg5[%parallel_loop3A_1720, %parallel_loop3A_1721, %parallel_loop3A_1722, %parallel_loop3A_1723] {strides = array<i32>} : memref<3x4x8x1024xf32, #tpu.memory_space<vmem>>, vector<1x1x1x16xf32>,
      %parallel_loop3A_1725 = vector.shape_cast %parallel_loop3A_1724 : vector<1x1x1x16xf32> to vector<16xf32>
      %parallel_loop3A_1726 = vector.shape_cast %parallel_loop3A_1699 : vector<16xf32> to vector<1x1x1x16xf32>
      tpu.vector_store %arg5[%parallel_loop3A_1720, %parallel_loop3A_1721, %parallel_loop3A_1722, %parallel_loop3A_1723], %parallel_loop3A_1726 {add = true, strides = array<i32>} : memref<3x4x8x1024xf32, #tpu.memory_space<vmem>>, vector<1x1x1x16xf32>,
      %parallel_loop3A_1727 = arith.constant 1 : i32
      %parallel_loop3A_1728 = arith.constant 3 : i32
      %parallel_loop3A_1729 = arith.index_cast %parallel_loop3A_1727 : i32 to index
      %parallel_loop3A_1730 = arith.index_cast %parallel_loop3A_1728 : i32 to index
      %parallel_loop3A_1731 = arith.index_cast %parallel_loop3A_1671 : i32 to index
      %parallel_loop3A_1732 = arith.index_cast %parallel_loop3A_1690 : i32 to index
      %parallel_loop3A_1733 = tpu.vector_load %arg5[%parallel_loop3A_1729, %parallel_loop3A_1730, %parallel_loop3A_1731, %parallel_loop3A_1732] {strides = array<i32>} : memref<3x4x8x1024xf32, #tpu.memory_space<vmem>>, vector<1x1x1x16xf32>,
      %parallel_loop3A_1734 = vector.shape_cast %parallel_loop3A_1733 : vector<1x1x1x16xf32> to vector<16xf32>
      %parallel_loop3A_1735 = vector.shape_cast %parallel_loop3A_1699 : vector<16xf32> to vector<1x1x1x16xf32>
      tpu.vector_store %arg5[%parallel_loop3A_1729, %parallel_loop3A_1730, %parallel_loop3A_1731, %parallel_loop3A_1732], %parallel_loop3A_1735 {add = true, strides = array<i32>} : memref<3x4x8x1024xf32, #tpu.memory_space<vmem>>, vector<1x1x1x16xf32>,
    } {sc.loop_unroll_factor = 8 : i64, sc.parallel_access}
    %add3A_543 = arith.constant 32 : i32
    %add3A_544 = arith.addi %mul3A_2, %add3A_543 : i32
    %multiple_of3A_545 = tpu.assume_multiple %add3A_544, 8 : i32
    %dma_start3A_546 = arith.constant 1 : i32
    %dma_start3A_547 = arith.constant 0 : i32
    %dma_start3A_548 = arith.constant 0 : i32
    %dma_start3A_549 = arith.constant 0 : i32
    %dma_start3A_550 = tpu.memref_slice %arg5[%dma_start3A_546, %dma_start3A_547, %dma_start3A_548, %dma_start3A_549] : memref<3x4x8x1024xf32, #tpu.memory_space<vmem>> -> memref<1x4x8x1024xf32, #tpu.memory_space<vmem>>
    %dma_start3A_551 = tpu.memref_squeeze %dma_start3A_550 : memref<1x4x8x1024xf32, #tpu.memory_space<vmem>> -> memref<4x8x1024xf32, #tpu.memory_space<vmem>>
    %dma_start3A_552 = arith.constant 0 : i32
    %dma_start3A_553 = arith.constant 0 : i32
    %dma_start3A_554 = tpu.memref_slice %arg4[%dma_start3A_552, %multiple_of3A_545, %dma_start3A_553] : memref<4x4096x1024xf32, #tpu.memory_space<hbm>> -> memref<4x8x1024xf32, #tpu.memory_space<hbm>>
    %dma_start3A_555 = arith.constant 0 : i32
    %dma_start3A_556 = arith.constant 0 : i32
    %dma_start3A_557 = tpu.memref_slice %arg4[%dma_start3A_555, %multiple_of3A_545, %dma_start3A_556] : memref<4x4096x1024xf32, #tpu.memory_space<hbm>> -> memref<4x8x1024xf32, #tpu.memory_space<hbm>>
    %dma_start3A_558 = arith.constant 0 : i32
    %dma_start3A_559 = arith.constant 0 : i32
    %dma_start3A_560 = arith.constant 0 : i32
    %dma_start3A_561 = tpu.memref_slice %arg5[%dma_start3A_546, %dma_start3A_558, %dma_start3A_559, %dma_start3A_560] : memref<3x4x8x1024xf32, #tpu.memory_space<vmem>> -> memref<1x4x8x1024xf32, #tpu.memory_space<vmem>>
    %dma_start3A_562 = tpu.memref_squeeze %dma_start3A_561 : memref<1x4x8x1024xf32, #tpu.memory_space<vmem>> -> memref<4x8x1024xf32, #tpu.memory_space<vmem>>
    tpu.enqueue_dma source(%dma_start3A_562 : memref<4x8x1024xf32, #tpu.memory_space<vmem>>) target(%dma_start3A_557 : memref<4x8x1024xf32, #tpu.memory_space<hbm>>) target_semaphore(%arg11 : memref<!tpu.dma_semaphore, #tpu.memory_space<semaphore_mem>>)
    %dma_wait3A_563 = arith.constant 1 : i32
    %dma_wait3A_564 = arith.constant 0 : i32
    %dma_wait3A_565 = arith.constant 0 : i32
    %dma_wait3A_566 = arith.constant 0 : i32
    %dma_wait3A_567 = tpu.memref_slice %arg5[%dma_wait3A_563, %dma_wait3A_564, %dma_wait3A_565, %dma_wait3A_566] : memref<3x4x8x1024xf32, #tpu.memory_space<vmem>> -> memref<1x4x8x1024xf32, #tpu.memory_space<vmem>>
    %dma_wait3A_568 = tpu.memref_squeeze %dma_wait3A_567 : memref<1x4x8x1024xf32, #tpu.memory_space<vmem>> -> memref<4x8x1024xf32, #tpu.memory_space<vmem>>
    %dma_wait3A_569 = arith.constant 0 : i32
    %dma_wait3A_570 = arith.constant 0 : i32
    %dma_wait3A_571 = tpu.memref_slice %arg4[%dma_wait3A_569, %multiple_of3A_545, %dma_wait3A_570] : memref<4x4096x1024xf32, #tpu.memory_space<hbm>> -> memref<4x8x1024xf32, #tpu.memory_space<hbm>>
    %dma_wait3A_572 = arith.constant 0 : i32
    %dma_wait3A_573 = arith.constant 0 : i32
    %dma_wait3A_574 = tpu.memref_slice %arg4[%dma_wait3A_572, %multiple_of3A_545, %dma_wait3A_573] : memref<4x4096x1024xf32, #tpu.memory_space<hbm>> -> memref<4x8x1024xf32, #tpu.memory_space<hbm>>
    %dma_wait3A_575 = arith.constant 0 : i32
    %dma_wait3A_576 = arith.constant 0 : i32
    %dma_wait3A_577 = arith.constant 0 : i32
    %dma_wait3A_578 = tpu.memref_slice %arg5[%dma_wait3A_563, %dma_wait3A_575, %dma_wait3A_576, %dma_wait3A_577] : memref<3x4x8x1024xf32, #tpu.memory_space<vmem>> -> memref<1x4x8x1024xf32, #tpu.memory_space<vmem>>
    %dma_wait3A_579 = tpu.memref_squeeze %dma_wait3A_578 : memref<1x4x8x1024xf32, #tpu.memory_space<vmem>> -> memref<4x8x1024xf32, #tpu.memory_space<vmem>>
    tpu.wait_dma2 semaphore(%arg11 : memref<!tpu.dma_semaphore, #tpu.memory_space<semaphore_mem>>) src(%dma_wait3A_579 : memref<4x8x1024xf32, #tpu.memory_space<vmem>>) dst(%dma_wait3A_574 : memref<4x8x1024xf32, #tpu.memory_space<hbm>>)
    %add3A_580 = arith.constant 56 : i32
    %add3A_581 = arith.addi %mul3A_2, %add3A_580 : i32
    %multiple_of3A_582 = tpu.assume_multiple %add3A_581, 8 : i32
    %dma_start3A_583 = arith.constant 1 : i32
    %dma_start3A_584 = arith.constant 0 : i32
    %dma_start3A_585 = arith.constant 0 : i32
    %dma_start3A_586 = tpu.memref_slice %arg6[%dma_start3A_583, %dma_start3A_584, %dma_start3A_585] : memref<3x8x1024xf32, #tpu.memory_space<vmem>> -> memref<1x8x1024xf32, #tpu.memory_space<vmem>>
    %dma_start3A_587 = tpu.memref_squeeze %dma_start3A_586 : memref<1x8x1024xf32, #tpu.memory_space<vmem>> -> memref<8x1024xf32, #tpu.memory_space<vmem>>
    %dma_start3A_588 = arith.constant 0 : i32
    %dma_start3A_589 = tpu.memref_slice %arg3[%multiple_of3A_582, %dma_start3A_588] : memref<8192x1024xf32, #tpu.memory_space<hbm>> -> memref<8x1024xf32, #tpu.memory_space<hbm>>
    %dma_start3A_590 = arith.constant 0 : i32
    %dma_start3A_591 = arith.constant 0 : i32
    %dma_start3A_592 = tpu.memref_slice %arg6[%dma_start3A_583, %dma_start3A_590, %dma_start3A_591] : memref<3x8x1024xf32, #tpu.memory_space<vmem>> -> memref<1x8x1024xf32, #tpu.memory_space<vmem>>
    %dma_start3A_593 = tpu.memref_squeeze %dma_start3A_592 : memref<1x8x1024xf32, #tpu.memory_space<vmem>> -> memref<8x1024xf32, #tpu.memory_space<vmem>>
    %dma_start3A_594 = arith.constant 0 : i32
    %dma_start3A_595 = tpu.memref_slice %arg3[%multiple_of3A_582, %dma_start3A_594] : memref<8192x1024xf32, #tpu.memory_space<hbm>> -> memref<8x1024xf32, #tpu.memory_space<hbm>>
    tpu.enqueue_dma source(%dma_start3A_595 : memref<8x1024xf32, #tpu.memory_space<hbm>>) target(%dma_start3A_593 : memref<8x1024xf32, #tpu.memory_space<vmem>>) target_semaphore(%arg8 : memref<!tpu.dma_semaphore, #tpu.memory_space<semaphore_mem>>)
    %dma_start3A_596 = arith.constant 1 : i32
    %dma_start3A_597 = arith.constant 0 : i32
    %dma_start3A_598 = arith.constant 0 : i32
    %dma_start3A_599 = arith.constant 0 : i32
    %dma_start3A_600 = tpu.memref_slice %arg5[%dma_start3A_596, %dma_start3A_597, %dma_start3A_598, %dma_start3A_599] : memref<3x4x8x1024xf32, #tpu.memory_space<vmem>> -> memref<1x4x8x1024xf32, #tpu.memory_space<vmem>>
    %dma_start3A_601 = tpu.memref_squeeze %dma_start3A_600 : memref<1x4x8x1024xf32, #tpu.memory_space<vmem>> -> memref<4x8x1024xf32, #tpu.memory_space<vmem>>
    %dma_start3A_602 = arith.constant 0 : i32
    %dma_start3A_603 = arith.constant 0 : i32
    %dma_start3A_604 = tpu.memref_slice %arg2[%dma_start3A_602, %multiple_of3A_582, %dma_start3A_603] : memref<4x4096x1024xf32, #tpu.memory_space<hbm>> -> memref<4x8x1024xf32, #tpu.memory_space<hbm>>
    %dma_start3A_605 = arith.constant 0 : i32
    %dma_start3A_606 = arith.constant 0 : i32
    %dma_start3A_607 = arith.constant 0 : i32
    %dma_start3A_608 = tpu.memref_slice %arg5[%dma_start3A_596, %dma_start3A_605, %dma_start3A_606, %dma_start3A_607] : memref<3x4x8x1024xf32, #tpu.memory_space<vmem>> -> memref<1x4x8x1024xf32, #tpu.memory_space<vmem>>
    %dma_start3A_609 = tpu.memref_squeeze %dma_start3A_608 : memref<1x4x8x1024xf32, #tpu.memory_space<vmem>> -> memref<4x8x1024xf32, #tpu.memory_space<vmem>>
    %dma_start3A_610 = arith.constant 0 : i32
    %dma_start3A_611 = arith.constant 0 : i32
    %dma_start3A_612 = tpu.memref_slice %arg2[%dma_start3A_610, %multiple_of3A_582, %dma_start3A_611] : memref<4x4096x1024xf32, #tpu.memory_space<hbm>> -> memref<4x8x1024xf32, #tpu.memory_space<hbm>>
    tpu.enqueue_dma source(%dma_start3A_612 : memref<4x8x1024xf32, #tpu.memory_space<hbm>>) target(%dma_start3A_609 : memref<4x8x1024xf32, #tpu.memory_space<vmem>>) target_semaphore(%arg8 : memref<!tpu.dma_semaphore, #tpu.memory_space<semaphore_mem>>)
    %dma_wait3A_613 = arith.constant 2 : i32
    %dma_wait3A_614 = arith.constant 0 : i32
    %dma_wait3A_615 = arith.constant 0 : i32
    %dma_wait3A_616 = tpu.memref_slice %arg6[%dma_wait3A_613, %dma_wait3A_614, %dma_wait3A_615] : memref<3x8x1024xf32, #tpu.memory_space<vmem>> -> memref<1x8x1024xf32, #tpu.memory_space<vmem>>
    %dma_wait3A_617 = tpu.memref_squeeze %dma_wait3A_616 : memref<1x8x1024xf32, #tpu.memory_space<vmem>> -> memref<8x1024xf32, #tpu.memory_space<vmem>>
    %dma_wait3A_618 = arith.constant 0 : i32
    %dma_wait3A_619 = tpu.memref_slice %arg3[%multiple_of3A_376, %dma_wait3A_618] : memref<8192x1024xf32, #tpu.memory_space<hbm>> -> memref<8x1024xf32, #tpu.memory_space<hbm>>
    %dma_wait3A_620 = arith.constant 0 : i32
    %dma_wait3A_621 = arith.constant 0 : i32
    %dma_wait3A_622 = tpu.memref_slice %arg6[%dma_wait3A_613, %dma_wait3A_620, %dma_wait3A_621] : memref<3x8x1024xf32, #tpu.memory_space<vmem>> -> memref<1x8x1024xf32, #tpu.memory_space<vmem>>
    %dma_wait3A_623 = tpu.memref_squeeze %dma_wait3A_622 : memref<1x8x1024xf32, #tpu.memory_space<vmem>> -> memref<8x1024xf32, #tpu.memory_space<vmem>>
    %dma_wait3A_624 = arith.constant 0 : i32
    %dma_wait3A_625 = tpu.memref_slice %arg3[%multiple_of3A_376, %dma_wait3A_624] : memref<8192x1024xf32, #tpu.memory_space<hbm>> -> memref<8x1024xf32, #tpu.memory_space<hbm>>
    tpu.wait_dma2 semaphore(%arg9 : memref<!tpu.dma_semaphore, #tpu.memory_space<semaphore_mem>>) src(%dma_wait3A_625 : memref<8x1024xf32, #tpu.memory_space<hbm>>) dst(%dma_wait3A_623 : memref<8x1024xf32, #tpu.memory_space<vmem>>)
    %dma_wait3A_626 = arith.constant 2 : i32
    %dma_wait3A_627 = arith.constant 0 : i32
    %dma_wait3A_628 = arith.constant 0 : i32
    %dma_wait3A_629 = arith.constant 0 : i32
    %dma_wait3A_630 = tpu.memref_slice %arg5[%dma_wait3A_626, %dma_wait3A_627, %dma_wait3A_628, %dma_wait3A_629] : memref<3x4x8x1024xf32, #tpu.memory_space<vmem>> -> memref<1x4x8x1024xf32, #tpu.memory_space<vmem>>
    %dma_wait3A_631 = tpu.memref_squeeze %dma_wait3A_630 : memref<1x4x8x1024xf32, #tpu.memory_space<vmem>> -> memref<4x8x1024xf32, #tpu.memory_space<vmem>>
    %dma_wait3A_632 = arith.constant 0 : i32
    %dma_wait3A_633 = arith.constant 0 : i32
    %dma_wait3A_634 = tpu.memref_slice %arg2[%dma_wait3A_632, %multiple_of3A_376, %dma_wait3A_633] : memref<4x4096x1024xf32, #tpu.memory_space<hbm>> -> memref<4x8x1024xf32, #tpu.memory_space<hbm>>
    %dma_wait3A_635 = arith.constant 0 : i32
    %dma_wait3A_636 = arith.constant 0 : i32
    %dma_wait3A_637 = arith.constant 0 : i32
    %dma_wait3A_638 = tpu.memref_slice %arg5[%dma_wait3A_626, %dma_wait3A_635, %dma_wait3A_636, %dma_wait3A_637] : memref<3x4x8x1024xf32, #tpu.memory_space<vmem>> -> memref<1x4x8x1024xf32, #tpu.memory_space<vmem>>
    %dma_wait3A_639 = tpu.memref_squeeze %dma_wait3A_638 : memref<1x4x8x1024xf32, #tpu.memory_space<vmem>> -> memref<4x8x1024xf32, #tpu.memory_space<vmem>>
    %dma_wait3A_640 = arith.constant 0 : i32
    %dma_wait3A_641 = arith.constant 0 : i32
    %dma_wait3A_642 = tpu.memref_slice %arg2[%dma_wait3A_640, %multiple_of3A_376, %dma_wait3A_641] : memref<4x4096x1024xf32, #tpu.memory_space<hbm>> -> memref<4x8x1024xf32, #tpu.memory_space<hbm>>
    tpu.wait_dma2 semaphore(%arg9 : memref<!tpu.dma_semaphore, #tpu.memory_space<semaphore_mem>>) src(%dma_wait3A_642 : memref<4x8x1024xf32, #tpu.memory_space<hbm>>) dst(%dma_wait3A_639 : memref<4x8x1024xf32, #tpu.memory_space<vmem>>)
    %parallel_loop3A_643 = arith.constant 0 : i32
    %parallel_loop3A_644 = arith.constant 512 : i32
    %parallel_loop3A_645 = arith.constant 1 : i32
    scf.for %parallel_loop3A_1647 = %parallel_loop3A_643 to %parallel_loop3A_644 step %parallel_loop3A_645  : i32 {
      %parallel_loop3A_1648 = arith.constant 64 : i32
      %parallel_loop3A_1649 = arith.divsi %parallel_loop3A_1647, %parallel_loop3A_1648 : i32
      %parallel_loop3A_1650 = arith.constant 0 : i32
      %parallel_loop3A_1651 = arith.cmpi sgt, %parallel_loop3A_1647, %parallel_loop3A_1650 : i32
      %parallel_loop3A_1652 = arith.extui %parallel_loop3A_1651 : i1 to i32
      %parallel_loop3A_1653 = arith.constant 0 : i32
      %parallel_loop3A_1654 = arith.cmpi slt, %parallel_loop3A_1647, %parallel_loop3A_1653 : i32
      %parallel_loop3A_1655 = arith.extui %parallel_loop3A_1654 : i1 to i32
      %parallel_loop3A_1656 = arith.subi %parallel_loop3A_1652, %parallel_loop3A_1655 : i32
      %parallel_loop3A_1657 = arith.constant 0 : i32
      %parallel_loop3A_1658 = arith.cmpi sgt, %parallel_loop3A_1648, %parallel_loop3A_1657 : i32
      %parallel_loop3A_1659 = arith.extui %parallel_loop3A_1658 : i1 to i32
      %parallel_loop3A_1660 = arith.constant 0 : i32
      %parallel_loop3A_1661 = arith.cmpi slt, %parallel_loop3A_1648, %parallel_loop3A_1660 : i32
      %parallel_loop3A_1662 = arith.extui %parallel_loop3A_1661 : i1 to i32
      %parallel_loop3A_1663 = arith.subi %parallel_loop3A_1659, %parallel_loop3A_1662 : i32
      %parallel_loop3A_1664 = arith.cmpi ne, %parallel_loop3A_1656, %parallel_loop3A_1663 : i32
      %parallel_loop3A_1665 = arith.remsi %parallel_loop3A_1647, %parallel_loop3A_1648 : i32
      %parallel_loop3A_1666 = arith.constant 0 : i32
      %parallel_loop3A_1667 = arith.cmpi ne, %parallel_loop3A_1665, %parallel_loop3A_1666 : i32
      %parallel_loop3A_1668 = arith.andi %parallel_loop3A_1664, %parallel_loop3A_1667 : i1
      %parallel_loop3A_1669 = arith.constant 1 : i32
      %parallel_loop3A_1670 = arith.subi %parallel_loop3A_1649, %parallel_loop3A_1669 : i32
      %parallel_loop3A_1671 = arith.select %parallel_loop3A_1668, %parallel_loop3A_1670, %parallel_loop3A_1649 : i32
      %parallel_loop3A_1672 = arith.constant 64 : i32
      %parallel_loop3A_1673 = arith.constant 0 : i32
      %parallel_loop3A_1674 = arith.cmpi eq, %parallel_loop3A_1672, %parallel_loop3A_1673 : i32
      %parallel_loop3A_1675 = arith.constant 1 : i32
      %parallel_loop3A_1676 = arith.select %parallel_loop3A_1674, %parallel_loop3A_1675, %parallel_loop3A_1672 : i32
      %parallel_loop3A_1677 = arith.remsi %parallel_loop3A_1647, %parallel_loop3A_1676 : i32
      %parallel_loop3A_1678 = arith.constant 0 : i32
      %parallel_loop3A_1679 = arith.cmpi ne, %parallel_loop3A_1677, %parallel_loop3A_1678 : i32
      %parallel_loop3A_1680 = arith.constant 0 : i32
      %parallel_loop3A_1681 = arith.cmpi slt, %parallel_loop3A_1677, %parallel_loop3A_1680 : i32
      %parallel_loop3A_1682 = arith.constant 0 : i32
      %parallel_loop3A_1683 = arith.cmpi slt, %parallel_loop3A_1676, %parallel_loop3A_1682 : i32
      %parallel_loop3A_1684 = arith.xori %parallel_loop3A_1681, %parallel_loop3A_1683 : i1
      %parallel_loop3A_1685 = arith.andi %parallel_loop3A_1684, %parallel_loop3A_1679 : i1
      %parallel_loop3A_1686 = arith.addi %parallel_loop3A_1677, %parallel_loop3A_1676 : i32
      %parallel_loop3A_1687 = arith.select %parallel_loop3A_1685, %parallel_loop3A_1686, %parallel_loop3A_1677 : i32
      %parallel_loop3A_1688 = arith.constant 16 : i32
      %parallel_loop3A_1689 = arith.muli %parallel_loop3A_1687, %parallel_loop3A_1688 : i32
      %parallel_loop3A_1690 = tpu.assume_multiple %parallel_loop3A_1689, 16 : i32
      %parallel_loop3A_1691 = arith.constant 2 : i32
      %parallel_loop3A_1692 = arith.index_cast %parallel_loop3A_1691 : i32 to index
      %parallel_loop3A_1693 = arith.index_cast %parallel_loop3A_1671 : i32 to index
      %parallel_loop3A_1694 = arith.index_cast %parallel_loop3A_1690 : i32 to index
      %parallel_loop3A_1695 = tpu.vector_load %arg6[%parallel_loop3A_1692, %parallel_loop3A_1693, %parallel_loop3A_1694] {strides = array<i32>} : memref<3x8x1024xf32, #tpu.memory_space<vmem>>, vector<1x1x16xf32>,
      %parallel_loop3A_1696 = vector.shape_cast %parallel_loop3A_1695 : vector<1x1x16xf32> to vector<16xf32>
      %parallel_loop3A_1697 = arith.constant 3.200000e+01 : f32
      %parallel_loop3A_1698 = vector.broadcast %parallel_loop3A_1697 : f32 to vector<16xf32>
      %parallel_loop3A_1699 = arith.mulf %parallel_loop3A_1696, %parallel_loop3A_1698 : vector<16xf32>
      %parallel_loop3A_1700 = arith.constant 2 : i32
      %parallel_loop3A_1701 = arith.constant 0 : i32
      %parallel_loop3A_1702 = arith.index_cast %parallel_loop3A_1700 : i32 to index
      %parallel_loop3A_1703 = arith.index_cast %parallel_loop3A_1701 : i32 to index
      %parallel_loop3A_1704 = arith.index_cast %parallel_loop3A_1671 : i32 to index
      %parallel_loop3A_1705 = arith.index_cast %parallel_loop3A_1690 : i32 to index
      %parallel_loop3A_1706 = tpu.vector_load %arg5[%parallel_loop3A_1702, %parallel_loop3A_1703, %parallel_loop3A_1704, %parallel_loop3A_1705] {strides = array<i32>} : memref<3x4x8x1024xf32, #tpu.memory_space<vmem>>, vector<1x1x1x16xf32>,
      %parallel_loop3A_1707 = vector.shape_cast %parallel_loop3A_1706 : vector<1x1x1x16xf32> to vector<16xf32>
      %parallel_loop3A_1708 = vector.shape_cast %parallel_loop3A_1699 : vector<16xf32> to vector<1x1x1x16xf32>
      tpu.vector_store %arg5[%parallel_loop3A_1702, %parallel_loop3A_1703, %parallel_loop3A_1704, %parallel_loop3A_1705], %parallel_loop3A_1708 {add = true, strides = array<i32>} : memref<3x4x8x1024xf32, #tpu.memory_space<vmem>>, vector<1x1x1x16xf32>,
      %parallel_loop3A_1709 = arith.constant 2 : i32
      %parallel_loop3A_1710 = arith.constant 1 : i32
      %parallel_loop3A_1711 = arith.index_cast %parallel_loop3A_1709 : i32 to index
      %parallel_loop3A_1712 = arith.index_cast %parallel_loop3A_1710 : i32 to index
      %parallel_loop3A_1713 = arith.index_cast %parallel_loop3A_1671 : i32 to index
      %parallel_loop3A_1714 = arith.index_cast %parallel_loop3A_1690 : i32 to index
      %parallel_loop3A_1715 = tpu.vector_load %arg5[%parallel_loop3A_1711, %parallel_loop3A_1712, %parallel_loop3A_1713, %parallel_loop3A_1714] {strides = array<i32>} : memref<3x4x8x1024xf32, #tpu.memory_space<vmem>>, vector<1x1x1x16xf32>,
      %parallel_loop3A_1716 = vector.shape_cast %parallel_loop3A_1715 : vector<1x1x1x16xf32> to vector<16xf32>
      %parallel_loop3A_1717 = vector.shape_cast %parallel_loop3A_1699 : vector<16xf32> to vector<1x1x1x16xf32>
      tpu.vector_store %arg5[%parallel_loop3A_1711, %parallel_loop3A_1712, %parallel_loop3A_1713, %parallel_loop3A_1714], %parallel_loop3A_1717 {add = true, strides = array<i32>} : memref<3x4x8x1024xf32, #tpu.memory_space<vmem>>, vector<1x1x1x16xf32>,
      %parallel_loop3A_1718 = arith.constant 2 : i32
      %parallel_loop3A_1719 = arith.constant 2 : i32
      %parallel_loop3A_1720 = arith.index_cast %parallel_loop3A_1718 : i32 to index
      %parallel_loop3A_1721 = arith.index_cast %parallel_loop3A_1719 : i32 to index
      %parallel_loop3A_1722 = arith.index_cast %parallel_loop3A_1671 : i32 to index
      %parallel_loop3A_1723 = arith.index_cast %parallel_loop3A_1690 : i32 to index
      %parallel_loop3A_1724 = tpu.vector_load %arg5[%parallel_loop3A_1720, %parallel_loop3A_1721, %parallel_loop3A_1722, %parallel_loop3A_1723] {strides = array<i32>} : memref<3x4x8x1024xf32, #tpu.memory_space<vmem>>, vector<1x1x1x16xf32>,
      %parallel_loop3A_1725 = vector.shape_cast %parallel_loop3A_1724 : vector<1x1x1x16xf32> to vector<16xf32>
      %parallel_loop3A_1726 = vector.shape_cast %parallel_loop3A_1699 : vector<16xf32> to vector<1x1x1x16xf32>
      tpu.vector_store %arg5[%parallel_loop3A_1720, %parallel_loop3A_1721, %parallel_loop3A_1722, %parallel_loop3A_1723], %parallel_loop3A_1726 {add = true, strides = array<i32>} : memref<3x4x8x1024xf32, #tpu.memory_space<vmem>>, vector<1x1x1x16xf32>,
      %parallel_loop3A_1727 = arith.constant 2 : i32
      %parallel_loop3A_1728 = arith.constant 3 : i32
      %parallel_loop3A_1729 = arith.index_cast %parallel_loop3A_1727 : i32 to index
      %parallel_loop3A_1730 = arith.index_cast %parallel_loop3A_1728 : i32 to index
      %parallel_loop3A_1731 = arith.index_cast %parallel_loop3A_1671 : i32 to index
      %parallel_loop3A_1732 = arith.index_cast %parallel_loop3A_1690 : i32 to index
      %parallel_loop3A_1733 = tpu.vector_load %arg5[%parallel_loop3A_1729, %parallel_loop3A_1730, %parallel_loop3A_1731, %parallel_loop3A_1732] {strides = array<i32>} : memref<3x4x8x1024xf32, #tpu.memory_space<vmem>>, vector<1x1x1x16xf32>,
      %parallel_loop3A_1734 = vector.shape_cast %parallel_loop3A_1733 : vector<1x1x1x16xf32> to vector<16xf32>
      %parallel_loop3A_1735 = vector.shape_cast %parallel_loop3A_1699 : vector<16xf32> to vector<1x1x1x16xf32>
      tpu.vector_store %arg5[%parallel_loop3A_1729, %parallel_loop3A_1730, %parallel_loop3A_1731, %parallel_loop3A_1732], %parallel_loop3A_1735 {add = true, strides = array<i32>} : memref<3x4x8x1024xf32, #tpu.memory_space<vmem>>, vector<1x1x1x16xf32>,
    } {sc.loop_unroll_factor = 8 : i64, sc.parallel_access}
    %add3A_646 = arith.constant 40 : i32
    %add3A_647 = arith.addi %mul3A_2, %add3A_646 : i32
    %multiple_of3A_648 = tpu.assume_multiple %add3A_647, 8 : i32
    %dma_start3A_649 = arith.constant 2 : i32
    %dma_start3A_650 = arith.constant 0 : i32
    %dma_start3A_651 = arith.constant 0 : i32
    %dma_start3A_652 = arith.constant 0 : i32
    %dma_start3A_653 = tpu.memref_slice %arg5[%dma_start3A_649, %dma_start3A_650, %dma_start3A_651, %dma_start3A_652] : memref<3x4x8x1024xf32, #tpu.memory_space<vmem>> -> memref<1x4x8x1024xf32, #tpu.memory_space<vmem>>
    %dma_start3A_654 = tpu.memref_squeeze %dma_start3A_653 : memref<1x4x8x1024xf32, #tpu.memory_space<vmem>> -> memref<4x8x1024xf32, #tpu.memory_space<vmem>>
    %dma_start3A_655 = arith.constant 0 : i32
    %dma_start3A_656 = arith.constant 0 : i32
    %dma_start3A_657 = tpu.memref_slice %arg4[%dma_start3A_655, %multiple_of3A_648, %dma_start3A_656] : memref<4x4096x1024xf32, #tpu.memory_space<hbm>> -> memref<4x8x1024xf32, #tpu.memory_space<hbm>>
    %dma_start3A_658 = arith.constant 0 : i32
    %dma_start3A_659 = arith.constant 0 : i32
    %dma_start3A_660 = tpu.memref_slice %arg4[%dma_start3A_658, %multiple_of3A_648, %dma_start3A_659] : memref<4x4096x1024xf32, #tpu.memory_space<hbm>> -> memref<4x8x1024xf32, #tpu.memory_space<hbm>>
    %dma_start3A_661 = arith.constant 0 : i32
    %dma_start3A_662 = arith.constant 0 : i32
    %dma_start3A_663 = arith.constant 0 : i32
    %dma_start3A_664 = tpu.memref_slice %arg5[%dma_start3A_649, %dma_start3A_661, %dma_start3A_662, %dma_start3A_663] : memref<3x4x8x1024xf32, #tpu.memory_space<vmem>> -> memref<1x4x8x1024xf32, #tpu.memory_space<vmem>>
    %dma_start3A_665 = tpu.memref_squeeze %dma_start3A_664 : memref<1x4x8x1024xf32, #tpu.memory_space<vmem>> -> memref<4x8x1024xf32, #tpu.memory_space<vmem>>
    tpu.enqueue_dma source(%dma_start3A_665 : memref<4x8x1024xf32, #tpu.memory_space<vmem>>) target(%dma_start3A_660 : memref<4x8x1024xf32, #tpu.memory_space<hbm>>) target_semaphore(%arg12 : memref<!tpu.dma_semaphore, #tpu.memory_space<semaphore_mem>>)
    %dma_wait3A_666 = arith.constant 2 : i32
    %dma_wait3A_667 = arith.constant 0 : i32
    %dma_wait3A_668 = arith.constant 0 : i32
    %dma_wait3A_669 = arith.constant 0 : i32
    %dma_wait3A_670 = tpu.memref_slice %arg5[%dma_wait3A_666, %dma_wait3A_667, %dma_wait3A_668, %dma_wait3A_669] : memref<3x4x8x1024xf32, #tpu.memory_space<vmem>> -> memref<1x4x8x1024xf32, #tpu.memory_space<vmem>>
    %dma_wait3A_671 = tpu.memref_squeeze %dma_wait3A_670 : memref<1x4x8x1024xf32, #tpu.memory_space<vmem>> -> memref<4x8x1024xf32, #tpu.memory_space<vmem>>
    %dma_wait3A_672 = arith.constant 0 : i32
    %dma_wait3A_673 = arith.constant 0 : i32
    %dma_wait3A_674 = tpu.memref_slice %arg4[%dma_wait3A_672, %multiple_of3A_648, %dma_wait3A_673] : memref<4x4096x1024xf32, #tpu.memory_space<hbm>> -> memref<4x8x1024xf32, #tpu.memory_space<hbm>>
    %dma_wait3A_675 = arith.constant 0 : i32
    %dma_wait3A_676 = arith.constant 0 : i32
    %dma_wait3A_677 = tpu.memref_slice %arg4[%dma_wait3A_675, %multiple_of3A_648, %dma_wait3A_676] : memref<4x4096x1024xf32, #tpu.memory_space<hbm>> -> memref<4x8x1024xf32, #tpu.memory_space<hbm>>
    %dma_wait3A_678 = arith.constant 0 : i32
    %dma_wait3A_679 = arith.constant 0 : i32
    %dma_wait3A_680 = arith.constant 0 : i32
    %dma_wait3A_681 = tpu.memref_slice %arg5[%dma_wait3A_666, %dma_wait3A_678, %dma_wait3A_679, %dma_wait3A_680] : memref<3x4x8x1024xf32, #tpu.memory_space<vmem>> -> memref<1x4x8x1024xf32, #tpu.memory_space<vmem>>
    %dma_wait3A_682 = tpu.memref_squeeze %dma_wait3A_681 : memref<1x4x8x1024xf32, #tpu.memory_space<vmem>> -> memref<4x8x1024xf32, #tpu.memory_space<vmem>>
    tpu.wait_dma2 semaphore(%arg12 : memref<!tpu.dma_semaphore, #tpu.memory_space<semaphore_mem>>) src(%dma_wait3A_682 : memref<4x8x1024xf32, #tpu.memory_space<vmem>>) dst(%dma_wait3A_677 : memref<4x8x1024xf32, #tpu.memory_space<hbm>>)
    %add3A_683 = arith.constant 64 : i32
    %add3A_684 = arith.addi %mul3A_2, %add3A_683 : i32
    %multiple_of3A_685 = tpu.assume_multiple %add3A_684, 8 : i32
    %dma_start3A_686 = arith.constant 2 : i32
    %dma_start3A_687 = arith.constant 0 : i32
    %dma_start3A_688 = arith.constant 0 : i32
    %dma_start3A_689 = tpu.memref_slice %arg6[%dma_start3A_686, %dma_start3A_687, %dma_start3A_688] : memref<3x8x1024xf32, #tpu.memory_space<vmem>> -> memref<1x8x1024xf32, #tpu.memory_space<vmem>>
    %dma_start3A_690 = tpu.memref_squeeze %dma_start3A_689 : memref<1x8x1024xf32, #tpu.memory_space<vmem>> -> memref<8x1024xf32, #tpu.memory_space<vmem>>
    %dma_start3A_691 = arith.constant 0 : i32
    %dma_start3A_692 = tpu.memref_slice %arg3[%multiple_of3A_685, %dma_start3A_691] : memref<8192x1024xf32, #tpu.memory_space<hbm>> -> memref<8x1024xf32, #tpu.memory_space<hbm>>
    %dma_start3A_693 = arith.constant 0 : i32
    %dma_start3A_694 = arith.constant 0 : i32
    %dma_start3A_695 = tpu.memref_slice %arg6[%dma_start3A_686, %dma_start3A_693, %dma_start3A_694] : memref<3x8x1024xf32, #tpu.memory_space<vmem>> -> memref<1x8x1024xf32, #tpu.memory_space<vmem>>
    %dma_start3A_696 = tpu.memref_squeeze %dma_start3A_695 : memref<1x8x1024xf32, #tpu.memory_space<vmem>> -> memref<8x1024xf32, #tpu.memory_space<vmem>>
    %dma_start3A_697 = arith.constant 0 : i32
    %dma_start3A_698 = tpu.memref_slice %arg3[%multiple_of3A_685, %dma_start3A_697] : memref<8192x1024xf32, #tpu.memory_space<hbm>> -> memref<8x1024xf32, #tpu.memory_space<hbm>>
    tpu.enqueue_dma source(%dma_start3A_698 : memref<8x1024xf32, #tpu.memory_space<hbm>>) target(%dma_start3A_696 : memref<8x1024xf32, #tpu.memory_space<vmem>>) target_semaphore(%arg9 : memref<!tpu.dma_semaphore, #tpu.memory_space<semaphore_mem>>)
    %dma_start3A_699 = arith.constant 2 : i32
    %dma_start3A_700 = arith.constant 0 : i32
    %dma_start3A_701 = arith.constant 0 : i32
    %dma_start3A_702 = arith.constant 0 : i32
    %dma_start3A_703 = tpu.memref_slice %arg5[%dma_start3A_699, %dma_start3A_700, %dma_start3A_701, %dma_start3A_702] : memref<3x4x8x1024xf32, #tpu.memory_space<vmem>> -> memref<1x4x8x1024xf32, #tpu.memory_space<vmem>>
    %dma_start3A_704 = tpu.memref_squeeze %dma_start3A_703 : memref<1x4x8x1024xf32, #tpu.memory_space<vmem>> -> memref<4x8x1024xf32, #tpu.memory_space<vmem>>
    %dma_start3A_705 = arith.constant 0 : i32
    %dma_start3A_706 = arith.constant 0 : i32
    %dma_start3A_707 = tpu.memref_slice %arg2[%dma_start3A_705, %multiple_of3A_685, %dma_start3A_706] : memref<4x4096x1024xf32, #tpu.memory_space<hbm>> -> memref<4x8x1024xf32, #tpu.memory_space<hbm>>
    %dma_start3A_708 = arith.constant 0 : i32
    %dma_start3A_709 = arith.constant 0 : i32
    %dma_start3A_710 = arith.constant 0 : i32
    %dma_start3A_711 = tpu.memref_slice %arg5[%dma_start3A_699, %dma_start3A_708, %dma_start3A_709, %dma_start3A_710] : memref<3x4x8x1024xf32, #tpu.memory_space<vmem>> -> memref<1x4x8x1024xf32, #tpu.memory_space<vmem>>
    %dma_start3A_712 = tpu.memref_squeeze %dma_start3A_711 : memref<1x4x8x1024xf32, #tpu.memory_space<vmem>> -> memref<4x8x1024xf32, #tpu.memory_space<vmem>>
    %dma_start3A_713 = arith.constant 0 : i32
    %dma_start3A_714 = arith.constant 0 : i32
    %dma_start3A_715 = tpu.memref_slice %arg2[%dma_start3A_713, %multiple_of3A_685, %dma_start3A_714] : memref<4x4096x1024xf32, #tpu.memory_space<hbm>> -> memref<4x8x1024xf32, #tpu.memory_space<hbm>>
    tpu.enqueue_dma source(%dma_start3A_715 : memref<4x8x1024xf32, #tpu.memory_space<hbm>>) target(%dma_start3A_712 : memref<4x8x1024xf32, #tpu.memory_space<vmem>>) target_semaphore(%arg9 : memref<!tpu.dma_semaphore, #tpu.memory_space<semaphore_mem>>)
    %dma_wait3A_716 = arith.constant 0 : i32
    %dma_wait3A_717 = arith.constant 0 : i32
    %dma_wait3A_718 = arith.constant 0 : i32
    %dma_wait3A_719 = tpu.memref_slice %arg6[%dma_wait3A_716, %dma_wait3A_717, %dma_wait3A_718] : memref<3x8x1024xf32, #tpu.memory_space<vmem>> -> memref<1x8x1024xf32, #tpu.memory_space<vmem>>
    %dma_wait3A_720 = tpu.memref_squeeze %dma_wait3A_719 : memref<1x8x1024xf32, #tpu.memory_space<vmem>> -> memref<8x1024xf32, #tpu.memory_space<vmem>>
    %dma_wait3A_721 = arith.constant 0 : i32
    %dma_wait3A_722 = tpu.memref_slice %arg3[%multiple_of3A_479, %dma_wait3A_721] : memref<8192x1024xf32, #tpu.memory_space<hbm>> -> memref<8x1024xf32, #tpu.memory_space<hbm>>
    %dma_wait3A_723 = arith.constant 0 : i32
    %dma_wait3A_724 = arith.constant 0 : i32
    %dma_wait3A_725 = tpu.memref_slice %arg6[%dma_wait3A_716, %dma_wait3A_723, %dma_wait3A_724] : memref<3x8x1024xf32, #tpu.memory_space<vmem>> -> memref<1x8x1024xf32, #tpu.memory_space<vmem>>
    %dma_wait3A_726 = tpu.memref_squeeze %dma_wait3A_725 : memref<1x8x1024xf32, #tpu.memory_space<vmem>> -> memref<8x1024xf32, #tpu.memory_space<vmem>>
    %dma_wait3A_727 = arith.constant 0 : i32
    %dma_wait3A_728 = tpu.memref_slice %arg3[%multiple_of3A_479, %dma_wait3A_727] : memref<8192x1024xf32, #tpu.memory_space<hbm>> -> memref<8x1024xf32, #tpu.memory_space<hbm>>
    tpu.wait_dma2 semaphore(%arg7 : memref<!tpu.dma_semaphore, #tpu.memory_space<semaphore_mem>>) src(%dma_wait3A_728 : memref<8x1024xf32, #tpu.memory_space<hbm>>) dst(%dma_wait3A_726 : memref<8x1024xf32, #tpu.memory_space<vmem>>)
    %dma_wait3A_729 = arith.constant 0 : i32
    %dma_wait3A_730 = arith.constant 0 : i32
    %dma_wait3A_731 = arith.constant 0 : i32
    %dma_wait3A_732 = arith.constant 0 : i32
    %dma_wait3A_733 = tpu.memref_slice %arg5[%dma_wait3A_729, %dma_wait3A_730, %dma_wait3A_731, %dma_wait3A_732] : memref<3x4x8x1024xf32, #tpu.memory_space<vmem>> -> memref<1x4x8x1024xf32, #tpu.memory_space<vmem>>
    %dma_wait3A_734 = tpu.memref_squeeze %dma_wait3A_733 : memref<1x4x8x1024xf32, #tpu.memory_space<vmem>> -> memref<4x8x1024xf32, #tpu.memory_space<vmem>>
    %dma_wait3A_735 = arith.constant 0 : i32
    %dma_wait3A_736 = arith.constant 0 : i32
    %dma_wait3A_737 = tpu.memref_slice %arg2[%dma_wait3A_735, %multiple_of3A_479, %dma_wait3A_736] : memref<4x4096x1024xf32, #tpu.memory_space<hbm>> -> memref<4x8x1024xf32, #tpu.memory_space<hbm>>
    %dma_wait3A_738 = arith.constant 0 : i32
    %dma_wait3A_739 = arith.constant 0 : i32
    %dma_wait3A_740 = arith.constant 0 : i32
    %dma_wait3A_741 = tpu.memref_slice %arg5[%dma_wait3A_729, %dma_wait3A_738, %dma_wait3A_739, %dma_wait3A_740] : memref<3x4x8x1024xf32, #tpu.memory_space<vmem>> -> memref<1x4x8x1024xf32, #tpu.memory_space<vmem>>
    %dma_wait3A_742 = tpu.memref_squeeze %dma_wait3A_741 : memref<1x4x8x1024xf32, #tpu.memory_space<vmem>> -> memref<4x8x1024xf32, #tpu.memory_space<vmem>>
    %dma_wait3A_743 = arith.constant 0 : i32
    %dma_wait3A_744 = arith.constant 0 : i32
    %dma_wait3A_745 = tpu.memref_slice %arg2[%dma_wait3A_743, %multiple_of3A_479, %dma_wait3A_744] : memref<4x4096x1024xf32, #tpu.memory_space<hbm>> -> memref<4x8x1024xf32, #tpu.memory_space<hbm>>
    tpu.wait_dma2 semaphore(%arg7 : memref<!tpu.dma_semaphore, #tpu.memory_space<semaphore_mem>>) src(%dma_wait3A_745 : memref<4x8x1024xf32, #tpu.memory_space<hbm>>) dst(%dma_wait3A_742 : memref<4x8x1024xf32, #tpu.memory_space<vmem>>)
    %parallel_loop3A_746 = arith.constant 0 : i32
    %parallel_loop3A_747 = arith.constant 512 : i32
    %parallel_loop3A_748 = arith.constant 1 : i32
    scf.for %parallel_loop3A_1647 = %parallel_loop3A_746 to %parallel_loop3A_747 step %parallel_loop3A_748  : i32 {
      %parallel_loop3A_1648 = arith.constant 64 : i32
      %parallel_loop3A_1649 = arith.divsi %parallel_loop3A_1647, %parallel_loop3A_1648 : i32
      %parallel_loop3A_1650 = arith.constant 0 : i32
      %parallel_loop3A_1651 = arith.cmpi sgt, %parallel_loop3A_1647, %parallel_loop3A_1650 : i32
      %parallel_loop3A_1652 = arith.extui %parallel_loop3A_1651 : i1 to i32
      %parallel_loop3A_1653 = arith.constant 0 : i32
      %parallel_loop3A_1654 = arith.cmpi slt, %parallel_loop3A_1647, %parallel_loop3A_1653 : i32
      %parallel_loop3A_1655 = arith.extui %parallel_loop3A_1654 : i1 to i32
      %parallel_loop3A_1656 = arith.subi %parallel_loop3A_1652, %parallel_loop3A_1655 : i32
      %parallel_loop3A_1657 = arith.constant 0 : i32
      %parallel_loop3A_1658 = arith.cmpi sgt, %parallel_loop3A_1648, %parallel_loop3A_1657 : i32
      %parallel_loop3A_1659 = arith.extui %parallel_loop3A_1658 : i1 to i32
      %parallel_loop3A_1660 = arith.constant 0 : i32
      %parallel_loop3A_1661 = arith.cmpi slt, %parallel_loop3A_1648, %parallel_loop3A_1660 : i32
      %parallel_loop3A_1662 = arith.extui %parallel_loop3A_1661 : i1 to i32
      %parallel_loop3A_1663 = arith.subi %parallel_loop3A_1659, %parallel_loop3A_1662 : i32
      %parallel_loop3A_1664 = arith.cmpi ne, %parallel_loop3A_1656, %parallel_loop3A_1663 : i32
      %parallel_loop3A_1665 = arith.remsi %parallel_loop3A_1647, %parallel_loop3A_1648 : i32
      %parallel_loop3A_1666 = arith.constant 0 : i32
      %parallel_loop3A_1667 = arith.cmpi ne, %parallel_loop3A_1665, %parallel_loop3A_1666 : i32
      %parallel_loop3A_1668 = arith.andi %parallel_loop3A_1664, %parallel_loop3A_1667 : i1
      %parallel_loop3A_1669 = arith.constant 1 : i32
      %parallel_loop3A_1670 = arith.subi %parallel_loop3A_1649, %parallel_loop3A_1669 : i32
      %parallel_loop3A_1671 = arith.select %parallel_loop3A_1668, %parallel_loop3A_1670, %parallel_loop3A_1649 : i32
      %parallel_loop3A_1672 = arith.constant 64 : i32
      %parallel_loop3A_1673 = arith.constant 0 : i32
      %parallel_loop3A_1674 = arith.cmpi eq, %parallel_loop3A_1672, %parallel_loop3A_1673 : i32
      %parallel_loop3A_1675 = arith.constant 1 : i32
      %parallel_loop3A_1676 = arith.select %parallel_loop3A_1674, %parallel_loop3A_1675, %parallel_loop3A_1672 : i32
      %parallel_loop3A_1677 = arith.remsi %parallel_loop3A_1647, %parallel_loop3A_1676 : i32
      %parallel_loop3A_1678 = arith.constant 0 : i32
      %parallel_loop3A_1679 = arith.cmpi ne, %parallel_loop3A_1677, %parallel_loop3A_1678 : i32
      %parallel_loop3A_1680 = arith.constant 0 : i32
      %parallel_loop3A_1681 = arith.cmpi slt, %parallel_loop3A_1677, %parallel_loop3A_1680 : i32
      %parallel_loop3A_1682 = arith.constant 0 : i32
      %parallel_loop3A_1683 = arith.cmpi slt, %parallel_loop3A_1676, %parallel_loop3A_1682 : i32
      %parallel_loop3A_1684 = arith.xori %parallel_loop3A_1681, %parallel_loop3A_1683 : i1
      %parallel_loop3A_1685 = arith.andi %parallel_loop3A_1684, %parallel_loop3A_1679 : i1
      %parallel_loop3A_1686 = arith.addi %parallel_loop3A_1677, %parallel_loop3A_1676 : i32
      %parallel_loop3A_1687 = arith.select %parallel_loop3A_1685, %parallel_loop3A_1686, %parallel_loop3A_1677 : i32
      %parallel_loop3A_1688 = arith.constant 16 : i32
      %parallel_loop3A_1689 = arith.muli %parallel_loop3A_1687, %parallel_loop3A_1688 : i32
      %parallel_loop3A_1690 = tpu.assume_multiple %parallel_loop3A_1689, 16 : i32
      %parallel_loop3A_1691 = arith.constant 0 : i32
      %parallel_loop3A_1692 = arith.index_cast %parallel_loop3A_1691 : i32 to index
      %parallel_loop3A_1693 = arith.index_cast %parallel_loop3A_1671 : i32 to index
      %parallel_loop3A_1694 = arith.index_cast %parallel_loop3A_1690 : i32 to index
      %parallel_loop3A_1695 = tpu.vector_load %arg6[%parallel_loop3A_1692, %parallel_loop3A_1693, %parallel_loop3A_1694] {strides = array<i32>} : memref<3x8x1024xf32, #tpu.memory_space<vmem>>, vector<1x1x16xf32>,
      %parallel_loop3A_1696 = vector.shape_cast %parallel_loop3A_1695 : vector<1x1x16xf32> to vector<16xf32>
      %parallel_loop3A_1697 = arith.constant 3.200000e+01 : f32
      %parallel_loop3A_1698 = vector.broadcast %parallel_loop3A_1697 : f32 to vector<16xf32>
      %parallel_loop3A_1699 = arith.mulf %parallel_loop3A_1696, %parallel_loop3A_1698 : vector<16xf32>
      %parallel_loop3A_1700 = arith.constant 0 : i32
      %parallel_loop3A_1701 = arith.constant 0 : i32
      %parallel_loop3A_1702 = arith.index_cast %parallel_loop3A_1700 : i32 to index
      %parallel_loop3A_1703 = arith.index_cast %parallel_loop3A_1701 : i32 to index
      %parallel_loop3A_1704 = arith.index_cast %parallel_loop3A_1671 : i32 to index
      %parallel_loop3A_1705 = arith.index_cast %parallel_loop3A_1690 : i32 to index
      %parallel_loop3A_1706 = tpu.vector_load %arg5[%parallel_loop3A_1702, %parallel_loop3A_1703, %parallel_loop3A_1704, %parallel_loop3A_1705] {strides = array<i32>} : memref<3x4x8x1024xf32, #tpu.memory_space<vmem>>, vector<1x1x1x16xf32>,
      %parallel_loop3A_1707 = vector.shape_cast %parallel_loop3A_1706 : vector<1x1x1x16xf32> to vector<16xf32>
      %parallel_loop3A_1708 = vector.shape_cast %parallel_loop3A_1699 : vector<16xf32> to vector<1x1x1x16xf32>
      tpu.vector_store %arg5[%parallel_loop3A_1702, %parallel_loop3A_1703, %parallel_loop3A_1704, %parallel_loop3A_1705], %parallel_loop3A_1708 {add = true, strides = array<i32>} : memref<3x4x8x1024xf32, #tpu.memory_space<vmem>>, vector<1x1x1x16xf32>,
      %parallel_loop3A_1709 = arith.constant 0 : i32
      %parallel_loop3A_1710 = arith.constant 1 : i32
      %parallel_loop3A_1711 = arith.index_cast %parallel_loop3A_1709 : i32 to index
      %parallel_loop3A_1712 = arith.index_cast %parallel_loop3A_1710 : i32 to index
      %parallel_loop3A_1713 = arith.index_cast %parallel_loop3A_1671 : i32 to index
      %parallel_loop3A_1714 = arith.index_cast %parallel_loop3A_1690 : i32 to index
      %parallel_loop3A_1715 = tpu.vector_load %arg5[%parallel_loop3A_1711, %parallel_loop3A_1712, %parallel_loop3A_1713, %parallel_loop3A_1714] {strides = array<i32>} : memref<3x4x8x1024xf32, #tpu.memory_space<vmem>>, vector<1x1x1x16xf32>,
      %parallel_loop3A_1716 = vector.shape_cast %parallel_loop3A_1715 : vector<1x1x1x16xf32> to vector<16xf32>
      %parallel_loop3A_1717 = vector.shape_cast %parallel_loop3A_1699 : vector<16xf32> to vector<1x1x1x16xf32>
      tpu.vector_store %arg5[%parallel_loop3A_1711, %parallel_loop3A_1712, %parallel_loop3A_1713, %parallel_loop3A_1714], %parallel_loop3A_1717 {add = true, strides = array<i32>} : memref<3x4x8x1024xf32, #tpu.memory_space<vmem>>, vector<1x1x1x16xf32>,
      %parallel_loop3A_1718 = arith.constant 0 : i32
      %parallel_loop3A_1719 = arith.constant 2 : i32
      %parallel_loop3A_1720 = arith.index_cast %parallel_loop3A_1718 : i32 to index
      %parallel_loop3A_1721 = arith.index_cast %parallel_loop3A_1719 : i32 to index
      %parallel_loop3A_1722 = arith.index_cast %parallel_loop3A_1671 : i32 to index
      %parallel_loop3A_1723 = arith.index_cast %parallel_loop3A_1690 : i32 to index
      %parallel_loop3A_1724 = tpu.vector_load %arg5[%parallel_loop3A_1720, %parallel_loop3A_1721, %parallel_loop3A_1722, %parallel_loop3A_1723] {strides = array<i32>} : memref<3x4x8x1024xf32, #tpu.memory_space<vmem>>, vector<1x1x1x16xf32>,
      %parallel_loop3A_1725 = vector.shape_cast %parallel_loop3A_1724 : vector<1x1x1x16xf32> to vector<16xf32>
      %parallel_loop3A_1726 = vector.shape_cast %parallel_loop3A_1699 : vector<16xf32> to vector<1x1x1x16xf32>
      tpu.vector_store %arg5[%parallel_loop3A_1720, %parallel_loop3A_1721, %parallel_loop3A_1722, %parallel_loop3A_1723], %parallel_loop3A_1726 {add = true, strides = array<i32>} : memref<3x4x8x1024xf32, #tpu.memory_space<vmem>>, vector<1x1x1x16xf32>,
      %parallel_loop3A_1727 = arith.constant 0 : i32
      %parallel_loop3A_1728 = arith.constant 3 : i32
      %parallel_loop3A_1729 = arith.index_cast %parallel_loop3A_1727 : i32 to index
      %parallel_loop3A_1730 = arith.index_cast %parallel_loop3A_1728 : i32 to index
      %parallel_loop3A_1731 = arith.index_cast %parallel_loop3A_1671 : i32 to index
      %parallel_loop3A_1732 = arith.index_cast %parallel_loop3A_1690 : i32 to index
      %parallel_loop3A_1733 = tpu.vector_load %arg5[%parallel_loop3A_1729, %parallel_loop3A_1730, %parallel_loop3A_1731, %parallel_loop3A_1732] {strides = array<i32>} : memref<3x4x8x1024xf32, #tpu.memory_space<vmem>>, vector<1x1x1x16xf32>,
      %parallel_loop3A_1734 = vector.shape_cast %parallel_loop3A_1733 : vector<1x1x1x16xf32> to vector<16xf32>
      %parallel_loop3A_1735 = vector.shape_cast %parallel_loop3A_1699 : vector<16xf32> to vector<1x1x1x16xf32>
      tpu.vector_store %arg5[%parallel_loop3A_1729, %parallel_loop3A_1730, %parallel_loop3A_1731, %parallel_loop3A_1732], %parallel_loop3A_1735 {add = true, strides = array<i32>} : memref<3x4x8x1024xf32, #tpu.memory_space<vmem>>, vector<1x1x1x16xf32>,
    } {sc.loop_unroll_factor = 8 : i64, sc.parallel_access}
    %add3A_749 = arith.constant 48 : i32
    %add3A_750 = arith.addi %mul3A_2, %add3A_749 : i32
    %multiple_of3A_751 = tpu.assume_multiple %add3A_750, 8 : i32
    %dma_start3A_752 = arith.constant 0 : i32
    %dma_start3A_753 = arith.constant 0 : i32
    %dma_start3A_754 = arith.constant 0 : i32
    %dma_start3A_755 = arith.constant 0 : i32
    %dma_start3A_756 = tpu.memref_slice %arg5[%dma_start3A_752, %dma_start3A_753, %dma_start3A_754, %dma_start3A_755] : memref<3x4x8x1024xf32, #tpu.memory_space<vmem>> -> memref<1x4x8x1024xf32, #tpu.memory_space<vmem>>
    %dma_start3A_757 = tpu.memref_squeeze %dma_start3A_756 : memref<1x4x8x1024xf32, #tpu.memory_space<vmem>> -> memref<4x8x1024xf32, #tpu.memory_space<vmem>>
    %dma_start3A_758 = arith.constant 0 : i32
    %dma_start3A_759 = arith.constant 0 : i32
    %dma_start3A_760 = tpu.memref_slice %arg4[%dma_start3A_758, %multiple_of3A_751, %dma_start3A_759] : memref<4x4096x1024xf32, #tpu.memory_space<hbm>> -> memref<4x8x1024xf32, #tpu.memory_space<hbm>>
    %dma_start3A_761 = arith.constant 0 : i32
    %dma_start3A_762 = arith.constant 0 : i32
    %dma_start3A_763 = tpu.memref_slice %arg4[%dma_start3A_761, %multiple_of3A_751, %dma_start3A_762] : memref<4x4096x1024xf32, #tpu.memory_space<hbm>> -> memref<4x8x1024xf32, #tpu.memory_space<hbm>>
    %dma_start3A_764 = arith.constant 0 : i32
    %dma_start3A_765 = arith.constant 0 : i32
    %dma_start3A_766 = arith.constant 0 : i32
    %dma_start3A_767 = tpu.memref_slice %arg5[%dma_start3A_752, %dma_start3A_764, %dma_start3A_765, %dma_start3A_766] : memref<3x4x8x1024xf32, #tpu.memory_space<vmem>> -> memref<1x4x8x1024xf32, #tpu.memory_space<vmem>>
    %dma_start3A_768 = tpu.memref_squeeze %dma_start3A_767 : memref<1x4x8x1024xf32, #tpu.memory_space<vmem>> -> memref<4x8x1024xf32, #tpu.memory_space<vmem>>
    tpu.enqueue_dma source(%dma_start3A_768 : memref<4x8x1024xf32, #tpu.memory_space<vmem>>) target(%dma_start3A_763 : memref<4x8x1024xf32, #tpu.memory_space<hbm>>) target_semaphore(%arg10 : memref<!tpu.dma_semaphore, #tpu.memory_space<semaphore_mem>>)
    %dma_wait3A_769 = arith.constant 0 : i32
    %dma_wait3A_770 = arith.constant 0 : i32
    %dma_wait3A_771 = arith.constant 0 : i32
    %dma_wait3A_772 = arith.constant 0 : i32
    %dma_wait3A_773 = tpu.memref_slice %arg5[%dma_wait3A_769, %dma_wait3A_770, %dma_wait3A_771, %dma_wait3A_772] : memref<3x4x8x1024xf32, #tpu.memory_space<vmem>> -> memref<1x4x8x1024xf32, #tpu.memory_space<vmem>>
    %dma_wait3A_774 = tpu.memref_squeeze %dma_wait3A_773 : memref<1x4x8x1024xf32, #tpu.memory_space<vmem>> -> memref<4x8x1024xf32, #tpu.memory_space<vmem>>
    %dma_wait3A_775 = arith.constant 0 : i32
    %dma_wait3A_776 = arith.constant 0 : i32
    %dma_wait3A_777 = tpu.memref_slice %arg4[%dma_wait3A_775, %multiple_of3A_751, %dma_wait3A_776] : memref<4x4096x1024xf32, #tpu.memory_space<hbm>> -> memref<4x8x1024xf32, #tpu.memory_space<hbm>>
    %dma_wait3A_778 = arith.constant 0 : i32
    %dma_wait3A_779 = arith.constant 0 : i32
    %dma_wait3A_780 = tpu.memref_slice %arg4[%dma_wait3A_778, %multiple_of3A_751, %dma_wait3A_779] : memref<4x4096x1024xf32, #tpu.memory_space<hbm>> -> memref<4x8x1024xf32, #tpu.memory_space<hbm>>
    %dma_wait3A_781 = arith.constant 0 : i32
    %dma_wait3A_782 = arith.constant 0 : i32
    %dma_wait3A_783 = arith.constant 0 : i32
    %dma_wait3A_784 = tpu.memref_slice %arg5[%dma_wait3A_769, %dma_wait3A_781, %dma_wait3A_782, %dma_wait3A_783] : memref<3x4x8x1024xf32, #tpu.memory_space<vmem>> -> memref<1x4x8x1024xf32, #tpu.memory_space<vmem>>
    %dma_wait3A_785 = tpu.memref_squeeze %dma_wait3A_784 : memref<1x4x8x1024xf32, #tpu.memory_space<vmem>> -> memref<4x8x1024xf32, #tpu.memory_space<vmem>>
    tpu.wait_dma2 semaphore(%arg10 : memref<!tpu.dma_semaphore, #tpu.memory_space<semaphore_mem>>) src(%dma_wait3A_785 : memref<4x8x1024xf32, #tpu.memory_space<vmem>>) dst(%dma_wait3A_780 : memref<4x8x1024xf32, #tpu.memory_space<hbm>>)
    %add3A_786 = arith.constant 72 : i32
    %add3A_787 = arith.addi %mul3A_2, %add3A_786 : i32
    %multiple_of3A_788 = tpu.assume_multiple %add3A_787, 8 : i32
    %dma_start3A_789 = arith.constant 0 : i32
    %dma_start3A_790 = arith.constant 0 : i32
    %dma_start3A_791 = arith.constant 0 : i32
    %dma_start3A_792 = tpu.memref_slice %arg6[%dma_start3A_789, %dma_start3A_790, %dma_start3A_791] : memref<3x8x1024xf32, #tpu.memory_space<vmem>> -> memref<1x8x1024xf32, #tpu.memory_space<vmem>>
    %dma_start3A_793 = tpu.memref_squeeze %dma_start3A_792 : memref<1x8x1024xf32, #tpu.memory_space<vmem>> -> memref<8x1024xf32, #tpu.memory_space<vmem>>
    %dma_start3A_794 = arith.constant 0 : i32
    %dma_start3A_795 = tpu.memref_slice %arg3[%multiple_of3A_788, %dma_start3A_794] : memref<8192x1024xf32, #tpu.memory_space<hbm>> -> memref<8x1024xf32, #tpu.memory_space<hbm>>
    %dma_start3A_796 = arith.constant 0 : i32
    %dma_start3A_797 = arith.constant 0 : i32
    %dma_start3A_798 = tpu.memref_slice %arg6[%dma_start3A_789, %dma_start3A_796, %dma_start3A_797] : memref<3x8x1024xf32, #tpu.memory_space<vmem>> -> memref<1x8x1024xf32, #tpu.memory_space<vmem>>
    %dma_start3A_799 = tpu.memref_squeeze %dma_start3A_798 : memref<1x8x1024xf32, #tpu.memory_space<vmem>> -> memref<8x1024xf32, #tpu.memory_space<vmem>>
    %dma_start3A_800 = arith.constant 0 : i32
    %dma_start3A_801 = tpu.memref_slice %arg3[%multiple_of3A_788, %dma_start3A_800] : memref<8192x1024xf32, #tpu.memory_space<hbm>> -> memref<8x1024xf32, #tpu.memory_space<hbm>>
    tpu.enqueue_dma source(%dma_start3A_801 : memref<8x1024xf32, #tpu.memory_space<hbm>>) target(%dma_start3A_799 : memref<8x1024xf32, #tpu.memory_space<vmem>>) target_semaphore(%arg7 : memref<!tpu.dma_semaphore, #tpu.memory_space<semaphore_mem>>)
    %dma_start3A_802 = arith.constant 0 : i32
    %dma_start3A_803 = arith.constant 0 : i32
    %dma_start3A_804 = arith.constant 0 : i32
    %dma_start3A_805 = arith.constant 0 : i32
    %dma_start3A_806 = tpu.memref_slice %arg5[%dma_start3A_802, %dma_start3A_803, %dma_start3A_804, %dma_start3A_805] : memref<3x4x8x1024xf32, #tpu.memory_space<vmem>> -> memref<1x4x8x1024xf32, #tpu.memory_space<vmem>>
    %dma_start3A_807 = tpu.memref_squeeze %dma_start3A_806 : memref<1x4x8x1024xf32, #tpu.memory_space<vmem>> -> memref<4x8x1024xf32, #tpu.memory_space<vmem>>
    %dma_start3A_808 = arith.constant 0 : i32
    %dma_start3A_809 = arith.constant 0 : i32
    %dma_start3A_810 = tpu.memref_slice %arg2[%dma_start3A_808, %multiple_of3A_788, %dma_start3A_809] : memref<4x4096x1024xf32, #tpu.memory_space<hbm>> -> memref<4x8x1024xf32, #tpu.memory_space<hbm>>
    %dma_start3A_811 = arith.constant 0 : i32
    %dma_start3A_812 = arith.constant 0 : i32
    %dma_start3A_813 = arith.constant 0 : i32
    %dma_start3A_814 = tpu.memref_slice %arg5[%dma_start3A_802, %dma_start3A_811, %dma_start3A_812, %dma_start3A_813] : memref<3x4x8x1024xf32, #tpu.memory_space<vmem>> -> memref<1x4x8x1024xf32, #tpu.memory_space<vmem>>
    %dma_start3A_815 = tpu.memref_squeeze %dma_start3A_814 : memref<1x4x8x1024xf32, #tpu.memory_space<vmem>> -> memref<4x8x1024xf32, #tpu.memory_space<vmem>>
    %dma_start3A_816 = arith.constant 0 : i32
    %dma_start3A_817 = arith.constant 0 : i32
    %dma_start3A_818 = tpu.memref_slice %arg2[%dma_start3A_816, %multiple_of3A_788, %dma_start3A_817] : memref<4x4096x1024xf32, #tpu.memory_space<hbm>> -> memref<4x8x1024xf32, #tpu.memory_space<hbm>>
    tpu.enqueue_dma source(%dma_start3A_818 : memref<4x8x1024xf32, #tpu.memory_space<hbm>>) target(%dma_start3A_815 : memref<4x8x1024xf32, #tpu.memory_space<vmem>>) target_semaphore(%arg7 : memref<!tpu.dma_semaphore, #tpu.memory_space<semaphore_mem>>)
    %dma_wait3A_819 = arith.constant 1 : i32
    %dma_wait3A_820 = arith.constant 0 : i32
    %dma_wait3A_821 = arith.constant 0 : i32
    %dma_wait3A_822 = tpu.memref_slice %arg6[%dma_wait3A_819, %dma_wait3A_820, %dma_wait3A_821] : memref<3x8x1024xf32, #tpu.memory_space<vmem>> -> memref<1x8x1024xf32, #tpu.memory_space<vmem>>
    %dma_wait3A_823 = tpu.memref_squeeze %dma_wait3A_822 : memref<1x8x1024xf32, #tpu.memory_space<vmem>> -> memref<8x1024xf32, #tpu.memory_space<vmem>>
    %dma_wait3A_824 = arith.constant 0 : i32
    %dma_wait3A_825 = tpu.memref_slice %arg3[%multiple_of3A_582, %dma_wait3A_824] : memref<8192x1024xf32, #tpu.memory_space<hbm>> -> memref<8x1024xf32, #tpu.memory_space<hbm>>
    %dma_wait3A_826 = arith.constant 0 : i32
    %dma_wait3A_827 = arith.constant 0 : i32
    %dma_wait3A_828 = tpu.memref_slice %arg6[%dma_wait3A_819, %dma_wait3A_826, %dma_wait3A_827] : memref<3x8x1024xf32, #tpu.memory_space<vmem>> -> memref<1x8x1024xf32, #tpu.memory_space<vmem>>
    %dma_wait3A_829 = tpu.memref_squeeze %dma_wait3A_828 : memref<1x8x1024xf32, #tpu.memory_space<vmem>> -> memref<8x1024xf32, #tpu.memory_space<vmem>>
    %dma_wait3A_830 = arith.constant 0 : i32
    %dma_wait3A_831 = tpu.memref_slice %arg3[%multiple_of3A_582, %dma_wait3A_830] : memref<8192x1024xf32, #tpu.memory_space<hbm>> -> memref<8x1024xf32, #tpu.memory_space<hbm>>
    tpu.wait_dma2 semaphore(%arg8 : memref<!tpu.dma_semaphore, #tpu.memory_space<semaphore_mem>>) src(%dma_wait3A_831 : memref<8x1024xf32, #tpu.memory_space<hbm>>) dst(%dma_wait3A_829 : memref<8x1024xf32, #tpu.memory_space<vmem>>)
    %dma_wait3A_832 = arith.constant 1 : i32
    %dma_wait3A_833 = arith.constant 0 : i32
    %dma_wait3A_834 = arith.constant 0 : i32
    %dma_wait3A_835 = arith.constant 0 : i32
    %dma_wait3A_836 = tpu.memref_slice %arg5[%dma_wait3A_832, %dma_wait3A_833, %dma_wait3A_834, %dma_wait3A_835] : memref<3x4x8x1024xf32, #tpu.memory_space<vmem>> -> memref<1x4x8x1024xf32, #tpu.memory_space<vmem>>
    %dma_wait3A_837 = tpu.memref_squeeze %dma_wait3A_836 : memref<1x4x8x1024xf32, #tpu.memory_space<vmem>> -> memref<4x8x1024xf32, #tpu.memory_space<vmem>>
    %dma_wait3A_838 = arith.constant 0 : i32
    %dma_wait3A_839 = arith.constant 0 : i32
    %dma_wait3A_840 = tpu.memref_slice %arg2[%dma_wait3A_838, %multiple_of3A_582, %dma_wait3A_839] : memref<4x4096x1024xf32, #tpu.memory_space<hbm>> -> memref<4x8x1024xf32, #tpu.memory_space<hbm>>
    %dma_wait3A_841 = arith.constant 0 : i32
    %dma_wait3A_842 = arith.constant 0 : i32
    %dma_wait3A_843 = arith.constant 0 : i32
    %dma_wait3A_844 = tpu.memref_slice %arg5[%dma_wait3A_832, %dma_wait3A_841, %dma_wait3A_842, %dma_wait3A_843] : memref<3x4x8x1024xf32, #tpu.memory_space<vmem>> -> memref<1x4x8x1024xf32, #tpu.memory_space<vmem>>
    %dma_wait3A_845 = tpu.memref_squeeze %dma_wait3A_844 : memref<1x4x8x1024xf32, #tpu.memory_space<vmem>> -> memref<4x8x1024xf32, #tpu.memory_space<vmem>>
    %dma_wait3A_846 = arith.constant 0 : i32
    %dma_wait3A_847 = arith.constant 0 : i32
    %dma_wait3A_848 = tpu.memref_slice %arg2[%dma_wait3A_846, %multiple_of3A_582, %dma_wait3A_847] : memref<4x4096x1024xf32, #tpu.memory_space<hbm>> -> memref<4x8x1024xf32, #tpu.memory_space<hbm>>
    tpu.wait_dma2 semaphore(%arg8 : memref<!tpu.dma_semaphore, #tpu.memory_space<semaphore_mem>>) src(%dma_wait3A_848 : memref<4x8x1024xf32, #tpu.memory_space<hbm>>) dst(%dma_wait3A_845 : memref<4x8x1024xf32, #tpu.memory_space<vmem>>)
    %parallel_loop3A_849 = arith.constant 0 : i32
    %parallel_loop3A_850 = arith.constant 512 : i32
    %parallel_loop3A_851 = arith.constant 1 : i32
    scf.for %parallel_loop3A_1647 = %parallel_loop3A_849 to %parallel_loop3A_850 step %parallel_loop3A_851  : i32 {
      %parallel_loop3A_1648 = arith.constant 64 : i32
      %parallel_loop3A_1649 = arith.divsi %parallel_loop3A_1647, %parallel_loop3A_1648 : i32
      %parallel_loop3A_1650 = arith.constant 0 : i32
      %parallel_loop3A_1651 = arith.cmpi sgt, %parallel_loop3A_1647, %parallel_loop3A_1650 : i32
      %parallel_loop3A_1652 = arith.extui %parallel_loop3A_1651 : i1 to i32
      %parallel_loop3A_1653 = arith.constant 0 : i32
      %parallel_loop3A_1654 = arith.cmpi slt, %parallel_loop3A_1647, %parallel_loop3A_1653 : i32
      %parallel_loop3A_1655 = arith.extui %parallel_loop3A_1654 : i1 to i32
      %parallel_loop3A_1656 = arith.subi %parallel_loop3A_1652, %parallel_loop3A_1655 : i32
      %parallel_loop3A_1657 = arith.constant 0 : i32
      %parallel_loop3A_1658 = arith.cmpi sgt, %parallel_loop3A_1648, %parallel_loop3A_1657 : i32
      %parallel_loop3A_1659 = arith.extui %parallel_loop3A_1658 : i1 to i32
      %parallel_loop3A_1660 = arith.constant 0 : i32
      %parallel_loop3A_1661 = arith.cmpi slt, %parallel_loop3A_1648, %parallel_loop3A_1660 : i32
      %parallel_loop3A_1662 = arith.extui %parallel_loop3A_1661 : i1 to i32
      %parallel_loop3A_1663 = arith.subi %parallel_loop3A_1659, %parallel_loop3A_1662 : i32
      %parallel_loop3A_1664 = arith.cmpi ne, %parallel_loop3A_1656, %parallel_loop3A_1663 : i32
      %parallel_loop3A_1665 = arith.remsi %parallel_loop3A_1647, %parallel_loop3A_1648 : i32
      %parallel_loop3A_1666 = arith.constant 0 : i32
      %parallel_loop3A_1667 = arith.cmpi ne, %parallel_loop3A_1665, %parallel_loop3A_1666 : i32
      %parallel_loop3A_1668 = arith.andi %parallel_loop3A_1664, %parallel_loop3A_1667 : i1
      %parallel_loop3A_1669 = arith.constant 1 : i32
      %parallel_loop3A_1670 = arith.subi %parallel_loop3A_1649, %parallel_loop3A_1669 : i32
      %parallel_loop3A_1671 = arith.select %parallel_loop3A_1668, %parallel_loop3A_1670, %parallel_loop3A_1649 : i32
      %parallel_loop3A_1672 = arith.constant 64 : i32
      %parallel_loop3A_1673 = arith.constant 0 : i32
      %parallel_loop3A_1674 = arith.cmpi eq, %parallel_loop3A_1672, %parallel_loop3A_1673 : i32
      %parallel_loop3A_1675 = arith.constant 1 : i32
      %parallel_loop3A_1676 = arith.select %parallel_loop3A_1674, %parallel_loop3A_1675, %parallel_loop3A_1672 : i32
      %parallel_loop3A_1677 = arith.remsi %parallel_loop3A_1647, %parallel_loop3A_1676 : i32
      %parallel_loop3A_1678 = arith.constant 0 : i32
      %parallel_loop3A_1679 = arith.cmpi ne, %parallel_loop3A_1677, %parallel_loop3A_1678 : i32
      %parallel_loop3A_1680 = arith.constant 0 : i32
      %parallel_loop3A_1681 = arith.cmpi slt, %parallel_loop3A_1677, %parallel_loop3A_1680 : i32
      %parallel_loop3A_1682 = arith.constant 0 : i32
      %parallel_loop3A_1683 = arith.cmpi slt, %parallel_loop3A_1676, %parallel_loop3A_1682 : i32
      %parallel_loop3A_1684 = arith.xori %parallel_loop3A_1681, %parallel_loop3A_1683 : i1
      %parallel_loop3A_1685 = arith.andi %parallel_loop3A_1684, %parallel_loop3A_1679 : i1
      %parallel_loop3A_1686 = arith.addi %parallel_loop3A_1677, %parallel_loop3A_1676 : i32
      %parallel_loop3A_1687 = arith.select %parallel_loop3A_1685, %parallel_loop3A_1686, %parallel_loop3A_1677 : i32
      %parallel_loop3A_1688 = arith.constant 16 : i32
      %parallel_loop3A_1689 = arith.muli %parallel_loop3A_1687, %parallel_loop3A_1688 : i32
      %parallel_loop3A_1690 = tpu.assume_multiple %parallel_loop3A_1689, 16 : i32
      %parallel_loop3A_1691 = arith.constant 1 : i32
      %parallel_loop3A_1692 = arith.index_cast %parallel_loop3A_1691 : i32 to index
      %parallel_loop3A_1693 = arith.index_cast %parallel_loop3A_1671 : i32 to index
      %parallel_loop3A_1694 = arith.index_cast %parallel_loop3A_1690 : i32 to index
      %parallel_loop3A_1695 = tpu.vector_load %arg6[%parallel_loop3A_1692, %parallel_loop3A_1693, %parallel_loop3A_1694] {strides = array<i32>} : memref<3x8x1024xf32, #tpu.memory_space<vmem>>, vector<1x1x16xf32>,
      %parallel_loop3A_1696 = vector.shape_cast %parallel_loop3A_1695 : vector<1x1x16xf32> to vector<16xf32>
      %parallel_loop3A_1697 = arith.constant 3.200000e+01 : f32
      %parallel_loop3A_1698 = vector.broadcast %parallel_loop3A_1697 : f32 to vector<16xf32>
      %parallel_loop3A_1699 = arith.mulf %parallel_loop3A_1696, %parallel_loop3A_1698 : vector<16xf32>
      %parallel_loop3A_1700 = arith.constant 1 : i32
      %parallel_loop3A_1701 = arith.constant 0 : i32
      %parallel_loop3A_1702 = arith.index_cast %parallel_loop3A_1700 : i32 to index
      %parallel_loop3A_1703 = arith.index_cast %parallel_loop3A_1701 : i32 to index
      %parallel_loop3A_1704 = arith.index_cast %parallel_loop3A_1671 : i32 to index
      %parallel_loop3A_1705 = arith.index_cast %parallel_loop3A_1690 : i32 to index
      %parallel_loop3A_1706 = tpu.vector_load %arg5[%parallel_loop3A_1702, %parallel_loop3A_1703, %parallel_loop3A_1704, %parallel_loop3A_1705] {strides = array<i32>} : memref<3x4x8x1024xf32, #tpu.memory_space<vmem>>, vector<1x1x1x16xf32>,
      %parallel_loop3A_1707 = vector.shape_cast %parallel_loop3A_1706 : vector<1x1x1x16xf32> to vector<16xf32>
      %parallel_loop3A_1708 = vector.shape_cast %parallel_loop3A_1699 : vector<16xf32> to vector<1x1x1x16xf32>
      tpu.vector_store %arg5[%parallel_loop3A_1702, %parallel_loop3A_1703, %parallel_loop3A_1704, %parallel_loop3A_1705], %parallel_loop3A_1708 {add = true, strides = array<i32>} : memref<3x4x8x1024xf32, #tpu.memory_space<vmem>>, vector<1x1x1x16xf32>,
      %parallel_loop3A_1709 = arith.constant 1 : i32
      %parallel_loop3A_1710 = arith.constant 1 : i32
      %parallel_loop3A_1711 = arith.index_cast %parallel_loop3A_1709 : i32 to index
      %parallel_loop3A_1712 = arith.index_cast %parallel_loop3A_1710 : i32 to index
      %parallel_loop3A_1713 = arith.index_cast %parallel_loop3A_1671 : i32 to index
      %parallel_loop3A_1714 = arith.index_cast %parallel_loop3A_1690 : i32 to index
      %parallel_loop3A_1715 = tpu.vector_load %arg5[%parallel_loop3A_1711, %parallel_loop3A_1712, %parallel_loop3A_1713, %parallel_loop3A_1714] {strides = array<i32>} : memref<3x4x8x1024xf32, #tpu.memory_space<vmem>>, vector<1x1x1x16xf32>,
      %parallel_loop3A_1716 = vector.shape_cast %parallel_loop3A_1715 : vector<1x1x1x16xf32> to vector<16xf32>
      %parallel_loop3A_1717 = vector.shape_cast %parallel_loop3A_1699 : vector<16xf32> to vector<1x1x1x16xf32>
      tpu.vector_store %arg5[%parallel_loop3A_1711, %parallel_loop3A_1712, %parallel_loop3A_1713, %parallel_loop3A_1714], %parallel_loop3A_1717 {add = true, strides = array<i32>} : memref<3x4x8x1024xf32, #tpu.memory_space<vmem>>, vector<1x1x1x16xf32>,
      %parallel_loop3A_1718 = arith.constant 1 : i32
      %parallel_loop3A_1719 = arith.constant 2 : i32
      %parallel_loop3A_1720 = arith.index_cast %parallel_loop3A_1718 : i32 to index
      %parallel_loop3A_1721 = arith.index_cast %parallel_loop3A_1719 : i32 to index
      %parallel_loop3A_1722 = arith.index_cast %parallel_loop3A_1671 : i32 to index
      %parallel_loop3A_1723 = arith.index_cast %parallel_loop3A_1690 : i32 to index
      %parallel_loop3A_1724 = tpu.vector_load %arg5[%parallel_loop3A_1720, %parallel_loop3A_1721, %parallel_loop3A_1722, %parallel_loop3A_1723] {strides = array<i32>} : memref<3x4x8x1024xf32, #tpu.memory_space<vmem>>, vector<1x1x1x16xf32>,
      %parallel_loop3A_1725 = vector.shape_cast %parallel_loop3A_1724 : vector<1x1x1x16xf32> to vector<16xf32>
      %parallel_loop3A_1726 = vector.shape_cast %parallel_loop3A_1699 : vector<16xf32> to vector<1x1x1x16xf32>
      tpu.vector_store %arg5[%parallel_loop3A_1720, %parallel_loop3A_1721, %parallel_loop3A_1722, %parallel_loop3A_1723], %parallel_loop3A_1726 {add = true, strides = array<i32>} : memref<3x4x8x1024xf32, #tpu.memory_space<vmem>>, vector<1x1x1x16xf32>,
      %parallel_loop3A_1727 = arith.constant 1 : i32
      %parallel_loop3A_1728 = arith.constant 3 : i32
      %parallel_loop3A_1729 = arith.index_cast %parallel_loop3A_1727 : i32 to index
      %parallel_loop3A_1730 = arith.index_cast %parallel_loop3A_1728 : i32 to index
      %parallel_loop3A_1731 = arith.index_cast %parallel_loop3A_1671 : i32 to index
      %parallel_loop3A_1732 = arith.index_cast %parallel_loop3A_1690 : i32 to index
      %parallel_loop3A_1733 = tpu.vector_load %arg5[%parallel_loop3A_1729, %parallel_loop3A_1730, %parallel_loop3A_1731, %parallel_loop3A_1732] {strides = array<i32>} : memref<3x4x8x1024xf32, #tpu.memory_space<vmem>>, vector<1x1x1x16xf32>,
      %parallel_loop3A_1734 = vector.shape_cast %parallel_loop3A_1733 : vector<1x1x1x16xf32> to vector<16xf32>
      %parallel_loop3A_1735 = vector.shape_cast %parallel_loop3A_1699 : vector<16xf32> to vector<1x1x1x16xf32>
      tpu.vector_store %arg5[%parallel_loop3A_1729, %parallel_loop3A_1730, %parallel_loop3A_1731, %parallel_loop3A_1732], %parallel_loop3A_1735 {add = true, strides = array<i32>} : memref<3x4x8x1024xf32, #tpu.memory_space<vmem>>, vector<1x1x1x16xf32>,
    } {sc.loop_unroll_factor = 8 : i64, sc.parallel_access}
    %add3A_852 = arith.constant 56 : i32
    %add3A_853 = arith.addi %mul3A_2, %add3A_852 : i32
    %multiple_of3A_854 = tpu.assume_multiple %add3A_853, 8 : i32
    %dma_start3A_855 = arith.constant 1 : i32
    %dma_start3A_856 = arith.constant 0 : i32
    %dma_start3A_857 = arith.constant 0 : i32
    %dma_start3A_858 = arith.constant 0 : i32
    %dma_start3A_859 = tpu.memref_slice %arg5[%dma_start3A_855, %dma_start3A_856, %dma_start3A_857, %dma_start3A_858] : memref<3x4x8x1024xf32, #tpu.memory_space<vmem>> -> memref<1x4x8x1024xf32, #tpu.memory_space<vmem>>
    %dma_start3A_860 = tpu.memref_squeeze %dma_start3A_859 : memref<1x4x8x1024xf32, #tpu.memory_space<vmem>> -> memref<4x8x1024xf32, #tpu.memory_space<vmem>>
    %dma_start3A_861 = arith.constant 0 : i32
    %dma_start3A_862 = arith.constant 0 : i32
    %dma_start3A_863 = tpu.memref_slice %arg4[%dma_start3A_861, %multiple_of3A_854, %dma_start3A_862] : memref<4x4096x1024xf32, #tpu.memory_space<hbm>> -> memref<4x8x1024xf32, #tpu.memory_space<hbm>>
    %dma_start3A_864 = arith.constant 0 : i32
    %dma_start3A_865 = arith.constant 0 : i32
    %dma_start3A_866 = tpu.memref_slice %arg4[%dma_start3A_864, %multiple_of3A_854, %dma_start3A_865] : memref<4x4096x1024xf32, #tpu.memory_space<hbm>> -> memref<4x8x1024xf32, #tpu.memory_space<hbm>>
    %dma_start3A_867 = arith.constant 0 : i32
    %dma_start3A_868 = arith.constant 0 : i32
    %dma_start3A_869 = arith.constant 0 : i32
    %dma_start3A_870 = tpu.memref_slice %arg5[%dma_start3A_855, %dma_start3A_867, %dma_start3A_868, %dma_start3A_869] : memref<3x4x8x1024xf32, #tpu.memory_space<vmem>> -> memref<1x4x8x1024xf32, #tpu.memory_space<vmem>>
    %dma_start3A_871 = tpu.memref_squeeze %dma_start3A_870 : memref<1x4x8x1024xf32, #tpu.memory_space<vmem>> -> memref<4x8x1024xf32, #tpu.memory_space<vmem>>
    tpu.enqueue_dma source(%dma_start3A_871 : memref<4x8x1024xf32, #tpu.memory_space<vmem>>) target(%dma_start3A_866 : memref<4x8x1024xf32, #tpu.memory_space<hbm>>) target_semaphore(%arg11 : memref<!tpu.dma_semaphore, #tpu.memory_space<semaphore_mem>>)
    %dma_wait3A_872 = arith.constant 1 : i32
    %dma_wait3A_873 = arith.constant 0 : i32
    %dma_wait3A_874 = arith.constant 0 : i32
    %dma_wait3A_875 = arith.constant 0 : i32
    %dma_wait3A_876 = tpu.memref_slice %arg5[%dma_wait3A_872, %dma_wait3A_873, %dma_wait3A_874, %dma_wait3A_875] : memref<3x4x8x1024xf32, #tpu.memory_space<vmem>> -> memref<1x4x8x1024xf32, #tpu.memory_space<vmem>>
    %dma_wait3A_877 = tpu.memref_squeeze %dma_wait3A_876 : memref<1x4x8x1024xf32, #tpu.memory_space<vmem>> -> memref<4x8x1024xf32, #tpu.memory_space<vmem>>
    %dma_wait3A_878 = arith.constant 0 : i32
    %dma_wait3A_879 = arith.constant 0 : i32
    %dma_wait3A_880 = tpu.memref_slice %arg4[%dma_wait3A_878, %multiple_of3A_854, %dma_wait3A_879] : memref<4x4096x1024xf32, #tpu.memory_space<hbm>> -> memref<4x8x1024xf32, #tpu.memory_space<hbm>>
    %dma_wait3A_881 = arith.constant 0 : i32
    %dma_wait3A_882 = arith.constant 0 : i32
    %dma_wait3A_883 = tpu.memref_slice %arg4[%dma_wait3A_881, %multiple_of3A_854, %dma_wait3A_882] : memref<4x4096x1024xf32, #tpu.memory_space<hbm>> -> memref<4x8x1024xf32, #tpu.memory_space<hbm>>
    %dma_wait3A_884 = arith.constant 0 : i32
    %dma_wait3A_885 = arith.constant 0 : i32
    %dma_wait3A_886 = arith.constant 0 : i32
    %dma_wait3A_887 = tpu.memref_slice %arg5[%dma_wait3A_872, %dma_wait3A_884, %dma_wait3A_885, %dma_wait3A_886] : memref<3x4x8x1024xf32, #tpu.memory_space<vmem>> -> memref<1x4x8x1024xf32, #tpu.memory_space<vmem>>
    %dma_wait3A_888 = tpu.memref_squeeze %dma_wait3A_887 : memref<1x4x8x1024xf32, #tpu.memory_space<vmem>> -> memref<4x8x1024xf32, #tpu.memory_space<vmem>>
    tpu.wait_dma2 semaphore(%arg11 : memref<!tpu.dma_semaphore, #tpu.memory_space<semaphore_mem>>) src(%dma_wait3A_888 : memref<4x8x1024xf32, #tpu.memory_space<vmem>>) dst(%dma_wait3A_883 : memref<4x8x1024xf32, #tpu.memory_space<hbm>>)
    %add3A_889 = arith.constant 80 : i32
    %add3A_890 = arith.addi %mul3A_2, %add3A_889 : i32
    %multiple_of3A_891 = tpu.assume_multiple %add3A_890, 8 : i32
    %dma_start3A_892 = arith.constant 1 : i32
    %dma_start3A_893 = arith.constant 0 : i32
    %dma_start3A_894 = arith.constant 0 : i32
    %dma_start3A_895 = tpu.memref_slice %arg6[%dma_start3A_892, %dma_start3A_893, %dma_start3A_894] : memref<3x8x1024xf32, #tpu.memory_space<vmem>> -> memref<1x8x1024xf32, #tpu.memory_space<vmem>>
    %dma_start3A_896 = tpu.memref_squeeze %dma_start3A_895 : memref<1x8x1024xf32, #tpu.memory_space<vmem>> -> memref<8x1024xf32, #tpu.memory_space<vmem>>
    %dma_start3A_897 = arith.constant 0 : i32
    %dma_start3A_898 = tpu.memref_slice %arg3[%multiple_of3A_891, %dma_start3A_897] : memref<8192x1024xf32, #tpu.memory_space<hbm>> -> memref<8x1024xf32, #tpu.memory_space<hbm>>
    %dma_start3A_899 = arith.constant 0 : i32
    %dma_start3A_900 = arith.constant 0 : i32
    %dma_start3A_901 = tpu.memref_slice %arg6[%dma_start3A_892, %dma_start3A_899, %dma_start3A_900] : memref<3x8x1024xf32, #tpu.memory_space<vmem>> -> memref<1x8x1024xf32, #tpu.memory_space<vmem>>
    %dma_start3A_902 = tpu.memref_squeeze %dma_start3A_901 : memref<1x8x1024xf32, #tpu.memory_space<vmem>> -> memref<8x1024xf32, #tpu.memory_space<vmem>>
    %dma_start3A_903 = arith.constant 0 : i32
    %dma_start3A_904 = tpu.memref_slice %arg3[%multiple_of3A_891, %dma_start3A_903] : memref<8192x1024xf32, #tpu.memory_space<hbm>> -> memref<8x1024xf32, #tpu.memory_space<hbm>>
    tpu.enqueue_dma source(%dma_start3A_904 : memref<8x1024xf32, #tpu.memory_space<hbm>>) target(%dma_start3A_902 : memref<8x1024xf32, #tpu.memory_space<vmem>>) target_semaphore(%arg8 : memref<!tpu.dma_semaphore, #tpu.memory_space<semaphore_mem>>)
    %dma_start3A_905 = arith.constant 1 : i32
    %dma_start3A_906 = arith.constant 0 : i32
    %dma_start3A_907 = arith.constant 0 : i32
    %dma_start3A_908 = arith.constant 0 : i32
    %dma_start3A_909 = tpu.memref_slice %arg5[%dma_start3A_905, %dma_start3A_906, %dma_start3A_907, %dma_start3A_908] : memref<3x4x8x1024xf32, #tpu.memory_space<vmem>> -> memref<1x4x8x1024xf32, #tpu.memory_space<vmem>>
    %dma_start3A_910 = tpu.memref_squeeze %dma_start3A_909 : memref<1x4x8x1024xf32, #tpu.memory_space<vmem>> -> memref<4x8x1024xf32, #tpu.memory_space<vmem>>
    %dma_start3A_911 = arith.constant 0 : i32
    %dma_start3A_912 = arith.constant 0 : i32
    %dma_start3A_913 = tpu.memref_slice %arg2[%dma_start3A_911, %multiple_of3A_891, %dma_start3A_912] : memref<4x4096x1024xf32, #tpu.memory_space<hbm>> -> memref<4x8x1024xf32, #tpu.memory_space<hbm>>
    %dma_start3A_914 = arith.constant 0 : i32
    %dma_start3A_915 = arith.constant 0 : i32
    %dma_start3A_916 = arith.constant 0 : i32
    %dma_start3A_917 = tpu.memref_slice %arg5[%dma_start3A_905, %dma_start3A_914, %dma_start3A_915, %dma_start3A_916] : memref<3x4x8x1024xf32, #tpu.memory_space<vmem>> -> memref<1x4x8x1024xf32, #tpu.memory_space<vmem>>
    %dma_start3A_918 = tpu.memref_squeeze %dma_start3A_917 : memref<1x4x8x1024xf32, #tpu.memory_space<vmem>> -> memref<4x8x1024xf32, #tpu.memory_space<vmem>>
    %dma_start3A_919 = arith.constant 0 : i32
    %dma_start3A_920 = arith.constant 0 : i32
    %dma_start3A_921 = tpu.memref_slice %arg2[%dma_start3A_919, %multiple_of3A_891, %dma_start3A_920] : memref<4x4096x1024xf32, #tpu.memory_space<hbm>> -> memref<4x8x1024xf32, #tpu.memory_space<hbm>>
    tpu.enqueue_dma source(%dma_start3A_921 : memref<4x8x1024xf32, #tpu.memory_space<hbm>>) target(%dma_start3A_918 : memref<4x8x1024xf32, #tpu.memory_space<vmem>>) target_semaphore(%arg8 : memref<!tpu.dma_semaphore, #tpu.memory_space<semaphore_mem>>)
    %dma_wait3A_922 = arith.constant 2 : i32
    %dma_wait3A_923 = arith.constant 0 : i32
    %dma_wait3A_924 = arith.constant 0 : i32
    %dma_wait3A_925 = tpu.memref_slice %arg6[%dma_wait3A_922, %dma_wait3A_923, %dma_wait3A_924] : memref<3x8x1024xf32, #tpu.memory_space<vmem>> -> memref<1x8x1024xf32, #tpu.memory_space<vmem>>
    %dma_wait3A_926 = tpu.memref_squeeze %dma_wait3A_925 : memref<1x8x1024xf32, #tpu.memory_space<vmem>> -> memref<8x1024xf32, #tpu.memory_space<vmem>>
    %dma_wait3A_927 = arith.constant 0 : i32
    %dma_wait3A_928 = tpu.memref_slice %arg3[%multiple_of3A_685, %dma_wait3A_927] : memref<8192x1024xf32, #tpu.memory_space<hbm>> -> memref<8x1024xf32, #tpu.memory_space<hbm>>
    %dma_wait3A_929 = arith.constant 0 : i32
    %dma_wait3A_930 = arith.constant 0 : i32
    %dma_wait3A_931 = tpu.memref_slice %arg6[%dma_wait3A_922, %dma_wait3A_929, %dma_wait3A_930] : memref<3x8x1024xf32, #tpu.memory_space<vmem>> -> memref<1x8x1024xf32, #tpu.memory_space<vmem>>
    %dma_wait3A_932 = tpu.memref_squeeze %dma_wait3A_931 : memref<1x8x1024xf32, #tpu.memory_space<vmem>> -> memref<8x1024xf32, #tpu.memory_space<vmem>>
    %dma_wait3A_933 = arith.constant 0 : i32
    %dma_wait3A_934 = tpu.memref_slice %arg3[%multiple_of3A_685, %dma_wait3A_933] : memref<8192x1024xf32, #tpu.memory_space<hbm>> -> memref<8x1024xf32, #tpu.memory_space<hbm>>
    tpu.wait_dma2 semaphore(%arg9 : memref<!tpu.dma_semaphore, #tpu.memory_space<semaphore_mem>>) src(%dma_wait3A_934 : memref<8x1024xf32, #tpu.memory_space<hbm>>) dst(%dma_wait3A_932 : memref<8x1024xf32, #tpu.memory_space<vmem>>)
    %dma_wait3A_935 = arith.constant 2 : i32
    %dma_wait3A_936 = arith.constant 0 : i32
    %dma_wait3A_937 = arith.constant 0 : i32
    %dma_wait3A_938 = arith.constant 0 : i32
    %dma_wait3A_939 = tpu.memref_slice %arg5[%dma_wait3A_935, %dma_wait3A_936, %dma_wait3A_937, %dma_wait3A_938] : memref<3x4x8x1024xf32, #tpu.memory_space<vmem>> -> memref<1x4x8x1024xf32, #tpu.memory_space<vmem>>
    %dma_wait3A_940 = tpu.memref_squeeze %dma_wait3A_939 : memref<1x4x8x1024xf32, #tpu.memory_space<vmem>> -> memref<4x8x1024xf32, #tpu.memory_space<vmem>>
    %dma_wait3A_941 = arith.constant 0 : i32
    %dma_wait3A_942 = arith.constant 0 : i32
    %dma_wait3A_943 = tpu.memref_slice %arg2[%dma_wait3A_941, %multiple_of3A_685, %dma_wait3A_942] : memref<4x4096x1024xf32, #tpu.memory_space<hbm>> -> memref<4x8x1024xf32, #tpu.memory_space<hbm>>
    %dma_wait3A_944 = arith.constant 0 : i32
    %dma_wait3A_945 = arith.constant 0 : i32
    %dma_wait3A_946 = arith.constant 0 : i32
    %dma_wait3A_947 = tpu.memref_slice %arg5[%dma_wait3A_935, %dma_wait3A_944, %dma_wait3A_945, %dma_wait3A_946] : memref<3x4x8x1024xf32, #tpu.memory_space<vmem>> -> memref<1x4x8x1024xf32, #tpu.memory_space<vmem>>
    %dma_wait3A_948 = tpu.memref_squeeze %dma_wait3A_947 : memref<1x4x8x1024xf32, #tpu.memory_space<vmem>> -> memref<4x8x1024xf32, #tpu.memory_space<vmem>>
    %dma_wait3A_949 = arith.constant 0 : i32
    %dma_wait3A_950 = arith.constant 0 : i32
    %dma_wait3A_951 = tpu.memref_slice %arg2[%dma_wait3A_949, %multiple_of3A_685, %dma_wait3A_950] : memref<4x4096x1024xf32, #tpu.memory_space<hbm>> -> memref<4x8x1024xf32, #tpu.memory_space<hbm>>
    tpu.wait_dma2 semaphore(%arg9 : memref<!tpu.dma_semaphore, #tpu.memory_space<semaphore_mem>>) src(%dma_wait3A_951 : memref<4x8x1024xf32, #tpu.memory_space<hbm>>) dst(%dma_wait3A_948 : memref<4x8x1024xf32, #tpu.memory_space<vmem>>)
    %parallel_loop3A_952 = arith.constant 0 : i32
    %parallel_loop3A_953 = arith.constant 512 : i32
    %parallel_loop3A_954 = arith.constant 1 : i32
    scf.for %parallel_loop3A_1647 = %parallel_loop3A_952 to %parallel_loop3A_953 step %parallel_loop3A_954  : i32 {
      %parallel_loop3A_1648 = arith.constant 64 : i32
      %parallel_loop3A_1649 = arith.divsi %parallel_loop3A_1647, %parallel_loop3A_1648 : i32
      %parallel_loop3A_1650 = arith.constant 0 : i32
      %parallel_loop3A_1651 = arith.cmpi sgt, %parallel_loop3A_1647, %parallel_loop3A_1650 : i32
      %parallel_loop3A_1652 = arith.extui %parallel_loop3A_1651 : i1 to i32
      %parallel_loop3A_1653 = arith.constant 0 : i32
      %parallel_loop3A_1654 = arith.cmpi slt, %parallel_loop3A_1647, %parallel_loop3A_1653 : i32
      %parallel_loop3A_1655 = arith.extui %parallel_loop3A_1654 : i1 to i32
      %parallel_loop3A_1656 = arith.subi %parallel_loop3A_1652, %parallel_loop3A_1655 : i32
      %parallel_loop3A_1657 = arith.constant 0 : i32
      %parallel_loop3A_1658 = arith.cmpi sgt, %parallel_loop3A_1648, %parallel_loop3A_1657 : i32
      %parallel_loop3A_1659 = arith.extui %parallel_loop3A_1658 : i1 to i32
      %parallel_loop3A_1660 = arith.constant 0 : i32
      %parallel_loop3A_1661 = arith.cmpi slt, %parallel_loop3A_1648, %parallel_loop3A_1660 : i32
      %parallel_loop3A_1662 = arith.extui %parallel_loop3A_1661 : i1 to i32
      %parallel_loop3A_1663 = arith.subi %parallel_loop3A_1659, %parallel_loop3A_1662 : i32
      %parallel_loop3A_1664 = arith.cmpi ne, %parallel_loop3A_1656, %parallel_loop3A_1663 : i32
      %parallel_loop3A_1665 = arith.remsi %parallel_loop3A_1647, %parallel_loop3A_1648 : i32
      %parallel_loop3A_1666 = arith.constant 0 : i32
      %parallel_loop3A_1667 = arith.cmpi ne, %parallel_loop3A_1665, %parallel_loop3A_1666 : i32
      %parallel_loop3A_1668 = arith.andi %parallel_loop3A_1664, %parallel_loop3A_1667 : i1
      %parallel_loop3A_1669 = arith.constant 1 : i32
      %parallel_loop3A_1670 = arith.subi %parallel_loop3A_1649, %parallel_loop3A_1669 : i32
      %parallel_loop3A_1671 = arith.select %parallel_loop3A_1668, %parallel_loop3A_1670, %parallel_loop3A_1649 : i32
      %parallel_loop3A_1672 = arith.constant 64 : i32
      %parallel_loop3A_1673 = arith.constant 0 : i32
      %parallel_loop3A_1674 = arith.cmpi eq, %parallel_loop3A_1672, %parallel_loop3A_1673 : i32
      %parallel_loop3A_1675 = arith.constant 1 : i32
      %parallel_loop3A_1676 = arith.select %parallel_loop3A_1674, %parallel_loop3A_1675, %parallel_loop3A_1672 : i32
      %parallel_loop3A_1677 = arith.remsi %parallel_loop3A_1647, %parallel_loop3A_1676 : i32
      %parallel_loop3A_1678 = arith.constant 0 : i32
      %parallel_loop3A_1679 = arith.cmpi ne, %parallel_loop3A_1677, %parallel_loop3A_1678 : i32
      %parallel_loop3A_1680 = arith.constant 0 : i32
      %parallel_loop3A_1681 = arith.cmpi slt, %parallel_loop3A_1677, %parallel_loop3A_1680 : i32
      %parallel_loop3A_1682 = arith.constant 0 : i32
      %parallel_loop3A_1683 = arith.cmpi slt, %parallel_loop3A_1676, %parallel_loop3A_1682 : i32
      %parallel_loop3A_1684 = arith.xori %parallel_loop3A_1681, %parallel_loop3A_1683 : i1
      %parallel_loop3A_1685 = arith.andi %parallel_loop3A_1684, %parallel_loop3A_1679 : i1
      %parallel_loop3A_1686 = arith.addi %parallel_loop3A_1677, %parallel_loop3A_1676 : i32
      %parallel_loop3A_1687 = arith.select %parallel_loop3A_1685, %parallel_loop3A_1686, %parallel_loop3A_1677 : i32
      %parallel_loop3A_1688 = arith.constant 16 : i32
      %parallel_loop3A_1689 = arith.muli %parallel_loop3A_1687, %parallel_loop3A_1688 : i32
      %parallel_loop3A_1690 = tpu.assume_multiple %parallel_loop3A_1689, 16 : i32
      %parallel_loop3A_1691 = arith.constant 2 : i32
      %parallel_loop3A_1692 = arith.index_cast %parallel_loop3A_1691 : i32 to index
      %parallel_loop3A_1693 = arith.index_cast %parallel_loop3A_1671 : i32 to index
      %parallel_loop3A_1694 = arith.index_cast %parallel_loop3A_1690 : i32 to index
      %parallel_loop3A_1695 = tpu.vector_load %arg6[%parallel_loop3A_1692, %parallel_loop3A_1693, %parallel_loop3A_1694] {strides = array<i32>} : memref<3x8x1024xf32, #tpu.memory_space<vmem>>, vector<1x1x16xf32>,
      %parallel_loop3A_1696 = vector.shape_cast %parallel_loop3A_1695 : vector<1x1x16xf32> to vector<16xf32>
      %parallel_loop3A_1697 = arith.constant 3.200000e+01 : f32
      %parallel_loop3A_1698 = vector.broadcast %parallel_loop3A_1697 : f32 to vector<16xf32>
      %parallel_loop3A_1699 = arith.mulf %parallel_loop3A_1696, %parallel_loop3A_1698 : vector<16xf32>
      %parallel_loop3A_1700 = arith.constant 2 : i32
      %parallel_loop3A_1701 = arith.constant 0 : i32
      %parallel_loop3A_1702 = arith.index_cast %parallel_loop3A_1700 : i32 to index
      %parallel_loop3A_1703 = arith.index_cast %parallel_loop3A_1701 : i32 to index
      %parallel_loop3A_1704 = arith.index_cast %parallel_loop3A_1671 : i32 to index
      %parallel_loop3A_1705 = arith.index_cast %parallel_loop3A_1690 : i32 to index
      %parallel_loop3A_1706 = tpu.vector_load %arg5[%parallel_loop3A_1702, %parallel_loop3A_1703, %parallel_loop3A_1704, %parallel_loop3A_1705] {strides = array<i32>} : memref<3x4x8x1024xf32, #tpu.memory_space<vmem>>, vector<1x1x1x16xf32>,
      %parallel_loop3A_1707 = vector.shape_cast %parallel_loop3A_1706 : vector<1x1x1x16xf32> to vector<16xf32>
      %parallel_loop3A_1708 = vector.shape_cast %parallel_loop3A_1699 : vector<16xf32> to vector<1x1x1x16xf32>
      tpu.vector_store %arg5[%parallel_loop3A_1702, %parallel_loop3A_1703, %parallel_loop3A_1704, %parallel_loop3A_1705], %parallel_loop3A_1708 {add = true, strides = array<i32>} : memref<3x4x8x1024xf32, #tpu.memory_space<vmem>>, vector<1x1x1x16xf32>,
      %parallel_loop3A_1709 = arith.constant 2 : i32
      %parallel_loop3A_1710 = arith.constant 1 : i32
      %parallel_loop3A_1711 = arith.index_cast %parallel_loop3A_1709 : i32 to index
      %parallel_loop3A_1712 = arith.index_cast %parallel_loop3A_1710 : i32 to index
      %parallel_loop3A_1713 = arith.index_cast %parallel_loop3A_1671 : i32 to index
      %parallel_loop3A_1714 = arith.index_cast %parallel_loop3A_1690 : i32 to index
      %parallel_loop3A_1715 = tpu.vector_load %arg5[%parallel_loop3A_1711, %parallel_loop3A_1712, %parallel_loop3A_1713, %parallel_loop3A_1714] {strides = array<i32>} : memref<3x4x8x1024xf32, #tpu.memory_space<vmem>>, vector<1x1x1x16xf32>,
      %parallel_loop3A_1716 = vector.shape_cast %parallel_loop3A_1715 : vector<1x1x1x16xf32> to vector<16xf32>
      %parallel_loop3A_1717 = vector.shape_cast %parallel_loop3A_1699 : vector<16xf32> to vector<1x1x1x16xf32>
      tpu.vector_store %arg5[%parallel_loop3A_1711, %parallel_loop3A_1712, %parallel_loop3A_1713, %parallel_loop3A_1714], %parallel_loop3A_1717 {add = true, strides = array<i32>} : memref<3x4x8x1024xf32, #tpu.memory_space<vmem>>, vector<1x1x1x16xf32>,
      %parallel_loop3A_1718 = arith.constant 2 : i32
      %parallel_loop3A_1719 = arith.constant 2 : i32
      %parallel_loop3A_1720 = arith.index_cast %parallel_loop3A_1718 : i32 to index
      %parallel_loop3A_1721 = arith.index_cast %parallel_loop3A_1719 : i32 to index
      %parallel_loop3A_1722 = arith.index_cast %parallel_loop3A_1671 : i32 to index
      %parallel_loop3A_1723 = arith.index_cast %parallel_loop3A_1690 : i32 to index
      %parallel_loop3A_1724 = tpu.vector_load %arg5[%parallel_loop3A_1720, %parallel_loop3A_1721, %parallel_loop3A_1722, %parallel_loop3A_1723] {strides = array<i32>} : memref<3x4x8x1024xf32, #tpu.memory_space<vmem>>, vector<1x1x1x16xf32>,
      %parallel_loop3A_1725 = vector.shape_cast %parallel_loop3A_1724 : vector<1x1x1x16xf32> to vector<16xf32>
      %parallel_loop3A_1726 = vector.shape_cast %parallel_loop3A_1699 : vector<16xf32> to vector<1x1x1x16xf32>
      tpu.vector_store %arg5[%parallel_loop3A_1720, %parallel_loop3A_1721, %parallel_loop3A_1722, %parallel_loop3A_1723], %parallel_loop3A_1726 {add = true, strides = array<i32>} : memref<3x4x8x1024xf32, #tpu.memory_space<vmem>>, vector<1x1x1x16xf32>,
      %parallel_loop3A_1727 = arith.constant 2 : i32
      %parallel_loop3A_1728 = arith.constant 3 : i32
      %parallel_loop3A_1729 = arith.index_cast %parallel_loop3A_1727 : i32 to index
      %parallel_loop3A_1730 = arith.index_cast %parallel_loop3A_1728 : i32 to index
      %parallel_loop3A_1731 = arith.index_cast %parallel_loop3A_1671 : i32 to index
      %parallel_loop3A_1732 = arith.index_cast %parallel_loop3A_1690 : i32 to index
      %parallel_loop3A_1733 = tpu.vector_load %arg5[%parallel_loop3A_1729, %parallel_loop3A_1730, %parallel_loop3A_1731, %parallel_loop3A_1732] {strides = array<i32>} : memref<3x4x8x1024xf32, #tpu.memory_space<vmem>>, vector<1x1x1x16xf32>,
      %parallel_loop3A_1734 = vector.shape_cast %parallel_loop3A_1733 : vector<1x1x1x16xf32> to vector<16xf32>
      %parallel_loop3A_1735 = vector.shape_cast %parallel_loop3A_1699 : vector<16xf32> to vector<1x1x1x16xf32>
      tpu.vector_store %arg5[%parallel_loop3A_1729, %parallel_loop3A_1730, %parallel_loop3A_1731, %parallel_loop3A_1732], %parallel_loop3A_1735 {add = true, strides = array<i32>} : memref<3x4x8x1024xf32, #tpu.memory_space<vmem>>, vector<1x1x1x16xf32>,
    } {sc.loop_unroll_factor = 8 : i64, sc.parallel_access}
    %add3A_955 = arith.constant 64 : i32
    %add3A_956 = arith.addi %mul3A_2, %add3A_955 : i32
    %multiple_of3A_957 = tpu.assume_multiple %add3A_956, 8 : i32
    %dma_start3A_958 = arith.constant 2 : i32
    %dma_start3A_959 = arith.constant 0 : i32
    %dma_start3A_960 = arith.constant 0 : i32
    %dma_start3A_961 = arith.constant 0 : i32
    %dma_start3A_962 = tpu.memref_slice %arg5[%dma_start3A_958, %dma_start3A_959, %dma_start3A_960, %dma_start3A_961] : memref<3x4x8x1024xf32, #tpu.memory_space<vmem>> -> memref<1x4x8x1024xf32, #tpu.memory_space<vmem>>
    %dma_start3A_963 = tpu.memref_squeeze %dma_start3A_962 : memref<1x4x8x1024xf32, #tpu.memory_space<vmem>> -> memref<4x8x1024xf32, #tpu.memory_space<vmem>>
    %dma_start3A_964 = arith.constant 0 : i32
    %dma_start3A_965 = arith.constant 0 : i32
    %dma_start3A_966 = tpu.memref_slice %arg4[%dma_start3A_964, %multiple_of3A_957, %dma_start3A_965] : memref<4x4096x1024xf32, #tpu.memory_space<hbm>> -> memref<4x8x1024xf32, #tpu.memory_space<hbm>>
    %dma_start3A_967 = arith.constant 0 : i32
    %dma_start3A_968 = arith.constant 0 : i32
    %dma_start3A_969 = tpu.memref_slice %arg4[%dma_start3A_967, %multiple_of3A_957, %dma_start3A_968] : memref<4x4096x1024xf32, #tpu.memory_space<hbm>> -> memref<4x8x1024xf32, #tpu.memory_space<hbm>>
    %dma_start3A_970 = arith.constant 0 : i32
    %dma_start3A_971 = arith.constant 0 : i32
    %dma_start3A_972 = arith.constant 0 : i32
    %dma_start3A_973 = tpu.memref_slice %arg5[%dma_start3A_958, %dma_start3A_970, %dma_start3A_971, %dma_start3A_972] : memref<3x4x8x1024xf32, #tpu.memory_space<vmem>> -> memref<1x4x8x1024xf32, #tpu.memory_space<vmem>>
    %dma_start3A_974 = tpu.memref_squeeze %dma_start3A_973 : memref<1x4x8x1024xf32, #tpu.memory_space<vmem>> -> memref<4x8x1024xf32, #tpu.memory_space<vmem>>
    tpu.enqueue_dma source(%dma_start3A_974 : memref<4x8x1024xf32, #tpu.memory_space<vmem>>) target(%dma_start3A_969 : memref<4x8x1024xf32, #tpu.memory_space<hbm>>) target_semaphore(%arg12 : memref<!tpu.dma_semaphore, #tpu.memory_space<semaphore_mem>>)
    %dma_wait3A_975 = arith.constant 2 : i32
    %dma_wait3A_976 = arith.constant 0 : i32
    %dma_wait3A_977 = arith.constant 0 : i32
    %dma_wait3A_978 = arith.constant 0 : i32
    %dma_wait3A_979 = tpu.memref_slice %arg5[%dma_wait3A_975, %dma_wait3A_976, %dma_wait3A_977, %dma_wait3A_978] : memref<3x4x8x1024xf32, #tpu.memory_space<vmem>> -> memref<1x4x8x1024xf32, #tpu.memory_space<vmem>>
    %dma_wait3A_980 = tpu.memref_squeeze %dma_wait3A_979 : memref<1x4x8x1024xf32, #tpu.memory_space<vmem>> -> memref<4x8x1024xf32, #tpu.memory_space<vmem>>
    %dma_wait3A_981 = arith.constant 0 : i32
    %dma_wait3A_982 = arith.constant 0 : i32
    %dma_wait3A_983 = tpu.memref_slice %arg4[%dma_wait3A_981, %multiple_of3A_957, %dma_wait3A_982] : memref<4x4096x1024xf32, #tpu.memory_space<hbm>> -> memref<4x8x1024xf32, #tpu.memory_space<hbm>>
    %dma_wait3A_984 = arith.constant 0 : i32
    %dma_wait3A_985 = arith.constant 0 : i32
    %dma_wait3A_986 = tpu.memref_slice %arg4[%dma_wait3A_984, %multiple_of3A_957, %dma_wait3A_985] : memref<4x4096x1024xf32, #tpu.memory_space<hbm>> -> memref<4x8x1024xf32, #tpu.memory_space<hbm>>
    %dma_wait3A_987 = arith.constant 0 : i32
    %dma_wait3A_988 = arith.constant 0 : i32
    %dma_wait3A_989 = arith.constant 0 : i32
    %dma_wait3A_990 = tpu.memref_slice %arg5[%dma_wait3A_975, %dma_wait3A_987, %dma_wait3A_988, %dma_wait3A_989] : memref<3x4x8x1024xf32, #tpu.memory_space<vmem>> -> memref<1x4x8x1024xf32, #tpu.memory_space<vmem>>
    %dma_wait3A_991 = tpu.memref_squeeze %dma_wait3A_990 : memref<1x4x8x1024xf32, #tpu.memory_space<vmem>> -> memref<4x8x1024xf32, #tpu.memory_space<vmem>>
    tpu.wait_dma2 semaphore(%arg12 : memref<!tpu.dma_semaphore, #tpu.memory_space<semaphore_mem>>) src(%dma_wait3A_991 : memref<4x8x1024xf32, #tpu.memory_space<vmem>>) dst(%dma_wait3A_986 : memref<4x8x1024xf32, #tpu.memory_space<hbm>>)
    %add3A_992 = arith.constant 88 : i32
    %add3A_993 = arith.addi %mul3A_2, %add3A_992 : i32
    %multiple_of3A_994 = tpu.assume_multiple %add3A_993, 8 : i32
    %dma_start3A_995 = arith.constant 2 : i32
    %dma_start3A_996 = arith.constant 0 : i32
    %dma_start3A_997 = arith.constant 0 : i32
    %dma_start3A_998 = tpu.memref_slice %arg6[%dma_start3A_995, %dma_start3A_996, %dma_start3A_997] : memref<3x8x1024xf32, #tpu.memory_space<vmem>> -> memref<1x8x1024xf32, #tpu.memory_space<vmem>>
    %dma_start3A_999 = tpu.memref_squeeze %dma_start3A_998 : memref<1x8x1024xf32, #tpu.memory_space<vmem>> -> memref<8x1024xf32, #tpu.memory_space<vmem>>
    %dma_start3A_1000 = arith.constant 0 : i32
    %dma_start3A_1001 = tpu.memref_slice %arg3[%multiple_of3A_994, %dma_start3A_1000] : memref<8192x1024xf32, #tpu.memory_space<hbm>> -> memref<8x1024xf32, #tpu.memory_space<hbm>>
    %dma_start3A_1002 = arith.constant 0 : i32
    %dma_start3A_1003 = arith.constant 0 : i32
    %dma_start3A_1004 = tpu.memref_slice %arg6[%dma_start3A_995, %dma_start3A_1002, %dma_start3A_1003] : memref<3x8x1024xf32, #tpu.memory_space<vmem>> -> memref<1x8x1024xf32, #tpu.memory_space<vmem>>
    %dma_start3A_1005 = tpu.memref_squeeze %dma_start3A_1004 : memref<1x8x1024xf32, #tpu.memory_space<vmem>> -> memref<8x1024xf32, #tpu.memory_space<vmem>>
    %dma_start3A_1006 = arith.constant 0 : i32
    %dma_start3A_1007 = tpu.memref_slice %arg3[%multiple_of3A_994, %dma_start3A_1006] : memref<8192x1024xf32, #tpu.memory_space<hbm>> -> memref<8x1024xf32, #tpu.memory_space<hbm>>
    tpu.enqueue_dma source(%dma_start3A_1007 : memref<8x1024xf32, #tpu.memory_space<hbm>>) target(%dma_start3A_1005 : memref<8x1024xf32, #tpu.memory_space<vmem>>) target_semaphore(%arg9 : memref<!tpu.dma_semaphore, #tpu.memory_space<semaphore_mem>>)
    %dma_start3A_1008 = arith.constant 2 : i32
    %dma_start3A_1009 = arith.constant 0 : i32
    %dma_start3A_1010 = arith.constant 0 : i32
    %dma_start3A_1011 = arith.constant 0 : i32
    %dma_start3A_1012 = tpu.memref_slice %arg5[%dma_start3A_1008, %dma_start3A_1009, %dma_start3A_1010, %dma_start3A_1011] : memref<3x4x8x1024xf32, #tpu.memory_space<vmem>> -> memref<1x4x8x1024xf32, #tpu.memory_space<vmem>>
    %dma_start3A_1013 = tpu.memref_squeeze %dma_start3A_1012 : memref<1x4x8x1024xf32, #tpu.memory_space<vmem>> -> memref<4x8x1024xf32, #tpu.memory_space<vmem>>
    %dma_start3A_1014 = arith.constant 0 : i32
    %dma_start3A_1015 = arith.constant 0 : i32
    %dma_start3A_1016 = tpu.memref_slice %arg2[%dma_start3A_1014, %multiple_of3A_994, %dma_start3A_1015] : memref<4x4096x1024xf32, #tpu.memory_space<hbm>> -> memref<4x8x1024xf32, #tpu.memory_space<hbm>>
    %dma_start3A_1017 = arith.constant 0 : i32
    %dma_start3A_1018 = arith.constant 0 : i32
    %dma_start3A_1019 = arith.constant 0 : i32
    %dma_start3A_1020 = tpu.memref_slice %arg5[%dma_start3A_1008, %dma_start3A_1017, %dma_start3A_1018, %dma_start3A_1019] : memref<3x4x8x1024xf32, #tpu.memory_space<vmem>> -> memref<1x4x8x1024xf32, #tpu.memory_space<vmem>>
    %dma_start3A_1021 = tpu.memref_squeeze %dma_start3A_1020 : memref<1x4x8x1024xf32, #tpu.memory_space<vmem>> -> memref<4x8x1024xf32, #tpu.memory_space<vmem>>
    %dma_start3A_1022 = arith.constant 0 : i32
    %dma_start3A_1023 = arith.constant 0 : i32
    %dma_start3A_1024 = tpu.memref_slice %arg2[%dma_start3A_1022, %multiple_of3A_994, %dma_start3A_1023] : memref<4x4096x1024xf32, #tpu.memory_space<hbm>> -> memref<4x8x1024xf32, #tpu.memory_space<hbm>>
    tpu.enqueue_dma source(%dma_start3A_1024 : memref<4x8x1024xf32, #tpu.memory_space<hbm>>) target(%dma_start3A_1021 : memref<4x8x1024xf32, #tpu.memory_space<vmem>>) target_semaphore(%arg9 : memref<!tpu.dma_semaphore, #tpu.memory_space<semaphore_mem>>)
    %dma_wait3A_1025 = arith.constant 0 : i32
    %dma_wait3A_1026 = arith.constant 0 : i32
    %dma_wait3A_1027 = arith.constant 0 : i32
    %dma_wait3A_1028 = tpu.memref_slice %arg6[%dma_wait3A_1025, %dma_wait3A_1026, %dma_wait3A_1027] : memref<3x8x1024xf32, #tpu.memory_space<vmem>> -> memref<1x8x1024xf32, #tpu.memory_space<vmem>>
    %dma_wait3A_1029 = tpu.memref_squeeze %dma_wait3A_1028 : memref<1x8x1024xf32, #tpu.memory_space<vmem>> -> memref<8x1024xf32, #tpu.memory_space<vmem>>
    %dma_wait3A_1030 = arith.constant 0 : i32
    %dma_wait3A_1031 = tpu.memref_slice %arg3[%multiple_of3A_788, %dma_wait3A_1030] : memref<8192x1024xf32, #tpu.memory_space<hbm>> -> memref<8x1024xf32, #tpu.memory_space<hbm>>
    %dma_wait3A_1032 = arith.constant 0 : i32
    %dma_wait3A_1033 = arith.constant 0 : i32
    %dma_wait3A_1034 = tpu.memref_slice %arg6[%dma_wait3A_1025, %dma_wait3A_1032, %dma_wait3A_1033] : memref<3x8x1024xf32, #tpu.memory_space<vmem>> -> memref<1x8x1024xf32, #tpu.memory_space<vmem>>
    %dma_wait3A_1035 = tpu.memref_squeeze %dma_wait3A_1034 : memref<1x8x1024xf32, #tpu.memory_space<vmem>> -> memref<8x1024xf32, #tpu.memory_space<vmem>>
    %dma_wait3A_1036 = arith.constant 0 : i32
    %dma_wait3A_1037 = tpu.memref_slice %arg3[%multiple_of3A_788, %dma_wait3A_1036] : memref<8192x1024xf32, #tpu.memory_space<hbm>> -> memref<8x1024xf32, #tpu.memory_space<hbm>>
    tpu.wait_dma2 semaphore(%arg7 : memref<!tpu.dma_semaphore, #tpu.memory_space<semaphore_mem>>) src(%dma_wait3A_1037 : memref<8x1024xf32, #tpu.memory_space<hbm>>) dst(%dma_wait3A_1035 : memref<8x1024xf32, #tpu.memory_space<vmem>>)
    %dma_wait3A_1038 = arith.constant 0 : i32
    %dma_wait3A_1039 = arith.constant 0 : i32
    %dma_wait3A_1040 = arith.constant 0 : i32
    %dma_wait3A_1041 = arith.constant 0 : i32
    %dma_wait3A_1042 = tpu.memref_slice %arg5[%dma_wait3A_1038, %dma_wait3A_1039, %dma_wait3A_1040, %dma_wait3A_1041] : memref<3x4x8x1024xf32, #tpu.memory_space<vmem>> -> memref<1x4x8x1024xf32, #tpu.memory_space<vmem>>
    %dma_wait3A_1043 = tpu.memref_squeeze %dma_wait3A_1042 : memref<1x4x8x1024xf32, #tpu.memory_space<vmem>> -> memref<4x8x1024xf32, #tpu.memory_space<vmem>>
    %dma_wait3A_1044 = arith.constant 0 : i32
    %dma_wait3A_1045 = arith.constant 0 : i32
    %dma_wait3A_1046 = tpu.memref_slice %arg2[%dma_wait3A_1044, %multiple_of3A_788, %dma_wait3A_1045] : memref<4x4096x1024xf32, #tpu.memory_space<hbm>> -> memref<4x8x1024xf32, #tpu.memory_space<hbm>>
    %dma_wait3A_1047 = arith.constant 0 : i32
    %dma_wait3A_1048 = arith.constant 0 : i32
    %dma_wait3A_1049 = arith.constant 0 : i32
    %dma_wait3A_1050 = tpu.memref_slice %arg5[%dma_wait3A_1038, %dma_wait3A_1047, %dma_wait3A_1048, %dma_wait3A_1049] : memref<3x4x8x1024xf32, #tpu.memory_space<vmem>> -> memref<1x4x8x1024xf32, #tpu.memory_space<vmem>>
    %dma_wait3A_1051 = tpu.memref_squeeze %dma_wait3A_1050 : memref<1x4x8x1024xf32, #tpu.memory_space<vmem>> -> memref<4x8x1024xf32, #tpu.memory_space<vmem>>
    %dma_wait3A_1052 = arith.constant 0 : i32
    %dma_wait3A_1053 = arith.constant 0 : i32
    %dma_wait3A_1054 = tpu.memref_slice %arg2[%dma_wait3A_1052, %multiple_of3A_788, %dma_wait3A_1053] : memref<4x4096x1024xf32, #tpu.memory_space<hbm>> -> memref<4x8x1024xf32, #tpu.memory_space<hbm>>
    tpu.wait_dma2 semaphore(%arg7 : memref<!tpu.dma_semaphore, #tpu.memory_space<semaphore_mem>>) src(%dma_wait3A_1054 : memref<4x8x1024xf32, #tpu.memory_space<hbm>>) dst(%dma_wait3A_1051 : memref<4x8x1024xf32, #tpu.memory_space<vmem>>)
    %parallel_loop3A_1055 = arith.constant 0 : i32
    %parallel_loop3A_1056 = arith.constant 512 : i32
    %parallel_loop3A_1057 = arith.constant 1 : i32
    scf.for %parallel_loop3A_1647 = %parallel_loop3A_1055 to %parallel_loop3A_1056 step %parallel_loop3A_1057  : i32 {
      %parallel_loop3A_1648 = arith.constant 64 : i32
      %parallel_loop3A_1649 = arith.divsi %parallel_loop3A_1647, %parallel_loop3A_1648 : i32
      %parallel_loop3A_1650 = arith.constant 0 : i32
      %parallel_loop3A_1651 = arith.cmpi sgt, %parallel_loop3A_1647, %parallel_loop3A_1650 : i32
      %parallel_loop3A_1652 = arith.extui %parallel_loop3A_1651 : i1 to i32
      %parallel_loop3A_1653 = arith.constant 0 : i32
      %parallel_loop3A_1654 = arith.cmpi slt, %parallel_loop3A_1647, %parallel_loop3A_1653 : i32
      %parallel_loop3A_1655 = arith.extui %parallel_loop3A_1654 : i1 to i32
      %parallel_loop3A_1656 = arith.subi %parallel_loop3A_1652, %parallel_loop3A_1655 : i32
      %parallel_loop3A_1657 = arith.constant 0 : i32
      %parallel_loop3A_1658 = arith.cmpi sgt, %parallel_loop3A_1648, %parallel_loop3A_1657 : i32
      %parallel_loop3A_1659 = arith.extui %parallel_loop3A_1658 : i1 to i32
      %parallel_loop3A_1660 = arith.constant 0 : i32
      %parallel_loop3A_1661 = arith.cmpi slt, %parallel_loop3A_1648, %parallel_loop3A_1660 : i32
      %parallel_loop3A_1662 = arith.extui %parallel_loop3A_1661 : i1 to i32
      %parallel_loop3A_1663 = arith.subi %parallel_loop3A_1659, %parallel_loop3A_1662 : i32
      %parallel_loop3A_1664 = arith.cmpi ne, %parallel_loop3A_1656, %parallel_loop3A_1663 : i32
      %parallel_loop3A_1665 = arith.remsi %parallel_loop3A_1647, %parallel_loop3A_1648 : i32
      %parallel_loop3A_1666 = arith.constant 0 : i32
      %parallel_loop3A_1667 = arith.cmpi ne, %parallel_loop3A_1665, %parallel_loop3A_1666 : i32
      %parallel_loop3A_1668 = arith.andi %parallel_loop3A_1664, %parallel_loop3A_1667 : i1
      %parallel_loop3A_1669 = arith.constant 1 : i32
      %parallel_loop3A_1670 = arith.subi %parallel_loop3A_1649, %parallel_loop3A_1669 : i32
      %parallel_loop3A_1671 = arith.select %parallel_loop3A_1668, %parallel_loop3A_1670, %parallel_loop3A_1649 : i32
      %parallel_loop3A_1672 = arith.constant 64 : i32
      %parallel_loop3A_1673 = arith.constant 0 : i32
      %parallel_loop3A_1674 = arith.cmpi eq, %parallel_loop3A_1672, %parallel_loop3A_1673 : i32
      %parallel_loop3A_1675 = arith.constant 1 : i32
      %parallel_loop3A_1676 = arith.select %parallel_loop3A_1674, %parallel_loop3A_1675, %parallel_loop3A_1672 : i32
      %parallel_loop3A_1677 = arith.remsi %parallel_loop3A_1647, %parallel_loop3A_1676 : i32
      %parallel_loop3A_1678 = arith.constant 0 : i32
      %parallel_loop3A_1679 = arith.cmpi ne, %parallel_loop3A_1677, %parallel_loop3A_1678 : i32
      %parallel_loop3A_1680 = arith.constant 0 : i32
      %parallel_loop3A_1681 = arith.cmpi slt, %parallel_loop3A_1677, %parallel_loop3A_1680 : i32
      %parallel_loop3A_1682 = arith.constant 0 : i32
      %parallel_loop3A_1683 = arith.cmpi slt, %parallel_loop3A_1676, %parallel_loop3A_1682 : i32
      %parallel_loop3A_1684 = arith.xori %parallel_loop3A_1681, %parallel_loop3A_1683 : i1
      %parallel_loop3A_1685 = arith.andi %parallel_loop3A_1684, %parallel_loop3A_1679 : i1
      %parallel_loop3A_1686 = arith.addi %parallel_loop3A_1677, %parallel_loop3A_1676 : i32
      %parallel_loop3A_1687 = arith.select %parallel_loop3A_1685, %parallel_loop3A_1686, %parallel_loop3A_1677 : i32
      %parallel_loop3A_1688 = arith.constant 16 : i32
      %parallel_loop3A_1689 = arith.muli %parallel_loop3A_1687, %parallel_loop3A_1688 : i32
      %parallel_loop3A_1690 = tpu.assume_multiple %parallel_loop3A_1689, 16 : i32
      %parallel_loop3A_1691 = arith.constant 0 : i32
      %parallel_loop3A_1692 = arith.index_cast %parallel_loop3A_1691 : i32 to index
      %parallel_loop3A_1693 = arith.index_cast %parallel_loop3A_1671 : i32 to index
      %parallel_loop3A_1694 = arith.index_cast %parallel_loop3A_1690 : i32 to index
      %parallel_loop3A_1695 = tpu.vector_load %arg6[%parallel_loop3A_1692, %parallel_loop3A_1693, %parallel_loop3A_1694] {strides = array<i32>} : memref<3x8x1024xf32, #tpu.memory_space<vmem>>, vector<1x1x16xf32>,
      %parallel_loop3A_1696 = vector.shape_cast %parallel_loop3A_1695 : vector<1x1x16xf32> to vector<16xf32>
      %parallel_loop3A_1697 = arith.constant 3.200000e+01 : f32
      %parallel_loop3A_1698 = vector.broadcast %parallel_loop3A_1697 : f32 to vector<16xf32>
      %parallel_loop3A_1699 = arith.mulf %parallel_loop3A_1696, %parallel_loop3A_1698 : vector<16xf32>
      %parallel_loop3A_1700 = arith.constant 0 : i32
      %parallel_loop3A_1701 = arith.constant 0 : i32
      %parallel_loop3A_1702 = arith.index_cast %parallel_loop3A_1700 : i32 to index
      %parallel_loop3A_1703 = arith.index_cast %parallel_loop3A_1701 : i32 to index
      %parallel_loop3A_1704 = arith.index_cast %parallel_loop3A_1671 : i32 to index
      %parallel_loop3A_1705 = arith.index_cast %parallel_loop3A_1690 : i32 to index
      %parallel_loop3A_1706 = tpu.vector_load %arg5[%parallel_loop3A_1702, %parallel_loop3A_1703, %parallel_loop3A_1704, %parallel_loop3A_1705] {strides = array<i32>} : memref<3x4x8x1024xf32, #tpu.memory_space<vmem>>, vector<1x1x1x16xf32>,
      %parallel_loop3A_1707 = vector.shape_cast %parallel_loop3A_1706 : vector<1x1x1x16xf32> to vector<16xf32>
      %parallel_loop3A_1708 = vector.shape_cast %parallel_loop3A_1699 : vector<16xf32> to vector<1x1x1x16xf32>
      tpu.vector_store %arg5[%parallel_loop3A_1702, %parallel_loop3A_1703, %parallel_loop3A_1704, %parallel_loop3A_1705], %parallel_loop3A_1708 {add = true, strides = array<i32>} : memref<3x4x8x1024xf32, #tpu.memory_space<vmem>>, vector<1x1x1x16xf32>,
      %parallel_loop3A_1709 = arith.constant 0 : i32
      %parallel_loop3A_1710 = arith.constant 1 : i32
      %parallel_loop3A_1711 = arith.index_cast %parallel_loop3A_1709 : i32 to index
      %parallel_loop3A_1712 = arith.index_cast %parallel_loop3A_1710 : i32 to index
      %parallel_loop3A_1713 = arith.index_cast %parallel_loop3A_1671 : i32 to index
      %parallel_loop3A_1714 = arith.index_cast %parallel_loop3A_1690 : i32 to index
      %parallel_loop3A_1715 = tpu.vector_load %arg5[%parallel_loop3A_1711, %parallel_loop3A_1712, %parallel_loop3A_1713, %parallel_loop3A_1714] {strides = array<i32>} : memref<3x4x8x1024xf32, #tpu.memory_space<vmem>>, vector<1x1x1x16xf32>,
      %parallel_loop3A_1716 = vector.shape_cast %parallel_loop3A_1715 : vector<1x1x1x16xf32> to vector<16xf32>
      %parallel_loop3A_1717 = vector.shape_cast %parallel_loop3A_1699 : vector<16xf32> to vector<1x1x1x16xf32>
      tpu.vector_store %arg5[%parallel_loop3A_1711, %parallel_loop3A_1712, %parallel_loop3A_1713, %parallel_loop3A_1714], %parallel_loop3A_1717 {add = true, strides = array<i32>} : memref<3x4x8x1024xf32, #tpu.memory_space<vmem>>, vector<1x1x1x16xf32>,
      %parallel_loop3A_1718 = arith.constant 0 : i32
      %parallel_loop3A_1719 = arith.constant 2 : i32
      %parallel_loop3A_1720 = arith.index_cast %parallel_loop3A_1718 : i32 to index
      %parallel_loop3A_1721 = arith.index_cast %parallel_loop3A_1719 : i32 to index
      %parallel_loop3A_1722 = arith.index_cast %parallel_loop3A_1671 : i32 to index
      %parallel_loop3A_1723 = arith.index_cast %parallel_loop3A_1690 : i32 to index
      %parallel_loop3A_1724 = tpu.vector_load %arg5[%parallel_loop3A_1720, %parallel_loop3A_1721, %parallel_loop3A_1722, %parallel_loop3A_1723] {strides = array<i32>} : memref<3x4x8x1024xf32, #tpu.memory_space<vmem>>, vector<1x1x1x16xf32>,
      %parallel_loop3A_1725 = vector.shape_cast %parallel_loop3A_1724 : vector<1x1x1x16xf32> to vector<16xf32>
      %parallel_loop3A_1726 = vector.shape_cast %parallel_loop3A_1699 : vector<16xf32> to vector<1x1x1x16xf32>
      tpu.vector_store %arg5[%parallel_loop3A_1720, %parallel_loop3A_1721, %parallel_loop3A_1722, %parallel_loop3A_1723], %parallel_loop3A_1726 {add = true, strides = array<i32>} : memref<3x4x8x1024xf32, #tpu.memory_space<vmem>>, vector<1x1x1x16xf32>,
      %parallel_loop3A_1727 = arith.constant 0 : i32
      %parallel_loop3A_1728 = arith.constant 3 : i32
      %parallel_loop3A_1729 = arith.index_cast %parallel_loop3A_1727 : i32 to index
      %parallel_loop3A_1730 = arith.index_cast %parallel_loop3A_1728 : i32 to index
      %parallel_loop3A_1731 = arith.index_cast %parallel_loop3A_1671 : i32 to index
      %parallel_loop3A_1732 = arith.index_cast %parallel_loop3A_1690 : i32 to index
      %parallel_loop3A_1733 = tpu.vector_load %arg5[%parallel_loop3A_1729, %parallel_loop3A_1730, %parallel_loop3A_1731, %parallel_loop3A_1732] {strides = array<i32>} : memref<3x4x8x1024xf32, #tpu.memory_space<vmem>>, vector<1x1x1x16xf32>,
      %parallel_loop3A_1734 = vector.shape_cast %parallel_loop3A_1733 : vector<1x1x1x16xf32> to vector<16xf32>
      %parallel_loop3A_1735 = vector.shape_cast %parallel_loop3A_1699 : vector<16xf32> to vector<1x1x1x16xf32>
      tpu.vector_store %arg5[%parallel_loop3A_1729, %parallel_loop3A_1730, %parallel_loop3A_1731, %parallel_loop3A_1732], %parallel_loop3A_1735 {add = true, strides = array<i32>} : memref<3x4x8x1024xf32, #tpu.memory_space<vmem>>, vector<1x1x1x16xf32>,
    } {sc.loop_unroll_factor = 8 : i64, sc.parallel_access}
    %add3A_1058 = arith.constant 72 : i32
    %add3A_1059 = arith.addi %mul3A_2, %add3A_1058 : i32
    %multiple_of3A_1060 = tpu.assume_multiple %add3A_1059, 8 : i32
    %dma_start3A_1061 = arith.constant 0 : i32
    %dma_start3A_1062 = arith.constant 0 : i32
    %dma_start3A_1063 = arith.constant 0 : i32
    %dma_start3A_1064 = arith.constant 0 : i32
    %dma_start3A_1065 = tpu.memref_slice %arg5[%dma_start3A_1061, %dma_start3A_1062, %dma_start3A_1063, %dma_start3A_1064] : memref<3x4x8x1024xf32, #tpu.memory_space<vmem>> -> memref<1x4x8x1024xf32, #tpu.memory_space<vmem>>
    %dma_start3A_1066 = tpu.memref_squeeze %dma_start3A_1065 : memref<1x4x8x1024xf32, #tpu.memory_space<vmem>> -> memref<4x8x1024xf32, #tpu.memory_space<vmem>>
    %dma_start3A_1067 = arith.constant 0 : i32
    %dma_start3A_1068 = arith.constant 0 : i32
    %dma_start3A_1069 = tpu.memref_slice %arg4[%dma_start3A_1067, %multiple_of3A_1060, %dma_start3A_1068] : memref<4x4096x1024xf32, #tpu.memory_space<hbm>> -> memref<4x8x1024xf32, #tpu.memory_space<hbm>>
    %dma_start3A_1070 = arith.constant 0 : i32
    %dma_start3A_1071 = arith.constant 0 : i32
    %dma_start3A_1072 = tpu.memref_slice %arg4[%dma_start3A_1070, %multiple_of3A_1060, %dma_start3A_1071] : memref<4x4096x1024xf32, #tpu.memory_space<hbm>> -> memref<4x8x1024xf32, #tpu.memory_space<hbm>>
    %dma_start3A_1073 = arith.constant 0 : i32
    %dma_start3A_1074 = arith.constant 0 : i32
    %dma_start3A_1075 = arith.constant 0 : i32
    %dma_start3A_1076 = tpu.memref_slice %arg5[%dma_start3A_1061, %dma_start3A_1073, %dma_start3A_1074, %dma_start3A_1075] : memref<3x4x8x1024xf32, #tpu.memory_space<vmem>> -> memref<1x4x8x1024xf32, #tpu.memory_space<vmem>>
    %dma_start3A_1077 = tpu.memref_squeeze %dma_start3A_1076 : memref<1x4x8x1024xf32, #tpu.memory_space<vmem>> -> memref<4x8x1024xf32, #tpu.memory_space<vmem>>
    tpu.enqueue_dma source(%dma_start3A_1077 : memref<4x8x1024xf32, #tpu.memory_space<vmem>>) target(%dma_start3A_1072 : memref<4x8x1024xf32, #tpu.memory_space<hbm>>) target_semaphore(%arg10 : memref<!tpu.dma_semaphore, #tpu.memory_space<semaphore_mem>>)
    %dma_wait3A_1078 = arith.constant 0 : i32
    %dma_wait3A_1079 = arith.constant 0 : i32
    %dma_wait3A_1080 = arith.constant 0 : i32
    %dma_wait3A_1081 = arith.constant 0 : i32
    %dma_wait3A_1082 = tpu.memref_slice %arg5[%dma_wait3A_1078, %dma_wait3A_1079, %dma_wait3A_1080, %dma_wait3A_1081] : memref<3x4x8x1024xf32, #tpu.memory_space<vmem>> -> memref<1x4x8x1024xf32, #tpu.memory_space<vmem>>
    %dma_wait3A_1083 = tpu.memref_squeeze %dma_wait3A_1082 : memref<1x4x8x1024xf32, #tpu.memory_space<vmem>> -> memref<4x8x1024xf32, #tpu.memory_space<vmem>>
    %dma_wait3A_1084 = arith.constant 0 : i32
    %dma_wait3A_1085 = arith.constant 0 : i32
    %dma_wait3A_1086 = tpu.memref_slice %arg4[%dma_wait3A_1084, %multiple_of3A_1060, %dma_wait3A_1085] : memref<4x4096x1024xf32, #tpu.memory_space<hbm>> -> memref<4x8x1024xf32, #tpu.memory_space<hbm>>
    %dma_wait3A_1087 = arith.constant 0 : i32
    %dma_wait3A_1088 = arith.constant 0 : i32
    %dma_wait3A_1089 = tpu.memref_slice %arg4[%dma_wait3A_1087, %multiple_of3A_1060, %dma_wait3A_1088] : memref<4x4096x1024xf32, #tpu.memory_space<hbm>> -> memref<4x8x1024xf32, #tpu.memory_space<hbm>>
    %dma_wait3A_1090 = arith.constant 0 : i32
    %dma_wait3A_1091 = arith.constant 0 : i32
    %dma_wait3A_1092 = arith.constant 0 : i32
    %dma_wait3A_1093 = tpu.memref_slice %arg5[%dma_wait3A_1078, %dma_wait3A_1090, %dma_wait3A_1091, %dma_wait3A_1092] : memref<3x4x8x1024xf32, #tpu.memory_space<vmem>> -> memref<1x4x8x1024xf32, #tpu.memory_space<vmem>>
    %dma_wait3A_1094 = tpu.memref_squeeze %dma_wait3A_1093 : memref<1x4x8x1024xf32, #tpu.memory_space<vmem>> -> memref<4x8x1024xf32, #tpu.memory_space<vmem>>
    tpu.wait_dma2 semaphore(%arg10 : memref<!tpu.dma_semaphore, #tpu.memory_space<semaphore_mem>>) src(%dma_wait3A_1094 : memref<4x8x1024xf32, #tpu.memory_space<vmem>>) dst(%dma_wait3A_1089 : memref<4x8x1024xf32, #tpu.memory_space<hbm>>)
    %add3A_1095 = arith.constant 96 : i32
    %add3A_1096 = arith.addi %mul3A_2, %add3A_1095 : i32
    %multiple_of3A_1097 = tpu.assume_multiple %add3A_1096, 8 : i32
    %dma_start3A_1098 = arith.constant 0 : i32
    %dma_start3A_1099 = arith.constant 0 : i32
    %dma_start3A_1100 = arith.constant 0 : i32
    %dma_start3A_1101 = tpu.memref_slice %arg6[%dma_start3A_1098, %dma_start3A_1099, %dma_start3A_1100] : memref<3x8x1024xf32, #tpu.memory_space<vmem>> -> memref<1x8x1024xf32, #tpu.memory_space<vmem>>
    %dma_start3A_1102 = tpu.memref_squeeze %dma_start3A_1101 : memref<1x8x1024xf32, #tpu.memory_space<vmem>> -> memref<8x1024xf32, #tpu.memory_space<vmem>>
    %dma_start3A_1103 = arith.constant 0 : i32
    %dma_start3A_1104 = tpu.memref_slice %arg3[%multiple_of3A_1097, %dma_start3A_1103] : memref<8192x1024xf32, #tpu.memory_space<hbm>> -> memref<8x1024xf32, #tpu.memory_space<hbm>>
    %dma_start3A_1105 = arith.constant 0 : i32
    %dma_start3A_1106 = arith.constant 0 : i32
    %dma_start3A_1107 = tpu.memref_slice %arg6[%dma_start3A_1098, %dma_start3A_1105, %dma_start3A_1106] : memref<3x8x1024xf32, #tpu.memory_space<vmem>> -> memref<1x8x1024xf32, #tpu.memory_space<vmem>>
    %dma_start3A_1108 = tpu.memref_squeeze %dma_start3A_1107 : memref<1x8x1024xf32, #tpu.memory_space<vmem>> -> memref<8x1024xf32, #tpu.memory_space<vmem>>
    %dma_start3A_1109 = arith.constant 0 : i32
    %dma_start3A_1110 = tpu.memref_slice %arg3[%multiple_of3A_1097, %dma_start3A_1109] : memref<8192x1024xf32, #tpu.memory_space<hbm>> -> memref<8x1024xf32, #tpu.memory_space<hbm>>
    tpu.enqueue_dma source(%dma_start3A_1110 : memref<8x1024xf32, #tpu.memory_space<hbm>>) target(%dma_start3A_1108 : memref<8x1024xf32, #tpu.memory_space<vmem>>) target_semaphore(%arg7 : memref<!tpu.dma_semaphore, #tpu.memory_space<semaphore_mem>>)
    %dma_start3A_1111 = arith.constant 0 : i32
    %dma_start3A_1112 = arith.constant 0 : i32
    %dma_start3A_1113 = arith.constant 0 : i32
    %dma_start3A_1114 = arith.constant 0 : i32
    %dma_start3A_1115 = tpu.memref_slice %arg5[%dma_start3A_1111, %dma_start3A_1112, %dma_start3A_1113, %dma_start3A_1114] : memref<3x4x8x1024xf32, #tpu.memory_space<vmem>> -> memref<1x4x8x1024xf32, #tpu.memory_space<vmem>>
    %dma_start3A_1116 = tpu.memref_squeeze %dma_start3A_1115 : memref<1x4x8x1024xf32, #tpu.memory_space<vmem>> -> memref<4x8x1024xf32, #tpu.memory_space<vmem>>
    %dma_start3A_1117 = arith.constant 0 : i32
    %dma_start3A_1118 = arith.constant 0 : i32
    %dma_start3A_1119 = tpu.memref_slice %arg2[%dma_start3A_1117, %multiple_of3A_1097, %dma_start3A_1118] : memref<4x4096x1024xf32, #tpu.memory_space<hbm>> -> memref<4x8x1024xf32, #tpu.memory_space<hbm>>
    %dma_start3A_1120 = arith.constant 0 : i32
    %dma_start3A_1121 = arith.constant 0 : i32
    %dma_start3A_1122 = arith.constant 0 : i32
    %dma_start3A_1123 = tpu.memref_slice %arg5[%dma_start3A_1111, %dma_start3A_1120, %dma_start3A_1121, %dma_start3A_1122] : memref<3x4x8x1024xf32, #tpu.memory_space<vmem>> -> memref<1x4x8x1024xf32, #tpu.memory_space<vmem>>
    %dma_start3A_1124 = tpu.memref_squeeze %dma_start3A_1123 : memref<1x4x8x1024xf32, #tpu.memory_space<vmem>> -> memref<4x8x1024xf32, #tpu.memory_space<vmem>>
    %dma_start3A_1125 = arith.constant 0 : i32
    %dma_start3A_1126 = arith.constant 0 : i32
    %dma_start3A_1127 = tpu.memref_slice %arg2[%dma_start3A_1125, %multiple_of3A_1097, %dma_start3A_1126] : memref<4x4096x1024xf32, #tpu.memory_space<hbm>> -> memref<4x8x1024xf32, #tpu.memory_space<hbm>>
    tpu.enqueue_dma source(%dma_start3A_1127 : memref<4x8x1024xf32, #tpu.memory_space<hbm>>) target(%dma_start3A_1124 : memref<4x8x1024xf32, #tpu.memory_space<vmem>>) target_semaphore(%arg7 : memref<!tpu.dma_semaphore, #tpu.memory_space<semaphore_mem>>)
    %dma_wait3A_1128 = arith.constant 1 : i32
    %dma_wait3A_1129 = arith.constant 0 : i32
    %dma_wait3A_1130 = arith.constant 0 : i32
    %dma_wait3A_1131 = tpu.memref_slice %arg6[%dma_wait3A_1128, %dma_wait3A_1129, %dma_wait3A_1130] : memref<3x8x1024xf32, #tpu.memory_space<vmem>> -> memref<1x8x1024xf32, #tpu.memory_space<vmem>>
    %dma_wait3A_1132 = tpu.memref_squeeze %dma_wait3A_1131 : memref<1x8x1024xf32, #tpu.memory_space<vmem>> -> memref<8x1024xf32, #tpu.memory_space<vmem>>
    %dma_wait3A_1133 = arith.constant 0 : i32
    %dma_wait3A_1134 = tpu.memref_slice %arg3[%multiple_of3A_891, %dma_wait3A_1133] : memref<8192x1024xf32, #tpu.memory_space<hbm>> -> memref<8x1024xf32, #tpu.memory_space<hbm>>
    %dma_wait3A_1135 = arith.constant 0 : i32
    %dma_wait3A_1136 = arith.constant 0 : i32
    %dma_wait3A_1137 = tpu.memref_slice %arg6[%dma_wait3A_1128, %dma_wait3A_1135, %dma_wait3A_1136] : memref<3x8x1024xf32, #tpu.memory_space<vmem>> -> memref<1x8x1024xf32, #tpu.memory_space<vmem>>
    %dma_wait3A_1138 = tpu.memref_squeeze %dma_wait3A_1137 : memref<1x8x1024xf32, #tpu.memory_space<vmem>> -> memref<8x1024xf32, #tpu.memory_space<vmem>>
    %dma_wait3A_1139 = arith.constant 0 : i32
    %dma_wait3A_1140 = tpu.memref_slice %arg3[%multiple_of3A_891, %dma_wait3A_1139] : memref<8192x1024xf32, #tpu.memory_space<hbm>> -> memref<8x1024xf32, #tpu.memory_space<hbm>>
    tpu.wait_dma2 semaphore(%arg8 : memref<!tpu.dma_semaphore, #tpu.memory_space<semaphore_mem>>) src(%dma_wait3A_1140 : memref<8x1024xf32, #tpu.memory_space<hbm>>) dst(%dma_wait3A_1138 : memref<8x1024xf32, #tpu.memory_space<vmem>>)
    %dma_wait3A_1141 = arith.constant 1 : i32
    %dma_wait3A_1142 = arith.constant 0 : i32
    %dma_wait3A_1143 = arith.constant 0 : i32
    %dma_wait3A_1144 = arith.constant 0 : i32
    %dma_wait3A_1145 = tpu.memref_slice %arg5[%dma_wait3A_1141, %dma_wait3A_1142, %dma_wait3A_1143, %dma_wait3A_1144] : memref<3x4x8x1024xf32, #tpu.memory_space<vmem>> -> memref<1x4x8x1024xf32, #tpu.memory_space<vmem>>
    %dma_wait3A_1146 = tpu.memref_squeeze %dma_wait3A_1145 : memref<1x4x8x1024xf32, #tpu.memory_space<vmem>> -> memref<4x8x1024xf32, #tpu.memory_space<vmem>>
    %dma_wait3A_1147 = arith.constant 0 : i32
    %dma_wait3A_1148 = arith.constant 0 : i32
    %dma_wait3A_1149 = tpu.memref_slice %arg2[%dma_wait3A_1147, %multiple_of3A_891, %dma_wait3A_1148] : memref<4x4096x1024xf32, #tpu.memory_space<hbm>> -> memref<4x8x1024xf32, #tpu.memory_space<hbm>>
    %dma_wait3A_1150 = arith.constant 0 : i32
    %dma_wait3A_1151 = arith.constant 0 : i32
    %dma_wait3A_1152 = arith.constant 0 : i32
    %dma_wait3A_1153 = tpu.memref_slice %arg5[%dma_wait3A_1141, %dma_wait3A_1150, %dma_wait3A_1151, %dma_wait3A_1152] : memref<3x4x8x1024xf32, #tpu.memory_space<vmem>> -> memref<1x4x8x1024xf32, #tpu.memory_space<vmem>>
    %dma_wait3A_1154 = tpu.memref_squeeze %dma_wait3A_1153 : memref<1x4x8x1024xf32, #tpu.memory_space<vmem>> -> memref<4x8x1024xf32, #tpu.memory_space<vmem>>
    %dma_wait3A_1155 = arith.constant 0 : i32
    %dma_wait3A_1156 = arith.constant 0 : i32
    %dma_wait3A_1157 = tpu.memref_slice %arg2[%dma_wait3A_1155, %multiple_of3A_891, %dma_wait3A_1156] : memref<4x4096x1024xf32, #tpu.memory_space<hbm>> -> memref<4x8x1024xf32, #tpu.memory_space<hbm>>
    tpu.wait_dma2 semaphore(%arg8 : memref<!tpu.dma_semaphore, #tpu.memory_space<semaphore_mem>>) src(%dma_wait3A_1157 : memref<4x8x1024xf32, #tpu.memory_space<hbm>>) dst(%dma_wait3A_1154 : memref<4x8x1024xf32, #tpu.memory_space<vmem>>)
    %parallel_loop3A_1158 = arith.constant 0 : i32
    %parallel_loop3A_1159 = arith.constant 512 : i32
    %parallel_loop3A_1160 = arith.constant 1 : i32
    scf.for %parallel_loop3A_1647 = %parallel_loop3A_1158 to %parallel_loop3A_1159 step %parallel_loop3A_1160  : i32 {
      %parallel_loop3A_1648 = arith.constant 64 : i32
      %parallel_loop3A_1649 = arith.divsi %parallel_loop3A_1647, %parallel_loop3A_1648 : i32
      %parallel_loop3A_1650 = arith.constant 0 : i32
      %parallel_loop3A_1651 = arith.cmpi sgt, %parallel_loop3A_1647, %parallel_loop3A_1650 : i32
      %parallel_loop3A_1652 = arith.extui %parallel_loop3A_1651 : i1 to i32
      %parallel_loop3A_1653 = arith.constant 0 : i32
      %parallel_loop3A_1654 = arith.cmpi slt, %parallel_loop3A_1647, %parallel_loop3A_1653 : i32
      %parallel_loop3A_1655 = arith.extui %parallel_loop3A_1654 : i1 to i32
      %parallel_loop3A_1656 = arith.subi %parallel_loop3A_1652, %parallel_loop3A_1655 : i32
      %parallel_loop3A_1657 = arith.constant 0 : i32
      %parallel_loop3A_1658 = arith.cmpi sgt, %parallel_loop3A_1648, %parallel_loop3A_1657 : i32
      %parallel_loop3A_1659 = arith.extui %parallel_loop3A_1658 : i1 to i32
      %parallel_loop3A_1660 = arith.constant 0 : i32
      %parallel_loop3A_1661 = arith.cmpi slt, %parallel_loop3A_1648, %parallel_loop3A_1660 : i32
      %parallel_loop3A_1662 = arith.extui %parallel_loop3A_1661 : i1 to i32
      %parallel_loop3A_1663 = arith.subi %parallel_loop3A_1659, %parallel_loop3A_1662 : i32
      %parallel_loop3A_1664 = arith.cmpi ne, %parallel_loop3A_1656, %parallel_loop3A_1663 : i32
      %parallel_loop3A_1665 = arith.remsi %parallel_loop3A_1647, %parallel_loop3A_1648 : i32
      %parallel_loop3A_1666 = arith.constant 0 : i32
      %parallel_loop3A_1667 = arith.cmpi ne, %parallel_loop3A_1665, %parallel_loop3A_1666 : i32
      %parallel_loop3A_1668 = arith.andi %parallel_loop3A_1664, %parallel_loop3A_1667 : i1
      %parallel_loop3A_1669 = arith.constant 1 : i32
      %parallel_loop3A_1670 = arith.subi %parallel_loop3A_1649, %parallel_loop3A_1669 : i32
      %parallel_loop3A_1671 = arith.select %parallel_loop3A_1668, %parallel_loop3A_1670, %parallel_loop3A_1649 : i32
      %parallel_loop3A_1672 = arith.constant 64 : i32
      %parallel_loop3A_1673 = arith.constant 0 : i32
      %parallel_loop3A_1674 = arith.cmpi eq, %parallel_loop3A_1672, %parallel_loop3A_1673 : i32
      %parallel_loop3A_1675 = arith.constant 1 : i32
      %parallel_loop3A_1676 = arith.select %parallel_loop3A_1674, %parallel_loop3A_1675, %parallel_loop3A_1672 : i32
      %parallel_loop3A_1677 = arith.remsi %parallel_loop3A_1647, %parallel_loop3A_1676 : i32
      %parallel_loop3A_1678 = arith.constant 0 : i32
      %parallel_loop3A_1679 = arith.cmpi ne, %parallel_loop3A_1677, %parallel_loop3A_1678 : i32
      %parallel_loop3A_1680 = arith.constant 0 : i32
      %parallel_loop3A_1681 = arith.cmpi slt, %parallel_loop3A_1677, %parallel_loop3A_1680 : i32
      %parallel_loop3A_1682 = arith.constant 0 : i32
      %parallel_loop3A_1683 = arith.cmpi slt, %parallel_loop3A_1676, %parallel_loop3A_1682 : i32
      %parallel_loop3A_1684 = arith.xori %parallel_loop3A_1681, %parallel_loop3A_1683 : i1
      %parallel_loop3A_1685 = arith.andi %parallel_loop3A_1684, %parallel_loop3A_1679 : i1
      %parallel_loop3A_1686 = arith.addi %parallel_loop3A_1677, %parallel_loop3A_1676 : i32
      %parallel_loop3A_1687 = arith.select %parallel_loop3A_1685, %parallel_loop3A_1686, %parallel_loop3A_1677 : i32
      %parallel_loop3A_1688 = arith.constant 16 : i32
      %parallel_loop3A_1689 = arith.muli %parallel_loop3A_1687, %parallel_loop3A_1688 : i32
      %parallel_loop3A_1690 = tpu.assume_multiple %parallel_loop3A_1689, 16 : i32
      %parallel_loop3A_1691 = arith.constant 1 : i32
      %parallel_loop3A_1692 = arith.index_cast %parallel_loop3A_1691 : i32 to index
      %parallel_loop3A_1693 = arith.index_cast %parallel_loop3A_1671 : i32 to index
      %parallel_loop3A_1694 = arith.index_cast %parallel_loop3A_1690 : i32 to index
      %parallel_loop3A_1695 = tpu.vector_load %arg6[%parallel_loop3A_1692, %parallel_loop3A_1693, %parallel_loop3A_1694] {strides = array<i32>} : memref<3x8x1024xf32, #tpu.memory_space<vmem>>, vector<1x1x16xf32>,
      %parallel_loop3A_1696 = vector.shape_cast %parallel_loop3A_1695 : vector<1x1x16xf32> to vector<16xf32>
      %parallel_loop3A_1697 = arith.constant 3.200000e+01 : f32
      %parallel_loop3A_1698 = vector.broadcast %parallel_loop3A_1697 : f32 to vector<16xf32>
      %parallel_loop3A_1699 = arith.mulf %parallel_loop3A_1696, %parallel_loop3A_1698 : vector<16xf32>
      %parallel_loop3A_1700 = arith.constant 1 : i32
      %parallel_loop3A_1701 = arith.constant 0 : i32
      %parallel_loop3A_1702 = arith.index_cast %parallel_loop3A_1700 : i32 to index
      %parallel_loop3A_1703 = arith.index_cast %parallel_loop3A_1701 : i32 to index
      %parallel_loop3A_1704 = arith.index_cast %parallel_loop3A_1671 : i32 to index
      %parallel_loop3A_1705 = arith.index_cast %parallel_loop3A_1690 : i32 to index
      %parallel_loop3A_1706 = tpu.vector_load %arg5[%parallel_loop3A_1702, %parallel_loop3A_1703, %parallel_loop3A_1704, %parallel_loop3A_1705] {strides = array<i32>} : memref<3x4x8x1024xf32, #tpu.memory_space<vmem>>, vector<1x1x1x16xf32>,
      %parallel_loop3A_1707 = vector.shape_cast %parallel_loop3A_1706 : vector<1x1x1x16xf32> to vector<16xf32>
      %parallel_loop3A_1708 = vector.shape_cast %parallel_loop3A_1699 : vector<16xf32> to vector<1x1x1x16xf32>
      tpu.vector_store %arg5[%parallel_loop3A_1702, %parallel_loop3A_1703, %parallel_loop3A_1704, %parallel_loop3A_1705], %parallel_loop3A_1708 {add = true, strides = array<i32>} : memref<3x4x8x1024xf32, #tpu.memory_space<vmem>>, vector<1x1x1x16xf32>,
      %parallel_loop3A_1709 = arith.constant 1 : i32
      %parallel_loop3A_1710 = arith.constant 1 : i32
      %parallel_loop3A_1711 = arith.index_cast %parallel_loop3A_1709 : i32 to index
      %parallel_loop3A_1712 = arith.index_cast %parallel_loop3A_1710 : i32 to index
      %parallel_loop3A_1713 = arith.index_cast %parallel_loop3A_1671 : i32 to index
      %parallel_loop3A_1714 = arith.index_cast %parallel_loop3A_1690 : i32 to index
      %parallel_loop3A_1715 = tpu.vector_load %arg5[%parallel_loop3A_1711, %parallel_loop3A_1712, %parallel_loop3A_1713, %parallel_loop3A_1714] {strides = array<i32>} : memref<3x4x8x1024xf32, #tpu.memory_space<vmem>>, vector<1x1x1x16xf32>,
      %parallel_loop3A_1716 = vector.shape_cast %parallel_loop3A_1715 : vector<1x1x1x16xf32> to vector<16xf32>
      %parallel_loop3A_1717 = vector.shape_cast %parallel_loop3A_1699 : vector<16xf32> to vector<1x1x1x16xf32>
      tpu.vector_store %arg5[%parallel_loop3A_1711, %parallel_loop3A_1712, %parallel_loop3A_1713, %parallel_loop3A_1714], %parallel_loop3A_1717 {add = true, strides = array<i32>} : memref<3x4x8x1024xf32, #tpu.memory_space<vmem>>, vector<1x1x1x16xf32>,
      %parallel_loop3A_1718 = arith.constant 1 : i32
      %parallel_loop3A_1719 = arith.constant 2 : i32
      %parallel_loop3A_1720 = arith.index_cast %parallel_loop3A_1718 : i32 to index
      %parallel_loop3A_1721 = arith.index_cast %parallel_loop3A_1719 : i32 to index
      %parallel_loop3A_1722 = arith.index_cast %parallel_loop3A_1671 : i32 to index
      %parallel_loop3A_1723 = arith.index_cast %parallel_loop3A_1690 : i32 to index
      %parallel_loop3A_1724 = tpu.vector_load %arg5[%parallel_loop3A_1720, %parallel_loop3A_1721, %parallel_loop3A_1722, %parallel_loop3A_1723] {strides = array<i32>} : memref<3x4x8x1024xf32, #tpu.memory_space<vmem>>, vector<1x1x1x16xf32>,
      %parallel_loop3A_1725 = vector.shape_cast %parallel_loop3A_1724 : vector<1x1x1x16xf32> to vector<16xf32>
      %parallel_loop3A_1726 = vector.shape_cast %parallel_loop3A_1699 : vector<16xf32> to vector<1x1x1x16xf32>
      tpu.vector_store %arg5[%parallel_loop3A_1720, %parallel_loop3A_1721, %parallel_loop3A_1722, %parallel_loop3A_1723], %parallel_loop3A_1726 {add = true, strides = array<i32>} : memref<3x4x8x1024xf32, #tpu.memory_space<vmem>>, vector<1x1x1x16xf32>,
      %parallel_loop3A_1727 = arith.constant 1 : i32
      %parallel_loop3A_1728 = arith.constant 3 : i32
      %parallel_loop3A_1729 = arith.index_cast %parallel_loop3A_1727 : i32 to index
      %parallel_loop3A_1730 = arith.index_cast %parallel_loop3A_1728 : i32 to index
      %parallel_loop3A_1731 = arith.index_cast %parallel_loop3A_1671 : i32 to index
      %parallel_loop3A_1732 = arith.index_cast %parallel_loop3A_1690 : i32 to index
      %parallel_loop3A_1733 = tpu.vector_load %arg5[%parallel_loop3A_1729, %parallel_loop3A_1730, %parallel_loop3A_1731, %parallel_loop3A_1732] {strides = array<i32>} : memref<3x4x8x1024xf32, #tpu.memory_space<vmem>>, vector<1x1x1x16xf32>,
      %parallel_loop3A_1734 = vector.shape_cast %parallel_loop3A_1733 : vector<1x1x1x16xf32> to vector<16xf32>
      %parallel_loop3A_1735 = vector.shape_cast %parallel_loop3A_1699 : vector<16xf32> to vector<1x1x1x16xf32>
      tpu.vector_store %arg5[%parallel_loop3A_1729, %parallel_loop3A_1730, %parallel_loop3A_1731, %parallel_loop3A_1732], %parallel_loop3A_1735 {add = true, strides = array<i32>} : memref<3x4x8x1024xf32, #tpu.memory_space<vmem>>, vector<1x1x1x16xf32>,
    } {sc.loop_unroll_factor = 8 : i64, sc.parallel_access}
    %add3A_1161 = arith.constant 80 : i32
    %add3A_1162 = arith.addi %mul3A_2, %add3A_1161 : i32
    %multiple_of3A_1163 = tpu.assume_multiple %add3A_1162, 8 : i32
    %dma_start3A_1164 = arith.constant 1 : i32
    %dma_start3A_1165 = arith.constant 0 : i32
    %dma_start3A_1166 = arith.constant 0 : i32
    %dma_start3A_1167 = arith.constant 0 : i32
    %dma_start3A_1168 = tpu.memref_slice %arg5[%dma_start3A_1164, %dma_start3A_1165, %dma_start3A_1166, %dma_start3A_1167] : memref<3x4x8x1024xf32, #tpu.memory_space<vmem>> -> memref<1x4x8x1024xf32, #tpu.memory_space<vmem>>
    %dma_start3A_1169 = tpu.memref_squeeze %dma_start3A_1168 : memref<1x4x8x1024xf32, #tpu.memory_space<vmem>> -> memref<4x8x1024xf32, #tpu.memory_space<vmem>>
    %dma_start3A_1170 = arith.constant 0 : i32
    %dma_start3A_1171 = arith.constant 0 : i32
    %dma_start3A_1172 = tpu.memref_slice %arg4[%dma_start3A_1170, %multiple_of3A_1163, %dma_start3A_1171] : memref<4x4096x1024xf32, #tpu.memory_space<hbm>> -> memref<4x8x1024xf32, #tpu.memory_space<hbm>>
    %dma_start3A_1173 = arith.constant 0 : i32
    %dma_start3A_1174 = arith.constant 0 : i32
    %dma_start3A_1175 = tpu.memref_slice %arg4[%dma_start3A_1173, %multiple_of3A_1163, %dma_start3A_1174] : memref<4x4096x1024xf32, #tpu.memory_space<hbm>> -> memref<4x8x1024xf32, #tpu.memory_space<hbm>>
    %dma_start3A_1176 = arith.constant 0 : i32
    %dma_start3A_1177 = arith.constant 0 : i32
    %dma_start3A_1178 = arith.constant 0 : i32
    %dma_start3A_1179 = tpu.memref_slice %arg5[%dma_start3A_1164, %dma_start3A_1176, %dma_start3A_1177, %dma_start3A_1178] : memref<3x4x8x1024xf32, #tpu.memory_space<vmem>> -> memref<1x4x8x1024xf32, #tpu.memory_space<vmem>>
    %dma_start3A_1180 = tpu.memref_squeeze %dma_start3A_1179 : memref<1x4x8x1024xf32, #tpu.memory_space<vmem>> -> memref<4x8x1024xf32, #tpu.memory_space<vmem>>
    tpu.enqueue_dma source(%dma_start3A_1180 : memref<4x8x1024xf32, #tpu.memory_space<vmem>>) target(%dma_start3A_1175 : memref<4x8x1024xf32, #tpu.memory_space<hbm>>) target_semaphore(%arg11 : memref<!tpu.dma_semaphore, #tpu.memory_space<semaphore_mem>>)
    %dma_wait3A_1181 = arith.constant 1 : i32
    %dma_wait3A_1182 = arith.constant 0 : i32
    %dma_wait3A_1183 = arith.constant 0 : i32
    %dma_wait3A_1184 = arith.constant 0 : i32
    %dma_wait3A_1185 = tpu.memref_slice %arg5[%dma_wait3A_1181, %dma_wait3A_1182, %dma_wait3A_1183, %dma_wait3A_1184] : memref<3x4x8x1024xf32, #tpu.memory_space<vmem>> -> memref<1x4x8x1024xf32, #tpu.memory_space<vmem>>
    %dma_wait3A_1186 = tpu.memref_squeeze %dma_wait3A_1185 : memref<1x4x8x1024xf32, #tpu.memory_space<vmem>> -> memref<4x8x1024xf32, #tpu.memory_space<vmem>>
    %dma_wait3A_1187 = arith.constant 0 : i32
    %dma_wait3A_1188 = arith.constant 0 : i32
    %dma_wait3A_1189 = tpu.memref_slice %arg4[%dma_wait3A_1187, %multiple_of3A_1163, %dma_wait3A_1188] : memref<4x4096x1024xf32, #tpu.memory_space<hbm>> -> memref<4x8x1024xf32, #tpu.memory_space<hbm>>
    %dma_wait3A_1190 = arith.constant 0 : i32
    %dma_wait3A_1191 = arith.constant 0 : i32
    %dma_wait3A_1192 = tpu.memref_slice %arg4[%dma_wait3A_1190, %multiple_of3A_1163, %dma_wait3A_1191] : memref<4x4096x1024xf32, #tpu.memory_space<hbm>> -> memref<4x8x1024xf32, #tpu.memory_space<hbm>>
    %dma_wait3A_1193 = arith.constant 0 : i32
    %dma_wait3A_1194 = arith.constant 0 : i32
    %dma_wait3A_1195 = arith.constant 0 : i32
    %dma_wait3A_1196 = tpu.memref_slice %arg5[%dma_wait3A_1181, %dma_wait3A_1193, %dma_wait3A_1194, %dma_wait3A_1195] : memref<3x4x8x1024xf32, #tpu.memory_space<vmem>> -> memref<1x4x8x1024xf32, #tpu.memory_space<vmem>>
    %dma_wait3A_1197 = tpu.memref_squeeze %dma_wait3A_1196 : memref<1x4x8x1024xf32, #tpu.memory_space<vmem>> -> memref<4x8x1024xf32, #tpu.memory_space<vmem>>
    tpu.wait_dma2 semaphore(%arg11 : memref<!tpu.dma_semaphore, #tpu.memory_space<semaphore_mem>>) src(%dma_wait3A_1197 : memref<4x8x1024xf32, #tpu.memory_space<vmem>>) dst(%dma_wait3A_1192 : memref<4x8x1024xf32, #tpu.memory_space<hbm>>)
    %add3A_1198 = arith.constant 104 : i32
    %add3A_1199 = arith.addi %mul3A_2, %add3A_1198 : i32
    %multiple_of3A_1200 = tpu.assume_multiple %add3A_1199, 8 : i32
    %dma_start3A_1201 = arith.constant 1 : i32
    %dma_start3A_1202 = arith.constant 0 : i32
    %dma_start3A_1203 = arith.constant 0 : i32
    %dma_start3A_1204 = tpu.memref_slice %arg6[%dma_start3A_1201, %dma_start3A_1202, %dma_start3A_1203] : memref<3x8x1024xf32, #tpu.memory_space<vmem>> -> memref<1x8x1024xf32, #tpu.memory_space<vmem>>
    %dma_start3A_1205 = tpu.memref_squeeze %dma_start3A_1204 : memref<1x8x1024xf32, #tpu.memory_space<vmem>> -> memref<8x1024xf32, #tpu.memory_space<vmem>>
    %dma_start3A_1206 = arith.constant 0 : i32
    %dma_start3A_1207 = tpu.memref_slice %arg3[%multiple_of3A_1200, %dma_start3A_1206] : memref<8192x1024xf32, #tpu.memory_space<hbm>> -> memref<8x1024xf32, #tpu.memory_space<hbm>>
    %dma_start3A_1208 = arith.constant 0 : i32
    %dma_start3A_1209 = arith.constant 0 : i32
    %dma_start3A_1210 = tpu.memref_slice %arg6[%dma_start3A_1201, %dma_start3A_1208, %dma_start3A_1209] : memref<3x8x1024xf32, #tpu.memory_space<vmem>> -> memref<1x8x1024xf32, #tpu.memory_space<vmem>>
    %dma_start3A_1211 = tpu.memref_squeeze %dma_start3A_1210 : memref<1x8x1024xf32, #tpu.memory_space<vmem>> -> memref<8x1024xf32, #tpu.memory_space<vmem>>
    %dma_start3A_1212 = arith.constant 0 : i32
    %dma_start3A_1213 = tpu.memref_slice %arg3[%multiple_of3A_1200, %dma_start3A_1212] : memref<8192x1024xf32, #tpu.memory_space<hbm>> -> memref<8x1024xf32, #tpu.memory_space<hbm>>
    tpu.enqueue_dma source(%dma_start3A_1213 : memref<8x1024xf32, #tpu.memory_space<hbm>>) target(%dma_start3A_1211 : memref<8x1024xf32, #tpu.memory_space<vmem>>) target_semaphore(%arg8 : memref<!tpu.dma_semaphore, #tpu.memory_space<semaphore_mem>>)
    %dma_start3A_1214 = arith.constant 1 : i32
    %dma_start3A_1215 = arith.constant 0 : i32
    %dma_start3A_1216 = arith.constant 0 : i32
    %dma_start3A_1217 = arith.constant 0 : i32
    %dma_start3A_1218 = tpu.memref_slice %arg5[%dma_start3A_1214, %dma_start3A_1215, %dma_start3A_1216, %dma_start3A_1217] : memref<3x4x8x1024xf32, #tpu.memory_space<vmem>> -> memref<1x4x8x1024xf32, #tpu.memory_space<vmem>>
    %dma_start3A_1219 = tpu.memref_squeeze %dma_start3A_1218 : memref<1x4x8x1024xf32, #tpu.memory_space<vmem>> -> memref<4x8x1024xf32, #tpu.memory_space<vmem>>
    %dma_start3A_1220 = arith.constant 0 : i32
    %dma_start3A_1221 = arith.constant 0 : i32
    %dma_start3A_1222 = tpu.memref_slice %arg2[%dma_start3A_1220, %multiple_of3A_1200, %dma_start3A_1221] : memref<4x4096x1024xf32, #tpu.memory_space<hbm>> -> memref<4x8x1024xf32, #tpu.memory_space<hbm>>
    %dma_start3A_1223 = arith.constant 0 : i32
    %dma_start3A_1224 = arith.constant 0 : i32
    %dma_start3A_1225 = arith.constant 0 : i32
    %dma_start3A_1226 = tpu.memref_slice %arg5[%dma_start3A_1214, %dma_start3A_1223, %dma_start3A_1224, %dma_start3A_1225] : memref<3x4x8x1024xf32, #tpu.memory_space<vmem>> -> memref<1x4x8x1024xf32, #tpu.memory_space<vmem>>
    %dma_start3A_1227 = tpu.memref_squeeze %dma_start3A_1226 : memref<1x4x8x1024xf32, #tpu.memory_space<vmem>> -> memref<4x8x1024xf32, #tpu.memory_space<vmem>>
    %dma_start3A_1228 = arith.constant 0 : i32
    %dma_start3A_1229 = arith.constant 0 : i32
    %dma_start3A_1230 = tpu.memref_slice %arg2[%dma_start3A_1228, %multiple_of3A_1200, %dma_start3A_1229] : memref<4x4096x1024xf32, #tpu.memory_space<hbm>> -> memref<4x8x1024xf32, #tpu.memory_space<hbm>>
    tpu.enqueue_dma source(%dma_start3A_1230 : memref<4x8x1024xf32, #tpu.memory_space<hbm>>) target(%dma_start3A_1227 : memref<4x8x1024xf32, #tpu.memory_space<vmem>>) target_semaphore(%arg8 : memref<!tpu.dma_semaphore, #tpu.memory_space<semaphore_mem>>)
    %dma_wait3A_1231 = arith.constant 2 : i32
    %dma_wait3A_1232 = arith.constant 0 : i32
    %dma_wait3A_1233 = arith.constant 0 : i32
    %dma_wait3A_1234 = tpu.memref_slice %arg6[%dma_wait3A_1231, %dma_wait3A_1232, %dma_wait3A_1233] : memref<3x8x1024xf32, #tpu.memory_space<vmem>> -> memref<1x8x1024xf32, #tpu.memory_space<vmem>>
    %dma_wait3A_1235 = tpu.memref_squeeze %dma_wait3A_1234 : memref<1x8x1024xf32, #tpu.memory_space<vmem>> -> memref<8x1024xf32, #tpu.memory_space<vmem>>
    %dma_wait3A_1236 = arith.constant 0 : i32
    %dma_wait3A_1237 = tpu.memref_slice %arg3[%multiple_of3A_994, %dma_wait3A_1236] : memref<8192x1024xf32, #tpu.memory_space<hbm>> -> memref<8x1024xf32, #tpu.memory_space<hbm>>
    %dma_wait3A_1238 = arith.constant 0 : i32
    %dma_wait3A_1239 = arith.constant 0 : i32
    %dma_wait3A_1240 = tpu.memref_slice %arg6[%dma_wait3A_1231, %dma_wait3A_1238, %dma_wait3A_1239] : memref<3x8x1024xf32, #tpu.memory_space<vmem>> -> memref<1x8x1024xf32, #tpu.memory_space<vmem>>
    %dma_wait3A_1241 = tpu.memref_squeeze %dma_wait3A_1240 : memref<1x8x1024xf32, #tpu.memory_space<vmem>> -> memref<8x1024xf32, #tpu.memory_space<vmem>>
    %dma_wait3A_1242 = arith.constant 0 : i32
    %dma_wait3A_1243 = tpu.memref_slice %arg3[%multiple_of3A_994, %dma_wait3A_1242] : memref<8192x1024xf32, #tpu.memory_space<hbm>> -> memref<8x1024xf32, #tpu.memory_space<hbm>>
    tpu.wait_dma2 semaphore(%arg9 : memref<!tpu.dma_semaphore, #tpu.memory_space<semaphore_mem>>) src(%dma_wait3A_1243 : memref<8x1024xf32, #tpu.memory_space<hbm>>) dst(%dma_wait3A_1241 : memref<8x1024xf32, #tpu.memory_space<vmem>>)
    %dma_wait3A_1244 = arith.constant 2 : i32
    %dma_wait3A_1245 = arith.constant 0 : i32
    %dma_wait3A_1246 = arith.constant 0 : i32
    %dma_wait3A_1247 = arith.constant 0 : i32
    %dma_wait3A_1248 = tpu.memref_slice %arg5[%dma_wait3A_1244, %dma_wait3A_1245, %dma_wait3A_1246, %dma_wait3A_1247] : memref<3x4x8x1024xf32, #tpu.memory_space<vmem>> -> memref<1x4x8x1024xf32, #tpu.memory_space<vmem>>
    %dma_wait3A_1249 = tpu.memref_squeeze %dma_wait3A_1248 : memref<1x4x8x1024xf32, #tpu.memory_space<vmem>> -> memref<4x8x1024xf32, #tpu.memory_space<vmem>>
    %dma_wait3A_1250 = arith.constant 0 : i32
    %dma_wait3A_1251 = arith.constant 0 : i32
    %dma_wait3A_1252 = tpu.memref_slice %arg2[%dma_wait3A_1250, %multiple_of3A_994, %dma_wait3A_1251] : memref<4x4096x1024xf32, #tpu.memory_space<hbm>> -> memref<4x8x1024xf32, #tpu.memory_space<hbm>>
    %dma_wait3A_1253 = arith.constant 0 : i32
    %dma_wait3A_1254 = arith.constant 0 : i32
    %dma_wait3A_1255 = arith.constant 0 : i32
    %dma_wait3A_1256 = tpu.memref_slice %arg5[%dma_wait3A_1244, %dma_wait3A_1253, %dma_wait3A_1254, %dma_wait3A_1255] : memref<3x4x8x1024xf32, #tpu.memory_space<vmem>> -> memref<1x4x8x1024xf32, #tpu.memory_space<vmem>>
    %dma_wait3A_1257 = tpu.memref_squeeze %dma_wait3A_1256 : memref<1x4x8x1024xf32, #tpu.memory_space<vmem>> -> memref<4x8x1024xf32, #tpu.memory_space<vmem>>
    %dma_wait3A_1258 = arith.constant 0 : i32
    %dma_wait3A_1259 = arith.constant 0 : i32
    %dma_wait3A_1260 = tpu.memref_slice %arg2[%dma_wait3A_1258, %multiple_of3A_994, %dma_wait3A_1259] : memref<4x4096x1024xf32, #tpu.memory_space<hbm>> -> memref<4x8x1024xf32, #tpu.memory_space<hbm>>
    tpu.wait_dma2 semaphore(%arg9 : memref<!tpu.dma_semaphore, #tpu.memory_space<semaphore_mem>>) src(%dma_wait3A_1260 : memref<4x8x1024xf32, #tpu.memory_space<hbm>>) dst(%dma_wait3A_1257 : memref<4x8x1024xf32, #tpu.memory_space<vmem>>)
    %parallel_loop3A_1261 = arith.constant 0 : i32
    %parallel_loop3A_1262 = arith.constant 512 : i32
    %parallel_loop3A_1263 = arith.constant 1 : i32
    scf.for %parallel_loop3A_1647 = %parallel_loop3A_1261 to %parallel_loop3A_1262 step %parallel_loop3A_1263  : i32 {
      %parallel_loop3A_1648 = arith.constant 64 : i32
      %parallel_loop3A_1649 = arith.divsi %parallel_loop3A_1647, %parallel_loop3A_1648 : i32
      %parallel_loop3A_1650 = arith.constant 0 : i32
      %parallel_loop3A_1651 = arith.cmpi sgt, %parallel_loop3A_1647, %parallel_loop3A_1650 : i32
      %parallel_loop3A_1652 = arith.extui %parallel_loop3A_1651 : i1 to i32
      %parallel_loop3A_1653 = arith.constant 0 : i32
      %parallel_loop3A_1654 = arith.cmpi slt, %parallel_loop3A_1647, %parallel_loop3A_1653 : i32
      %parallel_loop3A_1655 = arith.extui %parallel_loop3A_1654 : i1 to i32
      %parallel_loop3A_1656 = arith.subi %parallel_loop3A_1652, %parallel_loop3A_1655 : i32
      %parallel_loop3A_1657 = arith.constant 0 : i32
      %parallel_loop3A_1658 = arith.cmpi sgt, %parallel_loop3A_1648, %parallel_loop3A_1657 : i32
      %parallel_loop3A_1659 = arith.extui %parallel_loop3A_1658 : i1 to i32
      %parallel_loop3A_1660 = arith.constant 0 : i32
      %parallel_loop3A_1661 = arith.cmpi slt, %parallel_loop3A_1648, %parallel_loop3A_1660 : i32
      %parallel_loop3A_1662 = arith.extui %parallel_loop3A_1661 : i1 to i32
      %parallel_loop3A_1663 = arith.subi %parallel_loop3A_1659, %parallel_loop3A_1662 : i32
      %parallel_loop3A_1664 = arith.cmpi ne, %parallel_loop3A_1656, %parallel_loop3A_1663 : i32
      %parallel_loop3A_1665 = arith.remsi %parallel_loop3A_1647, %parallel_loop3A_1648 : i32
      %parallel_loop3A_1666 = arith.constant 0 : i32
      %parallel_loop3A_1667 = arith.cmpi ne, %parallel_loop3A_1665, %parallel_loop3A_1666 : i32
      %parallel_loop3A_1668 = arith.andi %parallel_loop3A_1664, %parallel_loop3A_1667 : i1
      %parallel_loop3A_1669 = arith.constant 1 : i32
      %parallel_loop3A_1670 = arith.subi %parallel_loop3A_1649, %parallel_loop3A_1669 : i32
      %parallel_loop3A_1671 = arith.select %parallel_loop3A_1668, %parallel_loop3A_1670, %parallel_loop3A_1649 : i32
      %parallel_loop3A_1672 = arith.constant 64 : i32
      %parallel_loop3A_1673 = arith.constant 0 : i32
      %parallel_loop3A_1674 = arith.cmpi eq, %parallel_loop3A_1672, %parallel_loop3A_1673 : i32
      %parallel_loop3A_1675 = arith.constant 1 : i32
      %parallel_loop3A_1676 = arith.select %parallel_loop3A_1674, %parallel_loop3A_1675, %parallel_loop3A_1672 : i32
      %parallel_loop3A_1677 = arith.remsi %parallel_loop3A_1647, %parallel_loop3A_1676 : i32
      %parallel_loop3A_1678 = arith.constant 0 : i32
      %parallel_loop3A_1679 = arith.cmpi ne, %parallel_loop3A_1677, %parallel_loop3A_1678 : i32
      %parallel_loop3A_1680 = arith.constant 0 : i32
      %parallel_loop3A_1681 = arith.cmpi slt, %parallel_loop3A_1677, %parallel_loop3A_1680 : i32
      %parallel_loop3A_1682 = arith.constant 0 : i32
      %parallel_loop3A_1683 = arith.cmpi slt, %parallel_loop3A_1676, %parallel_loop3A_1682 : i32
      %parallel_loop3A_1684 = arith.xori %parallel_loop3A_1681, %parallel_loop3A_1683 : i1
      %parallel_loop3A_1685 = arith.andi %parallel_loop3A_1684, %parallel_loop3A_1679 : i1
      %parallel_loop3A_1686 = arith.addi %parallel_loop3A_1677, %parallel_loop3A_1676 : i32
      %parallel_loop3A_1687 = arith.select %parallel_loop3A_1685, %parallel_loop3A_1686, %parallel_loop3A_1677 : i32
      %parallel_loop3A_1688 = arith.constant 16 : i32
      %parallel_loop3A_1689 = arith.muli %parallel_loop3A_1687, %parallel_loop3A_1688 : i32
      %parallel_loop3A_1690 = tpu.assume_multiple %parallel_loop3A_1689, 16 : i32
      %parallel_loop3A_1691 = arith.constant 2 : i32
      %parallel_loop3A_1692 = arith.index_cast %parallel_loop3A_1691 : i32 to index
      %parallel_loop3A_1693 = arith.index_cast %parallel_loop3A_1671 : i32 to index
      %parallel_loop3A_1694 = arith.index_cast %parallel_loop3A_1690 : i32 to index
      %parallel_loop3A_1695 = tpu.vector_load %arg6[%parallel_loop3A_1692, %parallel_loop3A_1693, %parallel_loop3A_1694] {strides = array<i32>} : memref<3x8x1024xf32, #tpu.memory_space<vmem>>, vector<1x1x16xf32>,
      %parallel_loop3A_1696 = vector.shape_cast %parallel_loop3A_1695 : vector<1x1x16xf32> to vector<16xf32>
      %parallel_loop3A_1697 = arith.constant 3.200000e+01 : f32
      %parallel_loop3A_1698 = vector.broadcast %parallel_loop3A_1697 : f32 to vector<16xf32>
      %parallel_loop3A_1699 = arith.mulf %parallel_loop3A_1696, %parallel_loop3A_1698 : vector<16xf32>
      %parallel_loop3A_1700 = arith.constant 2 : i32
      %parallel_loop3A_1701 = arith.constant 0 : i32
      %parallel_loop3A_1702 = arith.index_cast %parallel_loop3A_1700 : i32 to index
      %parallel_loop3A_1703 = arith.index_cast %parallel_loop3A_1701 : i32 to index
      %parallel_loop3A_1704 = arith.index_cast %parallel_loop3A_1671 : i32 to index
      %parallel_loop3A_1705 = arith.index_cast %parallel_loop3A_1690 : i32 to index
      %parallel_loop3A_1706 = tpu.vector_load %arg5[%parallel_loop3A_1702, %parallel_loop3A_1703, %parallel_loop3A_1704, %parallel_loop3A_1705] {strides = array<i32>} : memref<3x4x8x1024xf32, #tpu.memory_space<vmem>>, vector<1x1x1x16xf32>,
      %parallel_loop3A_1707 = vector.shape_cast %parallel_loop3A_1706 : vector<1x1x1x16xf32> to vector<16xf32>
      %parallel_loop3A_1708 = vector.shape_cast %parallel_loop3A_1699 : vector<16xf32> to vector<1x1x1x16xf32>
      tpu.vector_store %arg5[%parallel_loop3A_1702, %parallel_loop3A_1703, %parallel_loop3A_1704, %parallel_loop3A_1705], %parallel_loop3A_1708 {add = true, strides = array<i32>} : memref<3x4x8x1024xf32, #tpu.memory_space<vmem>>, vector<1x1x1x16xf32>,
      %parallel_loop3A_1709 = arith.constant 2 : i32
      %parallel_loop3A_1710 = arith.constant 1 : i32
      %parallel_loop3A_1711 = arith.index_cast %parallel_loop3A_1709 : i32 to index
      %parallel_loop3A_1712 = arith.index_cast %parallel_loop3A_1710 : i32 to index
      %parallel_loop3A_1713 = arith.index_cast %parallel_loop3A_1671 : i32 to index
      %parallel_loop3A_1714 = arith.index_cast %parallel_loop3A_1690 : i32 to index
      %parallel_loop3A_1715 = tpu.vector_load %arg5[%parallel_loop3A_1711, %parallel_loop3A_1712, %parallel_loop3A_1713, %parallel_loop3A_1714] {strides = array<i32>} : memref<3x4x8x1024xf32, #tpu.memory_space<vmem>>, vector<1x1x1x16xf32>,
      %parallel_loop3A_1716 = vector.shape_cast %parallel_loop3A_1715 : vector<1x1x1x16xf32> to vector<16xf32>
      %parallel_loop3A_1717 = vector.shape_cast %parallel_loop3A_1699 : vector<16xf32> to vector<1x1x1x16xf32>
      tpu.vector_store %arg5[%parallel_loop3A_1711, %parallel_loop3A_1712, %parallel_loop3A_1713, %parallel_loop3A_1714], %parallel_loop3A_1717 {add = true, strides = array<i32>} : memref<3x4x8x1024xf32, #tpu.memory_space<vmem>>, vector<1x1x1x16xf32>,
      %parallel_loop3A_1718 = arith.constant 2 : i32
      %parallel_loop3A_1719 = arith.constant 2 : i32
      %parallel_loop3A_1720 = arith.index_cast %parallel_loop3A_1718 : i32 to index
      %parallel_loop3A_1721 = arith.index_cast %parallel_loop3A_1719 : i32 to index
      %parallel_loop3A_1722 = arith.index_cast %parallel_loop3A_1671 : i32 to index
      %parallel_loop3A_1723 = arith.index_cast %parallel_loop3A_1690 : i32 to index
      %parallel_loop3A_1724 = tpu.vector_load %arg5[%parallel_loop3A_1720, %parallel_loop3A_1721, %parallel_loop3A_1722, %parallel_loop3A_1723] {strides = array<i32>} : memref<3x4x8x1024xf32, #tpu.memory_space<vmem>>, vector<1x1x1x16xf32>,
      %parallel_loop3A_1725 = vector.shape_cast %parallel_loop3A_1724 : vector<1x1x1x16xf32> to vector<16xf32>
      %parallel_loop3A_1726 = vector.shape_cast %parallel_loop3A_1699 : vector<16xf32> to vector<1x1x1x16xf32>
      tpu.vector_store %arg5[%parallel_loop3A_1720, %parallel_loop3A_1721, %parallel_loop3A_1722, %parallel_loop3A_1723], %parallel_loop3A_1726 {add = true, strides = array<i32>} : memref<3x4x8x1024xf32, #tpu.memory_space<vmem>>, vector<1x1x1x16xf32>,
      %parallel_loop3A_1727 = arith.constant 2 : i32
      %parallel_loop3A_1728 = arith.constant 3 : i32
      %parallel_loop3A_1729 = arith.index_cast %parallel_loop3A_1727 : i32 to index
      %parallel_loop3A_1730 = arith.index_cast %parallel_loop3A_1728 : i32 to index
      %parallel_loop3A_1731 = arith.index_cast %parallel_loop3A_1671 : i32 to index
      %parallel_loop3A_1732 = arith.index_cast %parallel_loop3A_1690 : i32 to index
      %parallel_loop3A_1733 = tpu.vector_load %arg5[%parallel_loop3A_1729, %parallel_loop3A_1730, %parallel_loop3A_1731, %parallel_loop3A_1732] {strides = array<i32>} : memref<3x4x8x1024xf32, #tpu.memory_space<vmem>>, vector<1x1x1x16xf32>,
      %parallel_loop3A_1734 = vector.shape_cast %parallel_loop3A_1733 : vector<1x1x1x16xf32> to vector<16xf32>
      %parallel_loop3A_1735 = vector.shape_cast %parallel_loop3A_1699 : vector<16xf32> to vector<1x1x1x16xf32>
      tpu.vector_store %arg5[%parallel_loop3A_1729, %parallel_loop3A_1730, %parallel_loop3A_1731, %parallel_loop3A_1732], %parallel_loop3A_1735 {add = true, strides = array<i32>} : memref<3x4x8x1024xf32, #tpu.memory_space<vmem>>, vector<1x1x1x16xf32>,
    } {sc.loop_unroll_factor = 8 : i64, sc.parallel_access}
    %add3A_1264 = arith.constant 88 : i32
    %add3A_1265 = arith.addi %mul3A_2, %add3A_1264 : i32
    %multiple_of3A_1266 = tpu.assume_multiple %add3A_1265, 8 : i32
    %dma_start3A_1267 = arith.constant 2 : i32
    %dma_start3A_1268 = arith.constant 0 : i32
    %dma_start3A_1269 = arith.constant 0 : i32
    %dma_start3A_1270 = arith.constant 0 : i32
    %dma_start3A_1271 = tpu.memref_slice %arg5[%dma_start3A_1267, %dma_start3A_1268, %dma_start3A_1269, %dma_start3A_1270] : memref<3x4x8x1024xf32, #tpu.memory_space<vmem>> -> memref<1x4x8x1024xf32, #tpu.memory_space<vmem>>
    %dma_start3A_1272 = tpu.memref_squeeze %dma_start3A_1271 : memref<1x4x8x1024xf32, #tpu.memory_space<vmem>> -> memref<4x8x1024xf32, #tpu.memory_space<vmem>>
    %dma_start3A_1273 = arith.constant 0 : i32
    %dma_start3A_1274 = arith.constant 0 : i32
    %dma_start3A_1275 = tpu.memref_slice %arg4[%dma_start3A_1273, %multiple_of3A_1266, %dma_start3A_1274] : memref<4x4096x1024xf32, #tpu.memory_space<hbm>> -> memref<4x8x1024xf32, #tpu.memory_space<hbm>>
    %dma_start3A_1276 = arith.constant 0 : i32
    %dma_start3A_1277 = arith.constant 0 : i32
    %dma_start3A_1278 = tpu.memref_slice %arg4[%dma_start3A_1276, %multiple_of3A_1266, %dma_start3A_1277] : memref<4x4096x1024xf32, #tpu.memory_space<hbm>> -> memref<4x8x1024xf32, #tpu.memory_space<hbm>>
    %dma_start3A_1279 = arith.constant 0 : i32
    %dma_start3A_1280 = arith.constant 0 : i32
    %dma_start3A_1281 = arith.constant 0 : i32
    %dma_start3A_1282 = tpu.memref_slice %arg5[%dma_start3A_1267, %dma_start3A_1279, %dma_start3A_1280, %dma_start3A_1281] : memref<3x4x8x1024xf32, #tpu.memory_space<vmem>> -> memref<1x4x8x1024xf32, #tpu.memory_space<vmem>>
    %dma_start3A_1283 = tpu.memref_squeeze %dma_start3A_1282 : memref<1x4x8x1024xf32, #tpu.memory_space<vmem>> -> memref<4x8x1024xf32, #tpu.memory_space<vmem>>
    tpu.enqueue_dma source(%dma_start3A_1283 : memref<4x8x1024xf32, #tpu.memory_space<vmem>>) target(%dma_start3A_1278 : memref<4x8x1024xf32, #tpu.memory_space<hbm>>) target_semaphore(%arg12 : memref<!tpu.dma_semaphore, #tpu.memory_space<semaphore_mem>>)
    %dma_wait3A_1284 = arith.constant 2 : i32
    %dma_wait3A_1285 = arith.constant 0 : i32
    %dma_wait3A_1286 = arith.constant 0 : i32
    %dma_wait3A_1287 = arith.constant 0 : i32
    %dma_wait3A_1288 = tpu.memref_slice %arg5[%dma_wait3A_1284, %dma_wait3A_1285, %dma_wait3A_1286, %dma_wait3A_1287] : memref<3x4x8x1024xf32, #tpu.memory_space<vmem>> -> memref<1x4x8x1024xf32, #tpu.memory_space<vmem>>
    %dma_wait3A_1289 = tpu.memref_squeeze %dma_wait3A_1288 : memref<1x4x8x1024xf32, #tpu.memory_space<vmem>> -> memref<4x8x1024xf32, #tpu.memory_space<vmem>>
    %dma_wait3A_1290 = arith.constant 0 : i32
    %dma_wait3A_1291 = arith.constant 0 : i32
    %dma_wait3A_1292 = tpu.memref_slice %arg4[%dma_wait3A_1290, %multiple_of3A_1266, %dma_wait3A_1291] : memref<4x4096x1024xf32, #tpu.memory_space<hbm>> -> memref<4x8x1024xf32, #tpu.memory_space<hbm>>
    %dma_wait3A_1293 = arith.constant 0 : i32
    %dma_wait3A_1294 = arith.constant 0 : i32
    %dma_wait3A_1295 = tpu.memref_slice %arg4[%dma_wait3A_1293, %multiple_of3A_1266, %dma_wait3A_1294] : memref<4x4096x1024xf32, #tpu.memory_space<hbm>> -> memref<4x8x1024xf32, #tpu.memory_space<hbm>>
    %dma_wait3A_1296 = arith.constant 0 : i32
    %dma_wait3A_1297 = arith.constant 0 : i32
    %dma_wait3A_1298 = arith.constant 0 : i32
    %dma_wait3A_1299 = tpu.memref_slice %arg5[%dma_wait3A_1284, %dma_wait3A_1296, %dma_wait3A_1297, %dma_wait3A_1298] : memref<3x4x8x1024xf32, #tpu.memory_space<vmem>> -> memref<1x4x8x1024xf32, #tpu.memory_space<vmem>>
    %dma_wait3A_1300 = tpu.memref_squeeze %dma_wait3A_1299 : memref<1x4x8x1024xf32, #tpu.memory_space<vmem>> -> memref<4x8x1024xf32, #tpu.memory_space<vmem>>
    tpu.wait_dma2 semaphore(%arg12 : memref<!tpu.dma_semaphore, #tpu.memory_space<semaphore_mem>>) src(%dma_wait3A_1300 : memref<4x8x1024xf32, #tpu.memory_space<vmem>>) dst(%dma_wait3A_1295 : memref<4x8x1024xf32, #tpu.memory_space<hbm>>)
    %add3A_1301 = arith.constant 112 : i32
    %add3A_1302 = arith.addi %mul3A_2, %add3A_1301 : i32
    %multiple_of3A_1303 = tpu.assume_multiple %add3A_1302, 8 : i32
    %dma_start3A_1304 = arith.constant 2 : i32
    %dma_start3A_1305 = arith.constant 0 : i32
    %dma_start3A_1306 = arith.constant 0 : i32
    %dma_start3A_1307 = tpu.memref_slice %arg6[%dma_start3A_1304, %dma_start3A_1305, %dma_start3A_1306] : memref<3x8x1024xf32, #tpu.memory_space<vmem>> -> memref<1x8x1024xf32, #tpu.memory_space<vmem>>
    %dma_start3A_1308 = tpu.memref_squeeze %dma_start3A_1307 : memref<1x8x1024xf32, #tpu.memory_space<vmem>> -> memref<8x1024xf32, #tpu.memory_space<vmem>>
    %dma_start3A_1309 = arith.constant 0 : i32
    %dma_start3A_1310 = tpu.memref_slice %arg3[%multiple_of3A_1303, %dma_start3A_1309] : memref<8192x1024xf32, #tpu.memory_space<hbm>> -> memref<8x1024xf32, #tpu.memory_space<hbm>>
    %dma_start3A_1311 = arith.constant 0 : i32
    %dma_start3A_1312 = arith.constant 0 : i32
    %dma_start3A_1313 = tpu.memref_slice %arg6[%dma_start3A_1304, %dma_start3A_1311, %dma_start3A_1312] : memref<3x8x1024xf32, #tpu.memory_space<vmem>> -> memref<1x8x1024xf32, #tpu.memory_space<vmem>>
    %dma_start3A_1314 = tpu.memref_squeeze %dma_start3A_1313 : memref<1x8x1024xf32, #tpu.memory_space<vmem>> -> memref<8x1024xf32, #tpu.memory_space<vmem>>
    %dma_start3A_1315 = arith.constant 0 : i32
    %dma_start3A_1316 = tpu.memref_slice %arg3[%multiple_of3A_1303, %dma_start3A_1315] : memref<8192x1024xf32, #tpu.memory_space<hbm>> -> memref<8x1024xf32, #tpu.memory_space<hbm>>
    tpu.enqueue_dma source(%dma_start3A_1316 : memref<8x1024xf32, #tpu.memory_space<hbm>>) target(%dma_start3A_1314 : memref<8x1024xf32, #tpu.memory_space<vmem>>) target_semaphore(%arg9 : memref<!tpu.dma_semaphore, #tpu.memory_space<semaphore_mem>>)
    %dma_start3A_1317 = arith.constant 2 : i32
    %dma_start3A_1318 = arith.constant 0 : i32
    %dma_start3A_1319 = arith.constant 0 : i32
    %dma_start3A_1320 = arith.constant 0 : i32
    %dma_start3A_1321 = tpu.memref_slice %arg5[%dma_start3A_1317, %dma_start3A_1318, %dma_start3A_1319, %dma_start3A_1320] : memref<3x4x8x1024xf32, #tpu.memory_space<vmem>> -> memref<1x4x8x1024xf32, #tpu.memory_space<vmem>>
    %dma_start3A_1322 = tpu.memref_squeeze %dma_start3A_1321 : memref<1x4x8x1024xf32, #tpu.memory_space<vmem>> -> memref<4x8x1024xf32, #tpu.memory_space<vmem>>
    %dma_start3A_1323 = arith.constant 0 : i32
    %dma_start3A_1324 = arith.constant 0 : i32
    %dma_start3A_1325 = tpu.memref_slice %arg2[%dma_start3A_1323, %multiple_of3A_1303, %dma_start3A_1324] : memref<4x4096x1024xf32, #tpu.memory_space<hbm>> -> memref<4x8x1024xf32, #tpu.memory_space<hbm>>
    %dma_start3A_1326 = arith.constant 0 : i32
    %dma_start3A_1327 = arith.constant 0 : i32
    %dma_start3A_1328 = arith.constant 0 : i32
    %dma_start3A_1329 = tpu.memref_slice %arg5[%dma_start3A_1317, %dma_start3A_1326, %dma_start3A_1327, %dma_start3A_1328] : memref<3x4x8x1024xf32, #tpu.memory_space<vmem>> -> memref<1x4x8x1024xf32, #tpu.memory_space<vmem>>
    %dma_start3A_1330 = tpu.memref_squeeze %dma_start3A_1329 : memref<1x4x8x1024xf32, #tpu.memory_space<vmem>> -> memref<4x8x1024xf32, #tpu.memory_space<vmem>>
    %dma_start3A_1331 = arith.constant 0 : i32
    %dma_start3A_1332 = arith.constant 0 : i32
    %dma_start3A_1333 = tpu.memref_slice %arg2[%dma_start3A_1331, %multiple_of3A_1303, %dma_start3A_1332] : memref<4x4096x1024xf32, #tpu.memory_space<hbm>> -> memref<4x8x1024xf32, #tpu.memory_space<hbm>>
    tpu.enqueue_dma source(%dma_start3A_1333 : memref<4x8x1024xf32, #tpu.memory_space<hbm>>) target(%dma_start3A_1330 : memref<4x8x1024xf32, #tpu.memory_space<vmem>>) target_semaphore(%arg9 : memref<!tpu.dma_semaphore, #tpu.memory_space<semaphore_mem>>)
    %dma_wait3A_1334 = arith.constant 0 : i32
    %dma_wait3A_1335 = arith.constant 0 : i32
    %dma_wait3A_1336 = arith.constant 0 : i32
    %dma_wait3A_1337 = tpu.memref_slice %arg6[%dma_wait3A_1334, %dma_wait3A_1335, %dma_wait3A_1336] : memref<3x8x1024xf32, #tpu.memory_space<vmem>> -> memref<1x8x1024xf32, #tpu.memory_space<vmem>>
    %dma_wait3A_1338 = tpu.memref_squeeze %dma_wait3A_1337 : memref<1x8x1024xf32, #tpu.memory_space<vmem>> -> memref<8x1024xf32, #tpu.memory_space<vmem>>
    %dma_wait3A_1339 = arith.constant 0 : i32
    %dma_wait3A_1340 = tpu.memref_slice %arg3[%multiple_of3A_1097, %dma_wait3A_1339] : memref<8192x1024xf32, #tpu.memory_space<hbm>> -> memref<8x1024xf32, #tpu.memory_space<hbm>>
    %dma_wait3A_1341 = arith.constant 0 : i32
    %dma_wait3A_1342 = arith.constant 0 : i32
    %dma_wait3A_1343 = tpu.memref_slice %arg6[%dma_wait3A_1334, %dma_wait3A_1341, %dma_wait3A_1342] : memref<3x8x1024xf32, #tpu.memory_space<vmem>> -> memref<1x8x1024xf32, #tpu.memory_space<vmem>>
    %dma_wait3A_1344 = tpu.memref_squeeze %dma_wait3A_1343 : memref<1x8x1024xf32, #tpu.memory_space<vmem>> -> memref<8x1024xf32, #tpu.memory_space<vmem>>
    %dma_wait3A_1345 = arith.constant 0 : i32
    %dma_wait3A_1346 = tpu.memref_slice %arg3[%multiple_of3A_1097, %dma_wait3A_1345] : memref<8192x1024xf32, #tpu.memory_space<hbm>> -> memref<8x1024xf32, #tpu.memory_space<hbm>>
    tpu.wait_dma2 semaphore(%arg7 : memref<!tpu.dma_semaphore, #tpu.memory_space<semaphore_mem>>) src(%dma_wait3A_1346 : memref<8x1024xf32, #tpu.memory_space<hbm>>) dst(%dma_wait3A_1344 : memref<8x1024xf32, #tpu.memory_space<vmem>>)
    %dma_wait3A_1347 = arith.constant 0 : i32
    %dma_wait3A_1348 = arith.constant 0 : i32
    %dma_wait3A_1349 = arith.constant 0 : i32
    %dma_wait3A_1350 = arith.constant 0 : i32
    %dma_wait3A_1351 = tpu.memref_slice %arg5[%dma_wait3A_1347, %dma_wait3A_1348, %dma_wait3A_1349, %dma_wait3A_1350] : memref<3x4x8x1024xf32, #tpu.memory_space<vmem>> -> memref<1x4x8x1024xf32, #tpu.memory_space<vmem>>
    %dma_wait3A_1352 = tpu.memref_squeeze %dma_wait3A_1351 : memref<1x4x8x1024xf32, #tpu.memory_space<vmem>> -> memref<4x8x1024xf32, #tpu.memory_space<vmem>>
    %dma_wait3A_1353 = arith.constant 0 : i32
    %dma_wait3A_1354 = arith.constant 0 : i32
    %dma_wait3A_1355 = tpu.memref_slice %arg2[%dma_wait3A_1353, %multiple_of3A_1097, %dma_wait3A_1354] : memref<4x4096x1024xf32, #tpu.memory_space<hbm>> -> memref<4x8x1024xf32, #tpu.memory_space<hbm>>
    %dma_wait3A_1356 = arith.constant 0 : i32
    %dma_wait3A_1357 = arith.constant 0 : i32
    %dma_wait3A_1358 = arith.constant 0 : i32
    %dma_wait3A_1359 = tpu.memref_slice %arg5[%dma_wait3A_1347, %dma_wait3A_1356, %dma_wait3A_1357, %dma_wait3A_1358] : memref<3x4x8x1024xf32, #tpu.memory_space<vmem>> -> memref<1x4x8x1024xf32, #tpu.memory_space<vmem>>
    %dma_wait3A_1360 = tpu.memref_squeeze %dma_wait3A_1359 : memref<1x4x8x1024xf32, #tpu.memory_space<vmem>> -> memref<4x8x1024xf32, #tpu.memory_space<vmem>>
    %dma_wait3A_1361 = arith.constant 0 : i32
    %dma_wait3A_1362 = arith.constant 0 : i32
    %dma_wait3A_1363 = tpu.memref_slice %arg2[%dma_wait3A_1361, %multiple_of3A_1097, %dma_wait3A_1362] : memref<4x4096x1024xf32, #tpu.memory_space<hbm>> -> memref<4x8x1024xf32, #tpu.memory_space<hbm>>
    tpu.wait_dma2 semaphore(%arg7 : memref<!tpu.dma_semaphore, #tpu.memory_space<semaphore_mem>>) src(%dma_wait3A_1363 : memref<4x8x1024xf32, #tpu.memory_space<hbm>>) dst(%dma_wait3A_1360 : memref<4x8x1024xf32, #tpu.memory_space<vmem>>)
    %parallel_loop3A_1364 = arith.constant 0 : i32
    %parallel_loop3A_1365 = arith.constant 512 : i32
    %parallel_loop3A_1366 = arith.constant 1 : i32
    scf.for %parallel_loop3A_1647 = %parallel_loop3A_1364 to %parallel_loop3A_1365 step %parallel_loop3A_1366  : i32 {
      %parallel_loop3A_1648 = arith.constant 64 : i32
      %parallel_loop3A_1649 = arith.divsi %parallel_loop3A_1647, %parallel_loop3A_1648 : i32
      %parallel_loop3A_1650 = arith.constant 0 : i32
      %parallel_loop3A_1651 = arith.cmpi sgt, %parallel_loop3A_1647, %parallel_loop3A_1650 : i32
      %parallel_loop3A_1652 = arith.extui %parallel_loop3A_1651 : i1 to i32
      %parallel_loop3A_1653 = arith.constant 0 : i32
      %parallel_loop3A_1654 = arith.cmpi slt, %parallel_loop3A_1647, %parallel_loop3A_1653 : i32
      %parallel_loop3A_1655 = arith.extui %parallel_loop3A_1654 : i1 to i32
      %parallel_loop3A_1656 = arith.subi %parallel_loop3A_1652, %parallel_loop3A_1655 : i32
      %parallel_loop3A_1657 = arith.constant 0 : i32
      %parallel_loop3A_1658 = arith.cmpi sgt, %parallel_loop3A_1648, %parallel_loop3A_1657 : i32
      %parallel_loop3A_1659 = arith.extui %parallel_loop3A_1658 : i1 to i32
      %parallel_loop3A_1660 = arith.constant 0 : i32
      %parallel_loop3A_1661 = arith.cmpi slt, %parallel_loop3A_1648, %parallel_loop3A_1660 : i32
      %parallel_loop3A_1662 = arith.extui %parallel_loop3A_1661 : i1 to i32
      %parallel_loop3A_1663 = arith.subi %parallel_loop3A_1659, %parallel_loop3A_1662 : i32
      %parallel_loop3A_1664 = arith.cmpi ne, %parallel_loop3A_1656, %parallel_loop3A_1663 : i32
      %parallel_loop3A_1665 = arith.remsi %parallel_loop3A_1647, %parallel_loop3A_1648 : i32
      %parallel_loop3A_1666 = arith.constant 0 : i32
      %parallel_loop3A_1667 = arith.cmpi ne, %parallel_loop3A_1665, %parallel_loop3A_1666 : i32
      %parallel_loop3A_1668 = arith.andi %parallel_loop3A_1664, %parallel_loop3A_1667 : i1
      %parallel_loop3A_1669 = arith.constant 1 : i32
      %parallel_loop3A_1670 = arith.subi %parallel_loop3A_1649, %parallel_loop3A_1669 : i32
      %parallel_loop3A_1671 = arith.select %parallel_loop3A_1668, %parallel_loop3A_1670, %parallel_loop3A_1649 : i32
      %parallel_loop3A_1672 = arith.constant 64 : i32
      %parallel_loop3A_1673 = arith.constant 0 : i32
      %parallel_loop3A_1674 = arith.cmpi eq, %parallel_loop3A_1672, %parallel_loop3A_1673 : i32
      %parallel_loop3A_1675 = arith.constant 1 : i32
      %parallel_loop3A_1676 = arith.select %parallel_loop3A_1674, %parallel_loop3A_1675, %parallel_loop3A_1672 : i32
      %parallel_loop3A_1677 = arith.remsi %parallel_loop3A_1647, %parallel_loop3A_1676 : i32
      %parallel_loop3A_1678 = arith.constant 0 : i32
      %parallel_loop3A_1679 = arith.cmpi ne, %parallel_loop3A_1677, %parallel_loop3A_1678 : i32
      %parallel_loop3A_1680 = arith.constant 0 : i32
      %parallel_loop3A_1681 = arith.cmpi slt, %parallel_loop3A_1677, %parallel_loop3A_1680 : i32
      %parallel_loop3A_1682 = arith.constant 0 : i32
      %parallel_loop3A_1683 = arith.cmpi slt, %parallel_loop3A_1676, %parallel_loop3A_1682 : i32
      %parallel_loop3A_1684 = arith.xori %parallel_loop3A_1681, %parallel_loop3A_1683 : i1
      %parallel_loop3A_1685 = arith.andi %parallel_loop3A_1684, %parallel_loop3A_1679 : i1
      %parallel_loop3A_1686 = arith.addi %parallel_loop3A_1677, %parallel_loop3A_1676 : i32
      %parallel_loop3A_1687 = arith.select %parallel_loop3A_1685, %parallel_loop3A_1686, %parallel_loop3A_1677 : i32
      %parallel_loop3A_1688 = arith.constant 16 : i32
      %parallel_loop3A_1689 = arith.muli %parallel_loop3A_1687, %parallel_loop3A_1688 : i32
      %parallel_loop3A_1690 = tpu.assume_multiple %parallel_loop3A_1689, 16 : i32
      %parallel_loop3A_1691 = arith.constant 0 : i32
      %parallel_loop3A_1692 = arith.index_cast %parallel_loop3A_1691 : i32 to index
      %parallel_loop3A_1693 = arith.index_cast %parallel_loop3A_1671 : i32 to index
      %parallel_loop3A_1694 = arith.index_cast %parallel_loop3A_1690 : i32 to index
      %parallel_loop3A_1695 = tpu.vector_load %arg6[%parallel_loop3A_1692, %parallel_loop3A_1693, %parallel_loop3A_1694] {strides = array<i32>} : memref<3x8x1024xf32, #tpu.memory_space<vmem>>, vector<1x1x16xf32>,
      %parallel_loop3A_1696 = vector.shape_cast %parallel_loop3A_1695 : vector<1x1x16xf32> to vector<16xf32>
      %parallel_loop3A_1697 = arith.constant 3.200000e+01 : f32
      %parallel_loop3A_1698 = vector.broadcast %parallel_loop3A_1697 : f32 to vector<16xf32>
      %parallel_loop3A_1699 = arith.mulf %parallel_loop3A_1696, %parallel_loop3A_1698 : vector<16xf32>
      %parallel_loop3A_1700 = arith.constant 0 : i32
      %parallel_loop3A_1701 = arith.constant 0 : i32
      %parallel_loop3A_1702 = arith.index_cast %parallel_loop3A_1700 : i32 to index
      %parallel_loop3A_1703 = arith.index_cast %parallel_loop3A_1701 : i32 to index
      %parallel_loop3A_1704 = arith.index_cast %parallel_loop3A_1671 : i32 to index
      %parallel_loop3A_1705 = arith.index_cast %parallel_loop3A_1690 : i32 to index
      %parallel_loop3A_1706 = tpu.vector_load %arg5[%parallel_loop3A_1702, %parallel_loop3A_1703, %parallel_loop3A_1704, %parallel_loop3A_1705] {strides = array<i32>} : memref<3x4x8x1024xf32, #tpu.memory_space<vmem>>, vector<1x1x1x16xf32>,
      %parallel_loop3A_1707 = vector.shape_cast %parallel_loop3A_1706 : vector<1x1x1x16xf32> to vector<16xf32>
      %parallel_loop3A_1708 = vector.shape_cast %parallel_loop3A_1699 : vector<16xf32> to vector<1x1x1x16xf32>
      tpu.vector_store %arg5[%parallel_loop3A_1702, %parallel_loop3A_1703, %parallel_loop3A_1704, %parallel_loop3A_1705], %parallel_loop3A_1708 {add = true, strides = array<i32>} : memref<3x4x8x1024xf32, #tpu.memory_space<vmem>>, vector<1x1x1x16xf32>,
      %parallel_loop3A_1709 = arith.constant 0 : i32
      %parallel_loop3A_1710 = arith.constant 1 : i32
      %parallel_loop3A_1711 = arith.index_cast %parallel_loop3A_1709 : i32 to index
      %parallel_loop3A_1712 = arith.index_cast %parallel_loop3A_1710 : i32 to index
      %parallel_loop3A_1713 = arith.index_cast %parallel_loop3A_1671 : i32 to index
      %parallel_loop3A_1714 = arith.index_cast %parallel_loop3A_1690 : i32 to index
      %parallel_loop3A_1715 = tpu.vector_load %arg5[%parallel_loop3A_1711, %parallel_loop3A_1712, %parallel_loop3A_1713, %parallel_loop3A_1714] {strides = array<i32>} : memref<3x4x8x1024xf32, #tpu.memory_space<vmem>>, vector<1x1x1x16xf32>,
      %parallel_loop3A_1716 = vector.shape_cast %parallel_loop3A_1715 : vector<1x1x1x16xf32> to vector<16xf32>
      %parallel_loop3A_1717 = vector.shape_cast %parallel_loop3A_1699 : vector<16xf32> to vector<1x1x1x16xf32>
      tpu.vector_store %arg5[%parallel_loop3A_1711, %parallel_loop3A_1712, %parallel_loop3A_1713, %parallel_loop3A_1714], %parallel_loop3A_1717 {add = true, strides = array<i32>} : memref<3x4x8x1024xf32, #tpu.memory_space<vmem>>, vector<1x1x1x16xf32>,
      %parallel_loop3A_1718 = arith.constant 0 : i32
      %parallel_loop3A_1719 = arith.constant 2 : i32
      %parallel_loop3A_1720 = arith.index_cast %parallel_loop3A_1718 : i32 to index
      %parallel_loop3A_1721 = arith.index_cast %parallel_loop3A_1719 : i32 to index
      %parallel_loop3A_1722 = arith.index_cast %parallel_loop3A_1671 : i32 to index
      %parallel_loop3A_1723 = arith.index_cast %parallel_loop3A_1690 : i32 to index
      %parallel_loop3A_1724 = tpu.vector_load %arg5[%parallel_loop3A_1720, %parallel_loop3A_1721, %parallel_loop3A_1722, %parallel_loop3A_1723] {strides = array<i32>} : memref<3x4x8x1024xf32, #tpu.memory_space<vmem>>, vector<1x1x1x16xf32>,
      %parallel_loop3A_1725 = vector.shape_cast %parallel_loop3A_1724 : vector<1x1x1x16xf32> to vector<16xf32>
      %parallel_loop3A_1726 = vector.shape_cast %parallel_loop3A_1699 : vector<16xf32> to vector<1x1x1x16xf32>
      tpu.vector_store %arg5[%parallel_loop3A_1720, %parallel_loop3A_1721, %parallel_loop3A_1722, %parallel_loop3A_1723], %parallel_loop3A_1726 {add = true, strides = array<i32>} : memref<3x4x8x1024xf32, #tpu.memory_space<vmem>>, vector<1x1x1x16xf32>,
      %parallel_loop3A_1727 = arith.constant 0 : i32
      %parallel_loop3A_1728 = arith.constant 3 : i32
      %parallel_loop3A_1729 = arith.index_cast %parallel_loop3A_1727 : i32 to index
      %parallel_loop3A_1730 = arith.index_cast %parallel_loop3A_1728 : i32 to index
      %parallel_loop3A_1731 = arith.index_cast %parallel_loop3A_1671 : i32 to index
      %parallel_loop3A_1732 = arith.index_cast %parallel_loop3A_1690 : i32 to index
      %parallel_loop3A_1733 = tpu.vector_load %arg5[%parallel_loop3A_1729, %parallel_loop3A_1730, %parallel_loop3A_1731, %parallel_loop3A_1732] {strides = array<i32>} : memref<3x4x8x1024xf32, #tpu.memory_space<vmem>>, vector<1x1x1x16xf32>,
      %parallel_loop3A_1734 = vector.shape_cast %parallel_loop3A_1733 : vector<1x1x1x16xf32> to vector<16xf32>
      %parallel_loop3A_1735 = vector.shape_cast %parallel_loop3A_1699 : vector<16xf32> to vector<1x1x1x16xf32>
      tpu.vector_store %arg5[%parallel_loop3A_1729, %parallel_loop3A_1730, %parallel_loop3A_1731, %parallel_loop3A_1732], %parallel_loop3A_1735 {add = true, strides = array<i32>} : memref<3x4x8x1024xf32, #tpu.memory_space<vmem>>, vector<1x1x1x16xf32>,
    } {sc.loop_unroll_factor = 8 : i64, sc.parallel_access}
    %add3A_1367 = arith.constant 96 : i32
    %add3A_1368 = arith.addi %mul3A_2, %add3A_1367 : i32
    %multiple_of3A_1369 = tpu.assume_multiple %add3A_1368, 8 : i32
    %dma_start3A_1370 = arith.constant 0 : i32
    %dma_start3A_1371 = arith.constant 0 : i32
    %dma_start3A_1372 = arith.constant 0 : i32
    %dma_start3A_1373 = arith.constant 0 : i32
    %dma_start3A_1374 = tpu.memref_slice %arg5[%dma_start3A_1370, %dma_start3A_1371, %dma_start3A_1372, %dma_start3A_1373] : memref<3x4x8x1024xf32, #tpu.memory_space<vmem>> -> memref<1x4x8x1024xf32, #tpu.memory_space<vmem>>
    %dma_start3A_1375 = tpu.memref_squeeze %dma_start3A_1374 : memref<1x4x8x1024xf32, #tpu.memory_space<vmem>> -> memref<4x8x1024xf32, #tpu.memory_space<vmem>>
    %dma_start3A_1376 = arith.constant 0 : i32
    %dma_start3A_1377 = arith.constant 0 : i32
    %dma_start3A_1378 = tpu.memref_slice %arg4[%dma_start3A_1376, %multiple_of3A_1369, %dma_start3A_1377] : memref<4x4096x1024xf32, #tpu.memory_space<hbm>> -> memref<4x8x1024xf32, #tpu.memory_space<hbm>>
    %dma_start3A_1379 = arith.constant 0 : i32
    %dma_start3A_1380 = arith.constant 0 : i32
    %dma_start3A_1381 = tpu.memref_slice %arg4[%dma_start3A_1379, %multiple_of3A_1369, %dma_start3A_1380] : memref<4x4096x1024xf32, #tpu.memory_space<hbm>> -> memref<4x8x1024xf32, #tpu.memory_space<hbm>>
    %dma_start3A_1382 = arith.constant 0 : i32
    %dma_start3A_1383 = arith.constant 0 : i32
    %dma_start3A_1384 = arith.constant 0 : i32
    %dma_start3A_1385 = tpu.memref_slice %arg5[%dma_start3A_1370, %dma_start3A_1382, %dma_start3A_1383, %dma_start3A_1384] : memref<3x4x8x1024xf32, #tpu.memory_space<vmem>> -> memref<1x4x8x1024xf32, #tpu.memory_space<vmem>>
    %dma_start3A_1386 = tpu.memref_squeeze %dma_start3A_1385 : memref<1x4x8x1024xf32, #tpu.memory_space<vmem>> -> memref<4x8x1024xf32, #tpu.memory_space<vmem>>
    tpu.enqueue_dma source(%dma_start3A_1386 : memref<4x8x1024xf32, #tpu.memory_space<vmem>>) target(%dma_start3A_1381 : memref<4x8x1024xf32, #tpu.memory_space<hbm>>) target_semaphore(%arg10 : memref<!tpu.dma_semaphore, #tpu.memory_space<semaphore_mem>>)
    %dma_wait3A_1387 = arith.constant 0 : i32
    %dma_wait3A_1388 = arith.constant 0 : i32
    %dma_wait3A_1389 = arith.constant 0 : i32
    %dma_wait3A_1390 = arith.constant 0 : i32
    %dma_wait3A_1391 = tpu.memref_slice %arg5[%dma_wait3A_1387, %dma_wait3A_1388, %dma_wait3A_1389, %dma_wait3A_1390] : memref<3x4x8x1024xf32, #tpu.memory_space<vmem>> -> memref<1x4x8x1024xf32, #tpu.memory_space<vmem>>
    %dma_wait3A_1392 = tpu.memref_squeeze %dma_wait3A_1391 : memref<1x4x8x1024xf32, #tpu.memory_space<vmem>> -> memref<4x8x1024xf32, #tpu.memory_space<vmem>>
    %dma_wait3A_1393 = arith.constant 0 : i32
    %dma_wait3A_1394 = arith.constant 0 : i32
    %dma_wait3A_1395 = tpu.memref_slice %arg4[%dma_wait3A_1393, %multiple_of3A_1369, %dma_wait3A_1394] : memref<4x4096x1024xf32, #tpu.memory_space<hbm>> -> memref<4x8x1024xf32, #tpu.memory_space<hbm>>
    %dma_wait3A_1396 = arith.constant 0 : i32
    %dma_wait3A_1397 = arith.constant 0 : i32
    %dma_wait3A_1398 = tpu.memref_slice %arg4[%dma_wait3A_1396, %multiple_of3A_1369, %dma_wait3A_1397] : memref<4x4096x1024xf32, #tpu.memory_space<hbm>> -> memref<4x8x1024xf32, #tpu.memory_space<hbm>>
    %dma_wait3A_1399 = arith.constant 0 : i32
    %dma_wait3A_1400 = arith.constant 0 : i32
    %dma_wait3A_1401 = arith.constant 0 : i32
    %dma_wait3A_1402 = tpu.memref_slice %arg5[%dma_wait3A_1387, %dma_wait3A_1399, %dma_wait3A_1400, %dma_wait3A_1401] : memref<3x4x8x1024xf32, #tpu.memory_space<vmem>> -> memref<1x4x8x1024xf32, #tpu.memory_space<vmem>>
    %dma_wait3A_1403 = tpu.memref_squeeze %dma_wait3A_1402 : memref<1x4x8x1024xf32, #tpu.memory_space<vmem>> -> memref<4x8x1024xf32, #tpu.memory_space<vmem>>
    tpu.wait_dma2 semaphore(%arg10 : memref<!tpu.dma_semaphore, #tpu.memory_space<semaphore_mem>>) src(%dma_wait3A_1403 : memref<4x8x1024xf32, #tpu.memory_space<vmem>>) dst(%dma_wait3A_1398 : memref<4x8x1024xf32, #tpu.memory_space<hbm>>)
    %add3A_1404 = arith.constant 120 : i32
    %add3A_1405 = arith.addi %mul3A_2, %add3A_1404 : i32
    %multiple_of3A_1406 = tpu.assume_multiple %add3A_1405, 8 : i32
    %dma_start3A_1407 = arith.constant 0 : i32
    %dma_start3A_1408 = arith.constant 0 : i32
    %dma_start3A_1409 = arith.constant 0 : i32
    %dma_start3A_1410 = tpu.memref_slice %arg6[%dma_start3A_1407, %dma_start3A_1408, %dma_start3A_1409] : memref<3x8x1024xf32, #tpu.memory_space<vmem>> -> memref<1x8x1024xf32, #tpu.memory_space<vmem>>
    %dma_start3A_1411 = tpu.memref_squeeze %dma_start3A_1410 : memref<1x8x1024xf32, #tpu.memory_space<vmem>> -> memref<8x1024xf32, #tpu.memory_space<vmem>>
    %dma_start3A_1412 = arith.constant 0 : i32
    %dma_start3A_1413 = tpu.memref_slice %arg3[%multiple_of3A_1406, %dma_start3A_1412] : memref<8192x1024xf32, #tpu.memory_space<hbm>> -> memref<8x1024xf32, #tpu.memory_space<hbm>>
    %dma_start3A_1414 = arith.constant 0 : i32
    %dma_start3A_1415 = arith.constant 0 : i32
    %dma_start3A_1416 = tpu.memref_slice %arg6[%dma_start3A_1407, %dma_start3A_1414, %dma_start3A_1415] : memref<3x8x1024xf32, #tpu.memory_space<vmem>> -> memref<1x8x1024xf32, #tpu.memory_space<vmem>>
    %dma_start3A_1417 = tpu.memref_squeeze %dma_start3A_1416 : memref<1x8x1024xf32, #tpu.memory_space<vmem>> -> memref<8x1024xf32, #tpu.memory_space<vmem>>
    %dma_start3A_1418 = arith.constant 0 : i32
    %dma_start3A_1419 = tpu.memref_slice %arg3[%multiple_of3A_1406, %dma_start3A_1418] : memref<8192x1024xf32, #tpu.memory_space<hbm>> -> memref<8x1024xf32, #tpu.memory_space<hbm>>
    tpu.enqueue_dma source(%dma_start3A_1419 : memref<8x1024xf32, #tpu.memory_space<hbm>>) target(%dma_start3A_1417 : memref<8x1024xf32, #tpu.memory_space<vmem>>) target_semaphore(%arg7 : memref<!tpu.dma_semaphore, #tpu.memory_space<semaphore_mem>>)
    %dma_start3A_1420 = arith.constant 0 : i32
    %dma_start3A_1421 = arith.constant 0 : i32
    %dma_start3A_1422 = arith.constant 0 : i32
    %dma_start3A_1423 = arith.constant 0 : i32
    %dma_start3A_1424 = tpu.memref_slice %arg5[%dma_start3A_1420, %dma_start3A_1421, %dma_start3A_1422, %dma_start3A_1423] : memref<3x4x8x1024xf32, #tpu.memory_space<vmem>> -> memref<1x4x8x1024xf32, #tpu.memory_space<vmem>>
    %dma_start3A_1425 = tpu.memref_squeeze %dma_start3A_1424 : memref<1x4x8x1024xf32, #tpu.memory_space<vmem>> -> memref<4x8x1024xf32, #tpu.memory_space<vmem>>
    %dma_start3A_1426 = arith.constant 0 : i32
    %dma_start3A_1427 = arith.constant 0 : i32
    %dma_start3A_1428 = tpu.memref_slice %arg2[%dma_start3A_1426, %multiple_of3A_1406, %dma_start3A_1427] : memref<4x4096x1024xf32, #tpu.memory_space<hbm>> -> memref<4x8x1024xf32, #tpu.memory_space<hbm>>
    %dma_start3A_1429 = arith.constant 0 : i32
    %dma_start3A_1430 = arith.constant 0 : i32
    %dma_start3A_1431 = arith.constant 0 : i32
    %dma_start3A_1432 = tpu.memref_slice %arg5[%dma_start3A_1420, %dma_start3A_1429, %dma_start3A_1430, %dma_start3A_1431] : memref<3x4x8x1024xf32, #tpu.memory_space<vmem>> -> memref<1x4x8x1024xf32, #tpu.memory_space<vmem>>
    %dma_start3A_1433 = tpu.memref_squeeze %dma_start3A_1432 : memref<1x4x8x1024xf32, #tpu.memory_space<vmem>> -> memref<4x8x1024xf32, #tpu.memory_space<vmem>>
    %dma_start3A_1434 = arith.constant 0 : i32
    %dma_start3A_1435 = arith.constant 0 : i32
    %dma_start3A_1436 = tpu.memref_slice %arg2[%dma_start3A_1434, %multiple_of3A_1406, %dma_start3A_1435] : memref<4x4096x1024xf32, #tpu.memory_space<hbm>> -> memref<4x8x1024xf32, #tpu.memory_space<hbm>>
    tpu.enqueue_dma source(%dma_start3A_1436 : memref<4x8x1024xf32, #tpu.memory_space<hbm>>) target(%dma_start3A_1433 : memref<4x8x1024xf32, #tpu.memory_space<vmem>>) target_semaphore(%arg7 : memref<!tpu.dma_semaphore, #tpu.memory_space<semaphore_mem>>)
    %dma_wait3A_1437 = arith.constant 1 : i32
    %dma_wait3A_1438 = arith.constant 0 : i32
    %dma_wait3A_1439 = arith.constant 0 : i32
    %dma_wait3A_1440 = tpu.memref_slice %arg6[%dma_wait3A_1437, %dma_wait3A_1438, %dma_wait3A_1439] : memref<3x8x1024xf32, #tpu.memory_space<vmem>> -> memref<1x8x1024xf32, #tpu.memory_space<vmem>>
    %dma_wait3A_1441 = tpu.memref_squeeze %dma_wait3A_1440 : memref<1x8x1024xf32, #tpu.memory_space<vmem>> -> memref<8x1024xf32, #tpu.memory_space<vmem>>
    %dma_wait3A_1442 = arith.constant 0 : i32
    %dma_wait3A_1443 = tpu.memref_slice %arg3[%multiple_of3A_1200, %dma_wait3A_1442] : memref<8192x1024xf32, #tpu.memory_space<hbm>> -> memref<8x1024xf32, #tpu.memory_space<hbm>>
    %dma_wait3A_1444 = arith.constant 0 : i32
    %dma_wait3A_1445 = arith.constant 0 : i32
    %dma_wait3A_1446 = tpu.memref_slice %arg6[%dma_wait3A_1437, %dma_wait3A_1444, %dma_wait3A_1445] : memref<3x8x1024xf32, #tpu.memory_space<vmem>> -> memref<1x8x1024xf32, #tpu.memory_space<vmem>>
    %dma_wait3A_1447 = tpu.memref_squeeze %dma_wait3A_1446 : memref<1x8x1024xf32, #tpu.memory_space<vmem>> -> memref<8x1024xf32, #tpu.memory_space<vmem>>
    %dma_wait3A_1448 = arith.constant 0 : i32
    %dma_wait3A_1449 = tpu.memref_slice %arg3[%multiple_of3A_1200, %dma_wait3A_1448] : memref<8192x1024xf32, #tpu.memory_space<hbm>> -> memref<8x1024xf32, #tpu.memory_space<hbm>>
    tpu.wait_dma2 semaphore(%arg8 : memref<!tpu.dma_semaphore, #tpu.memory_space<semaphore_mem>>) src(%dma_wait3A_1449 : memref<8x1024xf32, #tpu.memory_space<hbm>>) dst(%dma_wait3A_1447 : memref<8x1024xf32, #tpu.memory_space<vmem>>)
    %dma_wait3A_1450 = arith.constant 1 : i32
    %dma_wait3A_1451 = arith.constant 0 : i32
    %dma_wait3A_1452 = arith.constant 0 : i32
    %dma_wait3A_1453 = arith.constant 0 : i32
    %dma_wait3A_1454 = tpu.memref_slice %arg5[%dma_wait3A_1450, %dma_wait3A_1451, %dma_wait3A_1452, %dma_wait3A_1453] : memref<3x4x8x1024xf32, #tpu.memory_space<vmem>> -> memref<1x4x8x1024xf32, #tpu.memory_space<vmem>>
    %dma_wait3A_1455 = tpu.memref_squeeze %dma_wait3A_1454 : memref<1x4x8x1024xf32, #tpu.memory_space<vmem>> -> memref<4x8x1024xf32, #tpu.memory_space<vmem>>
    %dma_wait3A_1456 = arith.constant 0 : i32
    %dma_wait3A_1457 = arith.constant 0 : i32
    %dma_wait3A_1458 = tpu.memref_slice %arg2[%dma_wait3A_1456, %multiple_of3A_1200, %dma_wait3A_1457] : memref<4x4096x1024xf32, #tpu.memory_space<hbm>> -> memref<4x8x1024xf32, #tpu.memory_space<hbm>>
    %dma_wait3A_1459 = arith.constant 0 : i32
    %dma_wait3A_1460 = arith.constant 0 : i32
    %dma_wait3A_1461 = arith.constant 0 : i32
    %dma_wait3A_1462 = tpu.memref_slice %arg5[%dma_wait3A_1450, %dma_wait3A_1459, %dma_wait3A_1460, %dma_wait3A_1461] : memref<3x4x8x1024xf32, #tpu.memory_space<vmem>> -> memref<1x4x8x1024xf32, #tpu.memory_space<vmem>>
    %dma_wait3A_1463 = tpu.memref_squeeze %dma_wait3A_1462 : memref<1x4x8x1024xf32, #tpu.memory_space<vmem>> -> memref<4x8x1024xf32, #tpu.memory_space<vmem>>
    %dma_wait3A_1464 = arith.constant 0 : i32
    %dma_wait3A_1465 = arith.constant 0 : i32
    %dma_wait3A_1466 = tpu.memref_slice %arg2[%dma_wait3A_1464, %multiple_of3A_1200, %dma_wait3A_1465] : memref<4x4096x1024xf32, #tpu.memory_space<hbm>> -> memref<4x8x1024xf32, #tpu.memory_space<hbm>>
    tpu.wait_dma2 semaphore(%arg8 : memref<!tpu.dma_semaphore, #tpu.memory_space<semaphore_mem>>) src(%dma_wait3A_1466 : memref<4x8x1024xf32, #tpu.memory_space<hbm>>) dst(%dma_wait3A_1463 : memref<4x8x1024xf32, #tpu.memory_space<vmem>>)
    %parallel_loop3A_1467 = arith.constant 0 : i32
    %parallel_loop3A_1468 = arith.constant 512 : i32
    %parallel_loop3A_1469 = arith.constant 1 : i32
    scf.for %parallel_loop3A_1647 = %parallel_loop3A_1467 to %parallel_loop3A_1468 step %parallel_loop3A_1469  : i32 {
      %parallel_loop3A_1648 = arith.constant 64 : i32
      %parallel_loop3A_1649 = arith.divsi %parallel_loop3A_1647, %parallel_loop3A_1648 : i32
      %parallel_loop3A_1650 = arith.constant 0 : i32
      %parallel_loop3A_1651 = arith.cmpi sgt, %parallel_loop3A_1647, %parallel_loop3A_1650 : i32
      %parallel_loop3A_1652 = arith.extui %parallel_loop3A_1651 : i1 to i32
      %parallel_loop3A_1653 = arith.constant 0 : i32
      %parallel_loop3A_1654 = arith.cmpi slt, %parallel_loop3A_1647, %parallel_loop3A_1653 : i32
      %parallel_loop3A_1655 = arith.extui %parallel_loop3A_1654 : i1 to i32
      %parallel_loop3A_1656 = arith.subi %parallel_loop3A_1652, %parallel_loop3A_1655 : i32
      %parallel_loop3A_1657 = arith.constant 0 : i32
      %parallel_loop3A_1658 = arith.cmpi sgt, %parallel_loop3A_1648, %parallel_loop3A_1657 : i32
      %parallel_loop3A_1659 = arith.extui %parallel_loop3A_1658 : i1 to i32
      %parallel_loop3A_1660 = arith.constant 0 : i32
      %parallel_loop3A_1661 = arith.cmpi slt, %parallel_loop3A_1648, %parallel_loop3A_1660 : i32
      %parallel_loop3A_1662 = arith.extui %parallel_loop3A_1661 : i1 to i32
      %parallel_loop3A_1663 = arith.subi %parallel_loop3A_1659, %parallel_loop3A_1662 : i32
      %parallel_loop3A_1664 = arith.cmpi ne, %parallel_loop3A_1656, %parallel_loop3A_1663 : i32
      %parallel_loop3A_1665 = arith.remsi %parallel_loop3A_1647, %parallel_loop3A_1648 : i32
      %parallel_loop3A_1666 = arith.constant 0 : i32
      %parallel_loop3A_1667 = arith.cmpi ne, %parallel_loop3A_1665, %parallel_loop3A_1666 : i32
      %parallel_loop3A_1668 = arith.andi %parallel_loop3A_1664, %parallel_loop3A_1667 : i1
      %parallel_loop3A_1669 = arith.constant 1 : i32
      %parallel_loop3A_1670 = arith.subi %parallel_loop3A_1649, %parallel_loop3A_1669 : i32
      %parallel_loop3A_1671 = arith.select %parallel_loop3A_1668, %parallel_loop3A_1670, %parallel_loop3A_1649 : i32
      %parallel_loop3A_1672 = arith.constant 64 : i32
      %parallel_loop3A_1673 = arith.constant 0 : i32
      %parallel_loop3A_1674 = arith.cmpi eq, %parallel_loop3A_1672, %parallel_loop3A_1673 : i32
      %parallel_loop3A_1675 = arith.constant 1 : i32
      %parallel_loop3A_1676 = arith.select %parallel_loop3A_1674, %parallel_loop3A_1675, %parallel_loop3A_1672 : i32
      %parallel_loop3A_1677 = arith.remsi %parallel_loop3A_1647, %parallel_loop3A_1676 : i32
      %parallel_loop3A_1678 = arith.constant 0 : i32
      %parallel_loop3A_1679 = arith.cmpi ne, %parallel_loop3A_1677, %parallel_loop3A_1678 : i32
      %parallel_loop3A_1680 = arith.constant 0 : i32
      %parallel_loop3A_1681 = arith.cmpi slt, %parallel_loop3A_1677, %parallel_loop3A_1680 : i32
      %parallel_loop3A_1682 = arith.constant 0 : i32
      %parallel_loop3A_1683 = arith.cmpi slt, %parallel_loop3A_1676, %parallel_loop3A_1682 : i32
      %parallel_loop3A_1684 = arith.xori %parallel_loop3A_1681, %parallel_loop3A_1683 : i1
      %parallel_loop3A_1685 = arith.andi %parallel_loop3A_1684, %parallel_loop3A_1679 : i1
      %parallel_loop3A_1686 = arith.addi %parallel_loop3A_1677, %parallel_loop3A_1676 : i32
      %parallel_loop3A_1687 = arith.select %parallel_loop3A_1685, %parallel_loop3A_1686, %parallel_loop3A_1677 : i32
      %parallel_loop3A_1688 = arith.constant 16 : i32
      %parallel_loop3A_1689 = arith.muli %parallel_loop3A_1687, %parallel_loop3A_1688 : i32
      %parallel_loop3A_1690 = tpu.assume_multiple %parallel_loop3A_1689, 16 : i32
      %parallel_loop3A_1691 = arith.constant 1 : i32
      %parallel_loop3A_1692 = arith.index_cast %parallel_loop3A_1691 : i32 to index
      %parallel_loop3A_1693 = arith.index_cast %parallel_loop3A_1671 : i32 to index
      %parallel_loop3A_1694 = arith.index_cast %parallel_loop3A_1690 : i32 to index
      %parallel_loop3A_1695 = tpu.vector_load %arg6[%parallel_loop3A_1692, %parallel_loop3A_1693, %parallel_loop3A_1694] {strides = array<i32>} : memref<3x8x1024xf32, #tpu.memory_space<vmem>>, vector<1x1x16xf32>,
      %parallel_loop3A_1696 = vector.shape_cast %parallel_loop3A_1695 : vector<1x1x16xf32> to vector<16xf32>
      %parallel_loop3A_1697 = arith.constant 3.200000e+01 : f32
      %parallel_loop3A_1698 = vector.broadcast %parallel_loop3A_1697 : f32 to vector<16xf32>
      %parallel_loop3A_1699 = arith.mulf %parallel_loop3A_1696, %parallel_loop3A_1698 : vector<16xf32>
      %parallel_loop3A_1700 = arith.constant 1 : i32
      %parallel_loop3A_1701 = arith.constant 0 : i32
      %parallel_loop3A_1702 = arith.index_cast %parallel_loop3A_1700 : i32 to index
      %parallel_loop3A_1703 = arith.index_cast %parallel_loop3A_1701 : i32 to index
      %parallel_loop3A_1704 = arith.index_cast %parallel_loop3A_1671 : i32 to index
      %parallel_loop3A_1705 = arith.index_cast %parallel_loop3A_1690 : i32 to index
      %parallel_loop3A_1706 = tpu.vector_load %arg5[%parallel_loop3A_1702, %parallel_loop3A_1703, %parallel_loop3A_1704, %parallel_loop3A_1705] {strides = array<i32>} : memref<3x4x8x1024xf32, #tpu.memory_space<vmem>>, vector<1x1x1x16xf32>,
      %parallel_loop3A_1707 = vector.shape_cast %parallel_loop3A_1706 : vector<1x1x1x16xf32> to vector<16xf32>
      %parallel_loop3A_1708 = vector.shape_cast %parallel_loop3A_1699 : vector<16xf32> to vector<1x1x1x16xf32>
      tpu.vector_store %arg5[%parallel_loop3A_1702, %parallel_loop3A_1703, %parallel_loop3A_1704, %parallel_loop3A_1705], %parallel_loop3A_1708 {add = true, strides = array<i32>} : memref<3x4x8x1024xf32, #tpu.memory_space<vmem>>, vector<1x1x1x16xf32>,
      %parallel_loop3A_1709 = arith.constant 1 : i32
      %parallel_loop3A_1710 = arith.constant 1 : i32
      %parallel_loop3A_1711 = arith.index_cast %parallel_loop3A_1709 : i32 to index
      %parallel_loop3A_1712 = arith.index_cast %parallel_loop3A_1710 : i32 to index
      %parallel_loop3A_1713 = arith.index_cast %parallel_loop3A_1671 : i32 to index
      %parallel_loop3A_1714 = arith.index_cast %parallel_loop3A_1690 : i32 to index
      %parallel_loop3A_1715 = tpu.vector_load %arg5[%parallel_loop3A_1711, %parallel_loop3A_1712, %parallel_loop3A_1713, %parallel_loop3A_1714] {strides = array<i32>} : memref<3x4x8x1024xf32, #tpu.memory_space<vmem>>, vector<1x1x1x16xf32>,
      %parallel_loop3A_1716 = vector.shape_cast %parallel_loop3A_1715 : vector<1x1x1x16xf32> to vector<16xf32>
      %parallel_loop3A_1717 = vector.shape_cast %parallel_loop3A_1699 : vector<16xf32> to vector<1x1x1x16xf32>
      tpu.vector_store %arg5[%parallel_loop3A_1711, %parallel_loop3A_1712, %parallel_loop3A_1713, %parallel_loop3A_1714], %parallel_loop3A_1717 {add = true, strides = array<i32>} : memref<3x4x8x1024xf32, #tpu.memory_space<vmem>>, vector<1x1x1x16xf32>,
      %parallel_loop3A_1718 = arith.constant 1 : i32
      %parallel_loop3A_1719 = arith.constant 2 : i32
      %parallel_loop3A_1720 = arith.index_cast %parallel_loop3A_1718 : i32 to index
      %parallel_loop3A_1721 = arith.index_cast %parallel_loop3A_1719 : i32 to index
      %parallel_loop3A_1722 = arith.index_cast %parallel_loop3A_1671 : i32 to index
      %parallel_loop3A_1723 = arith.index_cast %parallel_loop3A_1690 : i32 to index
      %parallel_loop3A_1724 = tpu.vector_load %arg5[%parallel_loop3A_1720, %parallel_loop3A_1721, %parallel_loop3A_1722, %parallel_loop3A_1723] {strides = array<i32>} : memref<3x4x8x1024xf32, #tpu.memory_space<vmem>>, vector<1x1x1x16xf32>,
      %parallel_loop3A_1725 = vector.shape_cast %parallel_loop3A_1724 : vector<1x1x1x16xf32> to vector<16xf32>
      %parallel_loop3A_1726 = vector.shape_cast %parallel_loop3A_1699 : vector<16xf32> to vector<1x1x1x16xf32>
      tpu.vector_store %arg5[%parallel_loop3A_1720, %parallel_loop3A_1721, %parallel_loop3A_1722, %parallel_loop3A_1723], %parallel_loop3A_1726 {add = true, strides = array<i32>} : memref<3x4x8x1024xf32, #tpu.memory_space<vmem>>, vector<1x1x1x16xf32>,
      %parallel_loop3A_1727 = arith.constant 1 : i32
      %parallel_loop3A_1728 = arith.constant 3 : i32
      %parallel_loop3A_1729 = arith.index_cast %parallel_loop3A_1727 : i32 to index
      %parallel_loop3A_1730 = arith.index_cast %parallel_loop3A_1728 : i32 to index
      %parallel_loop3A_1731 = arith.index_cast %parallel_loop3A_1671 : i32 to index
      %parallel_loop3A_1732 = arith.index_cast %parallel_loop3A_1690 : i32 to index
      %parallel_loop3A_1733 = tpu.vector_load %arg5[%parallel_loop3A_1729, %parallel_loop3A_1730, %parallel_loop3A_1731, %parallel_loop3A_1732] {strides = array<i32>} : memref<3x4x8x1024xf32, #tpu.memory_space<vmem>>, vector<1x1x1x16xf32>,
      %parallel_loop3A_1734 = vector.shape_cast %parallel_loop3A_1733 : vector<1x1x1x16xf32> to vector<16xf32>
      %parallel_loop3A_1735 = vector.shape_cast %parallel_loop3A_1699 : vector<16xf32> to vector<1x1x1x16xf32>
      tpu.vector_store %arg5[%parallel_loop3A_1729, %parallel_loop3A_1730, %parallel_loop3A_1731, %parallel_loop3A_1732], %parallel_loop3A_1735 {add = true, strides = array<i32>} : memref<3x4x8x1024xf32, #tpu.memory_space<vmem>>, vector<1x1x1x16xf32>,
    } {sc.loop_unroll_factor = 8 : i64, sc.parallel_access}
    %add3A_1470 = arith.constant 104 : i32
    %add3A_1471 = arith.addi %mul3A_2, %add3A_1470 : i32
    %multiple_of3A_1472 = tpu.assume_multiple %add3A_1471, 8 : i32
    %dma_start3A_1473 = arith.constant 1 : i32
    %dma_start3A_1474 = arith.constant 0 : i32
    %dma_start3A_1475 = arith.constant 0 : i32
    %dma_start3A_1476 = arith.constant 0 : i32
    %dma_start3A_1477 = tpu.memref_slice %arg5[%dma_start3A_1473, %dma_start3A_1474, %dma_start3A_1475, %dma_start3A_1476] : memref<3x4x8x1024xf32, #tpu.memory_space<vmem>> -> memref<1x4x8x1024xf32, #tpu.memory_space<vmem>>
    %dma_start3A_1478 = tpu.memref_squeeze %dma_start3A_1477 : memref<1x4x8x1024xf32, #tpu.memory_space<vmem>> -> memref<4x8x1024xf32, #tpu.memory_space<vmem>>
    %dma_start3A_1479 = arith.constant 0 : i32
    %dma_start3A_1480 = arith.constant 0 : i32
    %dma_start3A_1481 = tpu.memref_slice %arg4[%dma_start3A_1479, %multiple_of3A_1472, %dma_start3A_1480] : memref<4x4096x1024xf32, #tpu.memory_space<hbm>> -> memref<4x8x1024xf32, #tpu.memory_space<hbm>>
    %dma_start3A_1482 = arith.constant 0 : i32
    %dma_start3A_1483 = arith.constant 0 : i32
    %dma_start3A_1484 = tpu.memref_slice %arg4[%dma_start3A_1482, %multiple_of3A_1472, %dma_start3A_1483] : memref<4x4096x1024xf32, #tpu.memory_space<hbm>> -> memref<4x8x1024xf32, #tpu.memory_space<hbm>>
    %dma_start3A_1485 = arith.constant 0 : i32
    %dma_start3A_1486 = arith.constant 0 : i32
    %dma_start3A_1487 = arith.constant 0 : i32
    %dma_start3A_1488 = tpu.memref_slice %arg5[%dma_start3A_1473, %dma_start3A_1485, %dma_start3A_1486, %dma_start3A_1487] : memref<3x4x8x1024xf32, #tpu.memory_space<vmem>> -> memref<1x4x8x1024xf32, #tpu.memory_space<vmem>>
    %dma_start3A_1489 = tpu.memref_squeeze %dma_start3A_1488 : memref<1x4x8x1024xf32, #tpu.memory_space<vmem>> -> memref<4x8x1024xf32, #tpu.memory_space<vmem>>
    tpu.enqueue_dma source(%dma_start3A_1489 : memref<4x8x1024xf32, #tpu.memory_space<vmem>>) target(%dma_start3A_1484 : memref<4x8x1024xf32, #tpu.memory_space<hbm>>) target_semaphore(%arg11 : memref<!tpu.dma_semaphore, #tpu.memory_space<semaphore_mem>>)
    %dma_wait3A_1490 = arith.constant 2 : i32
    %dma_wait3A_1491 = arith.constant 0 : i32
    %dma_wait3A_1492 = arith.constant 0 : i32
    %dma_wait3A_1493 = tpu.memref_slice %arg6[%dma_wait3A_1490, %dma_wait3A_1491, %dma_wait3A_1492] : memref<3x8x1024xf32, #tpu.memory_space<vmem>> -> memref<1x8x1024xf32, #tpu.memory_space<vmem>>
    %dma_wait3A_1494 = tpu.memref_squeeze %dma_wait3A_1493 : memref<1x8x1024xf32, #tpu.memory_space<vmem>> -> memref<8x1024xf32, #tpu.memory_space<vmem>>
    %dma_wait3A_1495 = arith.constant 0 : i32
    %dma_wait3A_1496 = tpu.memref_slice %arg3[%multiple_of3A_1303, %dma_wait3A_1495] : memref<8192x1024xf32, #tpu.memory_space<hbm>> -> memref<8x1024xf32, #tpu.memory_space<hbm>>
    %dma_wait3A_1497 = arith.constant 0 : i32
    %dma_wait3A_1498 = arith.constant 0 : i32
    %dma_wait3A_1499 = tpu.memref_slice %arg6[%dma_wait3A_1490, %dma_wait3A_1497, %dma_wait3A_1498] : memref<3x8x1024xf32, #tpu.memory_space<vmem>> -> memref<1x8x1024xf32, #tpu.memory_space<vmem>>
    %dma_wait3A_1500 = tpu.memref_squeeze %dma_wait3A_1499 : memref<1x8x1024xf32, #tpu.memory_space<vmem>> -> memref<8x1024xf32, #tpu.memory_space<vmem>>
    %dma_wait3A_1501 = arith.constant 0 : i32
    %dma_wait3A_1502 = tpu.memref_slice %arg3[%multiple_of3A_1303, %dma_wait3A_1501] : memref<8192x1024xf32, #tpu.memory_space<hbm>> -> memref<8x1024xf32, #tpu.memory_space<hbm>>
    tpu.wait_dma2 semaphore(%arg9 : memref<!tpu.dma_semaphore, #tpu.memory_space<semaphore_mem>>) src(%dma_wait3A_1502 : memref<8x1024xf32, #tpu.memory_space<hbm>>) dst(%dma_wait3A_1500 : memref<8x1024xf32, #tpu.memory_space<vmem>>)
    %dma_wait3A_1503 = arith.constant 2 : i32
    %dma_wait3A_1504 = arith.constant 0 : i32
    %dma_wait3A_1505 = arith.constant 0 : i32
    %dma_wait3A_1506 = arith.constant 0 : i32
    %dma_wait3A_1507 = tpu.memref_slice %arg5[%dma_wait3A_1503, %dma_wait3A_1504, %dma_wait3A_1505, %dma_wait3A_1506] : memref<3x4x8x1024xf32, #tpu.memory_space<vmem>> -> memref<1x4x8x1024xf32, #tpu.memory_space<vmem>>
    %dma_wait3A_1508 = tpu.memref_squeeze %dma_wait3A_1507 : memref<1x4x8x1024xf32, #tpu.memory_space<vmem>> -> memref<4x8x1024xf32, #tpu.memory_space<vmem>>
    %dma_wait3A_1509 = arith.constant 0 : i32
    %dma_wait3A_1510 = arith.constant 0 : i32
    %dma_wait3A_1511 = tpu.memref_slice %arg2[%dma_wait3A_1509, %multiple_of3A_1303, %dma_wait3A_1510] : memref<4x4096x1024xf32, #tpu.memory_space<hbm>> -> memref<4x8x1024xf32, #tpu.memory_space<hbm>>
    %dma_wait3A_1512 = arith.constant 0 : i32
    %dma_wait3A_1513 = arith.constant 0 : i32
    %dma_wait3A_1514 = arith.constant 0 : i32
    %dma_wait3A_1515 = tpu.memref_slice %arg5[%dma_wait3A_1503, %dma_wait3A_1512, %dma_wait3A_1513, %dma_wait3A_1514] : memref<3x4x8x1024xf32, #tpu.memory_space<vmem>> -> memref<1x4x8x1024xf32, #tpu.memory_space<vmem>>
    %dma_wait3A_1516 = tpu.memref_squeeze %dma_wait3A_1515 : memref<1x4x8x1024xf32, #tpu.memory_space<vmem>> -> memref<4x8x1024xf32, #tpu.memory_space<vmem>>
    %dma_wait3A_1517 = arith.constant 0 : i32
    %dma_wait3A_1518 = arith.constant 0 : i32
    %dma_wait3A_1519 = tpu.memref_slice %arg2[%dma_wait3A_1517, %multiple_of3A_1303, %dma_wait3A_1518] : memref<4x4096x1024xf32, #tpu.memory_space<hbm>> -> memref<4x8x1024xf32, #tpu.memory_space<hbm>>
    tpu.wait_dma2 semaphore(%arg9 : memref<!tpu.dma_semaphore, #tpu.memory_space<semaphore_mem>>) src(%dma_wait3A_1519 : memref<4x8x1024xf32, #tpu.memory_space<hbm>>) dst(%dma_wait3A_1516 : memref<4x8x1024xf32, #tpu.memory_space<vmem>>)
    %parallel_loop3A_1520 = arith.constant 0 : i32
    %parallel_loop3A_1521 = arith.constant 512 : i32
    %parallel_loop3A_1522 = arith.constant 1 : i32
    scf.for %parallel_loop3A_1647 = %parallel_loop3A_1520 to %parallel_loop3A_1521 step %parallel_loop3A_1522  : i32 {
      %parallel_loop3A_1648 = arith.constant 64 : i32
      %parallel_loop3A_1649 = arith.divsi %parallel_loop3A_1647, %parallel_loop3A_1648 : i32
      %parallel_loop3A_1650 = arith.constant 0 : i32
      %parallel_loop3A_1651 = arith.cmpi sgt, %parallel_loop3A_1647, %parallel_loop3A_1650 : i32
      %parallel_loop3A_1652 = arith.extui %parallel_loop3A_1651 : i1 to i32
      %parallel_loop3A_1653 = arith.constant 0 : i32
      %parallel_loop3A_1654 = arith.cmpi slt, %parallel_loop3A_1647, %parallel_loop3A_1653 : i32
      %parallel_loop3A_1655 = arith.extui %parallel_loop3A_1654 : i1 to i32
      %parallel_loop3A_1656 = arith.subi %parallel_loop3A_1652, %parallel_loop3A_1655 : i32
      %parallel_loop3A_1657 = arith.constant 0 : i32
      %parallel_loop3A_1658 = arith.cmpi sgt, %parallel_loop3A_1648, %parallel_loop3A_1657 : i32
      %parallel_loop3A_1659 = arith.extui %parallel_loop3A_1658 : i1 to i32
      %parallel_loop3A_1660 = arith.constant 0 : i32
      %parallel_loop3A_1661 = arith.cmpi slt, %parallel_loop3A_1648, %parallel_loop3A_1660 : i32
      %parallel_loop3A_1662 = arith.extui %parallel_loop3A_1661 : i1 to i32
      %parallel_loop3A_1663 = arith.subi %parallel_loop3A_1659, %parallel_loop3A_1662 : i32
      %parallel_loop3A_1664 = arith.cmpi ne, %parallel_loop3A_1656, %parallel_loop3A_1663 : i32
      %parallel_loop3A_1665 = arith.remsi %parallel_loop3A_1647, %parallel_loop3A_1648 : i32
      %parallel_loop3A_1666 = arith.constant 0 : i32
      %parallel_loop3A_1667 = arith.cmpi ne, %parallel_loop3A_1665, %parallel_loop3A_1666 : i32
      %parallel_loop3A_1668 = arith.andi %parallel_loop3A_1664, %parallel_loop3A_1667 : i1
      %parallel_loop3A_1669 = arith.constant 1 : i32
      %parallel_loop3A_1670 = arith.subi %parallel_loop3A_1649, %parallel_loop3A_1669 : i32
      %parallel_loop3A_1671 = arith.select %parallel_loop3A_1668, %parallel_loop3A_1670, %parallel_loop3A_1649 : i32
      %parallel_loop3A_1672 = arith.constant 64 : i32
      %parallel_loop3A_1673 = arith.constant 0 : i32
      %parallel_loop3A_1674 = arith.cmpi eq, %parallel_loop3A_1672, %parallel_loop3A_1673 : i32
      %parallel_loop3A_1675 = arith.constant 1 : i32
      %parallel_loop3A_1676 = arith.select %parallel_loop3A_1674, %parallel_loop3A_1675, %parallel_loop3A_1672 : i32
      %parallel_loop3A_1677 = arith.remsi %parallel_loop3A_1647, %parallel_loop3A_1676 : i32
      %parallel_loop3A_1678 = arith.constant 0 : i32
      %parallel_loop3A_1679 = arith.cmpi ne, %parallel_loop3A_1677, %parallel_loop3A_1678 : i32
      %parallel_loop3A_1680 = arith.constant 0 : i32
      %parallel_loop3A_1681 = arith.cmpi slt, %parallel_loop3A_1677, %parallel_loop3A_1680 : i32
      %parallel_loop3A_1682 = arith.constant 0 : i32
      %parallel_loop3A_1683 = arith.cmpi slt, %parallel_loop3A_1676, %parallel_loop3A_1682 : i32
      %parallel_loop3A_1684 = arith.xori %parallel_loop3A_1681, %parallel_loop3A_1683 : i1
      %parallel_loop3A_1685 = arith.andi %parallel_loop3A_1684, %parallel_loop3A_1679 : i1
      %parallel_loop3A_1686 = arith.addi %parallel_loop3A_1677, %parallel_loop3A_1676 : i32
      %parallel_loop3A_1687 = arith.select %parallel_loop3A_1685, %parallel_loop3A_1686, %parallel_loop3A_1677 : i32
      %parallel_loop3A_1688 = arith.constant 16 : i32
      %parallel_loop3A_1689 = arith.muli %parallel_loop3A_1687, %parallel_loop3A_1688 : i32
      %parallel_loop3A_1690 = tpu.assume_multiple %parallel_loop3A_1689, 16 : i32
      %parallel_loop3A_1691 = arith.constant 2 : i32
      %parallel_loop3A_1692 = arith.index_cast %parallel_loop3A_1691 : i32 to index
      %parallel_loop3A_1693 = arith.index_cast %parallel_loop3A_1671 : i32 to index
      %parallel_loop3A_1694 = arith.index_cast %parallel_loop3A_1690 : i32 to index
      %parallel_loop3A_1695 = tpu.vector_load %arg6[%parallel_loop3A_1692, %parallel_loop3A_1693, %parallel_loop3A_1694] {strides = array<i32>} : memref<3x8x1024xf32, #tpu.memory_space<vmem>>, vector<1x1x16xf32>,
      %parallel_loop3A_1696 = vector.shape_cast %parallel_loop3A_1695 : vector<1x1x16xf32> to vector<16xf32>
      %parallel_loop3A_1697 = arith.constant 3.200000e+01 : f32
      %parallel_loop3A_1698 = vector.broadcast %parallel_loop3A_1697 : f32 to vector<16xf32>
      %parallel_loop3A_1699 = arith.mulf %parallel_loop3A_1696, %parallel_loop3A_1698 : vector<16xf32>
      %parallel_loop3A_1700 = arith.constant 2 : i32
      %parallel_loop3A_1701 = arith.constant 0 : i32
      %parallel_loop3A_1702 = arith.index_cast %parallel_loop3A_1700 : i32 to index
      %parallel_loop3A_1703 = arith.index_cast %parallel_loop3A_1701 : i32 to index
      %parallel_loop3A_1704 = arith.index_cast %parallel_loop3A_1671 : i32 to index
      %parallel_loop3A_1705 = arith.index_cast %parallel_loop3A_1690 : i32 to index
      %parallel_loop3A_1706 = tpu.vector_load %arg5[%parallel_loop3A_1702, %parallel_loop3A_1703, %parallel_loop3A_1704, %parallel_loop3A_1705] {strides = array<i32>} : memref<3x4x8x1024xf32, #tpu.memory_space<vmem>>, vector<1x1x1x16xf32>,
      %parallel_loop3A_1707 = vector.shape_cast %parallel_loop3A_1706 : vector<1x1x1x16xf32> to vector<16xf32>
      %parallel_loop3A_1708 = vector.shape_cast %parallel_loop3A_1699 : vector<16xf32> to vector<1x1x1x16xf32>
      tpu.vector_store %arg5[%parallel_loop3A_1702, %parallel_loop3A_1703, %parallel_loop3A_1704, %parallel_loop3A_1705], %parallel_loop3A_1708 {add = true, strides = array<i32>} : memref<3x4x8x1024xf32, #tpu.memory_space<vmem>>, vector<1x1x1x16xf32>,
      %parallel_loop3A_1709 = arith.constant 2 : i32
      %parallel_loop3A_1710 = arith.constant 1 : i32
      %parallel_loop3A_1711 = arith.index_cast %parallel_loop3A_1709 : i32 to index
      %parallel_loop3A_1712 = arith.index_cast %parallel_loop3A_1710 : i32 to index
      %parallel_loop3A_1713 = arith.index_cast %parallel_loop3A_1671 : i32 to index
      %parallel_loop3A_1714 = arith.index_cast %parallel_loop3A_1690 : i32 to index
      %parallel_loop3A_1715 = tpu.vector_load %arg5[%parallel_loop3A_1711, %parallel_loop3A_1712, %parallel_loop3A_1713, %parallel_loop3A_1714] {strides = array<i32>} : memref<3x4x8x1024xf32, #tpu.memory_space<vmem>>, vector<1x1x1x16xf32>,
      %parallel_loop3A_1716 = vector.shape_cast %parallel_loop3A_1715 : vector<1x1x1x16xf32> to vector<16xf32>
      %parallel_loop3A_1717 = vector.shape_cast %parallel_loop3A_1699 : vector<16xf32> to vector<1x1x1x16xf32>
      tpu.vector_store %arg5[%parallel_loop3A_1711, %parallel_loop3A_1712, %parallel_loop3A_1713, %parallel_loop3A_1714], %parallel_loop3A_1717 {add = true, strides = array<i32>} : memref<3x4x8x1024xf32, #tpu.memory_space<vmem>>, vector<1x1x1x16xf32>,
      %parallel_loop3A_1718 = arith.constant 2 : i32
      %parallel_loop3A_1719 = arith.constant 2 : i32
      %parallel_loop3A_1720 = arith.index_cast %parallel_loop3A_1718 : i32 to index
      %parallel_loop3A_1721 = arith.index_cast %parallel_loop3A_1719 : i32 to index
      %parallel_loop3A_1722 = arith.index_cast %parallel_loop3A_1671 : i32 to index
      %parallel_loop3A_1723 = arith.index_cast %parallel_loop3A_1690 : i32 to index
      %parallel_loop3A_1724 = tpu.vector_load %arg5[%parallel_loop3A_1720, %parallel_loop3A_1721, %parallel_loop3A_1722, %parallel_loop3A_1723] {strides = array<i32>} : memref<3x4x8x1024xf32, #tpu.memory_space<vmem>>, vector<1x1x1x16xf32>,
      %parallel_loop3A_1725 = vector.shape_cast %parallel_loop3A_1724 : vector<1x1x1x16xf32> to vector<16xf32>
      %parallel_loop3A_1726 = vector.shape_cast %parallel_loop3A_1699 : vector<16xf32> to vector<1x1x1x16xf32>
      tpu.vector_store %arg5[%parallel_loop3A_1720, %parallel_loop3A_1721, %parallel_loop3A_1722, %parallel_loop3A_1723], %parallel_loop3A_1726 {add = true, strides = array<i32>} : memref<3x4x8x1024xf32, #tpu.memory_space<vmem>>, vector<1x1x1x16xf32>,
      %parallel_loop3A_1727 = arith.constant 2 : i32
      %parallel_loop3A_1728 = arith.constant 3 : i32
      %parallel_loop3A_1729 = arith.index_cast %parallel_loop3A_1727 : i32 to index
      %parallel_loop3A_1730 = arith.index_cast %parallel_loop3A_1728 : i32 to index
      %parallel_loop3A_1731 = arith.index_cast %parallel_loop3A_1671 : i32 to index
      %parallel_loop3A_1732 = arith.index_cast %parallel_loop3A_1690 : i32 to index
      %parallel_loop3A_1733 = tpu.vector_load %arg5[%parallel_loop3A_1729, %parallel_loop3A_1730, %parallel_loop3A_1731, %parallel_loop3A_1732] {strides = array<i32>} : memref<3x4x8x1024xf32, #tpu.memory_space<vmem>>, vector<1x1x1x16xf32>,
      %parallel_loop3A_1734 = vector.shape_cast %parallel_loop3A_1733 : vector<1x1x1x16xf32> to vector<16xf32>
      %parallel_loop3A_1735 = vector.shape_cast %parallel_loop3A_1699 : vector<16xf32> to vector<1x1x1x16xf32>
      tpu.vector_store %arg5[%parallel_loop3A_1729, %parallel_loop3A_1730, %parallel_loop3A_1731, %parallel_loop3A_1732], %parallel_loop3A_1735 {add = true, strides = array<i32>} : memref<3x4x8x1024xf32, #tpu.memory_space<vmem>>, vector<1x1x1x16xf32>,
    } {sc.loop_unroll_factor = 8 : i64, sc.parallel_access}
    %add3A_1523 = arith.constant 112 : i32
    %add3A_1524 = arith.addi %mul3A_2, %add3A_1523 : i32
    %multiple_of3A_1525 = tpu.assume_multiple %add3A_1524, 8 : i32
    %dma_start3A_1526 = arith.constant 2 : i32
    %dma_start3A_1527 = arith.constant 0 : i32
    %dma_start3A_1528 = arith.constant 0 : i32
    %dma_start3A_1529 = arith.constant 0 : i32
    %dma_start3A_1530 = tpu.memref_slice %arg5[%dma_start3A_1526, %dma_start3A_1527, %dma_start3A_1528, %dma_start3A_1529] : memref<3x4x8x1024xf32, #tpu.memory_space<vmem>> -> memref<1x4x8x1024xf32, #tpu.memory_space<vmem>>
    %dma_start3A_1531 = tpu.memref_squeeze %dma_start3A_1530 : memref<1x4x8x1024xf32, #tpu.memory_space<vmem>> -> memref<4x8x1024xf32, #tpu.memory_space<vmem>>
    %dma_start3A_1532 = arith.constant 0 : i32
    %dma_start3A_1533 = arith.constant 0 : i32
    %dma_start3A_1534 = tpu.memref_slice %arg4[%dma_start3A_1532, %multiple_of3A_1525, %dma_start3A_1533] : memref<4x4096x1024xf32, #tpu.memory_space<hbm>> -> memref<4x8x1024xf32, #tpu.memory_space<hbm>>
    %dma_start3A_1535 = arith.constant 0 : i32
    %dma_start3A_1536 = arith.constant 0 : i32
    %dma_start3A_1537 = tpu.memref_slice %arg4[%dma_start3A_1535, %multiple_of3A_1525, %dma_start3A_1536] : memref<4x4096x1024xf32, #tpu.memory_space<hbm>> -> memref<4x8x1024xf32, #tpu.memory_space<hbm>>
    %dma_start3A_1538 = arith.constant 0 : i32
    %dma_start3A_1539 = arith.constant 0 : i32
    %dma_start3A_1540 = arith.constant 0 : i32
    %dma_start3A_1541 = tpu.memref_slice %arg5[%dma_start3A_1526, %dma_start3A_1538, %dma_start3A_1539, %dma_start3A_1540] : memref<3x4x8x1024xf32, #tpu.memory_space<vmem>> -> memref<1x4x8x1024xf32, #tpu.memory_space<vmem>>
    %dma_start3A_1542 = tpu.memref_squeeze %dma_start3A_1541 : memref<1x4x8x1024xf32, #tpu.memory_space<vmem>> -> memref<4x8x1024xf32, #tpu.memory_space<vmem>>
    tpu.enqueue_dma source(%dma_start3A_1542 : memref<4x8x1024xf32, #tpu.memory_space<vmem>>) target(%dma_start3A_1537 : memref<4x8x1024xf32, #tpu.memory_space<hbm>>) target_semaphore(%arg12 : memref<!tpu.dma_semaphore, #tpu.memory_space<semaphore_mem>>)
    %dma_wait3A_1543 = arith.constant 0 : i32
    %dma_wait3A_1544 = arith.constant 0 : i32
    %dma_wait3A_1545 = arith.constant 0 : i32
    %dma_wait3A_1546 = tpu.memref_slice %arg6[%dma_wait3A_1543, %dma_wait3A_1544, %dma_wait3A_1545] : memref<3x8x1024xf32, #tpu.memory_space<vmem>> -> memref<1x8x1024xf32, #tpu.memory_space<vmem>>
    %dma_wait3A_1547 = tpu.memref_squeeze %dma_wait3A_1546 : memref<1x8x1024xf32, #tpu.memory_space<vmem>> -> memref<8x1024xf32, #tpu.memory_space<vmem>>
    %dma_wait3A_1548 = arith.constant 0 : i32
    %dma_wait3A_1549 = tpu.memref_slice %arg3[%multiple_of3A_1406, %dma_wait3A_1548] : memref<8192x1024xf32, #tpu.memory_space<hbm>> -> memref<8x1024xf32, #tpu.memory_space<hbm>>
    %dma_wait3A_1550 = arith.constant 0 : i32
    %dma_wait3A_1551 = arith.constant 0 : i32
    %dma_wait3A_1552 = tpu.memref_slice %arg6[%dma_wait3A_1543, %dma_wait3A_1550, %dma_wait3A_1551] : memref<3x8x1024xf32, #tpu.memory_space<vmem>> -> memref<1x8x1024xf32, #tpu.memory_space<vmem>>
    %dma_wait3A_1553 = tpu.memref_squeeze %dma_wait3A_1552 : memref<1x8x1024xf32, #tpu.memory_space<vmem>> -> memref<8x1024xf32, #tpu.memory_space<vmem>>
    %dma_wait3A_1554 = arith.constant 0 : i32
    %dma_wait3A_1555 = tpu.memref_slice %arg3[%multiple_of3A_1406, %dma_wait3A_1554] : memref<8192x1024xf32, #tpu.memory_space<hbm>> -> memref<8x1024xf32, #tpu.memory_space<hbm>>
    tpu.wait_dma2 semaphore(%arg7 : memref<!tpu.dma_semaphore, #tpu.memory_space<semaphore_mem>>) src(%dma_wait3A_1555 : memref<8x1024xf32, #tpu.memory_space<hbm>>) dst(%dma_wait3A_1553 : memref<8x1024xf32, #tpu.memory_space<vmem>>)
    %dma_wait3A_1556 = arith.constant 0 : i32
    %dma_wait3A_1557 = arith.constant 0 : i32
    %dma_wait3A_1558 = arith.constant 0 : i32
    %dma_wait3A_1559 = arith.constant 0 : i32
    %dma_wait3A_1560 = tpu.memref_slice %arg5[%dma_wait3A_1556, %dma_wait3A_1557, %dma_wait3A_1558, %dma_wait3A_1559] : memref<3x4x8x1024xf32, #tpu.memory_space<vmem>> -> memref<1x4x8x1024xf32, #tpu.memory_space<vmem>>
    %dma_wait3A_1561 = tpu.memref_squeeze %dma_wait3A_1560 : memref<1x4x8x1024xf32, #tpu.memory_space<vmem>> -> memref<4x8x1024xf32, #tpu.memory_space<vmem>>
    %dma_wait3A_1562 = arith.constant 0 : i32
    %dma_wait3A_1563 = arith.constant 0 : i32
    %dma_wait3A_1564 = tpu.memref_slice %arg2[%dma_wait3A_1562, %multiple_of3A_1406, %dma_wait3A_1563] : memref<4x4096x1024xf32, #tpu.memory_space<hbm>> -> memref<4x8x1024xf32, #tpu.memory_space<hbm>>
    %dma_wait3A_1565 = arith.constant 0 : i32
    %dma_wait3A_1566 = arith.constant 0 : i32
    %dma_wait3A_1567 = arith.constant 0 : i32
    %dma_wait3A_1568 = tpu.memref_slice %arg5[%dma_wait3A_1556, %dma_wait3A_1565, %dma_wait3A_1566, %dma_wait3A_1567] : memref<3x4x8x1024xf32, #tpu.memory_space<vmem>> -> memref<1x4x8x1024xf32, #tpu.memory_space<vmem>>
    %dma_wait3A_1569 = tpu.memref_squeeze %dma_wait3A_1568 : memref<1x4x8x1024xf32, #tpu.memory_space<vmem>> -> memref<4x8x1024xf32, #tpu.memory_space<vmem>>
    %dma_wait3A_1570 = arith.constant 0 : i32
    %dma_wait3A_1571 = arith.constant 0 : i32
    %dma_wait3A_1572 = tpu.memref_slice %arg2[%dma_wait3A_1570, %multiple_of3A_1406, %dma_wait3A_1571] : memref<4x4096x1024xf32, #tpu.memory_space<hbm>> -> memref<4x8x1024xf32, #tpu.memory_space<hbm>>
    tpu.wait_dma2 semaphore(%arg7 : memref<!tpu.dma_semaphore, #tpu.memory_space<semaphore_mem>>) src(%dma_wait3A_1572 : memref<4x8x1024xf32, #tpu.memory_space<hbm>>) dst(%dma_wait3A_1569 : memref<4x8x1024xf32, #tpu.memory_space<vmem>>)
    %parallel_loop3A_1573 = arith.constant 0 : i32
    %parallel_loop3A_1574 = arith.constant 512 : i32
    %parallel_loop3A_1575 = arith.constant 1 : i32
    scf.for %parallel_loop3A_1647 = %parallel_loop3A_1573 to %parallel_loop3A_1574 step %parallel_loop3A_1575  : i32 {
      %parallel_loop3A_1648 = arith.constant 64 : i32
      %parallel_loop3A_1649 = arith.divsi %parallel_loop3A_1647, %parallel_loop3A_1648 : i32
      %parallel_loop3A_1650 = arith.constant 0 : i32
      %parallel_loop3A_1651 = arith.cmpi sgt, %parallel_loop3A_1647, %parallel_loop3A_1650 : i32
      %parallel_loop3A_1652 = arith.extui %parallel_loop3A_1651 : i1 to i32
      %parallel_loop3A_1653 = arith.constant 0 : i32
      %parallel_loop3A_1654 = arith.cmpi slt, %parallel_loop3A_1647, %parallel_loop3A_1653 : i32
      %parallel_loop3A_1655 = arith.extui %parallel_loop3A_1654 : i1 to i32
      %parallel_loop3A_1656 = arith.subi %parallel_loop3A_1652, %parallel_loop3A_1655 : i32
      %parallel_loop3A_1657 = arith.constant 0 : i32
      %parallel_loop3A_1658 = arith.cmpi sgt, %parallel_loop3A_1648, %parallel_loop3A_1657 : i32
      %parallel_loop3A_1659 = arith.extui %parallel_loop3A_1658 : i1 to i32
      %parallel_loop3A_1660 = arith.constant 0 : i32
      %parallel_loop3A_1661 = arith.cmpi slt, %parallel_loop3A_1648, %parallel_loop3A_1660 : i32
      %parallel_loop3A_1662 = arith.extui %parallel_loop3A_1661 : i1 to i32
      %parallel_loop3A_1663 = arith.subi %parallel_loop3A_1659, %parallel_loop3A_1662 : i32
      %parallel_loop3A_1664 = arith.cmpi ne, %parallel_loop3A_1656, %parallel_loop3A_1663 : i32
      %parallel_loop3A_1665 = arith.remsi %parallel_loop3A_1647, %parallel_loop3A_1648 : i32
      %parallel_loop3A_1666 = arith.constant 0 : i32
      %parallel_loop3A_1667 = arith.cmpi ne, %parallel_loop3A_1665, %parallel_loop3A_1666 : i32
      %parallel_loop3A_1668 = arith.andi %parallel_loop3A_1664, %parallel_loop3A_1667 : i1
      %parallel_loop3A_1669 = arith.constant 1 : i32
      %parallel_loop3A_1670 = arith.subi %parallel_loop3A_1649, %parallel_loop3A_1669 : i32
      %parallel_loop3A_1671 = arith.select %parallel_loop3A_1668, %parallel_loop3A_1670, %parallel_loop3A_1649 : i32
      %parallel_loop3A_1672 = arith.constant 64 : i32
      %parallel_loop3A_1673 = arith.constant 0 : i32
      %parallel_loop3A_1674 = arith.cmpi eq, %parallel_loop3A_1672, %parallel_loop3A_1673 : i32
      %parallel_loop3A_1675 = arith.constant 1 : i32
      %parallel_loop3A_1676 = arith.select %parallel_loop3A_1674, %parallel_loop3A_1675, %parallel_loop3A_1672 : i32
      %parallel_loop3A_1677 = arith.remsi %parallel_loop3A_1647, %parallel_loop3A_1676 : i32
      %parallel_loop3A_1678 = arith.constant 0 : i32
      %parallel_loop3A_1679 = arith.cmpi ne, %parallel_loop3A_1677, %parallel_loop3A_1678 : i32
      %parallel_loop3A_1680 = arith.constant 0 : i32
      %parallel_loop3A_1681 = arith.cmpi slt, %parallel_loop3A_1677, %parallel_loop3A_1680 : i32
      %parallel_loop3A_1682 = arith.constant 0 : i32
      %parallel_loop3A_1683 = arith.cmpi slt, %parallel_loop3A_1676, %parallel_loop3A_1682 : i32
      %parallel_loop3A_1684 = arith.xori %parallel_loop3A_1681, %parallel_loop3A_1683 : i1
      %parallel_loop3A_1685 = arith.andi %parallel_loop3A_1684, %parallel_loop3A_1679 : i1
      %parallel_loop3A_1686 = arith.addi %parallel_loop3A_1677, %parallel_loop3A_1676 : i32
      %parallel_loop3A_1687 = arith.select %parallel_loop3A_1685, %parallel_loop3A_1686, %parallel_loop3A_1677 : i32
      %parallel_loop3A_1688 = arith.constant 16 : i32
      %parallel_loop3A_1689 = arith.muli %parallel_loop3A_1687, %parallel_loop3A_1688 : i32
      %parallel_loop3A_1690 = tpu.assume_multiple %parallel_loop3A_1689, 16 : i32
      %parallel_loop3A_1691 = arith.constant 0 : i32
      %parallel_loop3A_1692 = arith.index_cast %parallel_loop3A_1691 : i32 to index
      %parallel_loop3A_1693 = arith.index_cast %parallel_loop3A_1671 : i32 to index
      %parallel_loop3A_1694 = arith.index_cast %parallel_loop3A_1690 : i32 to index
      %parallel_loop3A_1695 = tpu.vector_load %arg6[%parallel_loop3A_1692, %parallel_loop3A_1693, %parallel_loop3A_1694] {strides = array<i32>} : memref<3x8x1024xf32, #tpu.memory_space<vmem>>, vector<1x1x16xf32>,
      %parallel_loop3A_1696 = vector.shape_cast %parallel_loop3A_1695 : vector<1x1x16xf32> to vector<16xf32>
      %parallel_loop3A_1697 = arith.constant 3.200000e+01 : f32
      %parallel_loop3A_1698 = vector.broadcast %parallel_loop3A_1697 : f32 to vector<16xf32>
      %parallel_loop3A_1699 = arith.mulf %parallel_loop3A_1696, %parallel_loop3A_1698 : vector<16xf32>
      %parallel_loop3A_1700 = arith.constant 0 : i32
      %parallel_loop3A_1701 = arith.constant 0 : i32
      %parallel_loop3A_1702 = arith.index_cast %parallel_loop3A_1700 : i32 to index
      %parallel_loop3A_1703 = arith.index_cast %parallel_loop3A_1701 : i32 to index
      %parallel_loop3A_1704 = arith.index_cast %parallel_loop3A_1671 : i32 to index
      %parallel_loop3A_1705 = arith.index_cast %parallel_loop3A_1690 : i32 to index
      %parallel_loop3A_1706 = tpu.vector_load %arg5[%parallel_loop3A_1702, %parallel_loop3A_1703, %parallel_loop3A_1704, %parallel_loop3A_1705] {strides = array<i32>} : memref<3x4x8x1024xf32, #tpu.memory_space<vmem>>, vector<1x1x1x16xf32>,
      %parallel_loop3A_1707 = vector.shape_cast %parallel_loop3A_1706 : vector<1x1x1x16xf32> to vector<16xf32>
      %parallel_loop3A_1708 = vector.shape_cast %parallel_loop3A_1699 : vector<16xf32> to vector<1x1x1x16xf32>
      tpu.vector_store %arg5[%parallel_loop3A_1702, %parallel_loop3A_1703, %parallel_loop3A_1704, %parallel_loop3A_1705], %parallel_loop3A_1708 {add = true, strides = array<i32>} : memref<3x4x8x1024xf32, #tpu.memory_space<vmem>>, vector<1x1x1x16xf32>,
      %parallel_loop3A_1709 = arith.constant 0 : i32
      %parallel_loop3A_1710 = arith.constant 1 : i32
      %parallel_loop3A_1711 = arith.index_cast %parallel_loop3A_1709 : i32 to index
      %parallel_loop3A_1712 = arith.index_cast %parallel_loop3A_1710 : i32 to index
      %parallel_loop3A_1713 = arith.index_cast %parallel_loop3A_1671 : i32 to index
      %parallel_loop3A_1714 = arith.index_cast %parallel_loop3A_1690 : i32 to index
      %parallel_loop3A_1715 = tpu.vector_load %arg5[%parallel_loop3A_1711, %parallel_loop3A_1712, %parallel_loop3A_1713, %parallel_loop3A_1714] {strides = array<i32>} : memref<3x4x8x1024xf32, #tpu.memory_space<vmem>>, vector<1x1x1x16xf32>,
      %parallel_loop3A_1716 = vector.shape_cast %parallel_loop3A_1715 : vector<1x1x1x16xf32> to vector<16xf32>
      %parallel_loop3A_1717 = vector.shape_cast %parallel_loop3A_1699 : vector<16xf32> to vector<1x1x1x16xf32>
      tpu.vector_store %arg5[%parallel_loop3A_1711, %parallel_loop3A_1712, %parallel_loop3A_1713, %parallel_loop3A_1714], %parallel_loop3A_1717 {add = true, strides = array<i32>} : memref<3x4x8x1024xf32, #tpu.memory_space<vmem>>, vector<1x1x1x16xf32>,
      %parallel_loop3A_1718 = arith.constant 0 : i32
      %parallel_loop3A_1719 = arith.constant 2 : i32
      %parallel_loop3A_1720 = arith.index_cast %parallel_loop3A_1718 : i32 to index
      %parallel_loop3A_1721 = arith.index_cast %parallel_loop3A_1719 : i32 to index
      %parallel_loop3A_1722 = arith.index_cast %parallel_loop3A_1671 : i32 to index
      %parallel_loop3A_1723 = arith.index_cast %parallel_loop3A_1690 : i32 to index
      %parallel_loop3A_1724 = tpu.vector_load %arg5[%parallel_loop3A_1720, %parallel_loop3A_1721, %parallel_loop3A_1722, %parallel_loop3A_1723] {strides = array<i32>} : memref<3x4x8x1024xf32, #tpu.memory_space<vmem>>, vector<1x1x1x16xf32>,
      %parallel_loop3A_1725 = vector.shape_cast %parallel_loop3A_1724 : vector<1x1x1x16xf32> to vector<16xf32>
      %parallel_loop3A_1726 = vector.shape_cast %parallel_loop3A_1699 : vector<16xf32> to vector<1x1x1x16xf32>
      tpu.vector_store %arg5[%parallel_loop3A_1720, %parallel_loop3A_1721, %parallel_loop3A_1722, %parallel_loop3A_1723], %parallel_loop3A_1726 {add = true, strides = array<i32>} : memref<3x4x8x1024xf32, #tpu.memory_space<vmem>>, vector<1x1x1x16xf32>,
      %parallel_loop3A_1727 = arith.constant 0 : i32
      %parallel_loop3A_1728 = arith.constant 3 : i32
      %parallel_loop3A_1729 = arith.index_cast %parallel_loop3A_1727 : i32 to index
      %parallel_loop3A_1730 = arith.index_cast %parallel_loop3A_1728 : i32 to index
      %parallel_loop3A_1731 = arith.index_cast %parallel_loop3A_1671 : i32 to index
      %parallel_loop3A_1732 = arith.index_cast %parallel_loop3A_1690 : i32 to index
      %parallel_loop3A_1733 = tpu.vector_load %arg5[%parallel_loop3A_1729, %parallel_loop3A_1730, %parallel_loop3A_1731, %parallel_loop3A_1732] {strides = array<i32>} : memref<3x4x8x1024xf32, #tpu.memory_space<vmem>>, vector<1x1x1x16xf32>,
      %parallel_loop3A_1734 = vector.shape_cast %parallel_loop3A_1733 : vector<1x1x1x16xf32> to vector<16xf32>
      %parallel_loop3A_1735 = vector.shape_cast %parallel_loop3A_1699 : vector<16xf32> to vector<1x1x1x16xf32>
      tpu.vector_store %arg5[%parallel_loop3A_1729, %parallel_loop3A_1730, %parallel_loop3A_1731, %parallel_loop3A_1732], %parallel_loop3A_1735 {add = true, strides = array<i32>} : memref<3x4x8x1024xf32, #tpu.memory_space<vmem>>, vector<1x1x1x16xf32>,
    } {sc.loop_unroll_factor = 8 : i64, sc.parallel_access}
    %add3A_1576 = arith.constant 120 : i32
    %add3A_1577 = arith.addi %mul3A_2, %add3A_1576 : i32
    %multiple_of3A_1578 = tpu.assume_multiple %add3A_1577, 8 : i32
    %dma_start3A_1579 = arith.constant 0 : i32
    %dma_start3A_1580 = arith.constant 0 : i32
    %dma_start3A_1581 = arith.constant 0 : i32
    %dma_start3A_1582 = arith.constant 0 : i32
    %dma_start3A_1583 = tpu.memref_slice %arg5[%dma_start3A_1579, %dma_start3A_1580, %dma_start3A_1581, %dma_start3A_1582] : memref<3x4x8x1024xf32, #tpu.memory_space<vmem>> -> memref<1x4x8x1024xf32, #tpu.memory_space<vmem>>
    %dma_start3A_1584 = tpu.memref_squeeze %dma_start3A_1583 : memref<1x4x8x1024xf32, #tpu.memory_space<vmem>> -> memref<4x8x1024xf32, #tpu.memory_space<vmem>>
    %dma_start3A_1585 = arith.constant 0 : i32
    %dma_start3A_1586 = arith.constant 0 : i32
    %dma_start3A_1587 = tpu.memref_slice %arg4[%dma_start3A_1585, %multiple_of3A_1578, %dma_start3A_1586] : memref<4x4096x1024xf32, #tpu.memory_space<hbm>> -> memref<4x8x1024xf32, #tpu.memory_space<hbm>>
    %dma_start3A_1588 = arith.constant 0 : i32
    %dma_start3A_1589 = arith.constant 0 : i32
    %dma_start3A_1590 = tpu.memref_slice %arg4[%dma_start3A_1588, %multiple_of3A_1578, %dma_start3A_1589] : memref<4x4096x1024xf32, #tpu.memory_space<hbm>> -> memref<4x8x1024xf32, #tpu.memory_space<hbm>>
    %dma_start3A_1591 = arith.constant 0 : i32
    %dma_start3A_1592 = arith.constant 0 : i32
    %dma_start3A_1593 = arith.constant 0 : i32
    %dma_start3A_1594 = tpu.memref_slice %arg5[%dma_start3A_1579, %dma_start3A_1591, %dma_start3A_1592, %dma_start3A_1593] : memref<3x4x8x1024xf32, #tpu.memory_space<vmem>> -> memref<1x4x8x1024xf32, #tpu.memory_space<vmem>>
    %dma_start3A_1595 = tpu.memref_squeeze %dma_start3A_1594 : memref<1x4x8x1024xf32, #tpu.memory_space<vmem>> -> memref<4x8x1024xf32, #tpu.memory_space<vmem>>
    tpu.enqueue_dma source(%dma_start3A_1595 : memref<4x8x1024xf32, #tpu.memory_space<vmem>>) target(%dma_start3A_1590 : memref<4x8x1024xf32, #tpu.memory_space<hbm>>) target_semaphore(%arg10 : memref<!tpu.dma_semaphore, #tpu.memory_space<semaphore_mem>>)
    %dma_wait3A_1596 = arith.constant 0 : i32
    %dma_wait3A_1597 = arith.constant 0 : i32
    %dma_wait3A_1598 = arith.constant 0 : i32
    %dma_wait3A_1599 = arith.constant 0 : i32
    %dma_wait3A_1600 = tpu.memref_slice %arg5[%dma_wait3A_1596, %dma_wait3A_1597, %dma_wait3A_1598, %dma_wait3A_1599] : memref<3x4x8x1024xf32, #tpu.memory_space<vmem>> -> memref<1x4x8x1024xf32, #tpu.memory_space<vmem>>
    %dma_wait3A_1601 = tpu.memref_squeeze %dma_wait3A_1600 : memref<1x4x8x1024xf32, #tpu.memory_space<vmem>> -> memref<4x8x1024xf32, #tpu.memory_space<vmem>>
    %dma_wait3A_1602 = arith.constant 0 : i32
    %dma_wait3A_1603 = arith.constant 0 : i32
    %dma_wait3A_1604 = tpu.memref_slice %arg4[%dma_wait3A_1602, %multiple_of3A_1578, %dma_wait3A_1603] : memref<4x4096x1024xf32, #tpu.memory_space<hbm>> -> memref<4x8x1024xf32, #tpu.memory_space<hbm>>
    %dma_wait3A_1605 = arith.constant 0 : i32
    %dma_wait3A_1606 = arith.constant 0 : i32
    %dma_wait3A_1607 = tpu.memref_slice %arg4[%dma_wait3A_1605, %multiple_of3A_1578, %dma_wait3A_1606] : memref<4x4096x1024xf32, #tpu.memory_space<hbm>> -> memref<4x8x1024xf32, #tpu.memory_space<hbm>>
    %dma_wait3A_1608 = arith.constant 0 : i32
    %dma_wait3A_1609 = arith.constant 0 : i32
    %dma_wait3A_1610 = arith.constant 0 : i32
    %dma_wait3A_1611 = tpu.memref_slice %arg5[%dma_wait3A_1596, %dma_wait3A_1608, %dma_wait3A_1609, %dma_wait3A_1610] : memref<3x4x8x1024xf32, #tpu.memory_space<vmem>> -> memref<1x4x8x1024xf32, #tpu.memory_space<vmem>>
    %dma_wait3A_1612 = tpu.memref_squeeze %dma_wait3A_1611 : memref<1x4x8x1024xf32, #tpu.memory_space<vmem>> -> memref<4x8x1024xf32, #tpu.memory_space<vmem>>
    tpu.wait_dma2 semaphore(%arg10 : memref<!tpu.dma_semaphore, #tpu.memory_space<semaphore_mem>>) src(%dma_wait3A_1612 : memref<4x8x1024xf32, #tpu.memory_space<vmem>>) dst(%dma_wait3A_1607 : memref<4x8x1024xf32, #tpu.memory_space<hbm>>)
    %dma_wait3A_1613 = arith.constant 1 : i32
    %dma_wait3A_1614 = arith.constant 0 : i32
    %dma_wait3A_1615 = arith.constant 0 : i32
    %dma_wait3A_1616 = arith.constant 0 : i32
    %dma_wait3A_1617 = tpu.memref_slice %arg5[%dma_wait3A_1613, %dma_wait3A_1614, %dma_wait3A_1615, %dma_wait3A_1616] : memref<3x4x8x1024xf32, #tpu.memory_space<vmem>> -> memref<1x4x8x1024xf32, #tpu.memory_space<vmem>>
    %dma_wait3A_1618 = tpu.memref_squeeze %dma_wait3A_1617 : memref<1x4x8x1024xf32, #tpu.memory_space<vmem>> -> memref<4x8x1024xf32, #tpu.memory_space<vmem>>
    %dma_wait3A_1619 = arith.constant 0 : i32
    %dma_wait3A_1620 = arith.constant 0 : i32
    %dma_wait3A_1621 = tpu.memref_slice %arg4[%dma_wait3A_1619, %multiple_of3A_1472, %dma_wait3A_1620] : memref<4x4096x1024xf32, #tpu.memory_space<hbm>> -> memref<4x8x1024xf32, #tpu.memory_space<hbm>>
    %dma_wait3A_1622 = arith.constant 0 : i32
    %dma_wait3A_1623 = arith.constant 0 : i32
    %dma_wait3A_1624 = tpu.memref_slice %arg4[%dma_wait3A_1622, %multiple_of3A_1472, %dma_wait3A_1623] : memref<4x4096x1024xf32, #tpu.memory_space<hbm>> -> memref<4x8x1024xf32, #tpu.memory_space<hbm>>
    %dma_wait3A_1625 = arith.constant 0 : i32
    %dma_wait3A_1626 = arith.constant 0 : i32
    %dma_wait3A_1627 = arith.constant 0 : i32
    %dma_wait3A_1628 = tpu.memref_slice %arg5[%dma_wait3A_1613, %dma_wait3A_1625, %dma_wait3A_1626, %dma_wait3A_1627] : memref<3x4x8x1024xf32, #tpu.memory_space<vmem>> -> memref<1x4x8x1024xf32, #tpu.memory_space<vmem>>
    %dma_wait3A_1629 = tpu.memref_squeeze %dma_wait3A_1628 : memref<1x4x8x1024xf32, #tpu.memory_space<vmem>> -> memref<4x8x1024xf32, #tpu.memory_space<vmem>>
    tpu.wait_dma2 semaphore(%arg11 : memref<!tpu.dma_semaphore, #tpu.memory_space<semaphore_mem>>) src(%dma_wait3A_1629 : memref<4x8x1024xf32, #tpu.memory_space<vmem>>) dst(%dma_wait3A_1624 : memref<4x8x1024xf32, #tpu.memory_space<hbm>>)
    %dma_wait3A_1630 = arith.constant 2 : i32
    %dma_wait3A_1631 = arith.constant 0 : i32
    %dma_wait3A_1632 = arith.constant 0 : i32
    %dma_wait3A_1633 = arith.constant 0 : i32
    %dma_wait3A_1634 = tpu.memref_slice %arg5[%dma_wait3A_1630, %dma_wait3A_1631, %dma_wait3A_1632, %dma_wait3A_1633] : memref<3x4x8x1024xf32, #tpu.memory_space<vmem>> -> memref<1x4x8x1024xf32, #tpu.memory_space<vmem>>
    %dma_wait3A_1635 = tpu.memref_squeeze %dma_wait3A_1634 : memref<1x4x8x1024xf32, #tpu.memory_space<vmem>> -> memref<4x8x1024xf32, #tpu.memory_space<vmem>>
    %dma_wait3A_1636 = arith.constant 0 : i32
    %dma_wait3A_1637 = arith.constant 0 : i32
    %dma_wait3A_1638 = tpu.memref_slice %arg4[%dma_wait3A_1636, %multiple_of3A_1525, %dma_wait3A_1637] : memref<4x4096x1024xf32, #tpu.memory_space<hbm>> -> memref<4x8x1024xf32, #tpu.memory_space<hbm>>
    %dma_wait3A_1639 = arith.constant 0 : i32
    %dma_wait3A_1640 = arith.constant 0 : i32
    %dma_wait3A_1641 = tpu.memref_slice %arg4[%dma_wait3A_1639, %multiple_of3A_1525, %dma_wait3A_1640] : memref<4x4096x1024xf32, #tpu.memory_space<hbm>> -> memref<4x8x1024xf32, #tpu.memory_space<hbm>>
    %dma_wait3A_1642 = arith.constant 0 : i32
    %dma_wait3A_1643 = arith.constant 0 : i32
    %dma_wait3A_1644 = arith.constant 0 : i32
    %dma_wait3A_1645 = tpu.memref_slice %arg5[%dma_wait3A_1630, %dma_wait3A_1642, %dma_wait3A_1643, %dma_wait3A_1644] : memref<3x4x8x1024xf32, #tpu.memory_space<vmem>> -> memref<1x4x8x1024xf32, #tpu.memory_space<vmem>>
    %dma_wait3A_1646 = tpu.memref_squeeze %dma_wait3A_1645 : memref<1x4x8x1024xf32, #tpu.memory_space<vmem>> -> memref<4x8x1024xf32, #tpu.memory_space<vmem>>
    tpu.wait_dma2 semaphore(%arg12 : memref<!tpu.dma_semaphore, #tpu.memory_space<semaphore_mem>>) src(%dma_wait3A_1646 : memref<4x8x1024xf32, #tpu.memory_space<vmem>>) dst(%dma_wait3A_1641 : memref<4x8x1024xf32, #tpu.memory_space<hbm>>)
    return
  }
}

</mosaic_0001>

<sc_bundles>
// kernel: kernel.3.cloned.1.call-start
scs
__scs_entry_jumppad:
0x0: {  	(pc) =	sbr.rel $0x88, $3  }
0x1: {  	(tag) =	ssettag $0x0;
	lr =	simm.s32 $0x1  }
0x2: {  	[smem:$0x3F9F] =	sst lr;
	_ =	strace $0xD0000000  }
0x3: {  	_ = 	snop  }
0x4: {  	_ = 	snop  }
0x5: {  	_ = 	snop  }
0x6: {  	_ = 	snop  }
0x7: {  	_ = 	snop  }
__scs_overlays_trampoline_lowered:
0x8: {  	[smem:$0x3FAE] =	sst s0  }
0x9: {  	[smem:$0x3FAF] =	sst s1  }
0xa: {  	[smem:$0x3FB0] =	sst s2  }
0xb: {  	[smem:$0x3FB1] =	sst s3  }
0xc: {  	[smem:$0x3FB2] =	sst s4  }
0xd: {  	[smem:$0x3FB3] =	sst s5  }
0xe: {  	[smem:$0x3FB4] =	sst s6  }
0xf: {  	[smem:$0x3FB5] =	sst s7  }
0x10: {  	[smem:$0x3FB6] =	sst s8  }
0x11: {  	[smem:$0x3FB7] =	sst s9;
	s0 =	simm.s32 @!p0 $0x0  }
0x12: {  	s1 =	sld [smem:$0x3F9D];
	s0 =	simm.s32 @p0 $0x1  }
0x13: {  	[smem:$0x3FB8] =	sst s0;
	s0 =	simm.s32 @!p1 $0x0  }
0x14: {  	s2 =	sld [smem:$0x3F9C];
	s0 =	simm.s32 @p1 $0x1  }
0x15: {  	[smem:$0x3FB9] =	sst s0;
	s0 =	simm.s32 @!p2 $0x0  }
0x16: {  	s3 =	sld [smem:$0x3FDB];
	s0 =	simm.s32 @p2 $0x1  }
0x17: {  	s4 =	simm.s32 $0x1BF5;
	[smem:$0x3FBB] =	sst s0  }
0x18: {  	s0 =	sld [smem:$0x3F9E];
	_ =	swait.ge [sflag:s4], $0x0  }
0x19: {  	s7 =	sld [smem:$0x3F9F]  }
0x1a: {  	s8 =	sadd.s32 $0xFFFFE003, lr  }
0x1b: {  	s9 =	sadd.s32 $0xFFFFFEF7, lr;
	s5 =	simm.s32 $0xFFFFFFFF;
	p2 =	slt.u32 s8, $0xFFFFF086  }
0x1c: {  	p1 =	slt.u32 s9, $0xF7A;
	s5 =	simm.s32 @!p2 $0x0  }
0x1d: {  	s5 =	simm.s32 @p1 $0x1;
	p0 =	seq.s32 s7, s2  }
0x1e: {  	s7 =	smul.u32 @!p0 $0xF7A, s2;
	p2 =	seq.s32 @!p0 s5, $0x0  }
0x1f: {  	s9 =	smul.u32 $0xF7A, s1;
	s8 =	simm.s32 @!p0 $0x1BF5;
	p2 =	por !p2, p0  }
0x20: {  	[sflag:s8] =	ssyncset.s32 @!p0 $0xFFFFF086;
	s6 =	sadd.s32 @!p0 s3, s7;
	s7 =	simm.s32 @!p0 $0x108  }
0x21: {  	s3 =	sadd.s32 s3, s9;
	s6 =	sadd.s32 @!p0 $0x88, s6;
	s7 =	simm.s32 @p2 $0x1082  }
0x22: {  	[simem:s7], [sflag:s8] =	dma.local @!p0 [hbm:s6], $0xF7A  }
0x23: {  	s9 =	sor.u32 $0xD0000000, s2;
	s6 =	simm.s32 $0x108;
	_ =	swait.ge @!p0 [sflag:s8], $0x0  }
0x24: {  	s3 =	sadd.s32 $0x88, s3;
	s6 =	simm.s32 @!p1 $0x1082;
	[sflag:s4] =	ssyncset.s32 $0xFFFFF086  }
0x25: {  	[simem:s6], [sflag:s4] =	dma.local [hbm:s3], $0xF7A  }
0x26: {  	[smem:$0x3F9F] =	sst s1;
	(tag) =	ssettag s2;
	_ =	strace s9  }
0x27: {  	s1 =	sld [smem:$0x3FAF]  }
0x28: {  	s2 =	sld [smem:$0x3FB0]  }
0x29: {  	s4 =	sld [smem:$0x3FB2]  }
0x2a: {  	p0 =	seq.s32 s5, $0x0;
	s5 =	sld [smem:$0x3FB3]  }
0x2b: {  	s6 =	sld [smem:$0x3FB4]  }
0x2c: {  	s7 =	sld [smem:$0x3FB5]  }
0x2d: {  	s3 =	simm.s32 $0x108;
	s8 =	sld [smem:$0x3FB6]  }
0x2e: {  	s3 =	simm.s32 @!p0 $0x1082;
	s9 =	sld [smem:$0x3FB7]  }
0x2f: {  	lr =	sadd.s32 s0, s3;
	s0 =	sld [smem:$0x3FAE]  }
0x30: {  	s3 =	sld [smem:$0x3FB1]  }
0x31: {  	[smem:$0x3FBA] =	sst s10  }
0x32: {  	s10 =	sld [smem:$0x3FB8];
	_ =	sdelay $0x3  }
0x33: {  	p0 =	seq.s32 s10, $0x1;
	s10 =	sld [smem:$0x3FBA];
	_ =	sdelay $0x3  }
0x34: {  	[smem:$0x3FBA] =	sst s10  }
0x35: {  	s10 =	sld [smem:$0x3FB9];
	_ =	sdelay $0x3  }
0x36: {  	p1 =	seq.s32 s10, $0x1;
	s10 =	sld [smem:$0x3FBA];
	_ =	sdelay $0x3  }
0x37: {  	[smem:$0x3FBA] =	sst s10  }
0x38: {  	s10 =	sld [smem:$0x3FBB]  }
0x39: {  	_ = 	snop;
	(pc) =	sbr.ind lr, $3  }
0x3a: {  	_ = 	snop  }
0x3b: {  	_ = 	snop  }
0x3c: {  	p2 =	seq.s32 s10, $0x1;
	s10 =	sld [smem:$0x3FBA]  }
0x3d: {  	_ =	shalt  }
0x3e: {  	_ =	shalt  }
0x3f: {  	_ =	shalt  }
0x40: {  	_ =	shalt  }
0x41: {  	_ =	shalt  }
0x42: {  	_ =	shalt  }
0x43: {  	_ =	shalt  }
0x44: {  	_ =	shalt  }
0x45: {  	_ =	shalt  }
0x46: {  	_ =	shalt  }
0x47: {  	_ =	shalt  }
0x48: {  	_ =	shalt  }
0x49: {  	_ =	shalt  }
0x4a: {  	_ =	shalt  }
0x4b: {  	_ =	shalt  }
0x4c: {  	_ =	shalt  }
0x4d: {  	_ =	shalt  }
0x4e: {  	_ =	shalt  }
0x4f: {  	_ =	shalt  }
0x50: {  	_ =	shalt  }
0x51: {  	_ =	shalt  }
0x52: {  	_ =	shalt  }
0x53: {  	_ =	shalt  }
0x54: {  	_ =	shalt  }
0x55: {  	_ =	shalt  }
0x56: {  	_ =	shalt  }
0x57: {  	_ =	shalt  }
0x58: {  	_ =	shalt  }
0x59: {  	_ =	shalt  }
0x5a: {  	_ =	shalt  }
0x5b: {  	_ =	shalt  }
0x5c: {  	_ =	shalt  }
0x5d: {  	_ =	shalt  }
0x5e: {  	_ =	shalt  }
0x5f: {  	_ =	shalt  }
0x60: {  	_ =	shalt  }
0x61: {  	_ =	shalt  }
0x62: {  	_ =	shalt  }
0x63: {  	_ =	shalt  }
0x64: {  	_ =	shalt  }
0x65: {  	_ =	shalt  }
0x66: {  	_ =	shalt  }
0x67: {  	_ =	shalt  }
0x68: {  	_ =	shalt  }
0x69: {  	_ =	shalt  }
0x6a: {  	_ =	shalt  }
0x6b: {  	_ =	shalt  }
0x6c: {  	_ =	shalt  }
0x6d: {  	_ =	shalt  }
0x6e: {  	_ =	shalt  }
0x6f: {  	_ =	shalt  }
0x70: {  	_ =	shalt  }
0x71: {  	_ =	shalt  }
0x72: {  	_ =	shalt  }
0x73: {  	_ =	shalt  }
0x74: {  	_ =	shalt  }
0x75: {  	_ =	shalt  }
0x76: {  	_ =	shalt  }
0x77: {  	_ =	shalt  }
0x78: {  	_ =	shalt  }
0x79: {  	_ =	shalt  }
0x7a: {  	_ =	shalt  }
0x7b: {  	_ =	shalt  }
0x7c: {  	_ =	shalt  }
0x7d: {  	_ =	shalt  }
0x7e: {  	_ =	shalt  }
0x7f: {  	_ =	shalt  }
0x80: {  	_ =	shalt  }
0x81: {  	_ =	shalt  }
0x82: {  	_ =	shalt  }
0x83: {  	_ =	shalt  }
0x84: {  	_ =	shalt  }
0x85: {  	_ =	shalt  }
0x86: {  	_ =	shalt  }
0x87: {  	_ =	shalt  }
.Lfunc_end0:
.L_simem_size_0:
called_computation_lowered:
.L_overlay_start_0:
0x88: {  	s2 =	sld [smem:$0x3FD9]  }
0x89: {  	s3 =	sld [smem:$0x3FFE];
	_ =	sdelay $0x1  }
0x8a: {  	s1 =	srdreg.scid  }
0x8b: {  	s0 =	sand.u32 $0x1, s1  }
0x8c: {  	s18 =	sshll.u32 s0, $0xA;
	s2 =	sadd.s32 s3, s2  }
0x8d: {  	s2 =	sadd.s32 s2, s18  }
0x8e: {  	[smem:$0x3FC6] =	sst s2  }
0x8f: {  	_ = 	snop  }
0x90: {  	s2 =	sld [smem:$0x3FC9]  }
0x91: {  	s19 =	sld [smem:$0x3FC8]  }
0x92: {  	s4 =	sld [smem:$0x3FD0];
	(tm) =	ssettm $0x1  }
0x93: {  	s5 =	sld [smem:$0x3FFB];
	_ =	sdelay $0x3  }
0x94: {  	_ =	strace s5  }
0x95: {  	s5 =	sld [smem:$0x3FFC];
	_ =	sdelay $0x3  }
0x96: {  	_ =	strace s5  }
0x97: {  	s5 =	sld [smem:$0x3FFD];
	_ =	sdelay $0x3  }
0x98: {  	_ =	strace s5  }
0x99: {  	_ =	strace $0x8FFFFFFF  }
0x9a: {  	s20 =	sld [smem:$0x3FDB];
	_ =	sdelay $0x1  }
0x9b: {  	s6 =	simm.s32 $_scs_section_size  }
0x9c: {  	s7 =	simm.s32 $_size__tile_overlayer_lowered;
	s8 =	simm.s32 $_tile_overlayer_lowered  }
0x9d: {  	s23 =	simm.s32 $0x1BFF;
	s22 =	sshll.u32 s8, $0x1;
	s5 =	sadd.s32 s6, s20  }
0x9e: {  	s9 =	simm.s32 $0x0;
	s21 =	sshll.u32 s7, $0x1;
	s7 =	sadd.s32 s22, s5  }
0x9f: {  	[timem:s9], [sflag:s23] =	dma.local [hbm:s7], s21  }
0xa0: {  	_ =	swait.ge [sflag:s23], s21  }
0xa1: {  	s6 =	ssub.s32 $0x0, s21;
	[sflag:s23] =	ssyncset.done $0x0  }
0xa2: {  	[sflag:s23] =	ssyncadd.s32 s6;
	_ =	sdelay $0x1  }
0xa3: {  	s24 =	simm.s32 $0x1B8B  }
0xa4: {  	_ =	swait.ge [sflag:s24], $0x1  }
0xa5: {  	[sflag:s24] =	ssyncset.done $0x0  }
0xa6: {  	s25 =	simm.s32 $0x1B8E;
	[sflag:s24] =	ssyncadd.s32 $0xFFFFFFFF  }
0xa7: {  	s26 =	simm.s32 $execute0_lowered;
	[smem:$0x3FD2] =	sst s25  }
0xa8: {  	s6 =	sshll.u32 s26, $0x1;
	_ =	strace $0x80000046;
	[dreg:$0x1] =	wrdreg $0xFFFFFFFF  }
0xa9: {  	s28 =	simm.s32 $_size_execute0_lowered;
	s5 =	sadd.s32 s5, s6;
	[dreg:$0x0] =	wrdreg $0x0  }
0xaa: {  	s6 =	sshll.u32 s28, $0x1;
	[dreg:$0x2] =	wrdreg s5  }
0xab: {  	[dreg:$0x3] =	wrdreg s6  }
0xac: {  	[dreg:$0x4] =	wrdreg $0xC0  }
0xad: {  	_ =	task [dreg:s9], $0x5FFFF  }
0xae: {  	[dreg:$0x1] =	wrdreg $0xFFFFFFFF  }
0xaf: {  	[dreg:$0x0] =	wrdreg $0x60  }
0xb0: {  	[dreg:$0x2] =	wrdreg s2  }
0xb1: {  	[dreg:$0x3] =	wrdreg s19  }
0xb2: {  	[dreg:$0x4] =	wrdreg s4  }
0xb3: {  	[dreg:$0x5] =	wrdreg $0x9  }
0xb4: {  	_ =	task.clear_ibuf [dreg:s9], $0x6FFFF;
	_ =	strace $0x90000046  }
0xb5: {  	s29 =	simm.s32 $0x9;
	_ =	strace $0x80000048  }
0xb6: {  	_ =	swait.ge [sflag:s29], $0x1  }
0xb7: {  	[sflag:s29] =	ssyncadd.s32 $0xFFFFFFFF  }
0xb8: {  	_ =	strace $0x90000048  }
0xb9: {  	_ =	sfence  }
0xba: {  	s30 =	sld [smem:$0x0];
	_ =	sdelay $0x2  }
0xbb: {  	s31 =	sshll.u32 s1, $0xD;
	s1 =	sshrl.u32 s1, $0x2  }
0xbc: {  	s3 =	sand.u32 $0x4000, s31;
	s1 =	sadd.s32 s1, s30  }
0xbd: {  	s0 =	sor.u32 s3, s0;
	s1 =	sshll.u32 s1, $0x11  }
0xbe: {  	s0 =	sor.u32 s1, s0  }
0xbf: {  	s0 =	sadd.s32 $0x8F2B, s0  }
0xc0: {  	[sflag:s0] =	ssyncadd.remote.s32 $0x1  }
0xc1: {  	_ =	sfence.sel $0xFFFF  }
0xc2: {  	[dreg:$0x0] =	wrdreg $0xFFFFFFFF;
	(pc) =	sbr.abs _section_cstart, $3  }
0xc3: {  	[dreg:$0x1] =	wrdreg $0xFFFFFFFF  }
0xc4: {  	_ =	task.clear_ibuf [dreg:s9], $0x2FFFF;
	_ =	strace $0x9FFFFFFF  }
0xc5: {  	(tm) =	ssettm $0x7FFFFFFF  }
tec
execute0_lowered:
.L_overlay_start_1:
0x0: {  	(tag) =	ssettag $0x1  }
0x1: {  	s1 =	srdreg.scid  }
0x2: {  	s2 =	stileid.u32;
	s1 =	sand.u32 $0x1, s1  }
0x3: {  	s0 =	rddreg [dreg:$0x0];
	s4 =	sshll.u32 s2, $0xF;
	s5 =	sshll.u32 s1, $0xE  }
0x4: {  	s3 =	rddreg [dreg:$0x1];
	s5 =	sor.u32 s5, s4  }
0x5: {  	s9 =	simm.s32 $0x0;
	s2 =	rddreg [dreg:$0x2];
	s6 =	sor.u32 $0x400, s5  }
0x6: {  	[smem:$0x7FF] =	sst s9;
	s26 =	sadd.s32 s3, s6  }
0x7: {  	s29 =	sor.u32 $0x800, s5;
	s28 =	sadd.s32 s0, s6;
	[dreg:$0x18] =	wrdreg s26  }
0x8: {  	s8 =	sadd.s32 s3, s29;
	[dreg:$0x19] =	wrdreg s28  }
0x9: {  	s7 =	sor.u32 $0xC00, s5;
	s30 =	sadd.s32 s0, s29;
	[dreg:$0x1a] =	wrdreg s8  }
0xa: {  	s31 =	sadd.s32 s3, s7;
	[dreg:$0x1b] =	wrdreg s30  }
0xb: {  	s1 =	ssub.s32 $0x2, s1;
	s10 =	sadd.s32 s0, s7;
	[dreg:$0x1c] =	wrdreg s31  }
0xc: {  	s11 =	sor.u32 $0x1000, s5;
	s6 =	sadd.s32 s2, s6;
	[dreg:$0x1d] =	wrdreg s10  }
0xd: {  	s25 =	sshrl.u32 s1, $0x1;
	s12 =	sadd.s32 s3, s11;
	[dreg:$0x1e] =	wrdreg s6  }
0xe: {  	s4 =	ssub.s32 s1, s25;
	s13 =	sadd.s32 s0, s11;
	[dreg:$0x1f] =	wrdreg s12  }
0xf: {  	s14 =	sor.u32 $0x1400, s5;
	s1 =	sadd.s32 s2, s29;
	[smem:$0x7D5] =	sst s13  }
0x10: {  	s15 =	sadd.s32 s3, s14;
	[smem:$0x7D6] =	sst s1  }
0x11: {  	s16 =	sor.u32 $0x1800, s5;
	s7 =	sadd.s32 s2, s7;
	[smem:$0x7D7] =	sst s15  }
0x12: {  	s17 =	sadd.s32 s3, s16;
	[smem:$0x7D9] =	sst s7  }
0x13: {  	s18 =	sadd.s32 s0, s16;
	[smem:$0x7DA] =	sst s17  }
0x14: {  	s19 =	sor.u32 $0x1C00, s5;
	s20 =	sadd.s32 s2, s14;
	[smem:$0x7DB] =	sst s18  }
0x15: {  	s21 =	sadd.s32 s3, s19;
	[smem:$0x7DD] =	sst s20  }
0x16: {  	s22 =	sadd.s32 s0, s19;
	[smem:$0x7DF] =	sst s21  }
0x17: {  	s24 =	sor.u32 $0x2000, s5;
	s23 =	sadd.s32 s2, s19;
	[smem:$0x7E0] =	sst s22  }
0x18: {  	s25 =	sadd.s32 s3, s24;
	[smem:$0x7E1] =	sst s23  }
0x19: {  	s19 =	sadd.s32 s0, s5;
	[smem:$0x7E2] =	sst s25  }
0x1a: {  	s10 =	sadd.s32 s0, s14;
	[smem:$0x7F2] =	sst s19  }
0x1b: {  	s6 =	sadd.s32 s2, s11;
	[smem:$0x7D8] =	sst s10  }
0x1c: {  	s1 =	sadd.s32 s2, s16;
	[smem:$0x7DC] =	sst s6  }
0x1d: {  	s26 =	sadd.s32 s0, s24;
	[smem:$0x7DE] =	sst s1  }
0x1e: {  	s18 =	sadd.s32 s3, s5;
	[smem:$0x7E3] =	sst s26  }
0x1f: {  	s20 =	sadd.s32 s2, s5;
	[smem:$0x7F1] =	sst s18  }
0x20: {  	s28 =	sor.u32 $0x2400, s5;
	s1 =	sadd.s32 s2, s24;
	[smem:$0x7F3] =	sst s20  }
0x21: {  	s29 =	sadd.s32 s3, s28;
	[smem:$0x7E4] =	sst s1  }
0x22: {  	s31 =	sadd.s32 s0, s28;
	[smem:$0x7E5] =	sst s29  }
0x23: {  	s30 =	sor.u32 $0x2800, s5;
	s6 =	sadd.s32 s2, s28;
	[smem:$0x7E6] =	sst s31  }
0x24: {  	s8 =	sadd.s32 s3, s30;
	[smem:$0x7E7] =	sst s6  }
0x25: {  	s11 =	sor.u32 $0x2C00, s5;
	s10 =	sadd.s32 s0, s30;
	[smem:$0x7E8] =	sst s8  }
0x26: {  	s12 =	sadd.s32 s3, s11;
	[smem:$0x7E9] =	sst s10  }
0x27: {  	s14 =	sor.u32 $0x3000, s5;
	s13 =	sadd.s32 s0, s11;
	[smem:$0x7EB] =	sst s12  }
0x28: {  	s15 =	sadd.s32 s3, s14;
	[smem:$0x7EC] =	sst s13  }
0x29: {  	s16 =	sadd.s32 s0, s14;
	[smem:$0x7EE] =	sst s15  }
0x2a: {  	s21 =	sor.u32 $0x3400, s5;
	s17 =	sadd.s32 s2, s14;
	[smem:$0x7EF] =	sst s16  }
0x2b: {  	s22 =	sor.u32 $0x3800, s5;
	s23 =	sadd.s32 s3, s21;
	[smem:$0x7F0] =	sst s17  }
0x2c: {  	s5 =	sor.u32 $0x3C00, s5;
	s24 =	sadd.s32 s3, s22;
	[smem:$0x7F4] =	sst s23  }
0x2d: {  	s3 =	sadd.s32 s3, s5;
	[smem:$0x7F5] =	sst s24  }
0x2e: {  	s25 =	sadd.s32 s0, s21;
	[smem:$0x7F6] =	sst s3  }
0x2f: {  	s26 =	sadd.s32 s0, s22;
	[smem:$0x7F7] =	sst s25  }
0x30: {  	s0 =	sadd.s32 s0, s5;
	[smem:$0x7F8] =	sst s26  }
0x31: {  	s28 =	sadd.s32 s2, s21;
	[smem:$0x7F9] =	sst s0  }
0x32: {  	s1 =	sadd.s32 s2, s30;
	[smem:$0x7FA] =	sst s28  }
0x33: {  	s29 =	sadd.s32 s2, s22;
	[smem:$0x7EA] =	sst s1  }
0x34: {  	s30 =	sadd.s32 s2, s5;
	[smem:$0x7FB] =	sst s29  }
0x35: {  	s31 =	smax.u32 s4, $0x1;
	s1 =	sadd.s32 s2, s11;
	[smem:$0x7FC] =	sst s30  }
0x36: {  	s3 =	simm.s32 $0x400000;
	s4 =	simm.s32 $0x0;
	[smem:$0x7ED] =	sst s1  }
0x37: {  	s2 =	simm.s32 $0x2000;
	_ =	strace $0x80000047;
	[smem:$0x7FD] =	sst s31  }
.LBB2_1:
0x38: {  	s0 =	sld [smem:$0x7F1];
	_ =	sdelay $0x1  }
0x39: {  	s1 =	simm.s32 $0x18000;
	s26 =	sld [smem:$0x7F2]  }
0x3a: {  	[tilespmem:s1], [sflag:$0x1] =	stream.linear.gather [hbm4b:s0+s9], $0x2000, $0x38;
	[tilespmem:$0x1E000] =	vst v63  }
0x3b: {  	[smem:$0x7D4] =	sst s4  }
0x3c: {  	[tilespmem:s9], [sflag:$0x1] =	stream.strided.gather [hbm4b:s26+s2], $0x8000, s3, s2, $0x38;
	[tilespmem:$0x1E000] =	vst v63  }
0x3d: {  	s28 =	rddreg [dreg:$0x18];
	s29 =	simm.s32 $0x1A000  }
0x3e: {  	[tilespmem:s29], [sflag:$0x2] =	stream.linear.gather [hbm4b:s28+s9], $0x2000, $0x38;
	[tilespmem:$0x1E000] =	vst v63  }
0x3f: {  	s30 =	rddreg [dreg:$0x19];
	s31 =	simm.s32 $0x8000  }
0x40: {  	[tilespmem:s31], [sflag:$0x2] =	stream.strided.gather [hbm4b:s30+s2], $0x8000, s3, s2, $0x38;
	[tilespmem:$0x1E000] =	vst v63  }
0x41: {  	s4 =	simm.s32 $0x1C000;
	s1 =	rddreg [dreg:$0x1a]  }
0x42: {  	[tilespmem:s4], [sflag:$0x3] =	stream.linear.gather [hbm4b:s1+s9], $0x2000, $0x38;
	[tilespmem:$0x1E000] =	vst v63  }
0x43: {  	s5 =	rddreg [dreg:$0x1b];
	s6 =	simm.s32 $0x10000;
	s7 =	simm.s32 $0x1  }
0x44: {  	[tilespmem:s6], [sflag:$0x3] =	stream.strided.gather [hbm4b:s5+s2], $0x8000, s3, s2, $0x38;
	[tilespmem:$0x1E000] =	vst v63  }
0x45: {  	_ =	swait.ge [sflag:s7], $0x2000  }
0x46: {  	[sflag:s7] =	ssyncset.done $0x0  }
0x47: {  	[sflag:s7] =	ssyncadd.s32 $0xFFFFE000  }
0x48: {  	s8 =	sand.u32 $0x1C00, s9;
	_ =	swait.ge [sflag:s7], $0x8000  }
0x49: {  	s10 =	sor.u32 s8, s9;
	[sflag:s7] =	ssyncset.done $0x0  }
0x4a: {  	s11 =	sand.u32 $0x380, s9;
	s1 =	sor.u32 $0x70, s10;
	[sflag:s7] =	ssyncadd.s32 $0xFFFF8000  }
0x4b: {  	s0 =	sor.u32 s11, s8;
	v0 =	vld [tilespmem:s1+$0x18000]  }
0x4c: {  	v1 =	vld [tilespmem:s0+$0x18010];
	_ =	sdelay $0x1  }
0x4d: {  	v2 =	vld [tilespmem:s0+$0x18020]  }
0x4e: {  	v3 =	vld [tilespmem:s0+$0x18030]  }
0x4f: {  	v4 =	vld [tilespmem:s0+$0x18040];
	v0 =	vmul.f32 $3.200000000e+01, v0  }
0x50: {  	v5 =	vld [tilespmem:s0+$0x18050];
	v1 =	vmul.f32 $3.200000000e+01, v1  }
0x51: {  	s17 =	sor.u32 $0x10, s0;
	[tilespmem:s1+$0x0] =	vst.add.f32.msk $0xffff, v0  }
0x52: {  	s12 =	sor.u32 $0x2070, s0;
	[tilespmem:s17+$0x0] =	vst.add.f32.msk $0xffff, v1  }
0x53: {  	s18 =	sor.u32 $0x2010, s0;
	[tilespmem:s12+$0x0] =	vst.add.f32.msk $0xffff, v0  }
0x54: {  	s13 =	sor.u32 $0x4070, s0;
	[tilespmem:s18+$0x0] =	vst.add.f32.msk $0xffff, v1  }
0x55: {  	s14 =	sor.u32 $0x6070, s0;
	[tilespmem:s13+$0x0] =	vst.add.f32.msk $0xffff, v0  }
0x56: {  	[tilespmem:s14+$0x0] =	vst.add.f32.msk $0xffff, v0  }
0x57: {  	s19 =	sor.u32 $0x4010, s0;
	v0 =	vld [tilespmem:s0+$0x18000]  }
0x58: {  	s20 =	sor.u32 $0x6010, s0;
	[tilespmem:s19+$0x0] =	vst.add.f32.msk $0xffff, v1  }
0x59: {  	[tilespmem:s20+$0x0] =	vst.add.f32.msk $0xffff, v1;
	v1 =	vmul.f32 $3.200000000e+01, v3  }
0x5a: {  	s25 =	sor.u32 $0x30, s0;
	v6 =	vld [tilespmem:s0+$0x18060]  }
0x5b: {  	s26 =	sor.u32 $0x2030, s0;
	[tilespmem:s25+$0x0] =	vst.add.f32.msk $0xffff, v1  }
0x5c: {  	s28 =	sor.u32 $0x4030, s0;
	[tilespmem:s26+$0x0] =	vst.add.f32.msk $0xffff, v1;
	v0 =	vmul.f32 $3.200000000e+01, v0  }
0x5d: {  	[tilespmem:s28+$0x0] =	vst.add.f32.msk $0xffff, v1  }
0x5e: {  	s15 =	sor.u32 $0x2000, s0;
	[tilespmem:s0+$0x0] =	vst.add.f32.msk $0xffff, v0  }
0x5f: {  	s3 =	sor.u32 $0x4000, s0;
	[tilespmem:s15+$0x0] =	vst.add.f32.msk $0xffff, v0  }
0x60: {  	s16 =	sor.u32 $0x6000, s0;
	[tilespmem:s3+$0x0] =	vst.add.f32.msk $0xffff, v0  }
0x61: {  	s29 =	sor.u32 $0x6030, s0;
	[tilespmem:s16+$0x0] =	vst.add.f32.msk $0xffff, v0;
	v0 =	vmul.f32 $3.200000000e+01, v2  }
0x62: {  	s21 =	sor.u32 $0x20, s0;
	[tilespmem:s29+$0x0] =	vst.add.f32.msk $0xffff, v1;
	v2 =	vmul.f32 $3.200000000e+01, v4  }
0x63: {  	s30 =	sor.u32 $0x40, s0;
	[tilespmem:s21+$0x0] =	vst.add.f32.msk $0xffff, v0  }
0x64: {  	s22 =	sor.u32 $0x2020, s0;
	s23 =	sor.u32 $0x4020, s0;
	[tilespmem:s30+$0x0] =	vst.add.f32.msk $0xffff, v2  }
0x65: {  	s24 =	sor.u32 $0x6020, s0;
	s11 =	sor.u32 $0x60, s0;
	s6 =	sor.u32 $0x2040, s0;
	[tilespmem:s22+$0x0] =	vst.add.f32.msk $0xffff, v0  }
0x66: {  	s8 =	sor.u32 $0x6060, s0;
	s31 =	sor.u32 $0x4040, s0;
	s10 =	sor.u32 $0x6050, s0;
	[tilespmem:s6+$0x0] =	vst.add.f32.msk $0xffff, v2  }
0x67: {  	s9 =	sor.u32 $0x4060, s0;
	s5 =	simm.s32 $0x0;
	s7 =	simm.s32 $0x0;
	[tilespmem:s23+$0x0] =	vst.add.f32.msk $0xffff, v0  }
0x68: {  	s12 =	sor.u32 $0x4050, s0;
	s13 =	sor.u32 $0x2060, s0;
	s14 =	sor.u32 $0x2050, s0;
	[tilespmem:s31+$0x0] =	vst.add.f32.msk $0xffff, v2  }
0x69: {  	v1 =	vmul.f32 $3.200000000e+01, v5;
	s15 =	sor.u32 $0x50, s0;
	s16 =	sor.u32 $0x6040, s0;
	s6 =	simm.s32 $0x400;
	[tilespmem:s24+$0x0] =	vst.add.f32.msk $0xffff, v0;
	v0 =	vmul.f32 $3.200000000e+01, v6  }
.LBB2_2:
0x6a: {  	s0 =	sand.u32 $0x1C00, s6;
	[tilespmem:s16+$0x0] =	vst.add.f32.msk $0xffff, v2;
	s7 =	sadd.s32 $0x10, s7  }
0x6b: {  	s1 =	sor.u32 s0, s7;
	[tilespmem:s15+$0x0] =	vst.add.f32.msk $0xffff, v1  }
0x6c: {  	s1 =	sor.u32 $0x70, s1;
	[tilespmem:s14+$0x0] =	vst.add.f32.msk $0xffff, v1  }
0x6d: {  	s5 =	sadd.s32 $0x8, s5;
	v2 =	vld [tilespmem:s1+$0x18000]  }
0x6e: {  	p0 =	slt.u32 s5, $0x1F8;
	[tilespmem:s12+$0x0] =	vst.add.f32.msk $0xffff, v1  }
0x6f: {  	[tilespmem:s10+$0x0] =	vst.add.f32.msk $0xffff, v1  }
0x70: {  	[tilespmem:s11+$0x0] =	vst.add.f32.msk $0xffff, v0  }
0x71: {  	[tilespmem:s13+$0x0] =	vst.add.f32.msk $0xffff, v0  }
0x72: {  	s3 =	sand.u32 $0x380, s7;
	v1 =	vmul.f32 $3.200000000e+01, v2;
	[tilespmem:s9+$0x0] =	vst.add.f32.msk $0xffff, v0  }
0x73: {  	s0 =	sor.u32 s3, s0;
	[tilespmem:s8+$0x0] =	vst.add.f32.msk $0xffff, v0  }
0x74: {  	s3 =	sor.u32 $0x2000, s0;
	s4 =	sor.u32 $0x4000, s0;
	[tilespmem:s1+$0x0] =	vst.add.f32.msk $0xffff, v1;
	s1 =	sor.u32 $0x2070, s0  }
0x75: {  	s17 =	sor.u32 $0x6000, s0;
	s18 =	sor.u32 $0x10, s0;
	[tilespmem:s1+$0x0] =	vst.add.f32.msk $0xffff, v1;
	s1 =	sor.u32 $0x4070, s0  }
0x76: {  	s19 =	sor.u32 $0x2010, s0;
	s20 =	sor.u32 $0x4010, s0;
	[tilespmem:s1+$0x0] =	vst.add.f32.msk $0xffff, v1;
	s1 =	sor.u32 $0x6070, s0  }
0x77: {  	s21 =	sor.u32 $0x6010, s0;
	s24 =	sor.u32 $0x20, s0;
	s25 =	sor.u32 $0x2020, s0;
	[tilespmem:s1+$0x0] =	vst.add.f32.msk $0xffff, v1  }
0x78: {  	s26 =	sor.u32 $0x6020, s0;
	s28 =	sor.u32 $0x30, s0;
	s1 =	sor.u32 $0x4020, s0;
	v0 =	vld [tilespmem:s0+$0x18000]  }
0x79: {  	s30 =	sor.u32 $0x2030, s0;
	s31 =	sor.u32 $0x4030, s0;
	s2 =	sor.u32 $0x6030, s0;
	v1 =	vld [tilespmem:s0+$0x18010]  }
0x7a: {  	s22 =	sor.u32 $0x40, s0;
	s23 =	sor.u32 $0x2040, s0;
	s29 =	sor.u32 $0x4040, s0;
	v2 =	vld [tilespmem:s0+$0x18020]  }
0x7b: {  	s16 =	sor.u32 $0x6040, s0;
	s15 =	sor.u32 $0x50, s0;
	s14 =	sor.u32 $0x2050, s0;
	v3 =	vld [tilespmem:s0+$0x18030]  }
0x7c: {  	s12 =	sor.u32 $0x4050, s0;
	s10 =	sor.u32 $0x6050, s0;
	s11 =	sor.u32 $0x60, s0;
	v4 =	vld [tilespmem:s0+$0x18040]  }
0x7d: {  	s13 =	sor.u32 $0x2060, s0;
	s9 =	sor.u32 $0x4060, s0;
	s8 =	sor.u32 $0x6060, s0;
	v0 =	vmul.f32 $3.200000000e+01, v0;
	v5 =	vld [tilespmem:s0+$0x18050]  }
0x7e: {  	v6 =	vmul.f32 $3.200000000e+01, v1;
	v7 =	vld [tilespmem:s0+$0x18060]  }
0x7f: {  	[tilespmem:s0+$0x0] =	vst.add.f32.msk $0xffff, v0;
	v8 =	vmul.f32 $3.200000000e+01, v2  }
0x80: {  	[tilespmem:s3+$0x0] =	vst.add.f32.msk $0xffff, v0;
	v3 =	vmul.f32 $3.200000000e+01, v3  }
0x81: {  	[tilespmem:s4+$0x0] =	vst.add.f32.msk $0xffff, v0;
	v2 =	vmul.f32 $3.200000000e+01, v4  }
0x82: {  	[tilespmem:s17+$0x0] =	vst.add.f32.msk $0xffff, v0;
	v1 =	vmul.f32 $3.200000000e+01, v5  }
0x83: {  	[tilespmem:s18+$0x0] =	vst.add.f32.msk $0xffff, v6;
	v0 =	vmul.f32 $3.200000000e+01, v7  }
0x84: {  	[tilespmem:s19+$0x0] =	vst.add.f32.msk $0xffff, v6  }
0x85: {  	[tilespmem:s20+$0x0] =	vst.add.f32.msk $0xffff, v6  }
0x86: {  	[tilespmem:s21+$0x0] =	vst.add.f32.msk $0xffff, v6  }
0x87: {  	[tilespmem:s24+$0x0] =	vst.add.f32.msk $0xffff, v8  }
0x88: {  	[tilespmem:s25+$0x0] =	vst.add.f32.msk $0xffff, v8  }
0x89: {  	[tilespmem:s1+$0x0] =	vst.add.f32.msk $0xffff, v8  }
0x8a: {  	[tilespmem:s26+$0x0] =	vst.add.f32.msk $0xffff, v8  }
0x8b: {  	[tilespmem:s28+$0x0] =	vst.add.f32.msk $0xffff, v3  }
0x8c: {  	[tilespmem:s30+$0x0] =	vst.add.f32.msk $0xffff, v3  }
.Ltmp0:
0x8d: {  	[tilespmem:s31+$0x0] =	vst.add.f32.msk $0xffff, v3;
	(pc) =	sbr.rel @p0 .LBB2_2-.Ltmp0, $4  }
0x8e: {  	[tilespmem:s2+$0x0] =	vst.add.f32.msk $0xffff, v3  }
0x8f: {  	[tilespmem:s22+$0x0] =	vst.add.f32.msk $0xffff, v2  }
0x90: {  	[tilespmem:s23+$0x0] =	vst.add.f32.msk $0xffff, v2  }
0x91: {  	s6 =	sadd.s32 $0x400, s6;
	[tilespmem:s29+$0x0] =	vst.add.f32.msk $0xffff, v2  }
0x92: {  	[tilespmem:s16+$0x0] =	vst.add.f32.msk $0xffff, v2  }
0x93: {  	[tilespmem:s15+$0x0] =	vst.add.f32.msk $0xffff, v1  }
0x94: {  	[tilespmem:s11+$0x0] =	vst.add.f32.msk $0xffff, v0  }
0x95: {  	[tilespmem:s14+$0x0] =	vst.add.f32.msk $0xffff, v1  }
0x96: {  	[tilespmem:s13+$0x0] =	vst.add.f32.msk $0xffff, v0  }
0x97: {  	[tilespmem:s12+$0x0] =	vst.add.f32.msk $0xffff, v1  }
0x98: {  	[tilespmem:s9+$0x0] =	vst.add.f32.msk $0xffff, v0  }
0x99: {  	[tilespmem:s10+$0x0] =	vst.add.f32.msk $0xffff, v1  }
0x9a: {  	[tilespmem:s8+$0x0] =	vst.add.f32.msk $0xffff, v0  }
0x9b: {  	s1 =	sld [smem:$0x7F3]  }
0x9c: {  	s0 =	simm.s32 $0x0  }
0x9d: {  	s3 =	simm.s32 $0x2000;
	s4 =	simm.s32 $0x400000;
	s26 =	simm.s32 $0x4  }
0x9e: {  	[hbm4b:s1+s3] =	stream.strided.scatter [tilespmem:s0], [sflag:$0x4], $0x8000, s4, s3, $0x38;
	[tilespmem:$0x1E000] =	vst v63  }
0x9f: {  	_ =	swait.ge [sflag:s26], $0x8000  }
0xa0: {  	[sflag:s26] =	ssyncset.done $0x0  }
0xa1: {  	s2 =	simm.s32 $0x18000;
	s28 =	rddreg [dreg:$0x1c];
	[sflag:s26] =	ssyncadd.s32 $0xFFFF8000  }
0xa2: {  	[tilespmem:s2], [sflag:$0x1] =	stream.linear.gather [hbm4b:s28+s0], $0x2000, $0x38;
	[tilespmem:$0x1E000] =	vst v63  }
0xa3: {  	s30 =	simm.s32 $0x2;
	s29 =	rddreg [dreg:$0x1d]  }
0xa4: {  	[tilespmem:s0], [sflag:$0x1] =	stream.strided.gather [hbm4b:s29+s3], $0x8000, s4, s3, $0x38;
	[tilespmem:$0x1E000] =	vst v63  }
0xa5: {  	_ =	swait.ge [sflag:s30], $0x2000  }
0xa6: {  	[sflag:s30] =	ssyncset.done $0x0  }
0xa7: {  	[sflag:s30] =	ssyncadd.s32 $0xFFFFE000  }
0xa8: {  	_ =	swait.ge [sflag:s30], $0x8000  }
0xa9: {  	s31 =	sand.u32 $0x1C00, s0;
	s0 =	sand.u32 $0x380, s0;
	[sflag:s30] =	ssyncset.done $0x0  }
0xaa: {  	s6 =	sor.u32 s0, s31;
	[sflag:s30] =	ssyncadd.s32 $0xFFFF8000  }
0xab: {  	v0 =	vld [tilespmem:s6+$0x1A070]  }
0xac: {  	v1 =	vld [tilespmem:s6+$0x1A000]  }
0xad: {  	v2 =	vld [tilespmem:s6+$0x1A010]  }
0xae: {  	v3 =	vld [tilespmem:s6+$0x1A020]  }
0xaf: {  	v4 =	vld [tilespmem:s6+$0x1A030]  }
0xb0: {  	v5 =	vld [tilespmem:s6+$0x1A040];
	v0 =	vmul.f32 $3.200000000e+01, v0  }
0xb1: {  	s0 =	sor.u32 $0x8070, s6;
	v6 =	vld [tilespmem:s6+$0x1A050];
	v1 =	vmul.f32 $3.200000000e+01, v1  }
0xb2: {  	s5 =	sor.u32 $0x8000, s6;
	v2 =	vmul.f32 $3.200000000e+01, v2;
	[tilespmem:s0+$0x0] =	vst.add.f32.msk $0xffff, v0  }
0xb3: {  	s9 =	sor.u32 $0x8010, s6;
	[tilespmem:s5+$0x0] =	vst.add.f32.msk $0xffff, v1  }
0xb4: {  	s2 =	sor.u32 $0xA070, s6;
	[tilespmem:s9+$0x0] =	vst.add.f32.msk $0xffff, v2  }
0xb5: {  	s1 =	sor.u32 $0xA000, s6;
	[tilespmem:s2+$0x0] =	vst.add.f32.msk $0xffff, v0  }
0xb6: {  	s10 =	sor.u32 $0xA010, s6;
	[tilespmem:s1+$0x0] =	vst.add.f32.msk $0xffff, v1  }
0xb7: {  	s3 =	sor.u32 $0xC070, s6;
	[tilespmem:s10+$0x0] =	vst.add.f32.msk $0xffff, v2  }
0xb8: {  	s7 =	sor.u32 $0xC000, s6;
	[tilespmem:s3+$0x0] =	vst.add.f32.msk $0xffff, v0  }
0xb9: {  	s11 =	sor.u32 $0xC010, s6;
	[tilespmem:s7+$0x0] =	vst.add.f32.msk $0xffff, v1  }
0xba: {  	s4 =	sor.u32 $0xE070, s6;
	[tilespmem:s11+$0x0] =	vst.add.f32.msk $0xffff, v2  }
0xbb: {  	[tilespmem:s4+$0x0] =	vst.add.f32.msk $0xffff, v0  }
0xbc: {  	s8 =	sor.u32 $0xE000, s6;
	v0 =	vld [tilespmem:s6+$0x1A060]  }
0xbd: {  	s12 =	sor.u32 $0xE010, s6;
	[tilespmem:s8+$0x0] =	vst.add.f32.msk $0xffff, v1;
	v1 =	vmul.f32 $3.200000000e+01, v3  }
0xbe: {  	s13 =	sor.u32 $0x8020, s6;
	[tilespmem:s12+$0x0] =	vst.add.f32.msk $0xffff, v2;
	v2 =	vmul.f32 $3.200000000e+01, v4  }
0xbf: {  	s17 =	sor.u32 $0x8030, s6;
	[tilespmem:s13+$0x0] =	vst.add.f32.msk $0xffff, v1  }
0xc0: {  	s14 =	sor.u32 $0xA020, s6;
	[tilespmem:s17+$0x0] =	vst.add.f32.msk $0xffff, v2  }
0xc1: {  	s18 =	sor.u32 $0xA030, s6;
	[tilespmem:s14+$0x0] =	vst.add.f32.msk $0xffff, v1  }
0xc2: {  	s15 =	sor.u32 $0xC020, s6;
	[tilespmem:s18+$0x0] =	vst.add.f32.msk $0xffff, v2  }
0xc3: {  	s19 =	sor.u32 $0xC030, s6;
	[tilespmem:s15+$0x0] =	vst.add.f32.msk $0xffff, v1  }
0xc4: {  	s16 =	sor.u32 $0xE020, s6;
	[tilespmem:s19+$0x0] =	vst.add.f32.msk $0xffff, v2  }
0xc5: {  	s20 =	sor.u32 $0xE030, s6;
	[tilespmem:s16+$0x0] =	vst.add.f32.msk $0xffff, v1;
	v1 =	vmul.f32 $3.200000000e+01, v5  }
0xc6: {  	s21 =	sor.u32 $0x8040, s6;
	[tilespmem:s20+$0x0] =	vst.add.f32.msk $0xffff, v2;
	v2 =	vmul.f32 $3.200000000e+01, v6  }
0xc7: {  	s25 =	sor.u32 $0x8050, s6;
	v0 =	vmul.f32 $3.200000000e+01, v0;
	[tilespmem:s21+$0x0] =	vst.add.f32.msk $0xffff, v1  }
0xc8: {  	s30 =	sor.u32 $0x8060, s6;
	[tilespmem:s25+$0x0] =	vst.add.f32.msk $0xffff, v2  }
0xc9: {  	s22 =	sor.u32 $0xA040, s6;
	[tilespmem:s30+$0x0] =	vst.add.f32.msk $0xffff, v0  }
0xca: {  	s26 =	sor.u32 $0xA050, s6;
	[tilespmem:s22+$0x0] =	vst.add.f32.msk $0xffff, v1  }
0xcb: {  	s31 =	sor.u32 $0xA060, s6;
	[tilespmem:s26+$0x0] =	vst.add.f32.msk $0xffff, v2  }
0xcc: {  	s23 =	sor.u32 $0xC040, s6;
	[tilespmem:s31+$0x0] =	vst.add.f32.msk $0xffff, v0  }
0xcd: {  	s28 =	sor.u32 $0xC050, s6;
	[tilespmem:s23+$0x0] =	vst.add.f32.msk $0xffff, v1  }
0xce: {  	s24 =	sor.u32 $0xE040, s6;
	[tilespmem:s28+$0x0] =	vst.add.f32.msk $0xffff, v2  }
0xcf: {  	s29 =	sor.u32 $0xE050, s6;
	s5 =	simm.s32 $0x0;
	s9 =	sor.u32 $0xE060, s6;
	[tilespmem:s24+$0x0] =	vst.add.f32.msk $0xffff, v1  }
0xd0: {  	s7 =	simm.s32 $0x10;
	s8 =	sor.u32 $0xC060, s6;
	s6 =	simm.s32 $0x400;
	[tilespmem:s29+$0x0] =	vst.add.f32.msk $0xffff, v2  }
.LBB2_4:
0xd1: {  	s0 =	sand.u32 $0x1C00, s6;
	s1 =	sand.u32 $0x380, s7;
	[tilespmem:s8+$0x0] =	vst.add.f32.msk $0xffff, v0  }
0xd2: {  	s17 =	sor.u32 s1, s0;
	[tilespmem:s9+$0x0] =	vst.add.f32.msk $0xffff, v0  }
0xd3: {  	v0 =	vld [tilespmem:s17+$0x1A070]  }
0xd4: {  	v1 =	vld [tilespmem:s17+$0x1A000]  }
0xd5: {  	v2 =	vld [tilespmem:s17+$0x1A010]  }
0xd6: {  	v3 =	vld [tilespmem:s17+$0x1A020]  }
0xd7: {  	v4 =	vld [tilespmem:s17+$0x1A030]  }
0xd8: {  	v5 =	vld [tilespmem:s17+$0x1A040];
	v0 =	vmul.f32 $3.200000000e+01, v0  }
0xd9: {  	v6 =	vld [tilespmem:s17+$0x1A050];
	s2 =	sor.u32 $0x8070, s17;
	v1 =	vmul.f32 $3.200000000e+01, v1  }
0xda: {  	s11 =	sor.u32 $0x8000, s17;
	v2 =	vmul.f32 $3.200000000e+01, v2;
	[tilespmem:s2+$0x0] =	vst.add.f32.msk $0xffff, v0  }
0xdb: {  	s19 =	sor.u32 $0x8010, s17;
	v3 =	vmul.f32 $3.200000000e+01, v3;
	[tilespmem:s11+$0x0] =	vst.add.f32.msk $0xffff, v1  }
0xdc: {  	s10 =	sor.u32 $0x8020, s17;
	v4 =	vmul.f32 $3.200000000e+01, v4;
	[tilespmem:s19+$0x0] =	vst.add.f32.msk $0xffff, v2  }
0xdd: {  	s14 =	sor.u32 $0x8030, s17;
	v5 =	vmul.f32 $3.200000000e+01, v5;
	[tilespmem:s10+$0x0] =	vst.add.f32.msk $0xffff, v3  }
0xde: {  	s21 =	sor.u32 $0x8040, s17;
	v6 =	vmul.f32 $3.200000000e+01, v6;
	[tilespmem:s14+$0x0] =	vst.add.f32.msk $0xffff, v4  }
0xdf: {  	s22 =	sor.u32 $0x8050, s17;
	[tilespmem:s21+$0x0] =	vst.add.f32.msk $0xffff, v5  }
0xe0: {  	s1 =	sor.u32 $0xA070, s17;
	[tilespmem:s22+$0x0] =	vst.add.f32.msk $0xffff, v6  }
0xe1: {  	s18 =	sor.u32 $0xA000, s17;
	[tilespmem:s1+$0x0] =	vst.add.f32.msk $0xffff, v0  }
0xe2: {  	s28 =	sor.u32 $0xA010, s17;
	[tilespmem:s18+$0x0] =	vst.add.f32.msk $0xffff, v1  }
0xe3: {  	s24 =	sor.u32 $0xA020, s17;
	[tilespmem:s28+$0x0] =	vst.add.f32.msk $0xffff, v2  }
0xe4: {  	s15 =	sor.u32 $0xA030, s17;
	[tilespmem:s24+$0x0] =	vst.add.f32.msk $0xffff, v3  }
0xe5: {  	s31 =	sor.u32 $0xE030, s17;
	s16 =	sor.u32 $0xA040, s17;
	[tilespmem:s15+$0x0] =	vst.add.f32.msk $0xffff, v4  }
0xe6: {  	[dreg:$0x4] =	wrdreg s31;
	s31 =	sor.u32 $0xA050, s17;
	[tilespmem:s16+$0x0] =	vst.add.f32.msk $0xffff, v5  }
0xe7: {  	s8 =	sor.u32 $0xC070, s17;
	[tilespmem:s31+$0x0] =	vst.add.f32.msk $0xffff, v6  }
0xe8: {  	s12 =	sor.u32 $0xC000, s17;
	[tilespmem:s8+$0x0] =	vst.add.f32.msk $0xffff, v0  }
0xe9: {  	s20 =	sor.u32 $0xC010, s17;
	[tilespmem:s12+$0x0] =	vst.add.f32.msk $0xffff, v1  }
0xea: {  	s26 =	sor.u32 $0xC020, s17;
	[tilespmem:s20+$0x0] =	vst.add.f32.msk $0xffff, v2  }
0xeb: {  	s30 =	sor.u32 $0xC040, s17;
	[tilespmem:s26+$0x0] =	vst.add.f32.msk $0xffff, v3  }
0xec: {  	s23 =	sor.u32 $0xC050, s17;
	[tilespmem:s30+$0x0] =	vst.add.f32.msk $0xffff, v5  }
0xed: {  	s9 =	sor.u32 $0xE070, s17;
	[tilespmem:s23+$0x0] =	vst.add.f32.msk $0xffff, v6  }
0xee: {  	[tilespmem:s9+$0x0] =	vst.add.f32.msk $0xffff, v0  }
0xef: {  	s25 =	sor.u32 $0xE000, s17;
	v0 =	vld [tilespmem:s17+$0x1A060]  }
0xf0: {  	s4 =	sor.u32 $0xE010, s17;
	s0 =	sor.u32 $0xC030, s17;
	[tilespmem:s25+$0x0] =	vst.add.f32.msk $0xffff, v1  }
0xf1: {  	s13 =	sor.u32 $0xE020, s17;
	[dreg:$0xe] =	wrdreg s0;
	[tilespmem:s4+$0x0] =	vst.add.f32.msk $0xffff, v2  }
0xf2: {  	s5 =	sadd.s32 $0x8, s5;
	s26 =	rddreg [dreg:$0xe];
	[tilespmem:s13+$0x0] =	vst.add.f32.msk $0xffff, v3  }
0xf3: {  	p0 =	slt.u32 s5, $0x1F8;
	s3 =	sor.u32 $0xE040, s17;
	[tilespmem:s26+$0x0] =	vst.add.f32.msk $0xffff, v4  }
.Ltmp1:
0xf4: {  	s29 =	sor.u32 $0xE050, s17;
	[tilespmem:s3+$0x0] =	vst.add.f32.msk $0xffff, v5;
	(pc) =	sbr.rel @p0 .LBB2_4-.Ltmp1, $4  }
0xf5: {  	s28 =	rddreg [dreg:$0x4];
	[tilespmem:s29+$0x0] =	vst.add.f32.msk $0xffff, v6;
	v0 =	vmul.f32 $3.200000000e+01, v0  }
0xf6: {  	s0 =	sor.u32 $0x8060, s17;
	[tilespmem:s28+$0x0] =	vst.add.f32.msk $0xffff, v4  }
0xf7: {  	s6 =	sadd.s32 $0x400, s6;
	s1 =	sor.u32 $0xA060, s17;
	[tilespmem:s0+$0x0] =	vst.add.f32.msk $0xffff, v0  }
0xf8: {  	s7 =	sadd.s32 $0x10, s7;
	s8 =	sor.u32 $0xC060, s17;
	s9 =	sor.u32 $0xE060, s17;
	[tilespmem:s1+$0x0] =	vst.add.f32.msk $0xffff, v0  }
0xf9: {  	[tilespmem:s8+$0x0] =	vst.add.f32.msk $0xffff, v0  }
0xfa: {  	s2 =	simm.s32 $0x2000;
	s3 =	simm.s32 $0x400000;
	[tilespmem:s9+$0x0] =	vst.add.f32.msk $0xffff, v0  }
0xfb: {  	s5 =	simm.s32 $0x8000;
	s26 =	simm.s32 $0x5;
	s0 =	rddreg [dreg:$0x1e]  }
0xfc: {  	[hbm4b:s0+s2] =	stream.strided.scatter [tilespmem:s5], [sflag:$0x5], $0x8000, s3, s2, $0x38;
	[tilespmem:$0x1E000] =	vst v63  }
0xfd: {  	_ =	swait.ge [sflag:s26], $0x8000  }
0xfe: {  	s28 =	simm.s32 $0x0;
	[sflag:s26] =	ssyncset.done $0x0;
	s1 =	rddreg [dreg:$0x1f]  }
0xff: {  	s4 =	simm.s32 $0x1A000;
	s29 =	sld [smem:$0x7D5];
	[sflag:s26] =	ssyncadd.s32 $0xFFFF8000  }
0x100: {  	[tilespmem:s4], [sflag:$0x2] =	stream.linear.gather [hbm4b:s1+s28], $0x2000, $0x38;
	[tilespmem:$0x1E000] =	vst v63  }
0x101: {  	s30 =	simm.s32 $0x3  }
0x102: {  	[tilespmem:s5], [sflag:$0x2] =	stream.strided.gather [hbm4b:s29+s2], $0x8000, s3, s2, $0x38;
	[tilespmem:$0x1E000] =	vst v63  }
0x103: {  	_ =	swait.ge [sflag:s30], $0x2000  }
0x104: {  	[sflag:s30] =	ssyncset.done $0x0  }
0x105: {  	[sflag:s30] =	ssyncadd.s32 $0xFFFFE000  }
0x106: {  	_ =	swait.ge [sflag:s30], $0x8000  }
0x107: {  	s31 =	sand.u32 $0x1C00, s28;
	s0 =	sand.u32 $0x380, s28;
	[sflag:s30] =	ssyncset.done $0x0  }
0x108: {  	s6 =	sor.u32 s0, s31;
	[sflag:s30] =	ssyncadd.s32 $0xFFFF8000  }
0x109: {  	v0 =	vld [tilespmem:s6+$0x1C070]  }
0x10a: {  	v1 =	vld [tilespmem:s6+$0x1C000]  }
0x10b: {  	v2 =	vld [tilespmem:s6+$0x1C010]  }
0x10c: {  	v3 =	vld [tilespmem:s6+$0x1C020]  }
0x10d: {  	v4 =	vld [tilespmem:s6+$0x1C030]  }
0x10e: {  	v5 =	vld [tilespmem:s6+$0x1C040];
	v0 =	vmul.f32 $3.200000000e+01, v0  }
0x10f: {  	s0 =	sor.u32 $0x10070, s6;
	v6 =	vld [tilespmem:s6+$0x1C050];
	v1 =	vmul.f32 $3.200000000e+01, v1  }
0x110: {  	s5 =	sor.u32 $0x10000, s6;
	v2 =	vmul.f32 $3.200000000e+01, v2;
	[tilespmem:s0+$0x0] =	vst.add.f32.msk $0xffff, v0  }
0x111: {  	s9 =	sor.u32 $0x10010, s6;
	[tilespmem:s5+$0x0] =	vst.add.f32.msk $0xffff, v1  }
0x112: {  	s2 =	sor.u32 $0x12070, s6;
	[tilespmem:s9+$0x0] =	vst.add.f32.msk $0xffff, v2  }
0x113: {  	s1 =	sor.u32 $0x12000, s6;
	[tilespmem:s2+$0x0] =	vst.add.f32.msk $0xffff, v0  }
0x114: {  	s10 =	sor.u32 $0x12010, s6;
	[tilespmem:s1+$0x0] =	vst.add.f32.msk $0xffff, v1  }
0x115: {  	s3 =	sor.u32 $0x14070, s6;
	[tilespmem:s10+$0x0] =	vst.add.f32.msk $0xffff, v2  }
0x116: {  	s7 =	sor.u32 $0x14000, s6;
	[tilespmem:s3+$0x0] =	vst.add.f32.msk $0xffff, v0  }
0x117: {  	s11 =	sor.u32 $0x14010, s6;
	[tilespmem:s7+$0x0] =	vst.add.f32.msk $0xffff, v1  }
0x118: {  	s4 =	sor.u32 $0x16070, s6;
	[tilespmem:s11+$0x0] =	vst.add.f32.msk $0xffff, v2  }
0x119: {  	[tilespmem:s4+$0x0] =	vst.add.f32.msk $0xffff, v0  }
0x11a: {  	s8 =	sor.u32 $0x16000, s6;
	v0 =	vld [tilespmem:s6+$0x1C060]  }
0x11b: {  	s12 =	sor.u32 $0x16010, s6;
	[tilespmem:s8+$0x0] =	vst.add.f32.msk $0xffff, v1;
	v1 =	vmul.f32 $3.200000000e+01, v3  }
0x11c: {  	s13 =	sor.u32 $0x10020, s6;
	[tilespmem:s12+$0x0] =	vst.add.f32.msk $0xffff, v2;
	v2 =	vmul.f32 $3.200000000e+01, v4  }
0x11d: {  	s17 =	sor.u32 $0x10030, s6;
	[tilespmem:s13+$0x0] =	vst.add.f32.msk $0xffff, v1  }
0x11e: {  	s14 =	sor.u32 $0x12020, s6;
	[tilespmem:s17+$0x0] =	vst.add.f32.msk $0xffff, v2  }
0x11f: {  	s18 =	sor.u32 $0x12030, s6;
	[tilespmem:s14+$0x0] =	vst.add.f32.msk $0xffff, v1  }
0x120: {  	s15 =	sor.u32 $0x14020, s6;
	[tilespmem:s18+$0x0] =	vst.add.f32.msk $0xffff, v2  }
0x121: {  	s19 =	sor.u32 $0x14030, s6;
	[tilespmem:s15+$0x0] =	vst.add.f32.msk $0xffff, v1  }
0x122: {  	s16 =	sor.u32 $0x16020, s6;
	[tilespmem:s19+$0x0] =	vst.add.f32.msk $0xffff, v2  }
0x123: {  	s20 =	sor.u32 $0x16030, s6;
	[tilespmem:s16+$0x0] =	vst.add.f32.msk $0xffff, v1;
	v1 =	vmul.f32 $3.200000000e+01, v5  }
0x124: {  	s21 =	sor.u32 $0x10040, s6;
	[tilespmem:s20+$0x0] =	vst.add.f32.msk $0xffff, v2;
	v2 =	vmul.f32 $3.200000000e+01, v6  }
0x125: {  	s25 =	sor.u32 $0x10050, s6;
	v0 =	vmul.f32 $3.200000000e+01, v0;
	[tilespmem:s21+$0x0] =	vst.add.f32.msk $0xffff, v1  }
0x126: {  	s30 =	sor.u32 $0x10060, s6;
	[tilespmem:s25+$0x0] =	vst.add.f32.msk $0xffff, v2  }
0x127: {  	s22 =	sor.u32 $0x12040, s6;
	[tilespmem:s30+$0x0] =	vst.add.f32.msk $0xffff, v0  }
0x128: {  	s26 =	sor.u32 $0x12050, s6;
	[tilespmem:s22+$0x0] =	vst.add.f32.msk $0xffff, v1  }
0x129: {  	s31 =	sor.u32 $0x12060, s6;
	[tilespmem:s26+$0x0] =	vst.add.f32.msk $0xffff, v2  }
0x12a: {  	s23 =	sor.u32 $0x14040, s6;
	[tilespmem:s31+$0x0] =	vst.add.f32.msk $0xffff, v0  }
0x12b: {  	s28 =	sor.u32 $0x14050, s6;
	[tilespmem:s23+$0x0] =	vst.add.f32.msk $0xffff, v1  }
0x12c: {  	s24 =	sor.u32 $0x16040, s6;
	[tilespmem:s28+$0x0] =	vst.add.f32.msk $0xffff, v2  }
0x12d: {  	s29 =	sor.u32 $0x16050, s6;
	s5 =	simm.s32 $0x0;
	s9 =	sor.u32 $0x16060, s6;
	[tilespmem:s24+$0x0] =	vst.add.f32.msk $0xffff, v1  }
0x12e: {  	s7 =	simm.s32 $0x10;
	s8 =	sor.u32 $0x14060, s6;
	s6 =	simm.s32 $0x400;
	[tilespmem:s29+$0x0] =	vst.add.f32.msk $0xffff, v2  }
.LBB2_6:
0x12f: {  	s0 =	sand.u32 $0x1C00, s6;
	s1 =	sand.u32 $0x380, s7;
	[tilespmem:s8+$0x0] =	vst.add.f32.msk $0xffff, v0  }
0x130: {  	s17 =	sor.u32 s1, s0;
	[tilespmem:s9+$0x0] =	vst.add.f32.msk $0xffff, v0  }
0x131: {  	v0 =	vld [tilespmem:s17+$0x1C070]  }
0x132: {  	v1 =	vld [tilespmem:s17+$0x1C000]  }
0x133: {  	v2 =	vld [tilespmem:s17+$0x1C010]  }
0x134: {  	v3 =	vld [tilespmem:s17+$0x1C020]  }
0x135: {  	v4 =	vld [tilespmem:s17+$0x1C030]  }
0x136: {  	v5 =	vld [tilespmem:s17+$0x1C040];
	v0 =	vmul.f32 $3.200000000e+01, v0  }
0x137: {  	v6 =	vld [tilespmem:s17+$0x1C050];
	s2 =	sor.u32 $0x10070, s17;
	v1 =	vmul.f32 $3.200000000e+01, v1  }
0x138: {  	s10 =	sor.u32 $0x10000, s17;
	v2 =	vmul.f32 $3.200000000e+01, v2;
	[tilespmem:s2+$0x0] =	vst.add.f32.msk $0xffff, v0  }
0x139: {  	s19 =	sor.u32 $0x10010, s17;
	v3 =	vmul.f32 $3.200000000e+01, v3;
	[tilespmem:s10+$0x0] =	vst.add.f32.msk $0xffff, v1  }
0x13a: {  	s25 =	sor.u32 $0x10020, s17;
	v4 =	vmul.f32 $3.200000000e+01, v4;
	[tilespmem:s19+$0x0] =	vst.add.f32.msk $0xffff, v2  }
0x13b: {  	s14 =	sor.u32 $0x10030, s17;
	v5 =	vmul.f32 $3.200000000e+01, v5;
	[tilespmem:s25+$0x0] =	vst.add.f32.msk $0xffff, v3  }
0x13c: {  	s26 =	sor.u32 $0x10040, s17;
	v6 =	vmul.f32 $3.200000000e+01, v6;
	[tilespmem:s14+$0x0] =	vst.add.f32.msk $0xffff, v4  }
0x13d: {  	s22 =	sor.u32 $0x10050, s17;
	[tilespmem:s26+$0x0] =	vst.add.f32.msk $0xffff, v5  }
0x13e: {  	s1 =	sor.u32 $0x12070, s17;
	[tilespmem:s22+$0x0] =	vst.add.f32.msk $0xffff, v6  }
0x13f: {  	s18 =	sor.u32 $0x12000, s17;
	[tilespmem:s1+$0x0] =	vst.add.f32.msk $0xffff, v0  }
0x140: {  	s3 =	sor.u32 $0x12010, s17;
	[tilespmem:s18+$0x0] =	vst.add.f32.msk $0xffff, v1  }
0x141: {  	s21 =	sor.u32 $0x12020, s17;
	[tilespmem:s3+$0x0] =	vst.add.f32.msk $0xffff, v2  }
0x142: {  	s15 =	sor.u32 $0x12030, s17;
	[tilespmem:s21+$0x0] =	vst.add.f32.msk $0xffff, v3  }
0x143: {  	s31 =	sor.u32 $0x16030, s17;
	s16 =	sor.u32 $0x12040, s17;
	[tilespmem:s15+$0x0] =	vst.add.f32.msk $0xffff, v4  }
0x144: {  	[dreg:$0x5] =	wrdreg s31;
	s31 =	sor.u32 $0x12050, s17;
	[tilespmem:s16+$0x0] =	vst.add.f32.msk $0xffff, v5  }
0x145: {  	s8 =	sor.u32 $0x14070, s17;
	[tilespmem:s31+$0x0] =	vst.add.f32.msk $0xffff, v6  }
0x146: {  	s12 =	sor.u32 $0x14000, s17;
	[tilespmem:s8+$0x0] =	vst.add.f32.msk $0xffff, v0  }
0x147: {  	s20 =	sor.u32 $0x14010, s17;
	[tilespmem:s12+$0x0] =	vst.add.f32.msk $0xffff, v1  }
0x148: {  	s24 =	sor.u32 $0x14020, s17;
	[tilespmem:s20+$0x0] =	vst.add.f32.msk $0xffff, v2  }
0x149: {  	s30 =	sor.u32 $0x14040, s17;
	[tilespmem:s24+$0x0] =	vst.add.f32.msk $0xffff, v3  }
0x14a: {  	s23 =	sor.u32 $0x14050, s17;
	[tilespmem:s30+$0x0] =	vst.add.f32.msk $0xffff, v5  }
0x14b: {  	s9 =	sor.u32 $0x16070, s17;
	[tilespmem:s23+$0x0] =	vst.add.f32.msk $0xffff, v6  }
0x14c: {  	[tilespmem:s9+$0x0] =	vst.add.f32.msk $0xffff, v0  }
0x14d: {  	s11 =	sor.u32 $0x16000, s17;
	v0 =	vld [tilespmem:s17+$0x1C060]  }
0x14e: {  	s4 =	sor.u32 $0x16010, s17;
	s0 =	sor.u32 $0x14030, s17;
	[tilespmem:s11+$0x0] =	vst.add.f32.msk $0xffff, v1  }
0x14f: {  	s13 =	sor.u32 $0x16020, s17;
	[dreg:$0xf] =	wrdreg s0;
	[tilespmem:s4+$0x0] =	vst.add.f32.msk $0xffff, v2  }
0x150: {  	s5 =	sadd.s32 $0x8, s5;
	s24 =	rddreg [dreg:$0xf];
	[tilespmem:s13+$0x0] =	vst.add.f32.msk $0xffff, v3  }
0x151: {  	p0 =	slt.u32 s5, $0x1F8;
	s28 =	sor.u32 $0x16040, s17;
	[tilespmem:s24+$0x0] =	vst.add.f32.msk $0xffff, v4  }
.Ltmp2:
0x152: {  	s29 =	sor.u32 $0x16050, s17;
	[tilespmem:s28+$0x0] =	vst.add.f32.msk $0xffff, v5;
	(pc) =	sbr.rel @p0 .LBB2_6-.Ltmp2, $4  }
0x153: {  	s25 =	rddreg [dreg:$0x5];
	[tilespmem:s29+$0x0] =	vst.add.f32.msk $0xffff, v6;
	v0 =	vmul.f32 $3.200000000e+01, v0  }
0x154: {  	s0 =	sor.u32 $0x10060, s17;
	[tilespmem:s25+$0x0] =	vst.add.f32.msk $0xffff, v4  }
0x155: {  	s6 =	sadd.s32 $0x400, s6;
	s1 =	sor.u32 $0x12060, s17;
	[tilespmem:s0+$0x0] =	vst.add.f32.msk $0xffff, v0  }
0x156: {  	s7 =	sadd.s32 $0x10, s7;
	s8 =	sor.u32 $0x14060, s17;
	s9 =	sor.u32 $0x16060, s17;
	[tilespmem:s1+$0x0] =	vst.add.f32.msk $0xffff, v0  }
0x157: {  	[tilespmem:s8+$0x0] =	vst.add.f32.msk $0xffff, v0  }
0x158: {  	[tilespmem:s9+$0x0] =	vst.add.f32.msk $0xffff, v0  }
0x159: {  	s0 =	sld [smem:$0x7D6]  }
0x15a: {  	s1 =	simm.s32 $0x2000  }
0x15b: {  	s2 =	simm.s32 $0x400000;
	s4 =	simm.s32 $0x10000;
	s30 =	simm.s32 $0x6  }
0x15c: {  	[hbm4b:s0+s1] =	stream.strided.scatter [tilespmem:s4], [sflag:$0x6], $0x8000, s2, s1, $0x38;
	[tilespmem:$0x1E000] =	vst v63  }
0x15d: {  	_ =	swait.ge [sflag:s30], $0x8000  }
0x15e: {  	s31 =	sld [smem:$0x7D7]  }
0x15f: {  	s5 =	simm.s32 $0x0;
	[sflag:s30] =	ssyncset.done $0x0  }
0x160: {  	s3 =	simm.s32 $0x1C000;
	s6 =	sld [smem:$0x7D8];
	[sflag:s30] =	ssyncadd.s32 $0xFFFF8000  }
0x161: {  	[tilespmem:s3], [sflag:$0x3] =	stream.linear.gather [hbm4b:s31+s5], $0x2000, $0x38;
	[tilespmem:$0x1E000] =	vst v63  }
0x162: {  	s7 =	simm.s32 $0x1  }
0x163: {  	[tilespmem:s4], [sflag:$0x3] =	stream.strided.gather [hbm4b:s6+s1], $0x8000, s2, s1, $0x38;
	[tilespmem:$0x1E000] =	vst v63  }
0x164: {  	_ =	swait.ge [sflag:s7], $0x2000  }
0x165: {  	[sflag:s7] =	ssyncset.done $0x0  }
0x166: {  	[sflag:s7] =	ssyncadd.s32 $0xFFFFE000  }
0x167: {  	s8 =	sand.u32 $0x1C00, s5;
	_ =	swait.ge [sflag:s7], $0x8000  }
0x168: {  	s9 =	sor.u32 s8, s5;
	[sflag:s7] =	ssyncset.done $0x0  }
0x169: {  	s10 =	sand.u32 $0x380, s5;
	s1 =	sor.u32 $0x70, s9;
	[sflag:s7] =	ssyncadd.s32 $0xFFFF8000  }
0x16a: {  	s0 =	sor.u32 s10, s8;
	v0 =	vld [tilespmem:s1+$0x18000]  }
0x16b: {  	v1 =	vld [tilespmem:s0+$0x18010];
	_ =	sdelay $0x1  }
0x16c: {  	v2 =	vld [tilespmem:s0+$0x18020]  }
0x16d: {  	v3 =	vld [tilespmem:s0+$0x18030]  }
0x16e: {  	v4 =	vld [tilespmem:s0+$0x18040];
	v0 =	vmul.f32 $3.200000000e+01, v0  }
0x16f: {  	v5 =	vld [tilespmem:s0+$0x18050];
	v1 =	vmul.f32 $3.200000000e+01, v1  }
0x170: {  	s16 =	sor.u32 $0x10, s0;
	[tilespmem:s1+$0x0] =	vst.add.f32.msk $0xffff, v0  }
0x171: {  	s11 =	sor.u32 $0x2070, s0;
	[tilespmem:s16+$0x0] =	vst.add.f32.msk $0xffff, v1  }
0x172: {  	s12 =	sor.u32 $0x4070, s0;
	[tilespmem:s11+$0x0] =	vst.add.f32.msk $0xffff, v0  }
0x173: {  	s13 =	sor.u32 $0x6070, s0;
	[tilespmem:s12+$0x0] =	vst.add.f32.msk $0xffff, v0  }
0x174: {  	[tilespmem:s13+$0x0] =	vst.add.f32.msk $0xffff, v0  }
0x175: {  	s17 =	sor.u32 $0x2010, s0;
	v0 =	vld [tilespmem:s0+$0x18000]  }
0x176: {  	s18 =	sor.u32 $0x4010, s0;
	[tilespmem:s17+$0x0] =	vst.add.f32.msk $0xffff, v1  }
0x177: {  	s19 =	sor.u32 $0x6010, s0;
	[tilespmem:s18+$0x0] =	vst.add.f32.msk $0xffff, v1  }
0x178: {  	[tilespmem:s19+$0x0] =	vst.add.f32.msk $0xffff, v1;
	v1 =	vmul.f32 $3.200000000e+01, v4  }
0x179: {  	s29 =	sor.u32 $0x40, s0;
	v6 =	vld [tilespmem:s0+$0x18060]  }
0x17a: {  	s30 =	sor.u32 $0x2040, s0;
	[tilespmem:s29+$0x0] =	vst.add.f32.msk $0xffff, v1;
	v0 =	vmul.f32 $3.200000000e+01, v0  }
0x17b: {  	[tilespmem:s30+$0x0] =	vst.add.f32.msk $0xffff, v1  }
0x17c: {  	s14 =	sor.u32 $0x2000, s0;
	[tilespmem:s0+$0x0] =	vst.add.f32.msk $0xffff, v0  }
0x17d: {  	s2 =	sor.u32 $0x4000, s0;
	[tilespmem:s14+$0x0] =	vst.add.f32.msk $0xffff, v0  }
0x17e: {  	s15 =	sor.u32 $0x6000, s0;
	[tilespmem:s2+$0x0] =	vst.add.f32.msk $0xffff, v0  }
0x17f: {  	s31 =	sor.u32 $0x4040, s0;
	[tilespmem:s15+$0x0] =	vst.add.f32.msk $0xffff, v0;
	v0 =	vmul.f32 $3.200000000e+01, v2  }
0x180: {  	s20 =	sor.u32 $0x20, s0;
	[tilespmem:s31+$0x0] =	vst.add.f32.msk $0xffff, v1;
	v2 =	vmul.f32 $3.200000000e+01, v3  }
0x181: {  	s24 =	sor.u32 $0x30, s0;
	[tilespmem:s20+$0x0] =	vst.add.f32.msk $0xffff, v0  }
0x182: {  	s21 =	sor.u32 $0x2020, s0;
	[tilespmem:s24+$0x0] =	vst.add.f32.msk $0xffff, v2  }
0x183: {  	s25 =	sor.u32 $0x2030, s0;
	[tilespmem:s21+$0x0] =	vst.add.f32.msk $0xffff, v0  }
0x184: {  	s22 =	sor.u32 $0x4020, s0;
	s23 =	sor.u32 $0x6020, s0;
	s26 =	sor.u32 $0x4030, s0;
	[tilespmem:s25+$0x0] =	vst.add.f32.msk $0xffff, v2  }
0x185: {  	s28 =	sor.u32 $0x6030, s0;
	s10 =	sor.u32 $0x4060, s0;
	s8 =	sor.u32 $0x6060, s0;
	[tilespmem:s22+$0x0] =	vst.add.f32.msk $0xffff, v0  }
0x186: {  	s6 =	simm.s32 $0x0;
	s9 =	sor.u32 $0x60, s0;
	s7 =	simm.s32 $0x400;
	[tilespmem:s26+$0x0] =	vst.add.f32.msk $0xffff, v2  }
0x187: {  	s16 =	sor.u32 $0x6040, s0;
	s11 =	sor.u32 $0x4050, s0;
	s12 =	sor.u32 $0x6050, s0;
	[tilespmem:s23+$0x0] =	vst.add.f32.msk $0xffff, v0  }
0x188: {  	s13 =	sor.u32 $0x2060, s0;
	s14 =	sor.u32 $0x2050, s0;
	s15 =	sor.u32 $0x50, s0;
	[tilespmem:s28+$0x0] =	vst.add.f32.msk $0xffff, v2;
	v2 =	vmul.f32 $3.200000000e+01, v5;
	v0 =	vmul.f32 $3.200000000e+01, v6  }
.LBB2_8:
0x189: {  	s0 =	sand.u32 $0x1C00, s7;
	[tilespmem:s16+$0x0] =	vst.add.f32.msk $0xffff, v1;
	s5 =	sadd.s32 $0x10, s5  }
0x18a: {  	s1 =	sor.u32 s0, s5;
	[tilespmem:s15+$0x0] =	vst.add.f32.msk $0xffff, v2  }
0x18b: {  	s1 =	sor.u32 $0x70, s1;
	[tilespmem:s14+$0x0] =	vst.add.f32.msk $0xffff, v2  }
0x18c: {  	s6 =	sadd.s32 $0x8, s6;
	v1 =	vld [tilespmem:s1+$0x18000]  }
0x18d: {  	p0 =	slt.u32 s6, $0x1F8;
	[tilespmem:s11+$0x0] =	vst.add.f32.msk $0xffff, v2  }
0x18e: {  	[tilespmem:s12+$0x0] =	vst.add.f32.msk $0xffff, v2  }
0x18f: {  	[tilespmem:s9+$0x0] =	vst.add.f32.msk $0xffff, v0  }
0x190: {  	[tilespmem:s13+$0x0] =	vst.add.f32.msk $0xffff, v0  }
0x191: {  	s2 =	sand.u32 $0x380, s5;
	v1 =	vmul.f32 $3.200000000e+01, v1;
	[tilespmem:s10+$0x0] =	vst.add.f32.msk $0xffff, v0  }
0x192: {  	s0 =	sor.u32 s2, s0;
	[tilespmem:s8+$0x0] =	vst.add.f32.msk $0xffff, v0  }
0x193: {  	s2 =	sor.u32 $0x2000, s0;
	s3 =	sor.u32 $0x4000, s0;
	[tilespmem:s1+$0x0] =	vst.add.f32.msk $0xffff, v1;
	s1 =	sor.u32 $0x2070, s0  }
0x194: {  	s4 =	sor.u32 $0x6000, s0;
	s17 =	sor.u32 $0x10, s0;
	[tilespmem:s1+$0x0] =	vst.add.f32.msk $0xffff, v1;
	s1 =	sor.u32 $0x4070, s0  }
0x195: {  	s18 =	sor.u32 $0x2010, s0;
	s19 =	sor.u32 $0x4010, s0;
	[tilespmem:s1+$0x0] =	vst.add.f32.msk $0xffff, v1;
	s1 =	sor.u32 $0x6070, s0  }
0x196: {  	s20 =	sor.u32 $0x6010, s0;
	s21 =	sor.u32 $0x20, s0;
	s22 =	sor.u32 $0x2020, s0;
	[tilespmem:s1+$0x0] =	vst.add.f32.msk $0xffff, v1  }
0x197: {  	s23 =	sor.u32 $0x6020, s0;
	s24 =	sor.u32 $0x30, s0;
	s1 =	sor.u32 $0x4020, s0;
	v0 =	vld [tilespmem:s0+$0x18000]  }
0x198: {  	s25 =	sor.u32 $0x2030, s0;
	s26 =	sor.u32 $0x4030, s0;
	s28 =	sor.u32 $0x6030, s0;
	v1 =	vld [tilespmem:s0+$0x18010]  }
0x199: {  	s29 =	sor.u32 $0x40, s0;
	s30 =	sor.u32 $0x2040, s0;
	s31 =	sor.u32 $0x4040, s0;
	v2 =	vld [tilespmem:s0+$0x18020]  }
0x19a: {  	s16 =	sor.u32 $0x6040, s0;
	s15 =	sor.u32 $0x50, s0;
	s14 =	sor.u32 $0x2050, s0;
	v3 =	vld [tilespmem:s0+$0x18030]  }
0x19b: {  	s11 =	sor.u32 $0x4050, s0;
	s12 =	sor.u32 $0x6050, s0;
	s9 =	sor.u32 $0x60, s0;
	v4 =	vld [tilespmem:s0+$0x18040]  }
0x19c: {  	s13 =	sor.u32 $0x2060, s0;
	s10 =	sor.u32 $0x4060, s0;
	s8 =	sor.u32 $0x6060, s0;
	v0 =	vmul.f32 $3.200000000e+01, v0;
	v5 =	vld [tilespmem:s0+$0x18050]  }
0x19d: {  	v6 =	vmul.f32 $3.200000000e+01, v1;
	v7 =	vld [tilespmem:s0+$0x18060]  }
0x19e: {  	[tilespmem:s0+$0x0] =	vst.add.f32.msk $0xffff, v0;
	v8 =	vmul.f32 $3.200000000e+01, v2  }
0x19f: {  	[tilespmem:s2+$0x0] =	vst.add.f32.msk $0xffff, v0;
	v3 =	vmul.f32 $3.200000000e+01, v3  }
0x1a0: {  	[tilespmem:s3+$0x0] =	vst.add.f32.msk $0xffff, v0;
	v1 =	vmul.f32 $3.200000000e+01, v4  }
0x1a1: {  	[tilespmem:s4+$0x0] =	vst.add.f32.msk $0xffff, v0;
	v2 =	vmul.f32 $3.200000000e+01, v5  }
0x1a2: {  	[tilespmem:s17+$0x0] =	vst.add.f32.msk $0xffff, v6;
	v0 =	vmul.f32 $3.200000000e+01, v7  }
0x1a3: {  	[tilespmem:s18+$0x0] =	vst.add.f32.msk $0xffff, v6  }
0x1a4: {  	[tilespmem:s19+$0x0] =	vst.add.f32.msk $0xffff, v6  }
0x1a5: {  	[tilespmem:s20+$0x0] =	vst.add.f32.msk $0xffff, v6  }
0x1a6: {  	[tilespmem:s21+$0x0] =	vst.add.f32.msk $0xffff, v8  }
0x1a7: {  	[tilespmem:s22+$0x0] =	vst.add.f32.msk $0xffff, v8  }
0x1a8: {  	[tilespmem:s1+$0x0] =	vst.add.f32.msk $0xffff, v8  }
0x1a9: {  	[tilespmem:s23+$0x0] =	vst.add.f32.msk $0xffff, v8  }
0x1aa: {  	[tilespmem:s24+$0x0] =	vst.add.f32.msk $0xffff, v3  }
0x1ab: {  	[tilespmem:s25+$0x0] =	vst.add.f32.msk $0xffff, v3  }
.Ltmp3:
0x1ac: {  	[tilespmem:s26+$0x0] =	vst.add.f32.msk $0xffff, v3;
	(pc) =	sbr.rel @p0 .LBB2_8-.Ltmp3, $4  }
0x1ad: {  	[tilespmem:s28+$0x0] =	vst.add.f32.msk $0xffff, v3  }
0x1ae: {  	[tilespmem:s29+$0x0] =	vst.add.f32.msk $0xffff, v1  }
0x1af: {  	[tilespmem:s30+$0x0] =	vst.add.f32.msk $0xffff, v1  }
0x1b0: {  	s7 =	sadd.s32 $0x400, s7;
	[tilespmem:s31+$0x0] =	vst.add.f32.msk $0xffff, v1  }
0x1b1: {  	[tilespmem:s16+$0x0] =	vst.add.f32.msk $0xffff, v1  }
0x1b2: {  	[tilespmem:s15+$0x0] =	vst.add.f32.msk $0xffff, v2  }
0x1b3: {  	[tilespmem:s9+$0x0] =	vst.add.f32.msk $0xffff, v0  }
0x1b4: {  	[tilespmem:s14+$0x0] =	vst.add.f32.msk $0xffff, v2  }
0x1b5: {  	[tilespmem:s13+$0x0] =	vst.add.f32.msk $0xffff, v0  }
0x1b6: {  	[tilespmem:s11+$0x0] =	vst.add.f32.msk $0xffff, v2  }
0x1b7: {  	[tilespmem:s10+$0x0] =	vst.add.f32.msk $0xffff, v0  }
0x1b8: {  	[tilespmem:s12+$0x0] =	vst.add.f32.msk $0xffff, v2  }
0x1b9: {  	[tilespmem:s8+$0x0] =	vst.add.f32.msk $0xffff, v0  }
0x1ba: {  	s1 =	sld [smem:$0x7D9]  }
0x1bb: {  	s0 =	simm.s32 $0x0  }
0x1bc: {  	s3 =	simm.s32 $0x2000;
	s4 =	simm.s32 $0x400000;
	s26 =	simm.s32 $0x4  }
0x1bd: {  	[hbm4b:s1+s3] =	stream.strided.scatter [tilespmem:s0], [sflag:$0x4], $0x8000, s4, s3, $0x38;
	[tilespmem:$0x1E000] =	vst v63  }
0x1be: {  	_ =	swait.ge [sflag:s26], $0x8000  }
0x1bf: {  	s28 =	sld [smem:$0x7DA]  }
0x1c0: {  	[sflag:s26] =	ssyncset.done $0x0  }
0x1c1: {  	s2 =	simm.s32 $0x18000;
	s29 =	sld [smem:$0x7DB];
	[sflag:s26] =	ssyncadd.s32 $0xFFFF8000  }
0x1c2: {  	[tilespmem:s2], [sflag:$0x1] =	stream.linear.gather [hbm4b:s28+s0], $0x2000, $0x38;
	[tilespmem:$0x1E000] =	vst v63  }
0x1c3: {  	s30 =	simm.s32 $0x2  }
0x1c4: {  	[tilespmem:s0], [sflag:$0x1] =	stream.strided.gather [hbm4b:s29+s3], $0x8000, s4, s3, $0x38;
	[tilespmem:$0x1E000] =	vst v63  }
0x1c5: {  	_ =	swait.ge [sflag:s30], $0x2000  }
0x1c6: {  	[sflag:s30] =	ssyncset.done $0x0  }
0x1c7: {  	[sflag:s30] =	ssyncadd.s32 $0xFFFFE000  }
0x1c8: {  	_ =	swait.ge [sflag:s30], $0x8000  }
0x1c9: {  	s31 =	sand.u32 $0x1C00, s0;
	s0 =	sand.u32 $0x380, s0;
	[sflag:s30] =	ssyncset.done $0x0  }
0x1ca: {  	s6 =	sor.u32 s0, s31;
	[sflag:s30] =	ssyncadd.s32 $0xFFFF8000  }
0x1cb: {  	v0 =	vld [tilespmem:s6+$0x1A070]  }
0x1cc: {  	v1 =	vld [tilespmem:s6+$0x1A000]  }
0x1cd: {  	v2 =	vld [tilespmem:s6+$0x1A010]  }
0x1ce: {  	v3 =	vld [tilespmem:s6+$0x1A020]  }
0x1cf: {  	v4 =	vld [tilespmem:s6+$0x1A030]  }
0x1d0: {  	v5 =	vld [tilespmem:s6+$0x1A040];
	v0 =	vmul.f32 $3.200000000e+01, v0  }
0x1d1: {  	s0 =	sor.u32 $0x8070, s6;
	v6 =	vld [tilespmem:s6+$0x1A050];
	v1 =	vmul.f32 $3.200000000e+01, v1  }
0x1d2: {  	s5 =	sor.u32 $0x8000, s6;
	v2 =	vmul.f32 $3.200000000e+01, v2;
	[tilespmem:s0+$0x0] =	vst.add.f32.msk $0xffff, v0  }
0x1d3: {  	s9 =	sor.u32 $0x8010, s6;
	[tilespmem:s5+$0x0] =	vst.add.f32.msk $0xffff, v1  }
0x1d4: {  	s2 =	sor.u32 $0xA070, s6;
	[tilespmem:s9+$0x0] =	vst.add.f32.msk $0xffff, v2  }
0x1d5: {  	s1 =	sor.u32 $0xA000, s6;
	[tilespmem:s2+$0x0] =	vst.add.f32.msk $0xffff, v0  }
0x1d6: {  	s10 =	sor.u32 $0xA010, s6;
	[tilespmem:s1+$0x0] =	vst.add.f32.msk $0xffff, v1  }
0x1d7: {  	s3 =	sor.u32 $0xC070, s6;
	[tilespmem:s10+$0x0] =	vst.add.f32.msk $0xffff, v2  }
0x1d8: {  	s7 =	sor.u32 $0xC000, s6;
	[tilespmem:s3+$0x0] =	vst.add.f32.msk $0xffff, v0  }
0x1d9: {  	s11 =	sor.u32 $0xC010, s6;
	[tilespmem:s7+$0x0] =	vst.add.f32.msk $0xffff, v1  }
0x1da: {  	s4 =	sor.u32 $0xE070, s6;
	[tilespmem:s11+$0x0] =	vst.add.f32.msk $0xffff, v2  }
0x1db: {  	[tilespmem:s4+$0x0] =	vst.add.f32.msk $0xffff, v0  }
0x1dc: {  	s8 =	sor.u32 $0xE000, s6;
	v0 =	vld [tilespmem:s6+$0x1A060]  }
0x1dd: {  	s12 =	sor.u32 $0xE010, s6;
	[tilespmem:s8+$0x0] =	vst.add.f32.msk $0xffff, v1;
	v1 =	vmul.f32 $3.200000000e+01, v3  }
0x1de: {  	s13 =	sor.u32 $0x8020, s6;
	[tilespmem:s12+$0x0] =	vst.add.f32.msk $0xffff, v2;
	v2 =	vmul.f32 $3.200000000e+01, v4  }
0x1df: {  	s17 =	sor.u32 $0x8030, s6;
	[tilespmem:s13+$0x0] =	vst.add.f32.msk $0xffff, v1  }
0x1e0: {  	s14 =	sor.u32 $0xA020, s6;
	[tilespmem:s17+$0x0] =	vst.add.f32.msk $0xffff, v2  }
0x1e1: {  	s18 =	sor.u32 $0xA030, s6;
	[tilespmem:s14+$0x0] =	vst.add.f32.msk $0xffff, v1  }
0x1e2: {  	s15 =	sor.u32 $0xC020, s6;
	[tilespmem:s18+$0x0] =	vst.add.f32.msk $0xffff, v2  }
0x1e3: {  	s19 =	sor.u32 $0xC030, s6;
	[tilespmem:s15+$0x0] =	vst.add.f32.msk $0xffff, v1  }
0x1e4: {  	s16 =	sor.u32 $0xE020, s6;
	[tilespmem:s19+$0x0] =	vst.add.f32.msk $0xffff, v2  }
0x1e5: {  	s20 =	sor.u32 $0xE030, s6;
	[tilespmem:s16+$0x0] =	vst.add.f32.msk $0xffff, v1;
	v1 =	vmul.f32 $3.200000000e+01, v5  }
0x1e6: {  	s21 =	sor.u32 $0x8040, s6;
	[tilespmem:s20+$0x0] =	vst.add.f32.msk $0xffff, v2;
	v2 =	vmul.f32 $3.200000000e+01, v6  }
0x1e7: {  	s25 =	sor.u32 $0x8050, s6;
	v0 =	vmul.f32 $3.200000000e+01, v0;
	[tilespmem:s21+$0x0] =	vst.add.f32.msk $0xffff, v1  }
0x1e8: {  	s30 =	sor.u32 $0x8060, s6;
	[tilespmem:s25+$0x0] =	vst.add.f32.msk $0xffff, v2  }
0x1e9: {  	s22 =	sor.u32 $0xA040, s6;
	[tilespmem:s30+$0x0] =	vst.add.f32.msk $0xffff, v0  }
0x1ea: {  	s26 =	sor.u32 $0xA050, s6;
	[tilespmem:s22+$0x0] =	vst.add.f32.msk $0xffff, v1  }
0x1eb: {  	s31 =	sor.u32 $0xA060, s6;
	[tilespmem:s26+$0x0] =	vst.add.f32.msk $0xffff, v2  }
0x1ec: {  	s23 =	sor.u32 $0xC040, s6;
	[tilespmem:s31+$0x0] =	vst.add.f32.msk $0xffff, v0  }
0x1ed: {  	s28 =	sor.u32 $0xC050, s6;
	[tilespmem:s23+$0x0] =	vst.add.f32.msk $0xffff, v1  }
0x1ee: {  	s24 =	sor.u32 $0xE040, s6;
	[tilespmem:s28+$0x0] =	vst.add.f32.msk $0xffff, v2  }
0x1ef: {  	s29 =	sor.u32 $0xE050, s6;
	s5 =	simm.s32 $0x0;
	s9 =	sor.u32 $0xE060, s6;
	[tilespmem:s24+$0x0] =	vst.add.f32.msk $0xffff, v1  }
0x1f0: {  	s7 =	simm.s32 $0x10;
	s8 =	sor.u32 $0xC060, s6;
	s6 =	simm.s32 $0x400;
	[tilespmem:s29+$0x0] =	vst.add.f32.msk $0xffff, v2  }
.LBB2_10:
0x1f1: {  	s0 =	sand.u32 $0x1C00, s6;
	s1 =	sand.u32 $0x380, s7;
	[tilespmem:s8+$0x0] =	vst.add.f32.msk $0xffff, v0  }
0x1f2: {  	s17 =	sor.u32 s1, s0;
	[tilespmem:s9+$0x0] =	vst.add.f32.msk $0xffff, v0  }
0x1f3: {  	v0 =	vld [tilespmem:s17+$0x1A070]  }
0x1f4: {  	v1 =	vld [tilespmem:s17+$0x1A000]  }
0x1f5: {  	v2 =	vld [tilespmem:s17+$0x1A010]  }
0x1f6: {  	v3 =	vld [tilespmem:s17+$0x1A020]  }
0x1f7: {  	v4 =	vld [tilespmem:s17+$0x1A030]  }
0x1f8: {  	v5 =	vld [tilespmem:s17+$0x1A040];
	v0 =	vmul.f32 $3.200000000e+01, v0  }
0x1f9: {  	v6 =	vld [tilespmem:s17+$0x1A050];
	s2 =	sor.u32 $0x8070, s17;
	v1 =	vmul.f32 $3.200000000e+01, v1  }
0x1fa: {  	s10 =	sor.u32 $0x8000, s17;
	v2 =	vmul.f32 $3.200000000e+01, v2;
	[tilespmem:s2+$0x0] =	vst.add.f32.msk $0xffff, v0  }
0x1fb: {  	s19 =	sor.u32 $0x8010, s17;
	v3 =	vmul.f32 $3.200000000e+01, v3;
	[tilespmem:s10+$0x0] =	vst.add.f32.msk $0xffff, v1  }
0x1fc: {  	s25 =	sor.u32 $0x8020, s17;
	v4 =	vmul.f32 $3.200000000e+01, v4;
	[tilespmem:s19+$0x0] =	vst.add.f32.msk $0xffff, v2  }
0x1fd: {  	s14 =	sor.u32 $0x8030, s17;
	v5 =	vmul.f32 $3.200000000e+01, v5;
	[tilespmem:s25+$0x0] =	vst.add.f32.msk $0xffff, v3  }
0x1fe: {  	s26 =	sor.u32 $0x8040, s17;
	v6 =	vmul.f32 $3.200000000e+01, v6;
	[tilespmem:s14+$0x0] =	vst.add.f32.msk $0xffff, v4  }
0x1ff: {  	s22 =	sor.u32 $0x8050, s17;
	[tilespmem:s26+$0x0] =	vst.add.f32.msk $0xffff, v5  }
0x200: {  	s1 =	sor.u32 $0xA070, s17;
	[tilespmem:s22+$0x0] =	vst.add.f32.msk $0xffff, v6  }
0x201: {  	s18 =	sor.u32 $0xA000, s17;
	[tilespmem:s1+$0x0] =	vst.add.f32.msk $0xffff, v0  }
0x202: {  	s3 =	sor.u32 $0xA010, s17;
	[tilespmem:s18+$0x0] =	vst.add.f32.msk $0xffff, v1  }
0x203: {  	s21 =	sor.u32 $0xA020, s17;
	[tilespmem:s3+$0x0] =	vst.add.f32.msk $0xffff, v2  }
0x204: {  	s15 =	sor.u32 $0xA030, s17;
	[tilespmem:s21+$0x0] =	vst.add.f32.msk $0xffff, v3  }
0x205: {  	s31 =	sor.u32 $0xE030, s17;
	s16 =	sor.u32 $0xA040, s17;
	[tilespmem:s15+$0x0] =	vst.add.f32.msk $0xffff, v4  }
0x206: {  	[dreg:$0x6] =	wrdreg s31;
	s31 =	sor.u32 $0xA050, s17;
	[tilespmem:s16+$0x0] =	vst.add.f32.msk $0xffff, v5  }
0x207: {  	s8 =	sor.u32 $0xC070, s17;
	[tilespmem:s31+$0x0] =	vst.add.f32.msk $0xffff, v6  }
0x208: {  	s12 =	sor.u32 $0xC000, s17;
	[tilespmem:s8+$0x0] =	vst.add.f32.msk $0xffff, v0  }
0x209: {  	s20 =	sor.u32 $0xC010, s17;
	[tilespmem:s12+$0x0] =	vst.add.f32.msk $0xffff, v1  }
0x20a: {  	s24 =	sor.u32 $0xC020, s17;
	[tilespmem:s20+$0x0] =	vst.add.f32.msk $0xffff, v2  }
0x20b: {  	s30 =	sor.u32 $0xC040, s17;
	[tilespmem:s24+$0x0] =	vst.add.f32.msk $0xffff, v3  }
0x20c: {  	s23 =	sor.u32 $0xC050, s17;
	[tilespmem:s30+$0x0] =	vst.add.f32.msk $0xffff, v5  }
0x20d: {  	s9 =	sor.u32 $0xE070, s17;
	[tilespmem:s23+$0x0] =	vst.add.f32.msk $0xffff, v6  }
0x20e: {  	[tilespmem:s9+$0x0] =	vst.add.f32.msk $0xffff, v0  }
0x20f: {  	s11 =	sor.u32 $0xE000, s17;
	v0 =	vld [tilespmem:s17+$0x1A060]  }
0x210: {  	s4 =	sor.u32 $0xE010, s17;
	s0 =	sor.u32 $0xC030, s17;
	[tilespmem:s11+$0x0] =	vst.add.f32.msk $0xffff, v1  }
0x211: {  	s13 =	sor.u32 $0xE020, s17;
	[dreg:$0x10] =	wrdreg s0;
	[tilespmem:s4+$0x0] =	vst.add.f32.msk $0xffff, v2  }
0x212: {  	s5 =	sadd.s32 $0x8, s5;
	s24 =	rddreg [dreg:$0x10];
	[tilespmem:s13+$0x0] =	vst.add.f32.msk $0xffff, v3  }
0x213: {  	p0 =	slt.u32 s5, $0x1F8;
	s28 =	sor.u32 $0xE040, s17;
	[tilespmem:s24+$0x0] =	vst.add.f32.msk $0xffff, v4  }
.Ltmp4:
0x214: {  	s29 =	sor.u32 $0xE050, s17;
	[tilespmem:s28+$0x0] =	vst.add.f32.msk $0xffff, v5;
	(pc) =	sbr.rel @p0 .LBB2_10-.Ltmp4, $4  }
0x215: {  	s25 =	rddreg [dreg:$0x6];
	[tilespmem:s29+$0x0] =	vst.add.f32.msk $0xffff, v6;
	v0 =	vmul.f32 $3.200000000e+01, v0  }
0x216: {  	s0 =	sor.u32 $0x8060, s17;
	[tilespmem:s25+$0x0] =	vst.add.f32.msk $0xffff, v4  }
0x217: {  	s6 =	sadd.s32 $0x400, s6;
	s1 =	sor.u32 $0xA060, s17;
	[tilespmem:s0+$0x0] =	vst.add.f32.msk $0xffff, v0  }
0x218: {  	s7 =	sadd.s32 $0x10, s7;
	s8 =	sor.u32 $0xC060, s17;
	s9 =	sor.u32 $0xE060, s17;
	[tilespmem:s1+$0x0] =	vst.add.f32.msk $0xffff, v0  }
0x219: {  	[tilespmem:s8+$0x0] =	vst.add.f32.msk $0xffff, v0  }
0x21a: {  	[tilespmem:s9+$0x0] =	vst.add.f32.msk $0xffff, v0  }
0x21b: {  	s0 =	sld [smem:$0x7DC]  }
0x21c: {  	s2 =	simm.s32 $0x2000  }
0x21d: {  	s3 =	simm.s32 $0x400000;
	s5 =	simm.s32 $0x8000;
	s26 =	simm.s32 $0x5  }
0x21e: {  	[hbm4b:s0+s2] =	stream.strided.scatter [tilespmem:s5], [sflag:$0x5], $0x8000, s3, s2, $0x38;
	[tilespmem:$0x1E000] =	vst v63  }
0x21f: {  	_ =	swait.ge [sflag:s26], $0x8000  }
0x220: {  	s1 =	sld [smem:$0x7DF]  }
0x221: {  	s28 =	simm.s32 $0x0;
	[sflag:s26] =	ssyncset.done $0x0  }
0x222: {  	s4 =	simm.s32 $0x1A000;
	s29 =	sld [smem:$0x7E0];
	[sflag:s26] =	ssyncadd.s32 $0xFFFF8000  }
0x223: {  	[tilespmem:s4], [sflag:$0x2] =	stream.linear.gather [hbm4b:s1+s28], $0x2000, $0x38;
	[tilespmem:$0x1E000] =	vst v63  }
0x224: {  	s30 =	simm.s32 $0x3  }
0x225: {  	[tilespmem:s5], [sflag:$0x2] =	stream.strided.gather [hbm4b:s29+s2], $0x8000, s3, s2, $0x38;
	[tilespmem:$0x1E000] =	vst v63  }
0x226: {  	_ =	swait.ge [sflag:s30], $0x2000  }
0x227: {  	[sflag:s30] =	ssyncset.done $0x0  }
0x228: {  	[sflag:s30] =	ssyncadd.s32 $0xFFFFE000  }
0x229: {  	_ =	swait.ge [sflag:s30], $0x8000  }
0x22a: {  	s31 =	sand.u32 $0x1C00, s28;
	s0 =	sand.u32 $0x380, s28;
	[sflag:s30] =	ssyncset.done $0x0  }
0x22b: {  	s6 =	sor.u32 s0, s31;
	[sflag:s30] =	ssyncadd.s32 $0xFFFF8000  }
0x22c: {  	v0 =	vld [tilespmem:s6+$0x1C070]  }
0x22d: {  	v1 =	vld [tilespmem:s6+$0x1C000]  }
0x22e: {  	v2 =	vld [tilespmem:s6+$0x1C010]  }
0x22f: {  	v3 =	vld [tilespmem:s6+$0x1C020]  }
0x230: {  	v4 =	vld [tilespmem:s6+$0x1C030]  }
0x231: {  	v5 =	vld [tilespmem:s6+$0x1C040];
	v0 =	vmul.f32 $3.200000000e+01, v0  }
0x232: {  	s0 =	sor.u32 $0x10070, s6;
	v6 =	vld [tilespmem:s6+$0x1C050];
	v1 =	vmul.f32 $3.200000000e+01, v1  }
0x233: {  	s5 =	sor.u32 $0x10000, s6;
	v2 =	vmul.f32 $3.200000000e+01, v2;
	[tilespmem:s0+$0x0] =	vst.add.f32.msk $0xffff, v0  }
0x234: {  	s9 =	sor.u32 $0x10010, s6;
	[tilespmem:s5+$0x0] =	vst.add.f32.msk $0xffff, v1  }
0x235: {  	s2 =	sor.u32 $0x12070, s6;
	[tilespmem:s9+$0x0] =	vst.add.f32.msk $0xffff, v2  }
0x236: {  	s1 =	sor.u32 $0x12000, s6;
	[tilespmem:s2+$0x0] =	vst.add.f32.msk $0xffff, v0  }
0x237: {  	s10 =	sor.u32 $0x12010, s6;
	[tilespmem:s1+$0x0] =	vst.add.f32.msk $0xffff, v1  }
0x238: {  	s3 =	sor.u32 $0x14070, s6;
	[tilespmem:s10+$0x0] =	vst.add.f32.msk $0xffff, v2  }
0x239: {  	s7 =	sor.u32 $0x14000, s6;
	[tilespmem:s3+$0x0] =	vst.add.f32.msk $0xffff, v0  }
0x23a: {  	s11 =	sor.u32 $0x14010, s6;
	[tilespmem:s7+$0x0] =	vst.add.f32.msk $0xffff, v1  }
0x23b: {  	s4 =	sor.u32 $0x16070, s6;
	[tilespmem:s11+$0x0] =	vst.add.f32.msk $0xffff, v2  }
0x23c: {  	[tilespmem:s4+$0x0] =	vst.add.f32.msk $0xffff, v0  }
0x23d: {  	s8 =	sor.u32 $0x16000, s6;
	v0 =	vld [tilespmem:s6+$0x1C060]  }
0x23e: {  	s12 =	sor.u32 $0x16010, s6;
	[tilespmem:s8+$0x0] =	vst.add.f32.msk $0xffff, v1;
	v1 =	vmul.f32 $3.200000000e+01, v3  }
0x23f: {  	s13 =	sor.u32 $0x10020, s6;
	[tilespmem:s12+$0x0] =	vst.add.f32.msk $0xffff, v2;
	v2 =	vmul.f32 $3.200000000e+01, v4  }
0x240: {  	s17 =	sor.u32 $0x10030, s6;
	[tilespmem:s13+$0x0] =	vst.add.f32.msk $0xffff, v1  }
0x241: {  	s14 =	sor.u32 $0x12020, s6;
	[tilespmem:s17+$0x0] =	vst.add.f32.msk $0xffff, v2  }
0x242: {  	s18 =	sor.u32 $0x12030, s6;
	[tilespmem:s14+$0x0] =	vst.add.f32.msk $0xffff, v1  }
0x243: {  	s15 =	sor.u32 $0x14020, s6;
	[tilespmem:s18+$0x0] =	vst.add.f32.msk $0xffff, v2  }
0x244: {  	s19 =	sor.u32 $0x14030, s6;
	[tilespmem:s15+$0x0] =	vst.add.f32.msk $0xffff, v1  }
0x245: {  	s16 =	sor.u32 $0x16020, s6;
	[tilespmem:s19+$0x0] =	vst.add.f32.msk $0xffff, v2  }
0x246: {  	s20 =	sor.u32 $0x16030, s6;
	[tilespmem:s16+$0x0] =	vst.add.f32.msk $0xffff, v1;
	v1 =	vmul.f32 $3.200000000e+01, v5  }
0x247: {  	s21 =	sor.u32 $0x10040, s6;
	[tilespmem:s20+$0x0] =	vst.add.f32.msk $0xffff, v2;
	v2 =	vmul.f32 $3.200000000e+01, v6  }
0x248: {  	s25 =	sor.u32 $0x10050, s6;
	v0 =	vmul.f32 $3.200000000e+01, v0;
	[tilespmem:s21+$0x0] =	vst.add.f32.msk $0xffff, v1  }
0x249: {  	s30 =	sor.u32 $0x10060, s6;
	[tilespmem:s25+$0x0] =	vst.add.f32.msk $0xffff, v2  }
0x24a: {  	s22 =	sor.u32 $0x12040, s6;
	[tilespmem:s30+$0x0] =	vst.add.f32.msk $0xffff, v0  }
0x24b: {  	s26 =	sor.u32 $0x12050, s6;
	[tilespmem:s22+$0x0] =	vst.add.f32.msk $0xffff, v1  }
0x24c: {  	s31 =	sor.u32 $0x12060, s6;
	[tilespmem:s26+$0x0] =	vst.add.f32.msk $0xffff, v2  }
0x24d: {  	s23 =	sor.u32 $0x14040, s6;
	[tilespmem:s31+$0x0] =	vst.add.f32.msk $0xffff, v0  }
0x24e: {  	s28 =	sor.u32 $0x14050, s6;
	[tilespmem:s23+$0x0] =	vst.add.f32.msk $0xffff, v1  }
0x24f: {  	s24 =	sor.u32 $0x16040, s6;
	[tilespmem:s28+$0x0] =	vst.add.f32.msk $0xffff, v2  }
0x250: {  	s29 =	sor.u32 $0x16050, s6;
	s5 =	simm.s32 $0x0;
	s9 =	sor.u32 $0x16060, s6;
	[tilespmem:s24+$0x0] =	vst.add.f32.msk $0xffff, v1  }
0x251: {  	s7 =	simm.s32 $0x10;
	s8 =	sor.u32 $0x14060, s6;
	s6 =	simm.s32 $0x400;
	[tilespmem:s29+$0x0] =	vst.add.f32.msk $0xffff, v2  }
.LBB2_12:
0x252: {  	s0 =	sand.u32 $0x1C00, s6;
	s1 =	sand.u32 $0x380, s7;
	[tilespmem:s8+$0x0] =	vst.add.f32.msk $0xffff, v0  }
0x253: {  	s17 =	sor.u32 s1, s0;
	[tilespmem:s9+$0x0] =	vst.add.f32.msk $0xffff, v0  }
0x254: {  	v0 =	vld [tilespmem:s17+$0x1C070]  }
0x255: {  	v1 =	vld [tilespmem:s17+$0x1C000]  }
0x256: {  	v2 =	vld [tilespmem:s17+$0x1C010]  }
0x257: {  	v3 =	vld [tilespmem:s17+$0x1C020]  }
0x258: {  	v4 =	vld [tilespmem:s17+$0x1C030]  }
0x259: {  	v5 =	vld [tilespmem:s17+$0x1C040];
	v0 =	vmul.f32 $3.200000000e+01, v0  }
0x25a: {  	v6 =	vld [tilespmem:s17+$0x1C050];
	s2 =	sor.u32 $0x10070, s17;
	v1 =	vmul.f32 $3.200000000e+01, v1  }
0x25b: {  	s10 =	sor.u32 $0x10000, s17;
	v2 =	vmul.f32 $3.200000000e+01, v2;
	[tilespmem:s2+$0x0] =	vst.add.f32.msk $0xffff, v0  }
0x25c: {  	s19 =	sor.u32 $0x10010, s17;
	v3 =	vmul.f32 $3.200000000e+01, v3;
	[tilespmem:s10+$0x0] =	vst.add.f32.msk $0xffff, v1  }
0x25d: {  	s25 =	sor.u32 $0x10020, s17;
	v4 =	vmul.f32 $3.200000000e+01, v4;
	[tilespmem:s19+$0x0] =	vst.add.f32.msk $0xffff, v2  }
0x25e: {  	s14 =	sor.u32 $0x10030, s17;
	v5 =	vmul.f32 $3.200000000e+01, v5;
	[tilespmem:s25+$0x0] =	vst.add.f32.msk $0xffff, v3  }
0x25f: {  	s26 =	sor.u32 $0x10040, s17;
	v6 =	vmul.f32 $3.200000000e+01, v6;
	[tilespmem:s14+$0x0] =	vst.add.f32.msk $0xffff, v4  }
0x260: {  	s22 =	sor.u32 $0x10050, s17;
	[tilespmem:s26+$0x0] =	vst.add.f32.msk $0xffff, v5  }
0x261: {  	s1 =	sor.u32 $0x12070, s17;
	[tilespmem:s22+$0x0] =	vst.add.f32.msk $0xffff, v6  }
0x262: {  	s18 =	sor.u32 $0x12000, s17;
	[tilespmem:s1+$0x0] =	vst.add.f32.msk $0xffff, v0  }
0x263: {  	s3 =	sor.u32 $0x12010, s17;
	[tilespmem:s18+$0x0] =	vst.add.f32.msk $0xffff, v1  }
0x264: {  	s21 =	sor.u32 $0x12020, s17;
	[tilespmem:s3+$0x0] =	vst.add.f32.msk $0xffff, v2  }
0x265: {  	s15 =	sor.u32 $0x12030, s17;
	[tilespmem:s21+$0x0] =	vst.add.f32.msk $0xffff, v3  }
0x266: {  	s31 =	sor.u32 $0x16030, s17;
	s16 =	sor.u32 $0x12040, s17;
	[tilespmem:s15+$0x0] =	vst.add.f32.msk $0xffff, v4  }
0x267: {  	[dreg:$0x7] =	wrdreg s31;
	s31 =	sor.u32 $0x12050, s17;
	[tilespmem:s16+$0x0] =	vst.add.f32.msk $0xffff, v5  }
0x268: {  	s8 =	sor.u32 $0x14070, s17;
	[tilespmem:s31+$0x0] =	vst.add.f32.msk $0xffff, v6  }
0x269: {  	s12 =	sor.u32 $0x14000, s17;
	[tilespmem:s8+$0x0] =	vst.add.f32.msk $0xffff, v0  }
0x26a: {  	s20 =	sor.u32 $0x14010, s17;
	[tilespmem:s12+$0x0] =	vst.add.f32.msk $0xffff, v1  }
0x26b: {  	s24 =	sor.u32 $0x14020, s17;
	[tilespmem:s20+$0x0] =	vst.add.f32.msk $0xffff, v2  }
0x26c: {  	s30 =	sor.u32 $0x14040, s17;
	[tilespmem:s24+$0x0] =	vst.add.f32.msk $0xffff, v3  }
0x26d: {  	s23 =	sor.u32 $0x14050, s17;
	[tilespmem:s30+$0x0] =	vst.add.f32.msk $0xffff, v5  }
0x26e: {  	s9 =	sor.u32 $0x16070, s17;
	[tilespmem:s23+$0x0] =	vst.add.f32.msk $0xffff, v6  }
0x26f: {  	[tilespmem:s9+$0x0] =	vst.add.f32.msk $0xffff, v0  }
0x270: {  	s11 =	sor.u32 $0x16000, s17;
	v0 =	vld [tilespmem:s17+$0x1C060]  }
0x271: {  	s4 =	sor.u32 $0x16010, s17;
	s0 =	sor.u32 $0x14030, s17;
	[tilespmem:s11+$0x0] =	vst.add.f32.msk $0xffff, v1  }
0x272: {  	s13 =	sor.u32 $0x16020, s17;
	[dreg:$0x11] =	wrdreg s0;
	[tilespmem:s4+$0x0] =	vst.add.f32.msk $0xffff, v2  }
0x273: {  	s5 =	sadd.s32 $0x8, s5;
	s24 =	rddreg [dreg:$0x11];
	[tilespmem:s13+$0x0] =	vst.add.f32.msk $0xffff, v3  }
0x274: {  	p0 =	slt.u32 s5, $0x1F8;
	s28 =	sor.u32 $0x16040, s17;
	[tilespmem:s24+$0x0] =	vst.add.f32.msk $0xffff, v4  }
.Ltmp5:
0x275: {  	s29 =	sor.u32 $0x16050, s17;
	[tilespmem:s28+$0x0] =	vst.add.f32.msk $0xffff, v5;
	(pc) =	sbr.rel @p0 .LBB2_12-.Ltmp5, $4  }
0x276: {  	s25 =	rddreg [dreg:$0x7];
	[tilespmem:s29+$0x0] =	vst.add.f32.msk $0xffff, v6;
	v0 =	vmul.f32 $3.200000000e+01, v0  }
0x277: {  	s0 =	sor.u32 $0x10060, s17;
	[tilespmem:s25+$0x0] =	vst.add.f32.msk $0xffff, v4  }
0x278: {  	s6 =	sadd.s32 $0x400, s6;
	s1 =	sor.u32 $0x12060, s17;
	[tilespmem:s0+$0x0] =	vst.add.f32.msk $0xffff, v0  }
0x279: {  	s7 =	sadd.s32 $0x10, s7;
	s8 =	sor.u32 $0x14060, s17;
	s9 =	sor.u32 $0x16060, s17;
	[tilespmem:s1+$0x0] =	vst.add.f32.msk $0xffff, v0  }
0x27a: {  	[tilespmem:s8+$0x0] =	vst.add.f32.msk $0xffff, v0  }
0x27b: {  	[tilespmem:s9+$0x0] =	vst.add.f32.msk $0xffff, v0  }
0x27c: {  	s0 =	sld [smem:$0x7DD]  }
0x27d: {  	s1 =	simm.s32 $0x2000  }
0x27e: {  	s2 =	simm.s32 $0x400000;
	s4 =	simm.s32 $0x10000;
	s30 =	simm.s32 $0x6  }
0x27f: {  	[hbm4b:s0+s1] =	stream.strided.scatter [tilespmem:s4], [sflag:$0x6], $0x8000, s2, s1, $0x38;
	[tilespmem:$0x1E000] =	vst v63  }
0x280: {  	_ =	swait.ge [sflag:s30], $0x8000  }
0x281: {  	s31 =	sld [smem:$0x7E2]  }
0x282: {  	s5 =	simm.s32 $0x0;
	[sflag:s30] =	ssyncset.done $0x0  }
0x283: {  	s3 =	simm.s32 $0x1C000;
	s6 =	sld [smem:$0x7E3];
	[sflag:s30] =	ssyncadd.s32 $0xFFFF8000  }
0x284: {  	[tilespmem:s3], [sflag:$0x3] =	stream.linear.gather [hbm4b:s31+s5], $0x2000, $0x38;
	[tilespmem:$0x1E000] =	vst v63  }
0x285: {  	s7 =	simm.s32 $0x1  }
0x286: {  	[tilespmem:s4], [sflag:$0x3] =	stream.strided.gather [hbm4b:s6+s1], $0x8000, s2, s1, $0x38;
	[tilespmem:$0x1E000] =	vst v63  }
0x287: {  	_ =	swait.ge [sflag:s7], $0x2000  }
0x288: {  	[sflag:s7] =	ssyncset.done $0x0  }
0x289: {  	[sflag:s7] =	ssyncadd.s32 $0xFFFFE000  }
0x28a: {  	s8 =	sand.u32 $0x1C00, s5;
	_ =	swait.ge [sflag:s7], $0x8000  }
0x28b: {  	s9 =	sor.u32 s8, s5;
	[sflag:s7] =	ssyncset.done $0x0  }
0x28c: {  	s10 =	sand.u32 $0x380, s5;
	s1 =	sor.u32 $0x70, s9;
	[sflag:s7] =	ssyncadd.s32 $0xFFFF8000  }
0x28d: {  	s0 =	sor.u32 s10, s8;
	v0 =	vld [tilespmem:s1+$0x18000]  }
0x28e: {  	v1 =	vld [tilespmem:s0+$0x18010];
	_ =	sdelay $0x1  }
0x28f: {  	v2 =	vld [tilespmem:s0+$0x18020]  }
0x290: {  	v3 =	vld [tilespmem:s0+$0x18030]  }
0x291: {  	v4 =	vld [tilespmem:s0+$0x18040];
	v0 =	vmul.f32 $3.200000000e+01, v0  }
0x292: {  	v5 =	vld [tilespmem:s0+$0x18050];
	v1 =	vmul.f32 $3.200000000e+01, v1  }
0x293: {  	s16 =	sor.u32 $0x10, s0;
	[tilespmem:s1+$0x0] =	vst.add.f32.msk $0xffff, v0  }
0x294: {  	s11 =	sor.u32 $0x2070, s0;
	[tilespmem:s16+$0x0] =	vst.add.f32.msk $0xffff, v1  }
0x295: {  	s12 =	sor.u32 $0x4070, s0;
	[tilespmem:s11+$0x0] =	vst.add.f32.msk $0xffff, v0  }
0x296: {  	s13 =	sor.u32 $0x6070, s0;
	[tilespmem:s12+$0x0] =	vst.add.f32.msk $0xffff, v0  }
0x297: {  	[tilespmem:s13+$0x0] =	vst.add.f32.msk $0xffff, v0  }
0x298: {  	s17 =	sor.u32 $0x2010, s0;
	v0 =	vld [tilespmem:s0+$0x18000]  }
0x299: {  	s18 =	sor.u32 $0x4010, s0;
	[tilespmem:s17+$0x0] =	vst.add.f32.msk $0xffff, v1  }
0x29a: {  	s19 =	sor.u32 $0x6010, s0;
	[tilespmem:s18+$0x0] =	vst.add.f32.msk $0xffff, v1  }
0x29b: {  	[tilespmem:s19+$0x0] =	vst.add.f32.msk $0xffff, v1;
	v1 =	vmul.f32 $3.200000000e+01, v4  }
0x29c: {  	s29 =	sor.u32 $0x40, s0;
	v6 =	vld [tilespmem:s0+$0x18060]  }
0x29d: {  	s30 =	sor.u32 $0x2040, s0;
	[tilespmem:s29+$0x0] =	vst.add.f32.msk $0xffff, v1;
	v0 =	vmul.f32 $3.200000000e+01, v0  }
0x29e: {  	[tilespmem:s30+$0x0] =	vst.add.f32.msk $0xffff, v1  }
0x29f: {  	s14 =	sor.u32 $0x2000, s0;
	[tilespmem:s0+$0x0] =	vst.add.f32.msk $0xffff, v0  }
0x2a0: {  	s2 =	sor.u32 $0x4000, s0;
	[tilespmem:s14+$0x0] =	vst.add.f32.msk $0xffff, v0  }
0x2a1: {  	s15 =	sor.u32 $0x6000, s0;
	[tilespmem:s2+$0x0] =	vst.add.f32.msk $0xffff, v0  }
0x2a2: {  	s31 =	sor.u32 $0x4040, s0;
	[tilespmem:s15+$0x0] =	vst.add.f32.msk $0xffff, v0;
	v0 =	vmul.f32 $3.200000000e+01, v2  }
0x2a3: {  	s20 =	sor.u32 $0x20, s0;
	[tilespmem:s31+$0x0] =	vst.add.f32.msk $0xffff, v1;
	v2 =	vmul.f32 $3.200000000e+01, v3  }
0x2a4: {  	s24 =	sor.u32 $0x30, s0;
	[tilespmem:s20+$0x0] =	vst.add.f32.msk $0xffff, v0  }
0x2a5: {  	s21 =	sor.u32 $0x2020, s0;
	[tilespmem:s24+$0x0] =	vst.add.f32.msk $0xffff, v2  }
0x2a6: {  	s25 =	sor.u32 $0x2030, s0;
	[tilespmem:s21+$0x0] =	vst.add.f32.msk $0xffff, v0  }
0x2a7: {  	s22 =	sor.u32 $0x4020, s0;
	s23 =	sor.u32 $0x6020, s0;
	s26 =	sor.u32 $0x4030, s0;
	[tilespmem:s25+$0x0] =	vst.add.f32.msk $0xffff, v2  }
0x2a8: {  	s28 =	sor.u32 $0x6030, s0;
	s10 =	sor.u32 $0x4060, s0;
	s8 =	sor.u32 $0x6060, s0;
	[tilespmem:s22+$0x0] =	vst.add.f32.msk $0xffff, v0  }
0x2a9: {  	s6 =	simm.s32 $0x0;
	s9 =	sor.u32 $0x60, s0;
	s7 =	simm.s32 $0x400;
	[tilespmem:s26+$0x0] =	vst.add.f32.msk $0xffff, v2  }
0x2aa: {  	s16 =	sor.u32 $0x6040, s0;
	s11 =	sor.u32 $0x4050, s0;
	s12 =	sor.u32 $0x6050, s0;
	[tilespmem:s23+$0x0] =	vst.add.f32.msk $0xffff, v0  }
0x2ab: {  	s13 =	sor.u32 $0x2060, s0;
	s14 =	sor.u32 $0x2050, s0;
	s15 =	sor.u32 $0x50, s0;
	[tilespmem:s28+$0x0] =	vst.add.f32.msk $0xffff, v2;
	v2 =	vmul.f32 $3.200000000e+01, v5;
	v0 =	vmul.f32 $3.200000000e+01, v6  }
.LBB2_14:
0x2ac: {  	s0 =	sand.u32 $0x1C00, s7;
	[tilespmem:s16+$0x0] =	vst.add.f32.msk $0xffff, v1;
	s5 =	sadd.s32 $0x10, s5  }
0x2ad: {  	s1 =	sor.u32 s0, s5;
	[tilespmem:s15+$0x0] =	vst.add.f32.msk $0xffff, v2  }
0x2ae: {  	s1 =	sor.u32 $0x70, s1;
	[tilespmem:s14+$0x0] =	vst.add.f32.msk $0xffff, v2  }
0x2af: {  	s6 =	sadd.s32 $0x8, s6;
	v1 =	vld [tilespmem:s1+$0x18000]  }
0x2b0: {  	p0 =	slt.u32 s6, $0x1F8;
	[tilespmem:s11+$0x0] =	vst.add.f32.msk $0xffff, v2  }
0x2b1: {  	[tilespmem:s12+$0x0] =	vst.add.f32.msk $0xffff, v2  }
0x2b2: {  	[tilespmem:s9+$0x0] =	vst.add.f32.msk $0xffff, v0  }
0x2b3: {  	[tilespmem:s13+$0x0] =	vst.add.f32.msk $0xffff, v0  }
0x2b4: {  	s2 =	sand.u32 $0x380, s5;
	v1 =	vmul.f32 $3.200000000e+01, v1;
	[tilespmem:s10+$0x0] =	vst.add.f32.msk $0xffff, v0  }
0x2b5: {  	s0 =	sor.u32 s2, s0;
	[tilespmem:s8+$0x0] =	vst.add.f32.msk $0xffff, v0  }
0x2b6: {  	s2 =	sor.u32 $0x2000, s0;
	s3 =	sor.u32 $0x4000, s0;
	[tilespmem:s1+$0x0] =	vst.add.f32.msk $0xffff, v1;
	s1 =	sor.u32 $0x2070, s0  }
0x2b7: {  	s4 =	sor.u32 $0x6000, s0;
	s17 =	sor.u32 $0x10, s0;
	[tilespmem:s1+$0x0] =	vst.add.f32.msk $0xffff, v1;
	s1 =	sor.u32 $0x4070, s0  }
0x2b8: {  	s18 =	sor.u32 $0x2010, s0;
	s19 =	sor.u32 $0x4010, s0;
	[tilespmem:s1+$0x0] =	vst.add.f32.msk $0xffff, v1;
	s1 =	sor.u32 $0x6070, s0  }
0x2b9: {  	s20 =	sor.u32 $0x6010, s0;
	s21 =	sor.u32 $0x20, s0;
	s22 =	sor.u32 $0x2020, s0;
	[tilespmem:s1+$0x0] =	vst.add.f32.msk $0xffff, v1  }
0x2ba: {  	s23 =	sor.u32 $0x6020, s0;
	s24 =	sor.u32 $0x30, s0;
	s1 =	sor.u32 $0x4020, s0;
	v0 =	vld [tilespmem:s0+$0x18000]  }
0x2bb: {  	s25 =	sor.u32 $0x2030, s0;
	s26 =	sor.u32 $0x4030, s0;
	s28 =	sor.u32 $0x6030, s0;
	v1 =	vld [tilespmem:s0+$0x18010]  }
0x2bc: {  	s29 =	sor.u32 $0x40, s0;
	s30 =	sor.u32 $0x2040, s0;
	s31 =	sor.u32 $0x4040, s0;
	v2 =	vld [tilespmem:s0+$0x18020]  }
0x2bd: {  	s16 =	sor.u32 $0x6040, s0;
	s15 =	sor.u32 $0x50, s0;
	s14 =	sor.u32 $0x2050, s0;
	v3 =	vld [tilespmem:s0+$0x18030]  }
0x2be: {  	s11 =	sor.u32 $0x4050, s0;
	s12 =	sor.u32 $0x6050, s0;
	s9 =	sor.u32 $0x60, s0;
	v4 =	vld [tilespmem:s0+$0x18040]  }
0x2bf: {  	s13 =	sor.u32 $0x2060, s0;
	s10 =	sor.u32 $0x4060, s0;
	s8 =	sor.u32 $0x6060, s0;
	v0 =	vmul.f32 $3.200000000e+01, v0;
	v5 =	vld [tilespmem:s0+$0x18050]  }
0x2c0: {  	v6 =	vmul.f32 $3.200000000e+01, v1;
	v7 =	vld [tilespmem:s0+$0x18060]  }
0x2c1: {  	[tilespmem:s0+$0x0] =	vst.add.f32.msk $0xffff, v0;
	v8 =	vmul.f32 $3.200000000e+01, v2  }
0x2c2: {  	[tilespmem:s2+$0x0] =	vst.add.f32.msk $0xffff, v0;
	v3 =	vmul.f32 $3.200000000e+01, v3  }
0x2c3: {  	[tilespmem:s3+$0x0] =	vst.add.f32.msk $0xffff, v0;
	v1 =	vmul.f32 $3.200000000e+01, v4  }
0x2c4: {  	[tilespmem:s4+$0x0] =	vst.add.f32.msk $0xffff, v0;
	v2 =	vmul.f32 $3.200000000e+01, v5  }
0x2c5: {  	[tilespmem:s17+$0x0] =	vst.add.f32.msk $0xffff, v6;
	v0 =	vmul.f32 $3.200000000e+01, v7  }
0x2c6: {  	[tilespmem:s18+$0x0] =	vst.add.f32.msk $0xffff, v6  }
0x2c7: {  	[tilespmem:s19+$0x0] =	vst.add.f32.msk $0xffff, v6  }
0x2c8: {  	[tilespmem:s20+$0x0] =	vst.add.f32.msk $0xffff, v6  }
0x2c9: {  	[tilespmem:s21+$0x0] =	vst.add.f32.msk $0xffff, v8  }
0x2ca: {  	[tilespmem:s22+$0x0] =	vst.add.f32.msk $0xffff, v8  }
0x2cb: {  	[tilespmem:s1+$0x0] =	vst.add.f32.msk $0xffff, v8  }
0x2cc: {  	[tilespmem:s23+$0x0] =	vst.add.f32.msk $0xffff, v8  }
0x2cd: {  	[tilespmem:s24+$0x0] =	vst.add.f32.msk $0xffff, v3  }
0x2ce: {  	[tilespmem:s25+$0x0] =	vst.add.f32.msk $0xffff, v3  }
.Ltmp6:
0x2cf: {  	[tilespmem:s26+$0x0] =	vst.add.f32.msk $0xffff, v3;
	(pc) =	sbr.rel @p0 .LBB2_14-.Ltmp6, $4  }
0x2d0: {  	[tilespmem:s28+$0x0] =	vst.add.f32.msk $0xffff, v3  }
0x2d1: {  	[tilespmem:s29+$0x0] =	vst.add.f32.msk $0xffff, v1  }
0x2d2: {  	[tilespmem:s30+$0x0] =	vst.add.f32.msk $0xffff, v1  }
0x2d3: {  	s7 =	sadd.s32 $0x400, s7;
	[tilespmem:s31+$0x0] =	vst.add.f32.msk $0xffff, v1  }
0x2d4: {  	[tilespmem:s16+$0x0] =	vst.add.f32.msk $0xffff, v1  }
0x2d5: {  	[tilespmem:s15+$0x0] =	vst.add.f32.msk $0xffff, v2  }
0x2d6: {  	[tilespmem:s9+$0x0] =	vst.add.f32.msk $0xffff, v0  }
0x2d7: {  	[tilespmem:s14+$0x0] =	vst.add.f32.msk $0xffff, v2  }
0x2d8: {  	[tilespmem:s13+$0x0] =	vst.add.f32.msk $0xffff, v0  }
0x2d9: {  	[tilespmem:s11+$0x0] =	vst.add.f32.msk $0xffff, v2  }
0x2da: {  	[tilespmem:s10+$0x0] =	vst.add.f32.msk $0xffff, v0  }
0x2db: {  	[tilespmem:s12+$0x0] =	vst.add.f32.msk $0xffff, v2  }
0x2dc: {  	[tilespmem:s8+$0x0] =	vst.add.f32.msk $0xffff, v0  }
0x2dd: {  	s1 =	sld [smem:$0x7DE]  }
0x2de: {  	s0 =	simm.s32 $0x0  }
0x2df: {  	s3 =	simm.s32 $0x2000;
	s4 =	simm.s32 $0x400000;
	s26 =	simm.s32 $0x4  }
0x2e0: {  	[hbm4b:s1+s3] =	stream.strided.scatter [tilespmem:s0], [sflag:$0x4], $0x8000, s4, s3, $0x38;
	[tilespmem:$0x1E000] =	vst v63  }
0x2e1: {  	_ =	swait.ge [sflag:s26], $0x8000  }
0x2e2: {  	s28 =	sld [smem:$0x7E5]  }
0x2e3: {  	[sflag:s26] =	ssyncset.done $0x0  }
0x2e4: {  	s2 =	simm.s32 $0x18000;
	s29 =	sld [smem:$0x7E6];
	[sflag:s26] =	ssyncadd.s32 $0xFFFF8000  }
0x2e5: {  	[tilespmem:s2], [sflag:$0x1] =	stream.linear.gather [hbm4b:s28+s0], $0x2000, $0x38;
	[tilespmem:$0x1E000] =	vst v63  }
0x2e6: {  	s30 =	simm.s32 $0x2  }
0x2e7: {  	[tilespmem:s0], [sflag:$0x1] =	stream.strided.gather [hbm4b:s29+s3], $0x8000, s4, s3, $0x38;
	[tilespmem:$0x1E000] =	vst v63  }
0x2e8: {  	_ =	swait.ge [sflag:s30], $0x2000  }
0x2e9: {  	[sflag:s30] =	ssyncset.done $0x0  }
0x2ea: {  	[sflag:s30] =	ssyncadd.s32 $0xFFFFE000  }
0x2eb: {  	_ =	swait.ge [sflag:s30], $0x8000  }
0x2ec: {  	s31 =	sand.u32 $0x1C00, s0;
	s0 =	sand.u32 $0x380, s0;
	[sflag:s30] =	ssyncset.done $0x0  }
0x2ed: {  	s6 =	sor.u32 s0, s31;
	[sflag:s30] =	ssyncadd.s32 $0xFFFF8000  }
0x2ee: {  	v0 =	vld [tilespmem:s6+$0x1A070]  }
0x2ef: {  	v1 =	vld [tilespmem:s6+$0x1A000]  }
0x2f0: {  	v2 =	vld [tilespmem:s6+$0x1A010]  }
0x2f1: {  	v3 =	vld [tilespmem:s6+$0x1A020]  }
0x2f2: {  	v4 =	vld [tilespmem:s6+$0x1A030]  }
0x2f3: {  	v5 =	vld [tilespmem:s6+$0x1A040];
	v0 =	vmul.f32 $3.200000000e+01, v0  }
0x2f4: {  	s0 =	sor.u32 $0x8070, s6;
	v6 =	vld [tilespmem:s6+$0x1A050];
	v1 =	vmul.f32 $3.200000000e+01, v1  }
0x2f5: {  	s5 =	sor.u32 $0x8000, s6;
	v2 =	vmul.f32 $3.200000000e+01, v2;
	[tilespmem:s0+$0x0] =	vst.add.f32.msk $0xffff, v0  }
0x2f6: {  	s9 =	sor.u32 $0x8010, s6;
	[tilespmem:s5+$0x0] =	vst.add.f32.msk $0xffff, v1  }
0x2f7: {  	s2 =	sor.u32 $0xA070, s6;
	[tilespmem:s9+$0x0] =	vst.add.f32.msk $0xffff, v2  }
0x2f8: {  	s1 =	sor.u32 $0xA000, s6;
	[tilespmem:s2+$0x0] =	vst.add.f32.msk $0xffff, v0  }
0x2f9: {  	s10 =	sor.u32 $0xA010, s6;
	[tilespmem:s1+$0x0] =	vst.add.f32.msk $0xffff, v1  }
0x2fa: {  	s3 =	sor.u32 $0xC070, s6;
	[tilespmem:s10+$0x0] =	vst.add.f32.msk $0xffff, v2  }
0x2fb: {  	s7 =	sor.u32 $0xC000, s6;
	[tilespmem:s3+$0x0] =	vst.add.f32.msk $0xffff, v0  }
0x2fc: {  	s11 =	sor.u32 $0xC010, s6;
	[tilespmem:s7+$0x0] =	vst.add.f32.msk $0xffff, v1  }
0x2fd: {  	s4 =	sor.u32 $0xE070, s6;
	[tilespmem:s11+$0x0] =	vst.add.f32.msk $0xffff, v2  }
0x2fe: {  	[tilespmem:s4+$0x0] =	vst.add.f32.msk $0xffff, v0  }
0x2ff: {  	s8 =	sor.u32 $0xE000, s6;
	v0 =	vld [tilespmem:s6+$0x1A060]  }
0x300: {  	s12 =	sor.u32 $0xE010, s6;
	[tilespmem:s8+$0x0] =	vst.add.f32.msk $0xffff, v1;
	v1 =	vmul.f32 $3.200000000e+01, v3  }
0x301: {  	s13 =	sor.u32 $0x8020, s6;
	[tilespmem:s12+$0x0] =	vst.add.f32.msk $0xffff, v2;
	v2 =	vmul.f32 $3.200000000e+01, v4  }
0x302: {  	s17 =	sor.u32 $0x8030, s6;
	[tilespmem:s13+$0x0] =	vst.add.f32.msk $0xffff, v1  }
0x303: {  	s14 =	sor.u32 $0xA020, s6;
	[tilespmem:s17+$0x0] =	vst.add.f32.msk $0xffff, v2  }
0x304: {  	s18 =	sor.u32 $0xA030, s6;
	[tilespmem:s14+$0x0] =	vst.add.f32.msk $0xffff, v1  }
0x305: {  	s15 =	sor.u32 $0xC020, s6;
	[tilespmem:s18+$0x0] =	vst.add.f32.msk $0xffff, v2  }
0x306: {  	s19 =	sor.u32 $0xC030, s6;
	[tilespmem:s15+$0x0] =	vst.add.f32.msk $0xffff, v1  }
0x307: {  	s16 =	sor.u32 $0xE020, s6;
	[tilespmem:s19+$0x0] =	vst.add.f32.msk $0xffff, v2  }
0x308: {  	s20 =	sor.u32 $0xE030, s6;
	[tilespmem:s16+$0x0] =	vst.add.f32.msk $0xffff, v1;
	v1 =	vmul.f32 $3.200000000e+01, v5  }
0x309: {  	s21 =	sor.u32 $0x8040, s6;
	[tilespmem:s20+$0x0] =	vst.add.f32.msk $0xffff, v2;
	v2 =	vmul.f32 $3.200000000e+01, v6  }
0x30a: {  	s25 =	sor.u32 $0x8050, s6;
	v0 =	vmul.f32 $3.200000000e+01, v0;
	[tilespmem:s21+$0x0] =	vst.add.f32.msk $0xffff, v1  }
0x30b: {  	s30 =	sor.u32 $0x8060, s6;
	[tilespmem:s25+$0x0] =	vst.add.f32.msk $0xffff, v2  }
0x30c: {  	s22 =	sor.u32 $0xA040, s6;
	[tilespmem:s30+$0x0] =	vst.add.f32.msk $0xffff, v0  }
0x30d: {  	s26 =	sor.u32 $0xA050, s6;
	[tilespmem:s22+$0x0] =	vst.add.f32.msk $0xffff, v1  }
0x30e: {  	s31 =	sor.u32 $0xA060, s6;
	[tilespmem:s26+$0x0] =	vst.add.f32.msk $0xffff, v2  }
0x30f: {  	s23 =	sor.u32 $0xC040, s6;
	[tilespmem:s31+$0x0] =	vst.add.f32.msk $0xffff, v0  }
0x310: {  	s28 =	sor.u32 $0xC050, s6;
	[tilespmem:s23+$0x0] =	vst.add.f32.msk $0xffff, v1  }
0x311: {  	s24 =	sor.u32 $0xE040, s6;
	[tilespmem:s28+$0x0] =	vst.add.f32.msk $0xffff, v2  }
0x312: {  	s29 =	sor.u32 $0xE050, s6;
	s5 =	simm.s32 $0x0;
	s9 =	sor.u32 $0xE060, s6;
	[tilespmem:s24+$0x0] =	vst.add.f32.msk $0xffff, v1  }
0x313: {  	s7 =	simm.s32 $0x10;
	s8 =	sor.u32 $0xC060, s6;
	s6 =	simm.s32 $0x400;
	[tilespmem:s29+$0x0] =	vst.add.f32.msk $0xffff, v2  }
.LBB2_16:
0x314: {  	s0 =	sand.u32 $0x1C00, s6;
	s1 =	sand.u32 $0x380, s7;
	[tilespmem:s8+$0x0] =	vst.add.f32.msk $0xffff, v0  }
0x315: {  	s17 =	sor.u32 s1, s0;
	[tilespmem:s9+$0x0] =	vst.add.f32.msk $0xffff, v0  }
0x316: {  	v0 =	vld [tilespmem:s17+$0x1A070]  }
0x317: {  	v1 =	vld [tilespmem:s17+$0x1A000]  }
0x318: {  	v2 =	vld [tilespmem:s17+$0x1A010]  }
0x319: {  	v3 =	vld [tilespmem:s17+$0x1A020]  }
0x31a: {  	v4 =	vld [tilespmem:s17+$0x1A030]  }
0x31b: {  	v5 =	vld [tilespmem:s17+$0x1A040];
	v0 =	vmul.f32 $3.200000000e+01, v0  }
0x31c: {  	v6 =	vld [tilespmem:s17+$0x1A050];
	s2 =	sor.u32 $0x8070, s17;
	v1 =	vmul.f32 $3.200000000e+01, v1  }
0x31d: {  	s10 =	sor.u32 $0x8000, s17;
	v2 =	vmul.f32 $3.200000000e+01, v2;
	[tilespmem:s2+$0x0] =	vst.add.f32.msk $0xffff, v0  }
0x31e: {  	s19 =	sor.u32 $0x8010, s17;
	v3 =	vmul.f32 $3.200000000e+01, v3;
	[tilespmem:s10+$0x0] =	vst.add.f32.msk $0xffff, v1  }
0x31f: {  	s25 =	sor.u32 $0x8020, s17;
	v4 =	vmul.f32 $3.200000000e+01, v4;
	[tilespmem:s19+$0x0] =	vst.add.f32.msk $0xffff, v2  }
0x320: {  	s14 =	sor.u32 $0x8030, s17;
	v5 =	vmul.f32 $3.200000000e+01, v5;
	[tilespmem:s25+$0x0] =	vst.add.f32.msk $0xffff, v3  }
0x321: {  	s26 =	sor.u32 $0x8040, s17;
	v6 =	vmul.f32 $3.200000000e+01, v6;
	[tilespmem:s14+$0x0] =	vst.add.f32.msk $0xffff, v4  }
0x322: {  	s22 =	sor.u32 $0x8050, s17;
	[tilespmem:s26+$0x0] =	vst.add.f32.msk $0xffff, v5  }
0x323: {  	s1 =	sor.u32 $0xA070, s17;
	[tilespmem:s22+$0x0] =	vst.add.f32.msk $0xffff, v6  }
0x324: {  	s18 =	sor.u32 $0xA000, s17;
	[tilespmem:s1+$0x0] =	vst.add.f32.msk $0xffff, v0  }
0x325: {  	s3 =	sor.u32 $0xA010, s17;
	[tilespmem:s18+$0x0] =	vst.add.f32.msk $0xffff, v1  }
0x326: {  	s21 =	sor.u32 $0xA020, s17;
	[tilespmem:s3+$0x0] =	vst.add.f32.msk $0xffff, v2  }
0x327: {  	s15 =	sor.u32 $0xA030, s17;
	[tilespmem:s21+$0x0] =	vst.add.f32.msk $0xffff, v3  }
0x328: {  	s31 =	sor.u32 $0xE030, s17;
	s16 =	sor.u32 $0xA040, s17;
	[tilespmem:s15+$0x0] =	vst.add.f32.msk $0xffff, v4  }
0x329: {  	[dreg:$0x8] =	wrdreg s31;
	s31 =	sor.u32 $0xA050, s17;
	[tilespmem:s16+$0x0] =	vst.add.f32.msk $0xffff, v5  }
0x32a: {  	s8 =	sor.u32 $0xC070, s17;
	[tilespmem:s31+$0x0] =	vst.add.f32.msk $0xffff, v6  }
0x32b: {  	s12 =	sor.u32 $0xC000, s17;
	[tilespmem:s8+$0x0] =	vst.add.f32.msk $0xffff, v0  }
0x32c: {  	s20 =	sor.u32 $0xC010, s17;
	[tilespmem:s12+$0x0] =	vst.add.f32.msk $0xffff, v1  }
0x32d: {  	s24 =	sor.u32 $0xC020, s17;
	[tilespmem:s20+$0x0] =	vst.add.f32.msk $0xffff, v2  }
0x32e: {  	s30 =	sor.u32 $0xC040, s17;
	[tilespmem:s24+$0x0] =	vst.add.f32.msk $0xffff, v3  }
0x32f: {  	s23 =	sor.u32 $0xC050, s17;
	[tilespmem:s30+$0x0] =	vst.add.f32.msk $0xffff, v5  }
0x330: {  	s9 =	sor.u32 $0xE070, s17;
	[tilespmem:s23+$0x0] =	vst.add.f32.msk $0xffff, v6  }
0x331: {  	[tilespmem:s9+$0x0] =	vst.add.f32.msk $0xffff, v0  }
0x332: {  	s11 =	sor.u32 $0xE000, s17;
	v0 =	vld [tilespmem:s17+$0x1A060]  }
0x333: {  	s4 =	sor.u32 $0xE010, s17;
	s0 =	sor.u32 $0xC030, s17;
	[tilespmem:s11+$0x0] =	vst.add.f32.msk $0xffff, v1  }
0x334: {  	s13 =	sor.u32 $0xE020, s17;
	[dreg:$0x12] =	wrdreg s0;
	[tilespmem:s4+$0x0] =	vst.add.f32.msk $0xffff, v2  }
0x335: {  	s5 =	sadd.s32 $0x8, s5;
	s24 =	rddreg [dreg:$0x12];
	[tilespmem:s13+$0x0] =	vst.add.f32.msk $0xffff, v3  }
0x336: {  	p0 =	slt.u32 s5, $0x1F8;
	s28 =	sor.u32 $0xE040, s17;
	[tilespmem:s24+$0x0] =	vst.add.f32.msk $0xffff, v4  }
.Ltmp7:
0x337: {  	s29 =	sor.u32 $0xE050, s17;
	[tilespmem:s28+$0x0] =	vst.add.f32.msk $0xffff, v5;
	(pc) =	sbr.rel @p0 .LBB2_16-.Ltmp7, $4  }
0x338: {  	s25 =	rddreg [dreg:$0x8];
	[tilespmem:s29+$0x0] =	vst.add.f32.msk $0xffff, v6;
	v0 =	vmul.f32 $3.200000000e+01, v0  }
0x339: {  	s0 =	sor.u32 $0x8060, s17;
	[tilespmem:s25+$0x0] =	vst.add.f32.msk $0xffff, v4  }
0x33a: {  	s6 =	sadd.s32 $0x400, s6;
	s1 =	sor.u32 $0xA060, s17;
	[tilespmem:s0+$0x0] =	vst.add.f32.msk $0xffff, v0  }
0x33b: {  	s7 =	sadd.s32 $0x10, s7;
	s8 =	sor.u32 $0xC060, s17;
	s9 =	sor.u32 $0xE060, s17;
	[tilespmem:s1+$0x0] =	vst.add.f32.msk $0xffff, v0  }
0x33c: {  	[tilespmem:s8+$0x0] =	vst.add.f32.msk $0xffff, v0  }
0x33d: {  	[tilespmem:s9+$0x0] =	vst.add.f32.msk $0xffff, v0  }
0x33e: {  	s0 =	sld [smem:$0x7E1]  }
0x33f: {  	s2 =	simm.s32 $0x2000  }
0x340: {  	s3 =	simm.s32 $0x400000;
	s5 =	simm.s32 $0x8000;
	s26 =	simm.s32 $0x5  }
0x341: {  	[hbm4b:s0+s2] =	stream.strided.scatter [tilespmem:s5], [sflag:$0x5], $0x8000, s3, s2, $0x38;
	[tilespmem:$0x1E000] =	vst v63  }
0x342: {  	_ =	swait.ge [sflag:s26], $0x8000  }
0x343: {  	s1 =	sld [smem:$0x7E8]  }
0x344: {  	s28 =	simm.s32 $0x0;
	[sflag:s26] =	ssyncset.done $0x0  }
0x345: {  	s4 =	simm.s32 $0x1A000;
	s29 =	sld [smem:$0x7E9];
	[sflag:s26] =	ssyncadd.s32 $0xFFFF8000  }
0x346: {  	[tilespmem:s4], [sflag:$0x2] =	stream.linear.gather [hbm4b:s1+s28], $0x2000, $0x38;
	[tilespmem:$0x1E000] =	vst v63  }
0x347: {  	s30 =	simm.s32 $0x3  }
0x348: {  	[tilespmem:s5], [sflag:$0x2] =	stream.strided.gather [hbm4b:s29+s2], $0x8000, s3, s2, $0x38;
	[tilespmem:$0x1E000] =	vst v63  }
0x349: {  	_ =	swait.ge [sflag:s30], $0x2000  }
0x34a: {  	[sflag:s30] =	ssyncset.done $0x0  }
0x34b: {  	[sflag:s30] =	ssyncadd.s32 $0xFFFFE000  }
0x34c: {  	_ =	swait.ge [sflag:s30], $0x8000  }
0x34d: {  	s31 =	sand.u32 $0x1C00, s28;
	s0 =	sand.u32 $0x380, s28;
	[sflag:s30] =	ssyncset.done $0x0  }
0x34e: {  	s6 =	sor.u32 s0, s31;
	[sflag:s30] =	ssyncadd.s32 $0xFFFF8000  }
0x34f: {  	v0 =	vld [tilespmem:s6+$0x1C070]  }
0x350: {  	v1 =	vld [tilespmem:s6+$0x1C000]  }
0x351: {  	v2 =	vld [tilespmem:s6+$0x1C010]  }
0x352: {  	v3 =	vld [tilespmem:s6+$0x1C020]  }
0x353: {  	v4 =	vld [tilespmem:s6+$0x1C030]  }
0x354: {  	v5 =	vld [tilespmem:s6+$0x1C040];
	v0 =	vmul.f32 $3.200000000e+01, v0  }
0x355: {  	s0 =	sor.u32 $0x10070, s6;
	v6 =	vld [tilespmem:s6+$0x1C050];
	v1 =	vmul.f32 $3.200000000e+01, v1  }
0x356: {  	s5 =	sor.u32 $0x10000, s6;
	v2 =	vmul.f32 $3.200000000e+01, v2;
	[tilespmem:s0+$0x0] =	vst.add.f32.msk $0xffff, v0  }
0x357: {  	s9 =	sor.u32 $0x10010, s6;
	[tilespmem:s5+$0x0] =	vst.add.f32.msk $0xffff, v1  }
0x358: {  	s2 =	sor.u32 $0x12070, s6;
	[tilespmem:s9+$0x0] =	vst.add.f32.msk $0xffff, v2  }
0x359: {  	s1 =	sor.u32 $0x12000, s6;
	[tilespmem:s2+$0x0] =	vst.add.f32.msk $0xffff, v0  }
0x35a: {  	s10 =	sor.u32 $0x12010, s6;
	[tilespmem:s1+$0x0] =	vst.add.f32.msk $0xffff, v1  }
0x35b: {  	s3 =	sor.u32 $0x14070, s6;
	[tilespmem:s10+$0x0] =	vst.add.f32.msk $0xffff, v2  }
0x35c: {  	s7 =	sor.u32 $0x14000, s6;
	[tilespmem:s3+$0x0] =	vst.add.f32.msk $0xffff, v0  }
0x35d: {  	s11 =	sor.u32 $0x14010, s6;
	[tilespmem:s7+$0x0] =	vst.add.f32.msk $0xffff, v1  }
0x35e: {  	s4 =	sor.u32 $0x16070, s6;
	[tilespmem:s11+$0x0] =	vst.add.f32.msk $0xffff, v2  }
0x35f: {  	[tilespmem:s4+$0x0] =	vst.add.f32.msk $0xffff, v0  }
0x360: {  	s8 =	sor.u32 $0x16000, s6;
	v0 =	vld [tilespmem:s6+$0x1C060]  }
0x361: {  	s12 =	sor.u32 $0x16010, s6;
	[tilespmem:s8+$0x0] =	vst.add.f32.msk $0xffff, v1;
	v1 =	vmul.f32 $3.200000000e+01, v3  }
0x362: {  	s13 =	sor.u32 $0x10020, s6;
	[tilespmem:s12+$0x0] =	vst.add.f32.msk $0xffff, v2;
	v2 =	vmul.f32 $3.200000000e+01, v4  }
0x363: {  	s17 =	sor.u32 $0x10030, s6;
	[tilespmem:s13+$0x0] =	vst.add.f32.msk $0xffff, v1  }
0x364: {  	s14 =	sor.u32 $0x12020, s6;
	[tilespmem:s17+$0x0] =	vst.add.f32.msk $0xffff, v2  }
0x365: {  	s18 =	sor.u32 $0x12030, s6;
	[tilespmem:s14+$0x0] =	vst.add.f32.msk $0xffff, v1  }
0x366: {  	s15 =	sor.u32 $0x14020, s6;
	[tilespmem:s18+$0x0] =	vst.add.f32.msk $0xffff, v2  }
0x367: {  	s19 =	sor.u32 $0x14030, s6;
	[tilespmem:s15+$0x0] =	vst.add.f32.msk $0xffff, v1  }
0x368: {  	s16 =	sor.u32 $0x16020, s6;
	[tilespmem:s19+$0x0] =	vst.add.f32.msk $0xffff, v2  }
0x369: {  	s20 =	sor.u32 $0x16030, s6;
	[tilespmem:s16+$0x0] =	vst.add.f32.msk $0xffff, v1;
	v1 =	vmul.f32 $3.200000000e+01, v5  }
0x36a: {  	s21 =	sor.u32 $0x10040, s6;
	[tilespmem:s20+$0x0] =	vst.add.f32.msk $0xffff, v2;
	v2 =	vmul.f32 $3.200000000e+01, v6  }
0x36b: {  	s25 =	sor.u32 $0x10050, s6;
	v0 =	vmul.f32 $3.200000000e+01, v0;
	[tilespmem:s21+$0x0] =	vst.add.f32.msk $0xffff, v1  }
0x36c: {  	s30 =	sor.u32 $0x10060, s6;
	[tilespmem:s25+$0x0] =	vst.add.f32.msk $0xffff, v2  }
0x36d: {  	s22 =	sor.u32 $0x12040, s6;
	[tilespmem:s30+$0x0] =	vst.add.f32.msk $0xffff, v0  }
0x36e: {  	s26 =	sor.u32 $0x12050, s6;
	[tilespmem:s22+$0x0] =	vst.add.f32.msk $0xffff, v1  }
0x36f: {  	s31 =	sor.u32 $0x12060, s6;
	[tilespmem:s26+$0x0] =	vst.add.f32.msk $0xffff, v2  }
0x370: {  	s23 =	sor.u32 $0x14040, s6;
	[tilespmem:s31+$0x0] =	vst.add.f32.msk $0xffff, v0  }
0x371: {  	s28 =	sor.u32 $0x14050, s6;
	[tilespmem:s23+$0x0] =	vst.add.f32.msk $0xffff, v1  }
0x372: {  	s24 =	sor.u32 $0x16040, s6;
	[tilespmem:s28+$0x0] =	vst.add.f32.msk $0xffff, v2  }
0x373: {  	s29 =	sor.u32 $0x16050, s6;
	s5 =	simm.s32 $0x0;
	s9 =	sor.u32 $0x16060, s6;
	[tilespmem:s24+$0x0] =	vst.add.f32.msk $0xffff, v1  }
0x374: {  	s7 =	simm.s32 $0x10;
	s8 =	sor.u32 $0x14060, s6;
	s6 =	simm.s32 $0x400;
	[tilespmem:s29+$0x0] =	vst.add.f32.msk $0xffff, v2  }
.LBB2_18:
0x375: {  	s0 =	sand.u32 $0x1C00, s6;
	s1 =	sand.u32 $0x380, s7;
	[tilespmem:s8+$0x0] =	vst.add.f32.msk $0xffff, v0  }
0x376: {  	s17 =	sor.u32 s1, s0;
	[tilespmem:s9+$0x0] =	vst.add.f32.msk $0xffff, v0  }
0x377: {  	v0 =	vld [tilespmem:s17+$0x1C070]  }
0x378: {  	v1 =	vld [tilespmem:s17+$0x1C000]  }
0x379: {  	v2 =	vld [tilespmem:s17+$0x1C010]  }
0x37a: {  	v3 =	vld [tilespmem:s17+$0x1C020]  }
0x37b: {  	v4 =	vld [tilespmem:s17+$0x1C030]  }
0x37c: {  	v5 =	vld [tilespmem:s17+$0x1C040];
	v0 =	vmul.f32 $3.200000000e+01, v0  }
0x37d: {  	v6 =	vld [tilespmem:s17+$0x1C050];
	s2 =	sor.u32 $0x10070, s17;
	v1 =	vmul.f32 $3.200000000e+01, v1  }
0x37e: {  	s10 =	sor.u32 $0x10000, s17;
	v2 =	vmul.f32 $3.200000000e+01, v2;
	[tilespmem:s2+$0x0] =	vst.add.f32.msk $0xffff, v0  }
0x37f: {  	s19 =	sor.u32 $0x10010, s17;
	v3 =	vmul.f32 $3.200000000e+01, v3;
	[tilespmem:s10+$0x0] =	vst.add.f32.msk $0xffff, v1  }
0x380: {  	s25 =	sor.u32 $0x10020, s17;
	v4 =	vmul.f32 $3.200000000e+01, v4;
	[tilespmem:s19+$0x0] =	vst.add.f32.msk $0xffff, v2  }
0x381: {  	s14 =	sor.u32 $0x10030, s17;
	v5 =	vmul.f32 $3.200000000e+01, v5;
	[tilespmem:s25+$0x0] =	vst.add.f32.msk $0xffff, v3  }
0x382: {  	s26 =	sor.u32 $0x10040, s17;
	v6 =	vmul.f32 $3.200000000e+01, v6;
	[tilespmem:s14+$0x0] =	vst.add.f32.msk $0xffff, v4  }
0x383: {  	s22 =	sor.u32 $0x10050, s17;
	[tilespmem:s26+$0x0] =	vst.add.f32.msk $0xffff, v5  }
0x384: {  	s1 =	sor.u32 $0x12070, s17;
	[tilespmem:s22+$0x0] =	vst.add.f32.msk $0xffff, v6  }
0x385: {  	s18 =	sor.u32 $0x12000, s17;
	[tilespmem:s1+$0x0] =	vst.add.f32.msk $0xffff, v0  }
0x386: {  	s3 =	sor.u32 $0x12010, s17;
	[tilespmem:s18+$0x0] =	vst.add.f32.msk $0xffff, v1  }
0x387: {  	s21 =	sor.u32 $0x12020, s17;
	[tilespmem:s3+$0x0] =	vst.add.f32.msk $0xffff, v2  }
0x388: {  	s15 =	sor.u32 $0x12030, s17;
	[tilespmem:s21+$0x0] =	vst.add.f32.msk $0xffff, v3  }
0x389: {  	s31 =	sor.u32 $0x16030, s17;
	s16 =	sor.u32 $0x12040, s17;
	[tilespmem:s15+$0x0] =	vst.add.f32.msk $0xffff, v4  }
0x38a: {  	[dreg:$0x9] =	wrdreg s31;
	s31 =	sor.u32 $0x12050, s17;
	[tilespmem:s16+$0x0] =	vst.add.f32.msk $0xffff, v5  }
0x38b: {  	s8 =	sor.u32 $0x14070, s17;
	[tilespmem:s31+$0x0] =	vst.add.f32.msk $0xffff, v6  }
0x38c: {  	s12 =	sor.u32 $0x14000, s17;
	[tilespmem:s8+$0x0] =	vst.add.f32.msk $0xffff, v0  }
0x38d: {  	s20 =	sor.u32 $0x14010, s17;
	[tilespmem:s12+$0x0] =	vst.add.f32.msk $0xffff, v1  }
0x38e: {  	s24 =	sor.u32 $0x14020, s17;
	[tilespmem:s20+$0x0] =	vst.add.f32.msk $0xffff, v2  }
0x38f: {  	s30 =	sor.u32 $0x14040, s17;
	[tilespmem:s24+$0x0] =	vst.add.f32.msk $0xffff, v3  }
0x390: {  	s23 =	sor.u32 $0x14050, s17;
	[tilespmem:s30+$0x0] =	vst.add.f32.msk $0xffff, v5  }
0x391: {  	s9 =	sor.u32 $0x16070, s17;
	[tilespmem:s23+$0x0] =	vst.add.f32.msk $0xffff, v6  }
0x392: {  	[tilespmem:s9+$0x0] =	vst.add.f32.msk $0xffff, v0  }
0x393: {  	s11 =	sor.u32 $0x16000, s17;
	v0 =	vld [tilespmem:s17+$0x1C060]  }
0x394: {  	s4 =	sor.u32 $0x16010, s17;
	s0 =	sor.u32 $0x14030, s17;
	[tilespmem:s11+$0x0] =	vst.add.f32.msk $0xffff, v1  }
0x395: {  	s13 =	sor.u32 $0x16020, s17;
	[dreg:$0x13] =	wrdreg s0;
	[tilespmem:s4+$0x0] =	vst.add.f32.msk $0xffff, v2  }
0x396: {  	s5 =	sadd.s32 $0x8, s5;
	s24 =	rddreg [dreg:$0x13];
	[tilespmem:s13+$0x0] =	vst.add.f32.msk $0xffff, v3  }
0x397: {  	p0 =	slt.u32 s5, $0x1F8;
	s28 =	sor.u32 $0x16040, s17;
	[tilespmem:s24+$0x0] =	vst.add.f32.msk $0xffff, v4  }
.Ltmp8:
0x398: {  	s29 =	sor.u32 $0x16050, s17;
	[tilespmem:s28+$0x0] =	vst.add.f32.msk $0xffff, v5;
	(pc) =	sbr.rel @p0 .LBB2_18-.Ltmp8, $4  }
0x399: {  	s25 =	rddreg [dreg:$0x9];
	[tilespmem:s29+$0x0] =	vst.add.f32.msk $0xffff, v6;
	v0 =	vmul.f32 $3.200000000e+01, v0  }
0x39a: {  	s0 =	sor.u32 $0x10060, s17;
	[tilespmem:s25+$0x0] =	vst.add.f32.msk $0xffff, v4  }
0x39b: {  	s6 =	sadd.s32 $0x400, s6;
	s1 =	sor.u32 $0x12060, s17;
	[tilespmem:s0+$0x0] =	vst.add.f32.msk $0xffff, v0  }
0x39c: {  	s7 =	sadd.s32 $0x10, s7;
	s8 =	sor.u32 $0x14060, s17;
	s9 =	sor.u32 $0x16060, s17;
	[tilespmem:s1+$0x0] =	vst.add.f32.msk $0xffff, v0  }
0x39d: {  	[tilespmem:s8+$0x0] =	vst.add.f32.msk $0xffff, v0  }
0x39e: {  	[tilespmem:s9+$0x0] =	vst.add.f32.msk $0xffff, v0  }
0x39f: {  	s0 =	sld [smem:$0x7E4]  }
0x3a0: {  	s1 =	simm.s32 $0x2000  }
0x3a1: {  	s2 =	simm.s32 $0x400000;
	s4 =	simm.s32 $0x10000;
	s30 =	simm.s32 $0x6  }
0x3a2: {  	[hbm4b:s0+s1] =	stream.strided.scatter [tilespmem:s4], [sflag:$0x6], $0x8000, s2, s1, $0x38;
	[tilespmem:$0x1E000] =	vst v63  }
0x3a3: {  	_ =	swait.ge [sflag:s30], $0x8000  }
0x3a4: {  	s31 =	sld [smem:$0x7EB]  }
0x3a5: {  	s5 =	simm.s32 $0x0;
	[sflag:s30] =	ssyncset.done $0x0  }
0x3a6: {  	s3 =	simm.s32 $0x1C000;
	s6 =	sld [smem:$0x7EC];
	[sflag:s30] =	ssyncadd.s32 $0xFFFF8000  }
0x3a7: {  	[tilespmem:s3], [sflag:$0x3] =	stream.linear.gather [hbm4b:s31+s5], $0x2000, $0x38;
	[tilespmem:$0x1E000] =	vst v63  }
0x3a8: {  	s7 =	simm.s32 $0x1  }
0x3a9: {  	[tilespmem:s4], [sflag:$0x3] =	stream.strided.gather [hbm4b:s6+s1], $0x8000, s2, s1, $0x38;
	[tilespmem:$0x1E000] =	vst v63  }
0x3aa: {  	_ =	swait.ge [sflag:s7], $0x2000  }
0x3ab: {  	[sflag:s7] =	ssyncset.done $0x0  }
0x3ac: {  	[sflag:s7] =	ssyncadd.s32 $0xFFFFE000  }
0x3ad: {  	s8 =	sand.u32 $0x1C00, s5;
	_ =	swait.ge [sflag:s7], $0x8000  }
0x3ae: {  	s9 =	sor.u32 s8, s5;
	[sflag:s7] =	ssyncset.done $0x0  }
0x3af: {  	s10 =	sand.u32 $0x380, s5;
	s1 =	sor.u32 $0x70, s9;
	[sflag:s7] =	ssyncadd.s32 $0xFFFF8000  }
0x3b0: {  	s0 =	sor.u32 s10, s8;
	v0 =	vld [tilespmem:s1+$0x18000]  }
0x3b1: {  	v1 =	vld [tilespmem:s0+$0x18010];
	_ =	sdelay $0x1  }
0x3b2: {  	v2 =	vld [tilespmem:s0+$0x18020]  }
0x3b3: {  	v3 =	vld [tilespmem:s0+$0x18030]  }
0x3b4: {  	v4 =	vld [tilespmem:s0+$0x18040];
	v0 =	vmul.f32 $3.200000000e+01, v0  }
0x3b5: {  	v5 =	vld [tilespmem:s0+$0x18050];
	v1 =	vmul.f32 $3.200000000e+01, v1  }
0x3b6: {  	s16 =	sor.u32 $0x10, s0;
	[tilespmem:s1+$0x0] =	vst.add.f32.msk $0xffff, v0  }
0x3b7: {  	s11 =	sor.u32 $0x2070, s0;
	[tilespmem:s16+$0x0] =	vst.add.f32.msk $0xffff, v1  }
0x3b8: {  	s12 =	sor.u32 $0x4070, s0;
	[tilespmem:s11+$0x0] =	vst.add.f32.msk $0xffff, v0  }
0x3b9: {  	s13 =	sor.u32 $0x6070, s0;
	[tilespmem:s12+$0x0] =	vst.add.f32.msk $0xffff, v0  }
0x3ba: {  	[tilespmem:s13+$0x0] =	vst.add.f32.msk $0xffff, v0  }
0x3bb: {  	s17 =	sor.u32 $0x2010, s0;
	v0 =	vld [tilespmem:s0+$0x18000]  }
0x3bc: {  	s18 =	sor.u32 $0x4010, s0;
	[tilespmem:s17+$0x0] =	vst.add.f32.msk $0xffff, v1  }
0x3bd: {  	s19 =	sor.u32 $0x6010, s0;
	[tilespmem:s18+$0x0] =	vst.add.f32.msk $0xffff, v1  }
0x3be: {  	[tilespmem:s19+$0x0] =	vst.add.f32.msk $0xffff, v1;
	v1 =	vmul.f32 $3.200000000e+01, v4  }
0x3bf: {  	s29 =	sor.u32 $0x40, s0;
	v6 =	vld [tilespmem:s0+$0x18060]  }
0x3c0: {  	s30 =	sor.u32 $0x2040, s0;
	[tilespmem:s29+$0x0] =	vst.add.f32.msk $0xffff, v1;
	v0 =	vmul.f32 $3.200000000e+01, v0  }
0x3c1: {  	[tilespmem:s30+$0x0] =	vst.add.f32.msk $0xffff, v1  }
0x3c2: {  	s14 =	sor.u32 $0x2000, s0;
	[tilespmem:s0+$0x0] =	vst.add.f32.msk $0xffff, v0  }
0x3c3: {  	s2 =	sor.u32 $0x4000, s0;
	[tilespmem:s14+$0x0] =	vst.add.f32.msk $0xffff, v0  }
0x3c4: {  	s15 =	sor.u32 $0x6000, s0;
	[tilespmem:s2+$0x0] =	vst.add.f32.msk $0xffff, v0  }
0x3c5: {  	s31 =	sor.u32 $0x4040, s0;
	[tilespmem:s15+$0x0] =	vst.add.f32.msk $0xffff, v0;
	v0 =	vmul.f32 $3.200000000e+01, v2  }
0x3c6: {  	s20 =	sor.u32 $0x20, s0;
	[tilespmem:s31+$0x0] =	vst.add.f32.msk $0xffff, v1;
	v2 =	vmul.f32 $3.200000000e+01, v3  }
0x3c7: {  	s24 =	sor.u32 $0x30, s0;
	[tilespmem:s20+$0x0] =	vst.add.f32.msk $0xffff, v0  }
0x3c8: {  	s21 =	sor.u32 $0x2020, s0;
	[tilespmem:s24+$0x0] =	vst.add.f32.msk $0xffff, v2  }
0x3c9: {  	s25 =	sor.u32 $0x2030, s0;
	[tilespmem:s21+$0x0] =	vst.add.f32.msk $0xffff, v0  }
0x3ca: {  	s22 =	sor.u32 $0x4020, s0;
	s23 =	sor.u32 $0x6020, s0;
	s26 =	sor.u32 $0x4030, s0;
	[tilespmem:s25+$0x0] =	vst.add.f32.msk $0xffff, v2  }
0x3cb: {  	s28 =	sor.u32 $0x6030, s0;
	s10 =	sor.u32 $0x4060, s0;
	s8 =	sor.u32 $0x6060, s0;
	[tilespmem:s22+$0x0] =	vst.add.f32.msk $0xffff, v0  }
0x3cc: {  	s6 =	simm.s32 $0x0;
	s9 =	sor.u32 $0x60, s0;
	s7 =	simm.s32 $0x400;
	[tilespmem:s26+$0x0] =	vst.add.f32.msk $0xffff, v2  }
0x3cd: {  	s16 =	sor.u32 $0x6040, s0;
	s11 =	sor.u32 $0x4050, s0;
	s12 =	sor.u32 $0x6050, s0;
	[tilespmem:s23+$0x0] =	vst.add.f32.msk $0xffff, v0  }
0x3ce: {  	s13 =	sor.u32 $0x2060, s0;
	s14 =	sor.u32 $0x2050, s0;
	s15 =	sor.u32 $0x50, s0;
	[tilespmem:s28+$0x0] =	vst.add.f32.msk $0xffff, v2;
	v2 =	vmul.f32 $3.200000000e+01, v5;
	v0 =	vmul.f32 $3.200000000e+01, v6  }
.LBB2_20:
0x3cf: {  	s0 =	sand.u32 $0x1C00, s7;
	[tilespmem:s16+$0x0] =	vst.add.f32.msk $0xffff, v1;
	s5 =	sadd.s32 $0x10, s5  }
0x3d0: {  	s1 =	sor.u32 s0, s5;
	[tilespmem:s15+$0x0] =	vst.add.f32.msk $0xffff, v2  }
0x3d1: {  	s1 =	sor.u32 $0x70, s1;
	[tilespmem:s14+$0x0] =	vst.add.f32.msk $0xffff, v2  }
0x3d2: {  	s6 =	sadd.s32 $0x8, s6;
	v1 =	vld [tilespmem:s1+$0x18000]  }
0x3d3: {  	p0 =	slt.u32 s6, $0x1F8;
	[tilespmem:s11+$0x0] =	vst.add.f32.msk $0xffff, v2  }
0x3d4: {  	[tilespmem:s12+$0x0] =	vst.add.f32.msk $0xffff, v2  }
0x3d5: {  	[tilespmem:s9+$0x0] =	vst.add.f32.msk $0xffff, v0  }
0x3d6: {  	[tilespmem:s13+$0x0] =	vst.add.f32.msk $0xffff, v0  }
0x3d7: {  	s2 =	sand.u32 $0x380, s5;
	v1 =	vmul.f32 $3.200000000e+01, v1;
	[tilespmem:s10+$0x0] =	vst.add.f32.msk $0xffff, v0  }
0x3d8: {  	s0 =	sor.u32 s2, s0;
	[tilespmem:s8+$0x0] =	vst.add.f32.msk $0xffff, v0  }
0x3d9: {  	s2 =	sor.u32 $0x2000, s0;
	s3 =	sor.u32 $0x4000, s0;
	[tilespmem:s1+$0x0] =	vst.add.f32.msk $0xffff, v1;
	s1 =	sor.u32 $0x2070, s0  }
0x3da: {  	s4 =	sor.u32 $0x6000, s0;
	s17 =	sor.u32 $0x10, s0;
	[tilespmem:s1+$0x0] =	vst.add.f32.msk $0xffff, v1;
	s1 =	sor.u32 $0x4070, s0  }
0x3db: {  	s18 =	sor.u32 $0x2010, s0;
	s19 =	sor.u32 $0x4010, s0;
	[tilespmem:s1+$0x0] =	vst.add.f32.msk $0xffff, v1;
	s1 =	sor.u32 $0x6070, s0  }
0x3dc: {  	s20 =	sor.u32 $0x6010, s0;
	s21 =	sor.u32 $0x20, s0;
	s22 =	sor.u32 $0x2020, s0;
	[tilespmem:s1+$0x0] =	vst.add.f32.msk $0xffff, v1  }
0x3dd: {  	s23 =	sor.u32 $0x6020, s0;
	s24 =	sor.u32 $0x30, s0;
	s1 =	sor.u32 $0x4020, s0;
	v0 =	vld [tilespmem:s0+$0x18000]  }
0x3de: {  	s25 =	sor.u32 $0x2030, s0;
	s26 =	sor.u32 $0x4030, s0;
	s28 =	sor.u32 $0x6030, s0;
	v1 =	vld [tilespmem:s0+$0x18010]  }
0x3df: {  	s29 =	sor.u32 $0x40, s0;
	s30 =	sor.u32 $0x2040, s0;
	s31 =	sor.u32 $0x4040, s0;
	v2 =	vld [tilespmem:s0+$0x18020]  }
0x3e0: {  	s16 =	sor.u32 $0x6040, s0;
	s15 =	sor.u32 $0x50, s0;
	s14 =	sor.u32 $0x2050, s0;
	v3 =	vld [tilespmem:s0+$0x18030]  }
0x3e1: {  	s11 =	sor.u32 $0x4050, s0;
	s12 =	sor.u32 $0x6050, s0;
	s9 =	sor.u32 $0x60, s0;
	v4 =	vld [tilespmem:s0+$0x18040]  }
0x3e2: {  	s13 =	sor.u32 $0x2060, s0;
	s10 =	sor.u32 $0x4060, s0;
	s8 =	sor.u32 $0x6060, s0;
	v0 =	vmul.f32 $3.200000000e+01, v0;
	v5 =	vld [tilespmem:s0+$0x18050]  }
0x3e3: {  	v6 =	vmul.f32 $3.200000000e+01, v1;
	v7 =	vld [tilespmem:s0+$0x18060]  }
0x3e4: {  	[tilespmem:s0+$0x0] =	vst.add.f32.msk $0xffff, v0;
	v8 =	vmul.f32 $3.200000000e+01, v2  }
0x3e5: {  	[tilespmem:s2+$0x0] =	vst.add.f32.msk $0xffff, v0;
	v3 =	vmul.f32 $3.200000000e+01, v3  }
0x3e6: {  	[tilespmem:s3+$0x0] =	vst.add.f32.msk $0xffff, v0;
	v1 =	vmul.f32 $3.200000000e+01, v4  }
0x3e7: {  	[tilespmem:s4+$0x0] =	vst.add.f32.msk $0xffff, v0;
	v2 =	vmul.f32 $3.200000000e+01, v5  }
0x3e8: {  	[tilespmem:s17+$0x0] =	vst.add.f32.msk $0xffff, v6;
	v0 =	vmul.f32 $3.200000000e+01, v7  }
0x3e9: {  	[tilespmem:s18+$0x0] =	vst.add.f32.msk $0xffff, v6  }
0x3ea: {  	[tilespmem:s19+$0x0] =	vst.add.f32.msk $0xffff, v6  }
0x3eb: {  	[tilespmem:s20+$0x0] =	vst.add.f32.msk $0xffff, v6  }
0x3ec: {  	[tilespmem:s21+$0x0] =	vst.add.f32.msk $0xffff, v8  }
0x3ed: {  	[tilespmem:s22+$0x0] =	vst.add.f32.msk $0xffff, v8  }
0x3ee: {  	[tilespmem:s1+$0x0] =	vst.add.f32.msk $0xffff, v8  }
0x3ef: {  	[tilespmem:s23+$0x0] =	vst.add.f32.msk $0xffff, v8  }
0x3f0: {  	[tilespmem:s24+$0x0] =	vst.add.f32.msk $0xffff, v3  }
0x3f1: {  	[tilespmem:s25+$0x0] =	vst.add.f32.msk $0xffff, v3  }
.Ltmp9:
0x3f2: {  	[tilespmem:s26+$0x0] =	vst.add.f32.msk $0xffff, v3;
	(pc) =	sbr.rel @p0 .LBB2_20-.Ltmp9, $4  }
0x3f3: {  	[tilespmem:s28+$0x0] =	vst.add.f32.msk $0xffff, v3  }
0x3f4: {  	[tilespmem:s29+$0x0] =	vst.add.f32.msk $0xffff, v1  }
0x3f5: {  	[tilespmem:s30+$0x0] =	vst.add.f32.msk $0xffff, v1  }
0x3f6: {  	s7 =	sadd.s32 $0x400, s7;
	[tilespmem:s31+$0x0] =	vst.add.f32.msk $0xffff, v1  }
0x3f7: {  	[tilespmem:s16+$0x0] =	vst.add.f32.msk $0xffff, v1  }
0x3f8: {  	[tilespmem:s15+$0x0] =	vst.add.f32.msk $0xffff, v2  }
0x3f9: {  	[tilespmem:s9+$0x0] =	vst.add.f32.msk $0xffff, v0  }
0x3fa: {  	[tilespmem:s14+$0x0] =	vst.add.f32.msk $0xffff, v2  }
0x3fb: {  	[tilespmem:s13+$0x0] =	vst.add.f32.msk $0xffff, v0  }
0x3fc: {  	[tilespmem:s11+$0x0] =	vst.add.f32.msk $0xffff, v2  }
0x3fd: {  	[tilespmem:s10+$0x0] =	vst.add.f32.msk $0xffff, v0  }
0x3fe: {  	[tilespmem:s12+$0x0] =	vst.add.f32.msk $0xffff, v2  }
0x3ff: {  	[tilespmem:s8+$0x0] =	vst.add.f32.msk $0xffff, v0  }
0x400: {  	s1 =	sld [smem:$0x7E7]  }
0x401: {  	s0 =	simm.s32 $0x0  }
0x402: {  	s3 =	simm.s32 $0x2000;
	s4 =	simm.s32 $0x400000;
	s26 =	simm.s32 $0x4  }
0x403: {  	[hbm4b:s1+s3] =	stream.strided.scatter [tilespmem:s0], [sflag:$0x4], $0x8000, s4, s3, $0x38;
	[tilespmem:$0x1E000] =	vst v63  }
0x404: {  	_ =	swait.ge [sflag:s26], $0x8000  }
0x405: {  	s28 =	sld [smem:$0x7EE]  }
0x406: {  	[sflag:s26] =	ssyncset.done $0x0  }
0x407: {  	s2 =	simm.s32 $0x18000;
	s29 =	sld [smem:$0x7EF];
	[sflag:s26] =	ssyncadd.s32 $0xFFFF8000  }
0x408: {  	[tilespmem:s2], [sflag:$0x1] =	stream.linear.gather [hbm4b:s28+s0], $0x2000, $0x38;
	[tilespmem:$0x1E000] =	vst v63  }
0x409: {  	s30 =	simm.s32 $0x2  }
0x40a: {  	[tilespmem:s0], [sflag:$0x1] =	stream.strided.gather [hbm4b:s29+s3], $0x8000, s4, s3, $0x38;
	[tilespmem:$0x1E000] =	vst v63  }
0x40b: {  	_ =	swait.ge [sflag:s30], $0x2000  }
0x40c: {  	[sflag:s30] =	ssyncset.done $0x0  }
0x40d: {  	[sflag:s30] =	ssyncadd.s32 $0xFFFFE000  }
0x40e: {  	_ =	swait.ge [sflag:s30], $0x8000  }
0x40f: {  	s31 =	sand.u32 $0x1C00, s0;
	s0 =	sand.u32 $0x380, s0;
	[sflag:s30] =	ssyncset.done $0x0  }
0x410: {  	s6 =	sor.u32 s0, s31;
	[sflag:s30] =	ssyncadd.s32 $0xFFFF8000  }
0x411: {  	v0 =	vld [tilespmem:s6+$0x1A070]  }
0x412: {  	v1 =	vld [tilespmem:s6+$0x1A000]  }
0x413: {  	v2 =	vld [tilespmem:s6+$0x1A010]  }
0x414: {  	v3 =	vld [tilespmem:s6+$0x1A020]  }
0x415: {  	v4 =	vld [tilespmem:s6+$0x1A030]  }
0x416: {  	v5 =	vld [tilespmem:s6+$0x1A040];
	v0 =	vmul.f32 $3.200000000e+01, v0  }
0x417: {  	s0 =	sor.u32 $0x8070, s6;
	v6 =	vld [tilespmem:s6+$0x1A050];
	v1 =	vmul.f32 $3.200000000e+01, v1  }
0x418: {  	s5 =	sor.u32 $0x8000, s6;
	v2 =	vmul.f32 $3.200000000e+01, v2;
	[tilespmem:s0+$0x0] =	vst.add.f32.msk $0xffff, v0  }
0x419: {  	s9 =	sor.u32 $0x8010, s6;
	[tilespmem:s5+$0x0] =	vst.add.f32.msk $0xffff, v1  }
0x41a: {  	s2 =	sor.u32 $0xA070, s6;
	[tilespmem:s9+$0x0] =	vst.add.f32.msk $0xffff, v2  }
0x41b: {  	s1 =	sor.u32 $0xA000, s6;
	[tilespmem:s2+$0x0] =	vst.add.f32.msk $0xffff, v0  }
0x41c: {  	s10 =	sor.u32 $0xA010, s6;
	[tilespmem:s1+$0x0] =	vst.add.f32.msk $0xffff, v1  }
0x41d: {  	s3 =	sor.u32 $0xC070, s6;
	[tilespmem:s10+$0x0] =	vst.add.f32.msk $0xffff, v2  }
0x41e: {  	s7 =	sor.u32 $0xC000, s6;
	[tilespmem:s3+$0x0] =	vst.add.f32.msk $0xffff, v0  }
0x41f: {  	s11 =	sor.u32 $0xC010, s6;
	[tilespmem:s7+$0x0] =	vst.add.f32.msk $0xffff, v1  }
0x420: {  	s4 =	sor.u32 $0xE070, s6;
	[tilespmem:s11+$0x0] =	vst.add.f32.msk $0xffff, v2  }
0x421: {  	[tilespmem:s4+$0x0] =	vst.add.f32.msk $0xffff, v0  }
0x422: {  	s8 =	sor.u32 $0xE000, s6;
	v0 =	vld [tilespmem:s6+$0x1A060]  }
0x423: {  	s12 =	sor.u32 $0xE010, s6;
	[tilespmem:s8+$0x0] =	vst.add.f32.msk $0xffff, v1;
	v1 =	vmul.f32 $3.200000000e+01, v3  }
0x424: {  	s13 =	sor.u32 $0x8020, s6;
	[tilespmem:s12+$0x0] =	vst.add.f32.msk $0xffff, v2;
	v2 =	vmul.f32 $3.200000000e+01, v4  }
0x425: {  	s17 =	sor.u32 $0x8030, s6;
	[tilespmem:s13+$0x0] =	vst.add.f32.msk $0xffff, v1  }
0x426: {  	s14 =	sor.u32 $0xA020, s6;
	[tilespmem:s17+$0x0] =	vst.add.f32.msk $0xffff, v2  }
0x427: {  	s18 =	sor.u32 $0xA030, s6;
	[tilespmem:s14+$0x0] =	vst.add.f32.msk $0xffff, v1  }
0x428: {  	s15 =	sor.u32 $0xC020, s6;
	[tilespmem:s18+$0x0] =	vst.add.f32.msk $0xffff, v2  }
0x429: {  	s19 =	sor.u32 $0xC030, s6;
	[tilespmem:s15+$0x0] =	vst.add.f32.msk $0xffff, v1  }
0x42a: {  	s16 =	sor.u32 $0xE020, s6;
	[tilespmem:s19+$0x0] =	vst.add.f32.msk $0xffff, v2  }
0x42b: {  	s20 =	sor.u32 $0xE030, s6;
	[tilespmem:s16+$0x0] =	vst.add.f32.msk $0xffff, v1;
	v1 =	vmul.f32 $3.200000000e+01, v5  }
0x42c: {  	s21 =	sor.u32 $0x8040, s6;
	[tilespmem:s20+$0x0] =	vst.add.f32.msk $0xffff, v2;
	v2 =	vmul.f32 $3.200000000e+01, v6  }
0x42d: {  	s25 =	sor.u32 $0x8050, s6;
	v0 =	vmul.f32 $3.200000000e+01, v0;
	[tilespmem:s21+$0x0] =	vst.add.f32.msk $0xffff, v1  }
0x42e: {  	s30 =	sor.u32 $0x8060, s6;
	[tilespmem:s25+$0x0] =	vst.add.f32.msk $0xffff, v2  }
0x42f: {  	s22 =	sor.u32 $0xA040, s6;
	[tilespmem:s30+$0x0] =	vst.add.f32.msk $0xffff, v0  }
0x430: {  	s26 =	sor.u32 $0xA050, s6;
	[tilespmem:s22+$0x0] =	vst.add.f32.msk $0xffff, v1  }
0x431: {  	s31 =	sor.u32 $0xA060, s6;
	[tilespmem:s26+$0x0] =	vst.add.f32.msk $0xffff, v2  }
0x432: {  	s23 =	sor.u32 $0xC040, s6;
	[tilespmem:s31+$0x0] =	vst.add.f32.msk $0xffff, v0  }
0x433: {  	s28 =	sor.u32 $0xC050, s6;
	[tilespmem:s23+$0x0] =	vst.add.f32.msk $0xffff, v1  }
0x434: {  	s24 =	sor.u32 $0xE040, s6;
	[tilespmem:s28+$0x0] =	vst.add.f32.msk $0xffff, v2  }
0x435: {  	s29 =	sor.u32 $0xE050, s6;
	s5 =	simm.s32 $0x0;
	s9 =	sor.u32 $0xE060, s6;
	[tilespmem:s24+$0x0] =	vst.add.f32.msk $0xffff, v1  }
0x436: {  	s7 =	simm.s32 $0x10;
	s8 =	sor.u32 $0xC060, s6;
	s6 =	simm.s32 $0x400;
	[tilespmem:s29+$0x0] =	vst.add.f32.msk $0xffff, v2  }
.LBB2_22:
0x437: {  	s0 =	sand.u32 $0x1C00, s6;
	s1 =	sand.u32 $0x380, s7;
	[tilespmem:s8+$0x0] =	vst.add.f32.msk $0xffff, v0  }
0x438: {  	s17 =	sor.u32 s1, s0;
	[tilespmem:s9+$0x0] =	vst.add.f32.msk $0xffff, v0  }
0x439: {  	v0 =	vld [tilespmem:s17+$0x1A070]  }
0x43a: {  	v1 =	vld [tilespmem:s17+$0x1A000]  }
0x43b: {  	v2 =	vld [tilespmem:s17+$0x1A010]  }
0x43c: {  	v3 =	vld [tilespmem:s17+$0x1A020]  }
0x43d: {  	v4 =	vld [tilespmem:s17+$0x1A030]  }
0x43e: {  	v5 =	vld [tilespmem:s17+$0x1A040];
	v0 =	vmul.f32 $3.200000000e+01, v0  }
0x43f: {  	v6 =	vld [tilespmem:s17+$0x1A050];
	s2 =	sor.u32 $0x8070, s17;
	v1 =	vmul.f32 $3.200000000e+01, v1  }
0x440: {  	s10 =	sor.u32 $0x8000, s17;
	v2 =	vmul.f32 $3.200000000e+01, v2;
	[tilespmem:s2+$0x0] =	vst.add.f32.msk $0xffff, v0  }
0x441: {  	s19 =	sor.u32 $0x8010, s17;
	v3 =	vmul.f32 $3.200000000e+01, v3;
	[tilespmem:s10+$0x0] =	vst.add.f32.msk $0xffff, v1  }
0x442: {  	s25 =	sor.u32 $0x8020, s17;
	v4 =	vmul.f32 $3.200000000e+01, v4;
	[tilespmem:s19+$0x0] =	vst.add.f32.msk $0xffff, v2  }
0x443: {  	s14 =	sor.u32 $0x8030, s17;
	v5 =	vmul.f32 $3.200000000e+01, v5;
	[tilespmem:s25+$0x0] =	vst.add.f32.msk $0xffff, v3  }
0x444: {  	s26 =	sor.u32 $0x8040, s17;
	v6 =	vmul.f32 $3.200000000e+01, v6;
	[tilespmem:s14+$0x0] =	vst.add.f32.msk $0xffff, v4  }
0x445: {  	s22 =	sor.u32 $0x8050, s17;
	[tilespmem:s26+$0x0] =	vst.add.f32.msk $0xffff, v5  }
0x446: {  	s1 =	sor.u32 $0xA070, s17;
	[tilespmem:s22+$0x0] =	vst.add.f32.msk $0xffff, v6  }
0x447: {  	s18 =	sor.u32 $0xA000, s17;
	[tilespmem:s1+$0x0] =	vst.add.f32.msk $0xffff, v0  }
0x448: {  	s3 =	sor.u32 $0xA010, s17;
	[tilespmem:s18+$0x0] =	vst.add.f32.msk $0xffff, v1  }
0x449: {  	s21 =	sor.u32 $0xA020, s17;
	[tilespmem:s3+$0x0] =	vst.add.f32.msk $0xffff, v2  }
0x44a: {  	s15 =	sor.u32 $0xA030, s17;
	[tilespmem:s21+$0x0] =	vst.add.f32.msk $0xffff, v3  }
0x44b: {  	s31 =	sor.u32 $0xE030, s17;
	s16 =	sor.u32 $0xA040, s17;
	[tilespmem:s15+$0x0] =	vst.add.f32.msk $0xffff, v4  }
0x44c: {  	[dreg:$0xa] =	wrdreg s31;
	s31 =	sor.u32 $0xA050, s17;
	[tilespmem:s16+$0x0] =	vst.add.f32.msk $0xffff, v5  }
0x44d: {  	s8 =	sor.u32 $0xC070, s17;
	[tilespmem:s31+$0x0] =	vst.add.f32.msk $0xffff, v6  }
0x44e: {  	s12 =	sor.u32 $0xC000, s17;
	[tilespmem:s8+$0x0] =	vst.add.f32.msk $0xffff, v0  }
0x44f: {  	s20 =	sor.u32 $0xC010, s17;
	[tilespmem:s12+$0x0] =	vst.add.f32.msk $0xffff, v1  }
0x450: {  	s24 =	sor.u32 $0xC020, s17;
	[tilespmem:s20+$0x0] =	vst.add.f32.msk $0xffff, v2  }
0x451: {  	s30 =	sor.u32 $0xC040, s17;
	[tilespmem:s24+$0x0] =	vst.add.f32.msk $0xffff, v3  }
0x452: {  	s23 =	sor.u32 $0xC050, s17;
	[tilespmem:s30+$0x0] =	vst.add.f32.msk $0xffff, v5  }
0x453: {  	s9 =	sor.u32 $0xE070, s17;
	[tilespmem:s23+$0x0] =	vst.add.f32.msk $0xffff, v6  }
0x454: {  	[tilespmem:s9+$0x0] =	vst.add.f32.msk $0xffff, v0  }
0x455: {  	s11 =	sor.u32 $0xE000, s17;
	v0 =	vld [tilespmem:s17+$0x1A060]  }
0x456: {  	s4 =	sor.u32 $0xE010, s17;
	s0 =	sor.u32 $0xC030, s17;
	[tilespmem:s11+$0x0] =	vst.add.f32.msk $0xffff, v1  }
0x457: {  	s13 =	sor.u32 $0xE020, s17;
	[dreg:$0x14] =	wrdreg s0;
	[tilespmem:s4+$0x0] =	vst.add.f32.msk $0xffff, v2  }
0x458: {  	s5 =	sadd.s32 $0x8, s5;
	s24 =	rddreg [dreg:$0x14];
	[tilespmem:s13+$0x0] =	vst.add.f32.msk $0xffff, v3  }
0x459: {  	p0 =	slt.u32 s5, $0x1F8;
	s28 =	sor.u32 $0xE040, s17;
	[tilespmem:s24+$0x0] =	vst.add.f32.msk $0xffff, v4  }
.Ltmp10:
0x45a: {  	s29 =	sor.u32 $0xE050, s17;
	[tilespmem:s28+$0x0] =	vst.add.f32.msk $0xffff, v5;
	(pc) =	sbr.rel @p0 .LBB2_22-.Ltmp10, $4  }
0x45b: {  	s25 =	rddreg [dreg:$0xa];
	[tilespmem:s29+$0x0] =	vst.add.f32.msk $0xffff, v6;
	v0 =	vmul.f32 $3.200000000e+01, v0  }
0x45c: {  	s0 =	sor.u32 $0x8060, s17;
	[tilespmem:s25+$0x0] =	vst.add.f32.msk $0xffff, v4  }
0x45d: {  	s6 =	sadd.s32 $0x400, s6;
	s1 =	sor.u32 $0xA060, s17;
	[tilespmem:s0+$0x0] =	vst.add.f32.msk $0xffff, v0  }
0x45e: {  	s7 =	sadd.s32 $0x10, s7;
	s8 =	sor.u32 $0xC060, s17;
	s9 =	sor.u32 $0xE060, s17;
	[tilespmem:s1+$0x0] =	vst.add.f32.msk $0xffff, v0  }
0x45f: {  	[tilespmem:s8+$0x0] =	vst.add.f32.msk $0xffff, v0  }
0x460: {  	[tilespmem:s9+$0x0] =	vst.add.f32.msk $0xffff, v0  }
0x461: {  	s0 =	sld [smem:$0x7EA]  }
0x462: {  	s2 =	simm.s32 $0x2000  }
0x463: {  	s3 =	simm.s32 $0x400000;
	s5 =	simm.s32 $0x8000;
	s26 =	simm.s32 $0x5  }
0x464: {  	[hbm4b:s0+s2] =	stream.strided.scatter [tilespmem:s5], [sflag:$0x5], $0x8000, s3, s2, $0x38;
	[tilespmem:$0x1E000] =	vst v63  }
0x465: {  	_ =	swait.ge [sflag:s26], $0x8000  }
0x466: {  	s1 =	sld [smem:$0x7F4]  }
0x467: {  	s28 =	simm.s32 $0x0;
	[sflag:s26] =	ssyncset.done $0x0  }
0x468: {  	s4 =	simm.s32 $0x1A000;
	s29 =	sld [smem:$0x7F7];
	[sflag:s26] =	ssyncadd.s32 $0xFFFF8000  }
0x469: {  	[tilespmem:s4], [sflag:$0x2] =	stream.linear.gather [hbm4b:s1+s28], $0x2000, $0x38;
	[tilespmem:$0x1E000] =	vst v63  }
0x46a: {  	s30 =	simm.s32 $0x3  }
0x46b: {  	[tilespmem:s5], [sflag:$0x2] =	stream.strided.gather [hbm4b:s29+s2], $0x8000, s3, s2, $0x38;
	[tilespmem:$0x1E000] =	vst v63  }
0x46c: {  	_ =	swait.ge [sflag:s30], $0x2000  }
0x46d: {  	[sflag:s30] =	ssyncset.done $0x0  }
0x46e: {  	[sflag:s30] =	ssyncadd.s32 $0xFFFFE000  }
0x46f: {  	_ =	swait.ge [sflag:s30], $0x8000  }
0x470: {  	s31 =	sand.u32 $0x1C00, s28;
	s0 =	sand.u32 $0x380, s28;
	[sflag:s30] =	ssyncset.done $0x0  }
0x471: {  	s6 =	sor.u32 s0, s31;
	[sflag:s30] =	ssyncadd.s32 $0xFFFF8000  }
0x472: {  	v0 =	vld [tilespmem:s6+$0x1C070]  }
0x473: {  	v1 =	vld [tilespmem:s6+$0x1C000]  }
0x474: {  	v2 =	vld [tilespmem:s6+$0x1C010]  }
0x475: {  	v3 =	vld [tilespmem:s6+$0x1C020]  }
0x476: {  	v4 =	vld [tilespmem:s6+$0x1C030]  }
0x477: {  	v5 =	vld [tilespmem:s6+$0x1C040];
	v0 =	vmul.f32 $3.200000000e+01, v0  }
0x478: {  	s0 =	sor.u32 $0x10070, s6;
	v6 =	vld [tilespmem:s6+$0x1C050];
	v1 =	vmul.f32 $3.200000000e+01, v1  }
0x479: {  	s5 =	sor.u32 $0x10000, s6;
	v2 =	vmul.f32 $3.200000000e+01, v2;
	[tilespmem:s0+$0x0] =	vst.add.f32.msk $0xffff, v0  }
0x47a: {  	s9 =	sor.u32 $0x10010, s6;
	[tilespmem:s5+$0x0] =	vst.add.f32.msk $0xffff, v1  }
0x47b: {  	s2 =	sor.u32 $0x12070, s6;
	[tilespmem:s9+$0x0] =	vst.add.f32.msk $0xffff, v2  }
0x47c: {  	s1 =	sor.u32 $0x12000, s6;
	[tilespmem:s2+$0x0] =	vst.add.f32.msk $0xffff, v0  }
0x47d: {  	s10 =	sor.u32 $0x12010, s6;
	[tilespmem:s1+$0x0] =	vst.add.f32.msk $0xffff, v1  }
0x47e: {  	s3 =	sor.u32 $0x14070, s6;
	[tilespmem:s10+$0x0] =	vst.add.f32.msk $0xffff, v2  }
0x47f: {  	s7 =	sor.u32 $0x14000, s6;
	[tilespmem:s3+$0x0] =	vst.add.f32.msk $0xffff, v0  }
0x480: {  	s11 =	sor.u32 $0x14010, s6;
	[tilespmem:s7+$0x0] =	vst.add.f32.msk $0xffff, v1  }
0x481: {  	s4 =	sor.u32 $0x16070, s6;
	[tilespmem:s11+$0x0] =	vst.add.f32.msk $0xffff, v2  }
0x482: {  	[tilespmem:s4+$0x0] =	vst.add.f32.msk $0xffff, v0  }
0x483: {  	s8 =	sor.u32 $0x16000, s6;
	v0 =	vld [tilespmem:s6+$0x1C060]  }
0x484: {  	s12 =	sor.u32 $0x16010, s6;
	[tilespmem:s8+$0x0] =	vst.add.f32.msk $0xffff, v1;
	v1 =	vmul.f32 $3.200000000e+01, v3  }
0x485: {  	s13 =	sor.u32 $0x10020, s6;
	[tilespmem:s12+$0x0] =	vst.add.f32.msk $0xffff, v2;
	v2 =	vmul.f32 $3.200000000e+01, v4  }
0x486: {  	s17 =	sor.u32 $0x10030, s6;
	[tilespmem:s13+$0x0] =	vst.add.f32.msk $0xffff, v1  }
0x487: {  	s14 =	sor.u32 $0x12020, s6;
	[tilespmem:s17+$0x0] =	vst.add.f32.msk $0xffff, v2  }
0x488: {  	s18 =	sor.u32 $0x12030, s6;
	[tilespmem:s14+$0x0] =	vst.add.f32.msk $0xffff, v1  }
0x489: {  	s15 =	sor.u32 $0x14020, s6;
	[tilespmem:s18+$0x0] =	vst.add.f32.msk $0xffff, v2  }
0x48a: {  	s19 =	sor.u32 $0x14030, s6;
	[tilespmem:s15+$0x0] =	vst.add.f32.msk $0xffff, v1  }
0x48b: {  	s16 =	sor.u32 $0x16020, s6;
	[tilespmem:s19+$0x0] =	vst.add.f32.msk $0xffff, v2  }
0x48c: {  	s20 =	sor.u32 $0x16030, s6;
	[tilespmem:s16+$0x0] =	vst.add.f32.msk $0xffff, v1;
	v1 =	vmul.f32 $3.200000000e+01, v5  }
0x48d: {  	s21 =	sor.u32 $0x10040, s6;
	[tilespmem:s20+$0x0] =	vst.add.f32.msk $0xffff, v2;
	v2 =	vmul.f32 $3.200000000e+01, v6  }
0x48e: {  	s25 =	sor.u32 $0x10050, s6;
	v0 =	vmul.f32 $3.200000000e+01, v0;
	[tilespmem:s21+$0x0] =	vst.add.f32.msk $0xffff, v1  }
0x48f: {  	s30 =	sor.u32 $0x10060, s6;
	[tilespmem:s25+$0x0] =	vst.add.f32.msk $0xffff, v2  }
0x490: {  	s22 =	sor.u32 $0x12040, s6;
	[tilespmem:s30+$0x0] =	vst.add.f32.msk $0xffff, v0  }
0x491: {  	s26 =	sor.u32 $0x12050, s6;
	[tilespmem:s22+$0x0] =	vst.add.f32.msk $0xffff, v1  }
0x492: {  	s31 =	sor.u32 $0x12060, s6;
	[tilespmem:s26+$0x0] =	vst.add.f32.msk $0xffff, v2  }
0x493: {  	s23 =	sor.u32 $0x14040, s6;
	[tilespmem:s31+$0x0] =	vst.add.f32.msk $0xffff, v0  }
0x494: {  	s28 =	sor.u32 $0x14050, s6;
	[tilespmem:s23+$0x0] =	vst.add.f32.msk $0xffff, v1  }
0x495: {  	s24 =	sor.u32 $0x16040, s6;
	[tilespmem:s28+$0x0] =	vst.add.f32.msk $0xffff, v2  }
0x496: {  	s29 =	sor.u32 $0x16050, s6;
	s5 =	simm.s32 $0x0;
	s9 =	sor.u32 $0x16060, s6;
	[tilespmem:s24+$0x0] =	vst.add.f32.msk $0xffff, v1  }
0x497: {  	s7 =	simm.s32 $0x10;
	s8 =	sor.u32 $0x14060, s6;
	s6 =	simm.s32 $0x400;
	[tilespmem:s29+$0x0] =	vst.add.f32.msk $0xffff, v2  }
.LBB2_24:
0x498: {  	s0 =	sand.u32 $0x1C00, s6;
	s1 =	sand.u32 $0x380, s7;
	[tilespmem:s8+$0x0] =	vst.add.f32.msk $0xffff, v0  }
0x499: {  	s17 =	sor.u32 s1, s0;
	[tilespmem:s9+$0x0] =	vst.add.f32.msk $0xffff, v0  }
0x49a: {  	v0 =	vld [tilespmem:s17+$0x1C070]  }
0x49b: {  	v1 =	vld [tilespmem:s17+$0x1C000]  }
0x49c: {  	v2 =	vld [tilespmem:s17+$0x1C010]  }
0x49d: {  	v3 =	vld [tilespmem:s17+$0x1C020]  }
0x49e: {  	v4 =	vld [tilespmem:s17+$0x1C030]  }
0x49f: {  	v5 =	vld [tilespmem:s17+$0x1C040];
	v0 =	vmul.f32 $3.200000000e+01, v0  }
0x4a0: {  	v6 =	vld [tilespmem:s17+$0x1C050];
	s2 =	sor.u32 $0x10070, s17;
	v1 =	vmul.f32 $3.200000000e+01, v1  }
0x4a1: {  	s10 =	sor.u32 $0x10000, s17;
	v2 =	vmul.f32 $3.200000000e+01, v2;
	[tilespmem:s2+$0x0] =	vst.add.f32.msk $0xffff, v0  }
0x4a2: {  	s19 =	sor.u32 $0x10010, s17;
	v3 =	vmul.f32 $3.200000000e+01, v3;
	[tilespmem:s10+$0x0] =	vst.add.f32.msk $0xffff, v1  }
0x4a3: {  	s25 =	sor.u32 $0x10020, s17;
	v4 =	vmul.f32 $3.200000000e+01, v4;
	[tilespmem:s19+$0x0] =	vst.add.f32.msk $0xffff, v2  }
0x4a4: {  	s14 =	sor.u32 $0x10030, s17;
	v5 =	vmul.f32 $3.200000000e+01, v5;
	[tilespmem:s25+$0x0] =	vst.add.f32.msk $0xffff, v3  }
0x4a5: {  	s26 =	sor.u32 $0x10040, s17;
	v6 =	vmul.f32 $3.200000000e+01, v6;
	[tilespmem:s14+$0x0] =	vst.add.f32.msk $0xffff, v4  }
0x4a6: {  	s22 =	sor.u32 $0x10050, s17;
	[tilespmem:s26+$0x0] =	vst.add.f32.msk $0xffff, v5  }
0x4a7: {  	s1 =	sor.u32 $0x12070, s17;
	[tilespmem:s22+$0x0] =	vst.add.f32.msk $0xffff, v6  }
0x4a8: {  	s18 =	sor.u32 $0x12000, s17;
	[tilespmem:s1+$0x0] =	vst.add.f32.msk $0xffff, v0  }
0x4a9: {  	s3 =	sor.u32 $0x12010, s17;
	[tilespmem:s18+$0x0] =	vst.add.f32.msk $0xffff, v1  }
0x4aa: {  	s21 =	sor.u32 $0x12020, s17;
	[tilespmem:s3+$0x0] =	vst.add.f32.msk $0xffff, v2  }
0x4ab: {  	s15 =	sor.u32 $0x12030, s17;
	[tilespmem:s21+$0x0] =	vst.add.f32.msk $0xffff, v3  }
0x4ac: {  	s31 =	sor.u32 $0x16030, s17;
	s16 =	sor.u32 $0x12040, s17;
	[tilespmem:s15+$0x0] =	vst.add.f32.msk $0xffff, v4  }
0x4ad: {  	[dreg:$0xb] =	wrdreg s31;
	s31 =	sor.u32 $0x12050, s17;
	[tilespmem:s16+$0x0] =	vst.add.f32.msk $0xffff, v5  }
0x4ae: {  	s8 =	sor.u32 $0x14070, s17;
	[tilespmem:s31+$0x0] =	vst.add.f32.msk $0xffff, v6  }
0x4af: {  	s12 =	sor.u32 $0x14000, s17;
	[tilespmem:s8+$0x0] =	vst.add.f32.msk $0xffff, v0  }
0x4b0: {  	s20 =	sor.u32 $0x14010, s17;
	[tilespmem:s12+$0x0] =	vst.add.f32.msk $0xffff, v1  }
0x4b1: {  	s24 =	sor.u32 $0x14020, s17;
	[tilespmem:s20+$0x0] =	vst.add.f32.msk $0xffff, v2  }
0x4b2: {  	s30 =	sor.u32 $0x14040, s17;
	[tilespmem:s24+$0x0] =	vst.add.f32.msk $0xffff, v3  }
0x4b3: {  	s23 =	sor.u32 $0x14050, s17;
	[tilespmem:s30+$0x0] =	vst.add.f32.msk $0xffff, v5  }
0x4b4: {  	s9 =	sor.u32 $0x16070, s17;
	[tilespmem:s23+$0x0] =	vst.add.f32.msk $0xffff, v6  }
0x4b5: {  	[tilespmem:s9+$0x0] =	vst.add.f32.msk $0xffff, v0  }
0x4b6: {  	s11 =	sor.u32 $0x16000, s17;
	v0 =	vld [tilespmem:s17+$0x1C060]  }
0x4b7: {  	s4 =	sor.u32 $0x16010, s17;
	s0 =	sor.u32 $0x14030, s17;
	[tilespmem:s11+$0x0] =	vst.add.f32.msk $0xffff, v1  }
0x4b8: {  	s13 =	sor.u32 $0x16020, s17;
	[dreg:$0x15] =	wrdreg s0;
	[tilespmem:s4+$0x0] =	vst.add.f32.msk $0xffff, v2  }
0x4b9: {  	s5 =	sadd.s32 $0x8, s5;
	s24 =	rddreg [dreg:$0x15];
	[tilespmem:s13+$0x0] =	vst.add.f32.msk $0xffff, v3  }
0x4ba: {  	p0 =	slt.u32 s5, $0x1F8;
	s28 =	sor.u32 $0x16040, s17;
	[tilespmem:s24+$0x0] =	vst.add.f32.msk $0xffff, v4  }
.Ltmp11:
0x4bb: {  	s29 =	sor.u32 $0x16050, s17;
	[tilespmem:s28+$0x0] =	vst.add.f32.msk $0xffff, v5;
	(pc) =	sbr.rel @p0 .LBB2_24-.Ltmp11, $4  }
0x4bc: {  	s25 =	rddreg [dreg:$0xb];
	[tilespmem:s29+$0x0] =	vst.add.f32.msk $0xffff, v6;
	v0 =	vmul.f32 $3.200000000e+01, v0  }
0x4bd: {  	s0 =	sor.u32 $0x10060, s17;
	[tilespmem:s25+$0x0] =	vst.add.f32.msk $0xffff, v4  }
0x4be: {  	s6 =	sadd.s32 $0x400, s6;
	s1 =	sor.u32 $0x12060, s17;
	[tilespmem:s0+$0x0] =	vst.add.f32.msk $0xffff, v0  }
0x4bf: {  	s7 =	sadd.s32 $0x10, s7;
	s8 =	sor.u32 $0x14060, s17;
	s9 =	sor.u32 $0x16060, s17;
	[tilespmem:s1+$0x0] =	vst.add.f32.msk $0xffff, v0  }
0x4c0: {  	[tilespmem:s8+$0x0] =	vst.add.f32.msk $0xffff, v0  }
0x4c1: {  	[tilespmem:s9+$0x0] =	vst.add.f32.msk $0xffff, v0  }
0x4c2: {  	s0 =	sld [smem:$0x7ED]  }
0x4c3: {  	s1 =	simm.s32 $0x2000  }
0x4c4: {  	s2 =	simm.s32 $0x400000;
	s4 =	simm.s32 $0x10000;
	s30 =	simm.s32 $0x6  }
0x4c5: {  	[hbm4b:s0+s1] =	stream.strided.scatter [tilespmem:s4], [sflag:$0x6], $0x8000, s2, s1, $0x38;
	[tilespmem:$0x1E000] =	vst v63  }
0x4c6: {  	_ =	swait.ge [sflag:s30], $0x8000  }
0x4c7: {  	s31 =	sld [smem:$0x7F5]  }
0x4c8: {  	s5 =	simm.s32 $0x0;
	[sflag:s30] =	ssyncset.done $0x0  }
0x4c9: {  	s3 =	simm.s32 $0x1C000;
	s6 =	sld [smem:$0x7F8];
	[sflag:s30] =	ssyncadd.s32 $0xFFFF8000  }
0x4ca: {  	[tilespmem:s3], [sflag:$0x3] =	stream.linear.gather [hbm4b:s31+s5], $0x2000, $0x38;
	[tilespmem:$0x1E000] =	vst v63  }
0x4cb: {  	s7 =	simm.s32 $0x1  }
0x4cc: {  	[tilespmem:s4], [sflag:$0x3] =	stream.strided.gather [hbm4b:s6+s1], $0x8000, s2, s1, $0x38;
	[tilespmem:$0x1E000] =	vst v63  }
0x4cd: {  	_ =	swait.ge [sflag:s7], $0x2000  }
0x4ce: {  	[sflag:s7] =	ssyncset.done $0x0  }
0x4cf: {  	[sflag:s7] =	ssyncadd.s32 $0xFFFFE000  }
0x4d0: {  	s8 =	sand.u32 $0x1C00, s5;
	_ =	swait.ge [sflag:s7], $0x8000  }
0x4d1: {  	s9 =	sor.u32 s8, s5;
	[sflag:s7] =	ssyncset.done $0x0  }
0x4d2: {  	s10 =	sand.u32 $0x380, s5;
	s1 =	sor.u32 $0x70, s9;
	[sflag:s7] =	ssyncadd.s32 $0xFFFF8000  }
0x4d3: {  	s0 =	sor.u32 s10, s8;
	v0 =	vld [tilespmem:s1+$0x18000]  }
0x4d4: {  	v1 =	vld [tilespmem:s0+$0x18010];
	_ =	sdelay $0x1  }
0x4d5: {  	v2 =	vld [tilespmem:s0+$0x18020]  }
0x4d6: {  	v3 =	vld [tilespmem:s0+$0x18030]  }
0x4d7: {  	v4 =	vld [tilespmem:s0+$0x18040];
	v0 =	vmul.f32 $3.200000000e+01, v0  }
0x4d8: {  	v5 =	vld [tilespmem:s0+$0x18050];
	v1 =	vmul.f32 $3.200000000e+01, v1  }
0x4d9: {  	s16 =	sor.u32 $0x10, s0;
	[tilespmem:s1+$0x0] =	vst.add.f32.msk $0xffff, v0  }
0x4da: {  	s11 =	sor.u32 $0x2070, s0;
	[tilespmem:s16+$0x0] =	vst.add.f32.msk $0xffff, v1  }
0x4db: {  	s12 =	sor.u32 $0x4070, s0;
	[tilespmem:s11+$0x0] =	vst.add.f32.msk $0xffff, v0  }
0x4dc: {  	s13 =	sor.u32 $0x6070, s0;
	[tilespmem:s12+$0x0] =	vst.add.f32.msk $0xffff, v0  }
0x4dd: {  	[tilespmem:s13+$0x0] =	vst.add.f32.msk $0xffff, v0  }
0x4de: {  	s17 =	sor.u32 $0x2010, s0;
	v0 =	vld [tilespmem:s0+$0x18000]  }
0x4df: {  	s18 =	sor.u32 $0x4010, s0;
	[tilespmem:s17+$0x0] =	vst.add.f32.msk $0xffff, v1  }
0x4e0: {  	s19 =	sor.u32 $0x6010, s0;
	[tilespmem:s18+$0x0] =	vst.add.f32.msk $0xffff, v1  }
0x4e1: {  	[tilespmem:s19+$0x0] =	vst.add.f32.msk $0xffff, v1;
	v1 =	vmul.f32 $3.200000000e+01, v4  }
0x4e2: {  	s29 =	sor.u32 $0x40, s0;
	v6 =	vld [tilespmem:s0+$0x18060]  }
0x4e3: {  	s30 =	sor.u32 $0x2040, s0;
	[tilespmem:s29+$0x0] =	vst.add.f32.msk $0xffff, v1;
	v0 =	vmul.f32 $3.200000000e+01, v0  }
0x4e4: {  	[tilespmem:s30+$0x0] =	vst.add.f32.msk $0xffff, v1  }
0x4e5: {  	s14 =	sor.u32 $0x2000, s0;
	[tilespmem:s0+$0x0] =	vst.add.f32.msk $0xffff, v0  }
0x4e6: {  	s2 =	sor.u32 $0x4000, s0;
	[tilespmem:s14+$0x0] =	vst.add.f32.msk $0xffff, v0  }
0x4e7: {  	s15 =	sor.u32 $0x6000, s0;
	[tilespmem:s2+$0x0] =	vst.add.f32.msk $0xffff, v0  }
0x4e8: {  	s31 =	sor.u32 $0x4040, s0;
	[tilespmem:s15+$0x0] =	vst.add.f32.msk $0xffff, v0;
	v0 =	vmul.f32 $3.200000000e+01, v2  }
0x4e9: {  	s20 =	sor.u32 $0x20, s0;
	[tilespmem:s31+$0x0] =	vst.add.f32.msk $0xffff, v1;
	v2 =	vmul.f32 $3.200000000e+01, v3  }
0x4ea: {  	s24 =	sor.u32 $0x30, s0;
	[tilespmem:s20+$0x0] =	vst.add.f32.msk $0xffff, v0  }
0x4eb: {  	s21 =	sor.u32 $0x2020, s0;
	[tilespmem:s24+$0x0] =	vst.add.f32.msk $0xffff, v2  }
0x4ec: {  	s25 =	sor.u32 $0x2030, s0;
	[tilespmem:s21+$0x0] =	vst.add.f32.msk $0xffff, v0  }
0x4ed: {  	s22 =	sor.u32 $0x4020, s0;
	s23 =	sor.u32 $0x6020, s0;
	s26 =	sor.u32 $0x4030, s0;
	[tilespmem:s25+$0x0] =	vst.add.f32.msk $0xffff, v2  }
0x4ee: {  	s28 =	sor.u32 $0x6030, s0;
	s10 =	sor.u32 $0x4060, s0;
	s8 =	sor.u32 $0x6060, s0;
	[tilespmem:s22+$0x0] =	vst.add.f32.msk $0xffff, v0  }
0x4ef: {  	s6 =	simm.s32 $0x0;
	s9 =	sor.u32 $0x60, s0;
	s7 =	simm.s32 $0x400;
	[tilespmem:s26+$0x0] =	vst.add.f32.msk $0xffff, v2  }
0x4f0: {  	s16 =	sor.u32 $0x6040, s0;
	s11 =	sor.u32 $0x4050, s0;
	s12 =	sor.u32 $0x6050, s0;
	[tilespmem:s23+$0x0] =	vst.add.f32.msk $0xffff, v0  }
0x4f1: {  	s13 =	sor.u32 $0x2060, s0;
	s14 =	sor.u32 $0x2050, s0;
	s15 =	sor.u32 $0x50, s0;
	[tilespmem:s28+$0x0] =	vst.add.f32.msk $0xffff, v2;
	v2 =	vmul.f32 $3.200000000e+01, v5;
	v0 =	vmul.f32 $3.200000000e+01, v6  }
.LBB2_26:
0x4f2: {  	s0 =	sand.u32 $0x1C00, s7;
	[tilespmem:s16+$0x0] =	vst.add.f32.msk $0xffff, v1;
	s5 =	sadd.s32 $0x10, s5  }
0x4f3: {  	s1 =	sor.u32 s0, s5;
	[tilespmem:s15+$0x0] =	vst.add.f32.msk $0xffff, v2  }
0x4f4: {  	s1 =	sor.u32 $0x70, s1;
	[tilespmem:s14+$0x0] =	vst.add.f32.msk $0xffff, v2  }
0x4f5: {  	s6 =	sadd.s32 $0x8, s6;
	v1 =	vld [tilespmem:s1+$0x18000]  }
0x4f6: {  	p0 =	slt.u32 s6, $0x1F8;
	[tilespmem:s11+$0x0] =	vst.add.f32.msk $0xffff, v2  }
0x4f7: {  	[tilespmem:s12+$0x0] =	vst.add.f32.msk $0xffff, v2  }
0x4f8: {  	[tilespmem:s9+$0x0] =	vst.add.f32.msk $0xffff, v0  }
0x4f9: {  	[tilespmem:s13+$0x0] =	vst.add.f32.msk $0xffff, v0  }
0x4fa: {  	s2 =	sand.u32 $0x380, s5;
	v1 =	vmul.f32 $3.200000000e+01, v1;
	[tilespmem:s10+$0x0] =	vst.add.f32.msk $0xffff, v0  }
0x4fb: {  	s0 =	sor.u32 s2, s0;
	[tilespmem:s8+$0x0] =	vst.add.f32.msk $0xffff, v0  }
0x4fc: {  	s2 =	sor.u32 $0x2000, s0;
	s3 =	sor.u32 $0x4000, s0;
	[tilespmem:s1+$0x0] =	vst.add.f32.msk $0xffff, v1;
	s1 =	sor.u32 $0x2070, s0  }
0x4fd: {  	s4 =	sor.u32 $0x6000, s0;
	s17 =	sor.u32 $0x10, s0;
	[tilespmem:s1+$0x0] =	vst.add.f32.msk $0xffff, v1;
	s1 =	sor.u32 $0x4070, s0  }
0x4fe: {  	s18 =	sor.u32 $0x2010, s0;
	s19 =	sor.u32 $0x4010, s0;
	[tilespmem:s1+$0x0] =	vst.add.f32.msk $0xffff, v1;
	s1 =	sor.u32 $0x6070, s0  }
0x4ff: {  	s20 =	sor.u32 $0x6010, s0;
	s21 =	sor.u32 $0x20, s0;
	s22 =	sor.u32 $0x2020, s0;
	[tilespmem:s1+$0x0] =	vst.add.f32.msk $0xffff, v1  }
0x500: {  	s23 =	sor.u32 $0x6020, s0;
	s24 =	sor.u32 $0x30, s0;
	s1 =	sor.u32 $0x4020, s0;
	v0 =	vld [tilespmem:s0+$0x18000]  }
0x501: {  	s25 =	sor.u32 $0x2030, s0;
	s26 =	sor.u32 $0x4030, s0;
	s28 =	sor.u32 $0x6030, s0;
	v1 =	vld [tilespmem:s0+$0x18010]  }
0x502: {  	s29 =	sor.u32 $0x40, s0;
	s30 =	sor.u32 $0x2040, s0;
	s31 =	sor.u32 $0x4040, s0;
	v2 =	vld [tilespmem:s0+$0x18020]  }
0x503: {  	s16 =	sor.u32 $0x6040, s0;
	s15 =	sor.u32 $0x50, s0;
	s14 =	sor.u32 $0x2050, s0;
	v3 =	vld [tilespmem:s0+$0x18030]  }
0x504: {  	s11 =	sor.u32 $0x4050, s0;
	s12 =	sor.u32 $0x6050, s0;
	s9 =	sor.u32 $0x60, s0;
	v4 =	vld [tilespmem:s0+$0x18040]  }
0x505: {  	s13 =	sor.u32 $0x2060, s0;
	s10 =	sor.u32 $0x4060, s0;
	s8 =	sor.u32 $0x6060, s0;
	v0 =	vmul.f32 $3.200000000e+01, v0;
	v5 =	vld [tilespmem:s0+$0x18050]  }
0x506: {  	v6 =	vmul.f32 $3.200000000e+01, v1;
	v7 =	vld [tilespmem:s0+$0x18060]  }
0x507: {  	[tilespmem:s0+$0x0] =	vst.add.f32.msk $0xffff, v0;
	v8 =	vmul.f32 $3.200000000e+01, v2  }
0x508: {  	[tilespmem:s2+$0x0] =	vst.add.f32.msk $0xffff, v0;
	v3 =	vmul.f32 $3.200000000e+01, v3  }
0x509: {  	[tilespmem:s3+$0x0] =	vst.add.f32.msk $0xffff, v0;
	v1 =	vmul.f32 $3.200000000e+01, v4  }
0x50a: {  	[tilespmem:s4+$0x0] =	vst.add.f32.msk $0xffff, v0;
	v2 =	vmul.f32 $3.200000000e+01, v5  }
0x50b: {  	[tilespmem:s17+$0x0] =	vst.add.f32.msk $0xffff, v6;
	v0 =	vmul.f32 $3.200000000e+01, v7  }
0x50c: {  	[tilespmem:s18+$0x0] =	vst.add.f32.msk $0xffff, v6  }
0x50d: {  	[tilespmem:s19+$0x0] =	vst.add.f32.msk $0xffff, v6  }
0x50e: {  	[tilespmem:s20+$0x0] =	vst.add.f32.msk $0xffff, v6  }
0x50f: {  	[tilespmem:s21+$0x0] =	vst.add.f32.msk $0xffff, v8  }
0x510: {  	[tilespmem:s22+$0x0] =	vst.add.f32.msk $0xffff, v8  }
0x511: {  	[tilespmem:s1+$0x0] =	vst.add.f32.msk $0xffff, v8  }
0x512: {  	[tilespmem:s23+$0x0] =	vst.add.f32.msk $0xffff, v8  }
0x513: {  	[tilespmem:s24+$0x0] =	vst.add.f32.msk $0xffff, v3  }
0x514: {  	[tilespmem:s25+$0x0] =	vst.add.f32.msk $0xffff, v3  }
.Ltmp12:
0x515: {  	[tilespmem:s26+$0x0] =	vst.add.f32.msk $0xffff, v3;
	(pc) =	sbr.rel @p0 .LBB2_26-.Ltmp12, $4  }
0x516: {  	[tilespmem:s28+$0x0] =	vst.add.f32.msk $0xffff, v3  }
0x517: {  	[tilespmem:s29+$0x0] =	vst.add.f32.msk $0xffff, v1  }
0x518: {  	[tilespmem:s30+$0x0] =	vst.add.f32.msk $0xffff, v1  }
0x519: {  	s7 =	sadd.s32 $0x400, s7;
	[tilespmem:s31+$0x0] =	vst.add.f32.msk $0xffff, v1  }
0x51a: {  	[tilespmem:s16+$0x0] =	vst.add.f32.msk $0xffff, v1  }
0x51b: {  	[tilespmem:s15+$0x0] =	vst.add.f32.msk $0xffff, v2  }
0x51c: {  	[tilespmem:s9+$0x0] =	vst.add.f32.msk $0xffff, v0  }
0x51d: {  	[tilespmem:s14+$0x0] =	vst.add.f32.msk $0xffff, v2  }
0x51e: {  	[tilespmem:s13+$0x0] =	vst.add.f32.msk $0xffff, v0  }
0x51f: {  	[tilespmem:s11+$0x0] =	vst.add.f32.msk $0xffff, v2  }
0x520: {  	[tilespmem:s10+$0x0] =	vst.add.f32.msk $0xffff, v0  }
0x521: {  	[tilespmem:s12+$0x0] =	vst.add.f32.msk $0xffff, v2  }
0x522: {  	[tilespmem:s8+$0x0] =	vst.add.f32.msk $0xffff, v0  }
0x523: {  	s1 =	sld [smem:$0x7F0]  }
0x524: {  	s0 =	simm.s32 $0x0  }
0x525: {  	s3 =	simm.s32 $0x2000;
	s4 =	simm.s32 $0x400000;
	s26 =	simm.s32 $0x4  }
0x526: {  	[hbm4b:s1+s3] =	stream.strided.scatter [tilespmem:s0], [sflag:$0x4], $0x8000, s4, s3, $0x38;
	[tilespmem:$0x1E000] =	vst v63  }
0x527: {  	_ =	swait.ge [sflag:s26], $0x8000  }
0x528: {  	s28 =	sld [smem:$0x7F6]  }
0x529: {  	[sflag:s26] =	ssyncset.done $0x0  }
0x52a: {  	s2 =	simm.s32 $0x18000;
	s29 =	sld [smem:$0x7F9];
	[sflag:s26] =	ssyncadd.s32 $0xFFFF8000  }
0x52b: {  	[tilespmem:s2], [sflag:$0x1] =	stream.linear.gather [hbm4b:s28+s0], $0x2000, $0x38;
	[tilespmem:$0x1E000] =	vst v63  }
0x52c: {  	s30 =	simm.s32 $0x2  }
0x52d: {  	[tilespmem:s0], [sflag:$0x1] =	stream.strided.gather [hbm4b:s29+s3], $0x8000, s4, s3, $0x38;
	[tilespmem:$0x1E000] =	vst v63  }
0x52e: {  	_ =	swait.ge [sflag:s30], $0x2000  }
0x52f: {  	[sflag:s30] =	ssyncset.done $0x0  }
0x530: {  	[sflag:s30] =	ssyncadd.s32 $0xFFFFE000  }
0x531: {  	_ =	swait.ge [sflag:s30], $0x8000  }
0x532: {  	s31 =	sand.u32 $0x1C00, s0;
	s0 =	sand.u32 $0x380, s0;
	[sflag:s30] =	ssyncset.done $0x0  }
0x533: {  	s6 =	sor.u32 s0, s31;
	[sflag:s30] =	ssyncadd.s32 $0xFFFF8000  }
0x534: {  	v0 =	vld [tilespmem:s6+$0x1A070]  }
0x535: {  	v1 =	vld [tilespmem:s6+$0x1A000]  }
0x536: {  	v2 =	vld [tilespmem:s6+$0x1A010]  }
0x537: {  	v3 =	vld [tilespmem:s6+$0x1A020]  }
0x538: {  	v4 =	vld [tilespmem:s6+$0x1A030]  }
0x539: {  	v5 =	vld [tilespmem:s6+$0x1A040];
	v0 =	vmul.f32 $3.200000000e+01, v0  }
0x53a: {  	s0 =	sor.u32 $0x8070, s6;
	v6 =	vld [tilespmem:s6+$0x1A050];
	v1 =	vmul.f32 $3.200000000e+01, v1  }
0x53b: {  	s5 =	sor.u32 $0x8000, s6;
	v2 =	vmul.f32 $3.200000000e+01, v2;
	[tilespmem:s0+$0x0] =	vst.add.f32.msk $0xffff, v0  }
0x53c: {  	s9 =	sor.u32 $0x8010, s6;
	[tilespmem:s5+$0x0] =	vst.add.f32.msk $0xffff, v1  }
0x53d: {  	s2 =	sor.u32 $0xA070, s6;
	[tilespmem:s9+$0x0] =	vst.add.f32.msk $0xffff, v2  }
0x53e: {  	s1 =	sor.u32 $0xA000, s6;
	[tilespmem:s2+$0x0] =	vst.add.f32.msk $0xffff, v0  }
0x53f: {  	s10 =	sor.u32 $0xA010, s6;
	[tilespmem:s1+$0x0] =	vst.add.f32.msk $0xffff, v1  }
0x540: {  	s3 =	sor.u32 $0xC070, s6;
	[tilespmem:s10+$0x0] =	vst.add.f32.msk $0xffff, v2  }
0x541: {  	s7 =	sor.u32 $0xC000, s6;
	[tilespmem:s3+$0x0] =	vst.add.f32.msk $0xffff, v0  }
0x542: {  	s11 =	sor.u32 $0xC010, s6;
	[tilespmem:s7+$0x0] =	vst.add.f32.msk $0xffff, v1  }
0x543: {  	s4 =	sor.u32 $0xE070, s6;
	[tilespmem:s11+$0x0] =	vst.add.f32.msk $0xffff, v2  }
0x544: {  	[tilespmem:s4+$0x0] =	vst.add.f32.msk $0xffff, v0  }
0x545: {  	s8 =	sor.u32 $0xE000, s6;
	v0 =	vld [tilespmem:s6+$0x1A060]  }
0x546: {  	s12 =	sor.u32 $0xE010, s6;
	[tilespmem:s8+$0x0] =	vst.add.f32.msk $0xffff, v1;
	v1 =	vmul.f32 $3.200000000e+01, v3  }
0x547: {  	s13 =	sor.u32 $0x8020, s6;
	[tilespmem:s12+$0x0] =	vst.add.f32.msk $0xffff, v2;
	v2 =	vmul.f32 $3.200000000e+01, v4  }
0x548: {  	s17 =	sor.u32 $0x8030, s6;
	[tilespmem:s13+$0x0] =	vst.add.f32.msk $0xffff, v1  }
0x549: {  	s14 =	sor.u32 $0xA020, s6;
	[tilespmem:s17+$0x0] =	vst.add.f32.msk $0xffff, v2  }
0x54a: {  	s18 =	sor.u32 $0xA030, s6;
	[tilespmem:s14+$0x0] =	vst.add.f32.msk $0xffff, v1  }
0x54b: {  	s15 =	sor.u32 $0xC020, s6;
	[tilespmem:s18+$0x0] =	vst.add.f32.msk $0xffff, v2  }
0x54c: {  	s19 =	sor.u32 $0xC030, s6;
	[tilespmem:s15+$0x0] =	vst.add.f32.msk $0xffff, v1  }
0x54d: {  	s16 =	sor.u32 $0xE020, s6;
	[tilespmem:s19+$0x0] =	vst.add.f32.msk $0xffff, v2  }
0x54e: {  	s20 =	sor.u32 $0xE030, s6;
	[tilespmem:s16+$0x0] =	vst.add.f32.msk $0xffff, v1;
	v1 =	vmul.f32 $3.200000000e+01, v5  }
0x54f: {  	s21 =	sor.u32 $0x8040, s6;
	[tilespmem:s20+$0x0] =	vst.add.f32.msk $0xffff, v2;
	v2 =	vmul.f32 $3.200000000e+01, v6  }
0x550: {  	s25 =	sor.u32 $0x8050, s6;
	v0 =	vmul.f32 $3.200000000e+01, v0;
	[tilespmem:s21+$0x0] =	vst.add.f32.msk $0xffff, v1  }
0x551: {  	s30 =	sor.u32 $0x8060, s6;
	[tilespmem:s25+$0x0] =	vst.add.f32.msk $0xffff, v2  }
0x552: {  	s22 =	sor.u32 $0xA040, s6;
	[tilespmem:s30+$0x0] =	vst.add.f32.msk $0xffff, v0  }
0x553: {  	s26 =	sor.u32 $0xA050, s6;
	[tilespmem:s22+$0x0] =	vst.add.f32.msk $0xffff, v1  }
0x554: {  	s31 =	sor.u32 $0xA060, s6;
	[tilespmem:s26+$0x0] =	vst.add.f32.msk $0xffff, v2  }
0x555: {  	s23 =	sor.u32 $0xC040, s6;
	[tilespmem:s31+$0x0] =	vst.add.f32.msk $0xffff, v0  }
0x556: {  	s28 =	sor.u32 $0xC050, s6;
	[tilespmem:s23+$0x0] =	vst.add.f32.msk $0xffff, v1  }
0x557: {  	s24 =	sor.u32 $0xE040, s6;
	[tilespmem:s28+$0x0] =	vst.add.f32.msk $0xffff, v2  }
0x558: {  	s29 =	sor.u32 $0xE050, s6;
	s5 =	simm.s32 $0x0;
	s9 =	sor.u32 $0xE060, s6;
	[tilespmem:s24+$0x0] =	vst.add.f32.msk $0xffff, v1  }
0x559: {  	s7 =	simm.s32 $0x10;
	s8 =	sor.u32 $0xC060, s6;
	s6 =	simm.s32 $0x400;
	[tilespmem:s29+$0x0] =	vst.add.f32.msk $0xffff, v2  }
.LBB2_28:
0x55a: {  	s0 =	sand.u32 $0x1C00, s6;
	s1 =	sand.u32 $0x380, s7;
	[tilespmem:s8+$0x0] =	vst.add.f32.msk $0xffff, v0  }
0x55b: {  	s17 =	sor.u32 s1, s0;
	[tilespmem:s9+$0x0] =	vst.add.f32.msk $0xffff, v0  }
0x55c: {  	v0 =	vld [tilespmem:s17+$0x1A070]  }
0x55d: {  	v1 =	vld [tilespmem:s17+$0x1A000]  }
0x55e: {  	v2 =	vld [tilespmem:s17+$0x1A010]  }
0x55f: {  	v3 =	vld [tilespmem:s17+$0x1A020]  }
0x560: {  	v4 =	vld [tilespmem:s17+$0x1A030]  }
0x561: {  	v5 =	vld [tilespmem:s17+$0x1A040];
	v0 =	vmul.f32 $3.200000000e+01, v0  }
0x562: {  	v6 =	vld [tilespmem:s17+$0x1A050];
	s2 =	sor.u32 $0x8070, s17;
	v1 =	vmul.f32 $3.200000000e+01, v1  }
0x563: {  	s10 =	sor.u32 $0x8000, s17;
	v2 =	vmul.f32 $3.200000000e+01, v2;
	[tilespmem:s2+$0x0] =	vst.add.f32.msk $0xffff, v0  }
0x564: {  	s19 =	sor.u32 $0x8010, s17;
	v3 =	vmul.f32 $3.200000000e+01, v3;
	[tilespmem:s10+$0x0] =	vst.add.f32.msk $0xffff, v1  }
0x565: {  	s25 =	sor.u32 $0x8020, s17;
	v4 =	vmul.f32 $3.200000000e+01, v4;
	[tilespmem:s19+$0x0] =	vst.add.f32.msk $0xffff, v2  }
0x566: {  	s14 =	sor.u32 $0x8030, s17;
	v5 =	vmul.f32 $3.200000000e+01, v5;
	[tilespmem:s25+$0x0] =	vst.add.f32.msk $0xffff, v3  }
0x567: {  	s26 =	sor.u32 $0x8040, s17;
	v6 =	vmul.f32 $3.200000000e+01, v6;
	[tilespmem:s14+$0x0] =	vst.add.f32.msk $0xffff, v4  }
0x568: {  	s22 =	sor.u32 $0x8050, s17;
	[tilespmem:s26+$0x0] =	vst.add.f32.msk $0xffff, v5  }
0x569: {  	s1 =	sor.u32 $0xA070, s17;
	[tilespmem:s22+$0x0] =	vst.add.f32.msk $0xffff, v6  }
0x56a: {  	s18 =	sor.u32 $0xA000, s17;
	[tilespmem:s1+$0x0] =	vst.add.f32.msk $0xffff, v0  }
0x56b: {  	s3 =	sor.u32 $0xA010, s17;
	[tilespmem:s18+$0x0] =	vst.add.f32.msk $0xffff, v1  }
0x56c: {  	s21 =	sor.u32 $0xA020, s17;
	[tilespmem:s3+$0x0] =	vst.add.f32.msk $0xffff, v2  }
0x56d: {  	s15 =	sor.u32 $0xA030, s17;
	[tilespmem:s21+$0x0] =	vst.add.f32.msk $0xffff, v3  }
0x56e: {  	s31 =	sor.u32 $0xE030, s17;
	s16 =	sor.u32 $0xA040, s17;
	[tilespmem:s15+$0x0] =	vst.add.f32.msk $0xffff, v4  }
0x56f: {  	[dreg:$0xc] =	wrdreg s31;
	s31 =	sor.u32 $0xA050, s17;
	[tilespmem:s16+$0x0] =	vst.add.f32.msk $0xffff, v5  }
0x570: {  	s8 =	sor.u32 $0xC070, s17;
	[tilespmem:s31+$0x0] =	vst.add.f32.msk $0xffff, v6  }
0x571: {  	s12 =	sor.u32 $0xC000, s17;
	[tilespmem:s8+$0x0] =	vst.add.f32.msk $0xffff, v0  }
0x572: {  	s20 =	sor.u32 $0xC010, s17;
	[tilespmem:s12+$0x0] =	vst.add.f32.msk $0xffff, v1  }
0x573: {  	s24 =	sor.u32 $0xC020, s17;
	[tilespmem:s20+$0x0] =	vst.add.f32.msk $0xffff, v2  }
0x574: {  	s30 =	sor.u32 $0xC040, s17;
	[tilespmem:s24+$0x0] =	vst.add.f32.msk $0xffff, v3  }
0x575: {  	s23 =	sor.u32 $0xC050, s17;
	[tilespmem:s30+$0x0] =	vst.add.f32.msk $0xffff, v5  }
0x576: {  	s9 =	sor.u32 $0xE070, s17;
	[tilespmem:s23+$0x0] =	vst.add.f32.msk $0xffff, v6  }
0x577: {  	[tilespmem:s9+$0x0] =	vst.add.f32.msk $0xffff, v0  }
0x578: {  	s11 =	sor.u32 $0xE000, s17;
	v0 =	vld [tilespmem:s17+$0x1A060]  }
0x579: {  	s4 =	sor.u32 $0xE010, s17;
	s0 =	sor.u32 $0xC030, s17;
	[tilespmem:s11+$0x0] =	vst.add.f32.msk $0xffff, v1  }
0x57a: {  	s13 =	sor.u32 $0xE020, s17;
	[dreg:$0x16] =	wrdreg s0;
	[tilespmem:s4+$0x0] =	vst.add.f32.msk $0xffff, v2  }
0x57b: {  	s5 =	sadd.s32 $0x8, s5;
	s24 =	rddreg [dreg:$0x16];
	[tilespmem:s13+$0x0] =	vst.add.f32.msk $0xffff, v3  }
0x57c: {  	p0 =	slt.u32 s5, $0x1F8;
	s28 =	sor.u32 $0xE040, s17;
	[tilespmem:s24+$0x0] =	vst.add.f32.msk $0xffff, v4  }
.Ltmp13:
0x57d: {  	s29 =	sor.u32 $0xE050, s17;
	[tilespmem:s28+$0x0] =	vst.add.f32.msk $0xffff, v5;
	(pc) =	sbr.rel @p0 .LBB2_28-.Ltmp13, $4  }
0x57e: {  	s25 =	rddreg [dreg:$0xc];
	[tilespmem:s29+$0x0] =	vst.add.f32.msk $0xffff, v6;
	v0 =	vmul.f32 $3.200000000e+01, v0  }
0x57f: {  	s0 =	sor.u32 $0x8060, s17;
	[tilespmem:s25+$0x0] =	vst.add.f32.msk $0xffff, v4  }
0x580: {  	s6 =	sadd.s32 $0x400, s6;
	s1 =	sor.u32 $0xA060, s17;
	[tilespmem:s0+$0x0] =	vst.add.f32.msk $0xffff, v0  }
0x581: {  	s7 =	sadd.s32 $0x10, s7;
	s8 =	sor.u32 $0xC060, s17;
	s9 =	sor.u32 $0xE060, s17;
	[tilespmem:s1+$0x0] =	vst.add.f32.msk $0xffff, v0  }
0x582: {  	[tilespmem:s8+$0x0] =	vst.add.f32.msk $0xffff, v0  }
0x583: {  	[tilespmem:s9+$0x0] =	vst.add.f32.msk $0xffff, v0  }
0x584: {  	s0 =	sld [smem:$0x7FA]  }
0x585: {  	s1 =	simm.s32 $0x2000  }
0x586: {  	s2 =	simm.s32 $0x400000;
	s3 =	simm.s32 $0x8000;
	s29 =	simm.s32 $0x3  }
0x587: {  	[hbm4b:s0+s1] =	stream.strided.scatter [tilespmem:s3], [sflag:$0x5], $0x8000, s2, s1, $0x38;
	[tilespmem:$0x1E000] =	vst v63  }
0x588: {  	_ =	swait.ge [sflag:s29], $0x2000  }
0x589: {  	[sflag:s29] =	ssyncset.done $0x0  }
0x58a: {  	[sflag:s29] =	ssyncadd.s32 $0xFFFFE000  }
0x58b: {  	s30 =	simm.s32 $0x0;
	_ =	swait.ge [sflag:s29], $0x8000  }
0x58c: {  	s31 =	sand.u32 $0x1C00, s30;
	s0 =	sand.u32 $0x380, s30;
	[sflag:s29] =	ssyncset.done $0x0  }
0x58d: {  	s6 =	sor.u32 s0, s31;
	[sflag:s29] =	ssyncadd.s32 $0xFFFF8000  }
0x58e: {  	v0 =	vld [tilespmem:s6+$0x1C070]  }
0x58f: {  	v1 =	vld [tilespmem:s6+$0x1C000]  }
0x590: {  	v2 =	vld [tilespmem:s6+$0x1C010]  }
0x591: {  	v3 =	vld [tilespmem:s6+$0x1C020]  }
0x592: {  	v4 =	vld [tilespmem:s6+$0x1C030]  }
0x593: {  	v5 =	vld [tilespmem:s6+$0x1C040];
	v0 =	vmul.f32 $3.200000000e+01, v0  }
0x594: {  	s0 =	sor.u32 $0x10070, s6;
	v6 =	vld [tilespmem:s6+$0x1C050];
	v1 =	vmul.f32 $3.200000000e+01, v1  }
0x595: {  	s5 =	sor.u32 $0x10000, s6;
	v2 =	vmul.f32 $3.200000000e+01, v2;
	[tilespmem:s0+$0x0] =	vst.add.f32.msk $0xffff, v0  }
0x596: {  	s9 =	sor.u32 $0x10010, s6;
	[tilespmem:s5+$0x0] =	vst.add.f32.msk $0xffff, v1  }
0x597: {  	s2 =	sor.u32 $0x12070, s6;
	[tilespmem:s9+$0x0] =	vst.add.f32.msk $0xffff, v2  }
0x598: {  	s1 =	sor.u32 $0x12000, s6;
	[tilespmem:s2+$0x0] =	vst.add.f32.msk $0xffff, v0  }
0x599: {  	s10 =	sor.u32 $0x12010, s6;
	[tilespmem:s1+$0x0] =	vst.add.f32.msk $0xffff, v1  }
0x59a: {  	s3 =	sor.u32 $0x14070, s6;
	[tilespmem:s10+$0x0] =	vst.add.f32.msk $0xffff, v2  }
0x59b: {  	s7 =	sor.u32 $0x14000, s6;
	[tilespmem:s3+$0x0] =	vst.add.f32.msk $0xffff, v0  }
0x59c: {  	s11 =	sor.u32 $0x14010, s6;
	[tilespmem:s7+$0x0] =	vst.add.f32.msk $0xffff, v1  }
0x59d: {  	s4 =	sor.u32 $0x16070, s6;
	[tilespmem:s11+$0x0] =	vst.add.f32.msk $0xffff, v2  }
0x59e: {  	[tilespmem:s4+$0x0] =	vst.add.f32.msk $0xffff, v0  }
0x59f: {  	s8 =	sor.u32 $0x16000, s6;
	v0 =	vld [tilespmem:s6+$0x1C060]  }
0x5a0: {  	s12 =	sor.u32 $0x16010, s6;
	[tilespmem:s8+$0x0] =	vst.add.f32.msk $0xffff, v1;
	v1 =	vmul.f32 $3.200000000e+01, v3  }
0x5a1: {  	s13 =	sor.u32 $0x10020, s6;
	[tilespmem:s12+$0x0] =	vst.add.f32.msk $0xffff, v2;
	v2 =	vmul.f32 $3.200000000e+01, v4  }
0x5a2: {  	s17 =	sor.u32 $0x10030, s6;
	[tilespmem:s13+$0x0] =	vst.add.f32.msk $0xffff, v1  }
0x5a3: {  	s14 =	sor.u32 $0x12020, s6;
	[tilespmem:s17+$0x0] =	vst.add.f32.msk $0xffff, v2  }
0x5a4: {  	s18 =	sor.u32 $0x12030, s6;
	[tilespmem:s14+$0x0] =	vst.add.f32.msk $0xffff, v1  }
0x5a5: {  	s15 =	sor.u32 $0x14020, s6;
	[tilespmem:s18+$0x0] =	vst.add.f32.msk $0xffff, v2  }
0x5a6: {  	s19 =	sor.u32 $0x14030, s6;
	[tilespmem:s15+$0x0] =	vst.add.f32.msk $0xffff, v1  }
0x5a7: {  	s16 =	sor.u32 $0x16020, s6;
	[tilespmem:s19+$0x0] =	vst.add.f32.msk $0xffff, v2  }
0x5a8: {  	s20 =	sor.u32 $0x16030, s6;
	[tilespmem:s16+$0x0] =	vst.add.f32.msk $0xffff, v1;
	v1 =	vmul.f32 $3.200000000e+01, v5  }
0x5a9: {  	s21 =	sor.u32 $0x10040, s6;
	[tilespmem:s20+$0x0] =	vst.add.f32.msk $0xffff, v2;
	v2 =	vmul.f32 $3.200000000e+01, v6  }
0x5aa: {  	s25 =	sor.u32 $0x10050, s6;
	v0 =	vmul.f32 $3.200000000e+01, v0;
	[tilespmem:s21+$0x0] =	vst.add.f32.msk $0xffff, v1  }
0x5ab: {  	s30 =	sor.u32 $0x10060, s6;
	[tilespmem:s25+$0x0] =	vst.add.f32.msk $0xffff, v2  }
0x5ac: {  	s22 =	sor.u32 $0x12040, s6;
	[tilespmem:s30+$0x0] =	vst.add.f32.msk $0xffff, v0  }
0x5ad: {  	s26 =	sor.u32 $0x12050, s6;
	[tilespmem:s22+$0x0] =	vst.add.f32.msk $0xffff, v1  }
0x5ae: {  	s31 =	sor.u32 $0x12060, s6;
	[tilespmem:s26+$0x0] =	vst.add.f32.msk $0xffff, v2  }
0x5af: {  	s23 =	sor.u32 $0x14040, s6;
	[tilespmem:s31+$0x0] =	vst.add.f32.msk $0xffff, v0  }
0x5b0: {  	s28 =	sor.u32 $0x14050, s6;
	[tilespmem:s23+$0x0] =	vst.add.f32.msk $0xffff, v1  }
0x5b1: {  	s24 =	sor.u32 $0x16040, s6;
	[tilespmem:s28+$0x0] =	vst.add.f32.msk $0xffff, v2  }
0x5b2: {  	s29 =	sor.u32 $0x16050, s6;
	s5 =	simm.s32 $0x0;
	s9 =	sor.u32 $0x16060, s6;
	[tilespmem:s24+$0x0] =	vst.add.f32.msk $0xffff, v1  }
0x5b3: {  	s7 =	simm.s32 $0x10;
	s8 =	sor.u32 $0x14060, s6;
	s6 =	simm.s32 $0x400;
	[tilespmem:s29+$0x0] =	vst.add.f32.msk $0xffff, v2  }
.LBB2_30:
0x5b4: {  	s0 =	sand.u32 $0x1C00, s6;
	s1 =	sand.u32 $0x380, s7;
	[tilespmem:s8+$0x0] =	vst.add.f32.msk $0xffff, v0  }
0x5b5: {  	s17 =	sor.u32 s1, s0;
	[tilespmem:s9+$0x0] =	vst.add.f32.msk $0xffff, v0  }
0x5b6: {  	v0 =	vld [tilespmem:s17+$0x1C070]  }
0x5b7: {  	v1 =	vld [tilespmem:s17+$0x1C000]  }
0x5b8: {  	v2 =	vld [tilespmem:s17+$0x1C010]  }
0x5b9: {  	v3 =	vld [tilespmem:s17+$0x1C020]  }
0x5ba: {  	v4 =	vld [tilespmem:s17+$0x1C030]  }
0x5bb: {  	v5 =	vld [tilespmem:s17+$0x1C040];
	v0 =	vmul.f32 $3.200000000e+01, v0  }
0x5bc: {  	v6 =	vld [tilespmem:s17+$0x1C050];
	s2 =	sor.u32 $0x10070, s17;
	v1 =	vmul.f32 $3.200000000e+01, v1  }
0x5bd: {  	s10 =	sor.u32 $0x10000, s17;
	v2 =	vmul.f32 $3.200000000e+01, v2;
	[tilespmem:s2+$0x0] =	vst.add.f32.msk $0xffff, v0  }
0x5be: {  	s19 =	sor.u32 $0x10010, s17;
	v3 =	vmul.f32 $3.200000000e+01, v3;
	[tilespmem:s10+$0x0] =	vst.add.f32.msk $0xffff, v1  }
0x5bf: {  	s25 =	sor.u32 $0x10020, s17;
	v4 =	vmul.f32 $3.200000000e+01, v4;
	[tilespmem:s19+$0x0] =	vst.add.f32.msk $0xffff, v2  }
0x5c0: {  	s14 =	sor.u32 $0x10030, s17;
	v5 =	vmul.f32 $3.200000000e+01, v5;
	[tilespmem:s25+$0x0] =	vst.add.f32.msk $0xffff, v3  }
0x5c1: {  	s26 =	sor.u32 $0x10040, s17;
	v6 =	vmul.f32 $3.200000000e+01, v6;
	[tilespmem:s14+$0x0] =	vst.add.f32.msk $0xffff, v4  }
0x5c2: {  	s22 =	sor.u32 $0x10050, s17;
	[tilespmem:s26+$0x0] =	vst.add.f32.msk $0xffff, v5  }
0x5c3: {  	s1 =	sor.u32 $0x12070, s17;
	[tilespmem:s22+$0x0] =	vst.add.f32.msk $0xffff, v6  }
0x5c4: {  	s18 =	sor.u32 $0x12000, s17;
	[tilespmem:s1+$0x0] =	vst.add.f32.msk $0xffff, v0  }
0x5c5: {  	s3 =	sor.u32 $0x12010, s17;
	[tilespmem:s18+$0x0] =	vst.add.f32.msk $0xffff, v1  }
0x5c6: {  	s21 =	sor.u32 $0x12020, s17;
	[tilespmem:s3+$0x0] =	vst.add.f32.msk $0xffff, v2  }
0x5c7: {  	s15 =	sor.u32 $0x12030, s17;
	[tilespmem:s21+$0x0] =	vst.add.f32.msk $0xffff, v3  }
0x5c8: {  	s31 =	sor.u32 $0x16030, s17;
	s16 =	sor.u32 $0x12040, s17;
	[tilespmem:s15+$0x0] =	vst.add.f32.msk $0xffff, v4  }
0x5c9: {  	[dreg:$0xd] =	wrdreg s31;
	s31 =	sor.u32 $0x12050, s17;
	[tilespmem:s16+$0x0] =	vst.add.f32.msk $0xffff, v5  }
0x5ca: {  	s8 =	sor.u32 $0x14070, s17;
	[tilespmem:s31+$0x0] =	vst.add.f32.msk $0xffff, v6  }
0x5cb: {  	s12 =	sor.u32 $0x14000, s17;
	[tilespmem:s8+$0x0] =	vst.add.f32.msk $0xffff, v0  }
0x5cc: {  	s20 =	sor.u32 $0x14010, s17;
	[tilespmem:s12+$0x0] =	vst.add.f32.msk $0xffff, v1  }
0x5cd: {  	s24 =	sor.u32 $0x14020, s17;
	[tilespmem:s20+$0x0] =	vst.add.f32.msk $0xffff, v2  }
0x5ce: {  	s30 =	sor.u32 $0x14040, s17;
	[tilespmem:s24+$0x0] =	vst.add.f32.msk $0xffff, v3  }
0x5cf: {  	s23 =	sor.u32 $0x14050, s17;
	[tilespmem:s30+$0x0] =	vst.add.f32.msk $0xffff, v5  }
0x5d0: {  	s9 =	sor.u32 $0x16070, s17;
	[tilespmem:s23+$0x0] =	vst.add.f32.msk $0xffff, v6  }
0x5d1: {  	[tilespmem:s9+$0x0] =	vst.add.f32.msk $0xffff, v0  }
0x5d2: {  	s11 =	sor.u32 $0x16000, s17;
	v0 =	vld [tilespmem:s17+$0x1C060]  }
0x5d3: {  	s4 =	sor.u32 $0x16010, s17;
	s0 =	sor.u32 $0x14030, s17;
	[tilespmem:s11+$0x0] =	vst.add.f32.msk $0xffff, v1  }
0x5d4: {  	s13 =	sor.u32 $0x16020, s17;
	[dreg:$0x17] =	wrdreg s0;
	[tilespmem:s4+$0x0] =	vst.add.f32.msk $0xffff, v2  }
0x5d5: {  	s5 =	sadd.s32 $0x8, s5;
	s24 =	rddreg [dreg:$0x17];
	[tilespmem:s13+$0x0] =	vst.add.f32.msk $0xffff, v3  }
0x5d6: {  	p0 =	slt.u32 s5, $0x1F8;
	s28 =	sor.u32 $0x16040, s17;
	[tilespmem:s24+$0x0] =	vst.add.f32.msk $0xffff, v4  }
.Ltmp14:
0x5d7: {  	s29 =	sor.u32 $0x16050, s17;
	[tilespmem:s28+$0x0] =	vst.add.f32.msk $0xffff, v5;
	(pc) =	sbr.rel @p0 .LBB2_30-.Ltmp14, $4  }
0x5d8: {  	s25 =	rddreg [dreg:$0xd];
	[tilespmem:s29+$0x0] =	vst.add.f32.msk $0xffff, v6;
	v0 =	vmul.f32 $3.200000000e+01, v0  }
0x5d9: {  	s0 =	sor.u32 $0x10060, s17;
	[tilespmem:s25+$0x0] =	vst.add.f32.msk $0xffff, v4  }
0x5da: {  	s6 =	sadd.s32 $0x400, s6;
	s1 =	sor.u32 $0x12060, s17;
	[tilespmem:s0+$0x0] =	vst.add.f32.msk $0xffff, v0  }
0x5db: {  	s7 =	sadd.s32 $0x10, s7;
	s8 =	sor.u32 $0x14060, s17;
	s9 =	sor.u32 $0x16060, s17;
	[tilespmem:s1+$0x0] =	vst.add.f32.msk $0xffff, v0  }
0x5dc: {  	[tilespmem:s8+$0x0] =	vst.add.f32.msk $0xffff, v0  }
0x5dd: {  	[tilespmem:s9+$0x0] =	vst.add.f32.msk $0xffff, v0  }
0x5de: {  	s0 =	sld [smem:$0x7FB]  }
0x5df: {  	s1 =	simm.s32 $0x2000  }
0x5e0: {  	s2 =	simm.s32 $0x400000;
	s3 =	simm.s32 $0x10000;
	s8 =	simm.s32 $0x1  }
0x5e1: {  	[hbm4b:s0+s1] =	stream.strided.scatter [tilespmem:s3], [sflag:$0x6], $0x8000, s2, s1, $0x38;
	[tilespmem:$0x1E000] =	vst v63  }
0x5e2: {  	_ =	swait.ge [sflag:s8], $0x2000  }
0x5e3: {  	[sflag:s8] =	ssyncset.done $0x0  }
0x5e4: {  	s5 =	simm.s32 $0x0;
	[sflag:s8] =	ssyncadd.s32 $0xFFFFE000  }
0x5e5: {  	s9 =	sand.u32 $0x1C00, s5;
	_ =	swait.ge [sflag:s8], $0x8000  }
0x5e6: {  	s10 =	sor.u32 s9, s5;
	[sflag:s8] =	ssyncset.done $0x0  }
0x5e7: {  	s11 =	sand.u32 $0x380, s5;
	s1 =	sor.u32 $0x70, s10;
	[sflag:s8] =	ssyncadd.s32 $0xFFFF8000  }
0x5e8: {  	s0 =	sor.u32 s11, s9;
	v0 =	vld [tilespmem:s1+$0x18000]  }
0x5e9: {  	v1 =	vld [tilespmem:s0+$0x18010];
	_ =	sdelay $0x1  }
0x5ea: {  	v2 =	vld [tilespmem:s0+$0x18020]  }
0x5eb: {  	v3 =	vld [tilespmem:s0+$0x18030]  }
0x5ec: {  	v4 =	vld [tilespmem:s0+$0x18040];
	v0 =	vmul.f32 $3.200000000e+01, v0  }
0x5ed: {  	v5 =	vld [tilespmem:s0+$0x18050];
	v1 =	vmul.f32 $3.200000000e+01, v1  }
0x5ee: {  	s17 =	sor.u32 $0x10, s0;
	[tilespmem:s1+$0x0] =	vst.add.f32.msk $0xffff, v0  }
0x5ef: {  	s12 =	sor.u32 $0x2070, s0;
	[tilespmem:s17+$0x0] =	vst.add.f32.msk $0xffff, v1  }
0x5f0: {  	s13 =	sor.u32 $0x4070, s0;
	[tilespmem:s12+$0x0] =	vst.add.f32.msk $0xffff, v0  }
0x5f1: {  	s14 =	sor.u32 $0x6070, s0;
	[tilespmem:s13+$0x0] =	vst.add.f32.msk $0xffff, v0  }
0x5f2: {  	[tilespmem:s14+$0x0] =	vst.add.f32.msk $0xffff, v0  }
0x5f3: {  	s18 =	sor.u32 $0x2010, s0;
	v0 =	vld [tilespmem:s0+$0x18000]  }
0x5f4: {  	s19 =	sor.u32 $0x4010, s0;
	[tilespmem:s18+$0x0] =	vst.add.f32.msk $0xffff, v1  }
0x5f5: {  	s20 =	sor.u32 $0x6010, s0;
	[tilespmem:s19+$0x0] =	vst.add.f32.msk $0xffff, v1  }
0x5f6: {  	[tilespmem:s20+$0x0] =	vst.add.f32.msk $0xffff, v1;
	v1 =	vmul.f32 $3.200000000e+01, v4  }
0x5f7: {  	s30 =	sor.u32 $0x40, s0;
	v6 =	vld [tilespmem:s0+$0x18060]  }
0x5f8: {  	s31 =	sor.u32 $0x2040, s0;
	[tilespmem:s30+$0x0] =	vst.add.f32.msk $0xffff, v1;
	v0 =	vmul.f32 $3.200000000e+01, v0  }
0x5f9: {  	[tilespmem:s31+$0x0] =	vst.add.f32.msk $0xffff, v1  }
0x5fa: {  	s15 =	sor.u32 $0x2000, s0;
	[tilespmem:s0+$0x0] =	vst.add.f32.msk $0xffff, v0  }
0x5fb: {  	s2 =	sor.u32 $0x4000, s0;
	[tilespmem:s15+$0x0] =	vst.add.f32.msk $0xffff, v0  }
0x5fc: {  	s16 =	sor.u32 $0x6000, s0;
	[tilespmem:s2+$0x0] =	vst.add.f32.msk $0xffff, v0  }
0x5fd: {  	s4 =	sor.u32 $0x4040, s0;
	[tilespmem:s16+$0x0] =	vst.add.f32.msk $0xffff, v0;
	v0 =	vmul.f32 $3.200000000e+01, v2  }
0x5fe: {  	s21 =	sor.u32 $0x20, s0;
	[tilespmem:s4+$0x0] =	vst.add.f32.msk $0xffff, v1;
	v2 =	vmul.f32 $3.200000000e+01, v3  }
0x5ff: {  	s25 =	sor.u32 $0x30, s0;
	[tilespmem:s21+$0x0] =	vst.add.f32.msk $0xffff, v0  }
0x600: {  	s22 =	sor.u32 $0x2020, s0;
	[tilespmem:s25+$0x0] =	vst.add.f32.msk $0xffff, v2  }
0x601: {  	s26 =	sor.u32 $0x2030, s0;
	[tilespmem:s22+$0x0] =	vst.add.f32.msk $0xffff, v0  }
0x602: {  	s6 =	simm.s32 $0x0;
	s7 =	simm.s32 $0x400;
	s23 =	sor.u32 $0x4020, s0;
	[tilespmem:s26+$0x0] =	vst.add.f32.msk $0xffff, v2  }
0x603: {  	s24 =	sor.u32 $0x6020, s0;
	s28 =	sor.u32 $0x4030, s0;
	s29 =	sor.u32 $0x6030, s0;
	[tilespmem:s23+$0x0] =	vst.add.f32.msk $0xffff, v0  }
0x604: {  	s11 =	sor.u32 $0x4050, s0;
	s9 =	sor.u32 $0x60, s0;
	s10 =	sor.u32 $0x4060, s0;
	[tilespmem:s28+$0x0] =	vst.add.f32.msk $0xffff, v2  }
0x605: {  	s8 =	sor.u32 $0x6060, s0;
	s12 =	sor.u32 $0x6050, s0;
	s13 =	sor.u32 $0x2060, s0;
	[tilespmem:s24+$0x0] =	vst.add.f32.msk $0xffff, v0  }
0x606: {  	s14 =	sor.u32 $0x2050, s0;
	s15 =	sor.u32 $0x50, s0;
	s16 =	sor.u32 $0x6040, s0;
	[tilespmem:s29+$0x0] =	vst.add.f32.msk $0xffff, v2;
	v2 =	vmul.f32 $3.200000000e+01, v5;
	v0 =	vmul.f32 $3.200000000e+01, v6  }
.LBB2_32:
0x607: {  	s0 =	sand.u32 $0x1C00, s7;
	[tilespmem:s16+$0x0] =	vst.add.f32.msk $0xffff, v1;
	s5 =	sadd.s32 $0x10, s5  }
0x608: {  	s1 =	sor.u32 s0, s5;
	[tilespmem:s15+$0x0] =	vst.add.f32.msk $0xffff, v2  }
0x609: {  	s1 =	sor.u32 $0x70, s1;
	[tilespmem:s14+$0x0] =	vst.add.f32.msk $0xffff, v2  }
0x60a: {  	s6 =	sadd.s32 $0x8, s6;
	v1 =	vld [tilespmem:s1+$0x18000]  }
0x60b: {  	p0 =	slt.u32 s6, $0x1F8;
	[tilespmem:s11+$0x0] =	vst.add.f32.msk $0xffff, v2  }
0x60c: {  	[tilespmem:s12+$0x0] =	vst.add.f32.msk $0xffff, v2  }
0x60d: {  	[tilespmem:s9+$0x0] =	vst.add.f32.msk $0xffff, v0  }
0x60e: {  	[tilespmem:s13+$0x0] =	vst.add.f32.msk $0xffff, v0  }
0x60f: {  	s2 =	sand.u32 $0x380, s5;
	v1 =	vmul.f32 $3.200000000e+01, v1;
	[tilespmem:s10+$0x0] =	vst.add.f32.msk $0xffff, v0  }
0x610: {  	s0 =	sor.u32 s2, s0;
	[tilespmem:s8+$0x0] =	vst.add.f32.msk $0xffff, v0  }
0x611: {  	s2 =	sor.u32 $0x2000, s0;
	s3 =	sor.u32 $0x4000, s0;
	[tilespmem:s1+$0x0] =	vst.add.f32.msk $0xffff, v1;
	s1 =	sor.u32 $0x2070, s0  }
0x612: {  	s4 =	sor.u32 $0x6000, s0;
	s17 =	sor.u32 $0x10, s0;
	[tilespmem:s1+$0x0] =	vst.add.f32.msk $0xffff, v1;
	s1 =	sor.u32 $0x4070, s0  }
0x613: {  	s18 =	sor.u32 $0x2010, s0;
	s19 =	sor.u32 $0x4010, s0;
	[tilespmem:s1+$0x0] =	vst.add.f32.msk $0xffff, v1;
	s1 =	sor.u32 $0x6070, s0  }
0x614: {  	s20 =	sor.u32 $0x6010, s0;
	s21 =	sor.u32 $0x20, s0;
	s22 =	sor.u32 $0x2020, s0;
	[tilespmem:s1+$0x0] =	vst.add.f32.msk $0xffff, v1  }
0x615: {  	s23 =	sor.u32 $0x6020, s0;
	s24 =	sor.u32 $0x30, s0;
	s1 =	sor.u32 $0x4020, s0;
	v0 =	vld [tilespmem:s0+$0x18000]  }
0x616: {  	s25 =	sor.u32 $0x2030, s0;
	s26 =	sor.u32 $0x4030, s0;
	s28 =	sor.u32 $0x6030, s0;
	v1 =	vld [tilespmem:s0+$0x18010]  }
0x617: {  	s29 =	sor.u32 $0x40, s0;
	s30 =	sor.u32 $0x2040, s0;
	s31 =	sor.u32 $0x4040, s0;
	v2 =	vld [tilespmem:s0+$0x18020]  }
0x618: {  	s16 =	sor.u32 $0x6040, s0;
	s15 =	sor.u32 $0x50, s0;
	s14 =	sor.u32 $0x2050, s0;
	v3 =	vld [tilespmem:s0+$0x18030]  }
0x619: {  	s11 =	sor.u32 $0x4050, s0;
	s12 =	sor.u32 $0x6050, s0;
	s9 =	sor.u32 $0x60, s0;
	v4 =	vld [tilespmem:s0+$0x18040]  }
0x61a: {  	s13 =	sor.u32 $0x2060, s0;
	s10 =	sor.u32 $0x4060, s0;
	s8 =	sor.u32 $0x6060, s0;
	v0 =	vmul.f32 $3.200000000e+01, v0;
	v5 =	vld [tilespmem:s0+$0x18050]  }
0x61b: {  	v6 =	vmul.f32 $3.200000000e+01, v1;
	v7 =	vld [tilespmem:s0+$0x18060]  }
0x61c: {  	[tilespmem:s0+$0x0] =	vst.add.f32.msk $0xffff, v0;
	v8 =	vmul.f32 $3.200000000e+01, v2  }
0x61d: {  	[tilespmem:s2+$0x0] =	vst.add.f32.msk $0xffff, v0;
	v3 =	vmul.f32 $3.200000000e+01, v3  }
0x61e: {  	[tilespmem:s3+$0x0] =	vst.add.f32.msk $0xffff, v0;
	v1 =	vmul.f32 $3.200000000e+01, v4  }
0x61f: {  	[tilespmem:s4+$0x0] =	vst.add.f32.msk $0xffff, v0;
	v2 =	vmul.f32 $3.200000000e+01, v5  }
0x620: {  	[tilespmem:s17+$0x0] =	vst.add.f32.msk $0xffff, v6;
	v0 =	vmul.f32 $3.200000000e+01, v7  }
0x621: {  	[tilespmem:s18+$0x0] =	vst.add.f32.msk $0xffff, v6  }
0x622: {  	[tilespmem:s19+$0x0] =	vst.add.f32.msk $0xffff, v6  }
0x623: {  	[tilespmem:s20+$0x0] =	vst.add.f32.msk $0xffff, v6  }
0x624: {  	[tilespmem:s21+$0x0] =	vst.add.f32.msk $0xffff, v8  }
0x625: {  	[tilespmem:s22+$0x0] =	vst.add.f32.msk $0xffff, v8  }
0x626: {  	[tilespmem:s1+$0x0] =	vst.add.f32.msk $0xffff, v8  }
0x627: {  	[tilespmem:s23+$0x0] =	vst.add.f32.msk $0xffff, v8  }
0x628: {  	[tilespmem:s24+$0x0] =	vst.add.f32.msk $0xffff, v3  }
0x629: {  	[tilespmem:s25+$0x0] =	vst.add.f32.msk $0xffff, v3  }
.Ltmp15:
0x62a: {  	[tilespmem:s26+$0x0] =	vst.add.f32.msk $0xffff, v3;
	(pc) =	sbr.rel @p0 .LBB2_32-.Ltmp15, $4  }
0x62b: {  	[tilespmem:s28+$0x0] =	vst.add.f32.msk $0xffff, v3  }
0x62c: {  	[tilespmem:s29+$0x0] =	vst.add.f32.msk $0xffff, v1  }
0x62d: {  	[tilespmem:s30+$0x0] =	vst.add.f32.msk $0xffff, v1  }
0x62e: {  	s7 =	sadd.s32 $0x400, s7;
	[tilespmem:s31+$0x0] =	vst.add.f32.msk $0xffff, v1  }
0x62f: {  	[tilespmem:s16+$0x0] =	vst.add.f32.msk $0xffff, v1  }
0x630: {  	[tilespmem:s15+$0x0] =	vst.add.f32.msk $0xffff, v2  }
0x631: {  	[tilespmem:s9+$0x0] =	vst.add.f32.msk $0xffff, v0  }
0x632: {  	[tilespmem:s14+$0x0] =	vst.add.f32.msk $0xffff, v2  }
0x633: {  	[tilespmem:s13+$0x0] =	vst.add.f32.msk $0xffff, v0  }
0x634: {  	[tilespmem:s11+$0x0] =	vst.add.f32.msk $0xffff, v2  }
0x635: {  	[tilespmem:s10+$0x0] =	vst.add.f32.msk $0xffff, v0  }
0x636: {  	[tilespmem:s12+$0x0] =	vst.add.f32.msk $0xffff, v2  }
0x637: {  	[tilespmem:s8+$0x0] =	vst.add.f32.msk $0xffff, v0  }
0x638: {  	s0 =	sld [smem:$0x7FC]  }
0x639: {  	s9 =	simm.s32 $0x0  }
0x63a: {  	s2 =	simm.s32 $0x2000;
	s3 =	simm.s32 $0x400000;
	s29 =	simm.s32 $0x4  }
0x63b: {  	[hbm4b:s0+s2] =	stream.strided.scatter [tilespmem:s9], [sflag:$0x4], $0x8000, s3, s2, $0x38;
	[tilespmem:$0x1E000] =	vst v63  }
0x63c: {  	_ =	swait.ge [sflag:s29], $0x8000  }
0x63d: {  	[sflag:s29] =	ssyncset.done $0x0  }
0x63e: {  	s30 =	simm.s32 $0x5;
	[sflag:s29] =	ssyncadd.s32 $0xFFFF8000  }
0x63f: {  	_ =	swait.ge [sflag:s30], $0x8000  }
0x640: {  	[sflag:s30] =	ssyncset.done $0x0  }
0x641: {  	s1 =	simm.s32 $0x6;
	[sflag:s30] =	ssyncadd.s32 $0xFFFF8000  }
0x642: {  	_ =	swait.ge [sflag:s1], $0x8000  }
0x643: {  	s4 =	sld [smem:$0x7D4]  }
0x644: {  	s31 =	sld [smem:$0x7FD];
	_ =	sdelay $0x1  }
0x645: {  	s4 =	sadd.s32 $0x1, s4  }
0x646: {  	p0 =	sne.s32 s4, s31  }
.Ltmp16:
0x647: {  	_ = 	snop;
	(pc) =	sbr.rel @p0 .LBB2_1-.Ltmp16, $3  }
0x648: {  	_ =	sdelay $0x1  }
0x649: {  	[sflag:s1] =	ssyncset.done $0x0  }
0x64a: {  	[sflag:s1] =	ssyncadd.s32 $0xFFFF8000  }
0x64b: {  	_ =	sfence.sel $0x180000  }
0x64c: {  	[bflag:$0x0] =	sbarrier.arrive $0xFFFF  }
0x64d: {  	_ =	strace $0x90000047  }
0x64e: {  	s0 =	stileid.u32;
	[bflag:$0x2] =	sbarrier.arrive $0xFFFF  }
0x64f: {  	p0 =	sne.s32 s0, $0x0;
	s0 =	rddreg [dreg:$0x3]  }
0x650: {  	s0 =	sadd.s32 @!p0 $0x100000, s0  }
0x651: {  	[sflag:s0] =	ssyncadd.tile.s32 @!p0 $0x1;
	_ =	shalt  }
.Lfunc_end2:
_tile_overlayer_lowered:
.L_overlay_start_2:
0x652: {  	(tag) =	ssettag $0x2  }
0x653: {  	s0 =	rddreg [dreg:$0x0];
	s2 =	stileid.u32  }
0x654: {  	s1 =	rddreg [dreg:$0x1];
	p0 =	sne.s32 s2, $0x0  }
0x655: {  	s3 =	rddreg [dreg:$0x2];
	[bflag:$0x3] =	sbarrier.arrive $0xFFFF;
	s2 =	simm.s32 @!p0 $0x1C07  }
0x656: {  	[timem:s3], [sflag:s2] =	dma.local @!p0 [hbm:s0], s1  }
0x657: {  	s0 =	simm.s32 @!p0 $0x7  }
0x658: {  	_ =	swait.ge @!p0 [sflag:s0], s1  }
0x659: {  	s1 =	ssub.s32 @!p0 $0x0, s1;
	[sflag:s0] =	ssyncset.done @!p0 $0x0  }
0x65a: {  	[sflag:s0] =	ssyncadd.s32 @!p0 s1  }
0x65b: {  	[bflag:$0x3] =	sbarrier.arrive $0xFFFF  }
0x65c: {  	_ =	shalt  }

</sc_bundles>
